<compile_context>
chip_gen: v7x
topology: tpu7x:2x2x1
jax: 0.10.2.dev20260603
libtpu: 0.0.44.dev20260713+nightly
codegen_flags: <defaults>
</compile_context>

<pallas_src>
import jax
import jax.numpy as jnp
from jax import lax
from jax.experimental import pallas as pl
from jax.experimental.pallas import tpu as pltpu
from jax.experimental.pallas import tpu_sc as plsc

N = 10000
E = 320000
D = 128
H = 64

NC = 2
NS = 16
NT = NC * NS
C = 128
CH = 80
SB = 40
NSB = CH // SB
EPT = CH * C
PE = NT * EPT
NPAIR = CH // 2
N2 = 10240
RPT = N2 // NS


def _make_prop(F, gather):
    mesh = plsc.VectorSubcoreMesh(core_axis_name="c", subcore_axis_name="s")
    if gather:
        scratch = [
            pltpu.VMEM((SB, C), jnp.int32),
            pltpu.VMEM((SB, C), jnp.int32),
            pltpu.VMEM((C, F), jnp.float32),
            pltpu.VMEM((C, F), jnp.float32),
            pltpu.VMEM_SHARED((N2, F), jnp.float32),
            pltpu.SemaphoreType.DMA,
            pltpu.SemaphoreType.DMA,
        ]
    else:
        scratch = [
            pltpu.VMEM((SB, C), jnp.int32),
            pltpu.VMEM((C, F), jnp.float32),
            pltpu.VMEM_SHARED((N2, F), jnp.float32),
        ]

    def body_gather(u, srcg, dstg, out, srcbuf, dstbuf, rb0, rb1, acc,
                    gs0, gs1):
        c = lax.axis_index("c")
        s = lax.axis_index("s")
        wid = s * NC + c

        def zfill(i, carry):
            rb0[i // 8, pl.ds((i % 8) * 16, 16)] = jnp.zeros((16,),
                                                             jnp.float32)
            return carry

        lax.fori_loop(0, C * 8, zfill, 0)
        for k in range(RPT // C):
            pltpu.sync_copy(rb0, acc.at[pl.ds(s * RPT + k * C, C)])
        plsc.subcore_barrier()

        def step(i, carry):
            j = 2 * i
            pltpu.async_copy(u.at[srcbuf.at[j + 1]], rb1, gs1)
            pltpu.make_async_copy(u.at[pl.ds(0, C)], rb0, gs0).wait()
            pltpu.sync_copy(rb0, acc.at[dstbuf.at[j]], add=True)
            jn = jnp.minimum(j + 2, SB - 1)
            pltpu.async_copy(u.at[srcbuf.at[jn]], rb0, gs0)
            pltpu.make_async_copy(u.at[pl.ds(0, C)], rb1, gs1).wait()
            pltpu.sync_copy(rb1, acc.at[dstbuf.at[j + 1]], add=True)
            return carry

        for sb in range(NSB):
            pltpu.sync_copy(srcg.at[wid, pl.ds(sb * SB, SB)], srcbuf)
            pltpu.sync_copy(dstg.at[wid, pl.ds(sb * SB, SB)], dstbuf)
            pltpu.async_copy(u.at[srcbuf.at[0]], rb0, gs0)
            lax.fori_loop(0, SB // 2, step, 0)
            pltpu.make_async_copy(u.at[pl.ds(0, C)], rb0, gs0).wait()
        plsc.subcore_barrier()
        pltpu.sync_copy(acc.at[pl.ds(s * RPT, RPT)],
                        out.at[c, pl.ds(s * RPT, RPT)])

    def body_ones(dstg, out, dstbuf, rowbuf, acc):
        c = lax.axis_index("c")
        s = lax.axis_index("s")
        wid = s * NC + c

        nf = F // 16

        def zfill(i, carry):
            rowbuf[i // nf, pl.ds((i % nf) * 16, 16)] = jnp.zeros(
                (16,), jnp.float32)
            return carry

        lax.fori_loop(0, C * nf, zfill, 0)
        for k in range(RPT // C):
            pltpu.sync_copy(rowbuf, acc.at[pl.ds(s * RPT + k * C, C)])

        def fill(i, carry):
            rowbuf[i // nf, pl.ds((i % nf) * 16, 16)] = jnp.full(
                (16,), 1.0, jnp.float32)
            return carry

        lax.fori_loop(0, C * nf, fill, 0)
        plsc.subcore_barrier()

        def step(j, carry):
            pltpu.sync_copy(rowbuf, acc.at[dstbuf.at[j]], add=True)
            return carry

        for sb in range(NSB):
            pltpu.sync_copy(dstg.at[wid, pl.ds(sb * SB, SB)], dstbuf)
            lax.fori_loop(0, SB, step, 0)
        plsc.subcore_barrier()
        pltpu.sync_copy(acc.at[pl.ds(s * RPT, RPT)],
                        out.at[c, pl.ds(s * RPT, RPT)])

    body = body_gather if gather else body_ones
    return pl.kernel(
        body,
        out_type=jax.ShapeDtypeStruct((NC, N2, F), jnp.float32),
        mesh=mesh,
        scratch_types=scratch,
    )


_deg_sc = _make_prop(128, gather=False)
_prop128 = _make_prop(128, gather=True)



def _prep_body(degp_ref, x_ref, dinv_ref, u1_ref):
    deg = (degp_ref[0] + degp_ref[1])[:N, 0:1]
    dinv = jnp.where(deg > 0, lax.rsqrt(deg), 0.0)
    dinv_ref[...] = dinv
    u1_ref[:N] = x_ref[...] * dinv
    u1_ref[N:] = jnp.zeros((N2 - N, D), jnp.float32)


def _scale_body(gp_ref, dinv_ref, p_ref, u_ref):
    g = (gp_ref[0] + gp_ref[1])[:N]
    dv = dinv_ref[...]
    p = g * dv
    p_ref[...] = p
    u_ref[:N] = p * dv
    u_ref[N:] = jnp.zeros((N2 - N, D), jnp.float32)


def _conv1bn_body(x_ref, p1_ref, gp2_ref, dinv_ref, w_ref, b_ref,
                  gamma_ref, beta_ref, h_ref, u_ref):
    p2 = (gp2_ref[0] + gp2_ref[1])[:N] * dinv_ref[...]
    f32 = jnp.float32
    hp = jnp.dot(x_ref[...], w_ref[0] - w_ref[2], preferred_element_type=f32)
    hp = hp - jnp.dot(p1_ref[...], w_ref[1], preferred_element_type=f32)
    hp = hp + 2.0 * jnp.dot(p2, w_ref[2], preferred_element_type=f32)
    hp = hp + b_ref[...]
    inv_n = 1.0 / N
    mu = jnp.sum(hp, axis=0) * inv_n
    var = jnp.sum(hp * hp, axis=0) * inv_n - mu * mu
    hn = (hp - mu) / jnp.sqrt(var + 1e-5) * gamma_ref[...] + beta_ref[...]
    h = jnp.where(hn >= 0, hn, 0.01 * hn)
    h_ref[...] = h
    u_ref[:N] = jnp.concatenate(
        [h * dinv_ref[...], jnp.zeros((N, D - H), jnp.float32)], axis=1)
    u_ref[N:] = jnp.zeros((N2 - N, D), jnp.float32)


def _conv2_body(h_ref, p3_ref, gp4_ref, dinv_ref, w_ref, b_ref, x_ref,
                xh_ref, loss_ref):
    p4 = (gp4_ref[0] + gp4_ref[1])[:N, :H] * dinv_ref[...]
    f32 = jnp.float32
    xh = jnp.dot(h_ref[...], w_ref[0] - w_ref[2], preferred_element_type=f32)
    xh = xh - jnp.dot(p3_ref[...][:, :H], w_ref[1], preferred_element_type=f32)
    xh = xh + 2.0 * jnp.dot(p4, w_ref[2], preferred_element_type=f32)
    xh = xh + b_ref[...]
    xh_ref[...] = xh
    diff = xh - x_ref[...]
    loss_ref[...] = (jnp.sum(diff * diff) * (1.0 / (N * D))).reshape(1, 1)


def _sds(shape):
    return jax.ShapeDtypeStruct(shape, jnp.float32)


def kernel(x, edge_index, W1, b1, gamma, beta, W2, b2):
    pad = N + (jnp.arange(PE - E, dtype=jnp.int32) % (N2 - N))
    src = jnp.concatenate([edge_index[0], pad]).reshape(NT, CH, C)
    dst = jnp.concatenate([edge_index[1], pad]).reshape(NT, CH, C)

    degp = _deg_sc(dst)
    dinv, u1 = pl.pallas_call(
        _prep_body, out_shape=(_sds((N, 1)), _sds((N2, D))))(degp, x)
    g1p = _prop128(u1, src, dst)
    p1, u2 = pl.pallas_call(
        _scale_body, out_shape=(_sds((N, D)), _sds((N2, D))))(g1p, dinv)
    g2p = _prop128(u2, src, dst)
    h, u3 = pl.pallas_call(
        _conv1bn_body, out_shape=(_sds((N, H)), _sds((N2, D))))(
            x, p1, g2p, dinv, W1, b1, gamma, beta)
    g3p = _prop128(u3, src, dst)
    p3, u4 = pl.pallas_call(
        _scale_body, out_shape=(_sds((N, D)), _sds((N2, D))))(g3p, dinv)
    g4p = _prop128(u4, src, dst)
    x_hat, loss2 = pl.pallas_call(
        _conv2_body, out_shape=(_sds((N, D)), _sds((1, 1))))(
            h, p3, g4p, dinv, W2, b2, x)
    return (x_hat, loss2[0, 0])

# --- scband reference (transcript-rebuilt; emitter-appended) ---
"""Pipeline reference for scband-cheb-anomaly-detector-82781199663547 (READ-ONLY COPY).

The authoritative reference and input builder live on the scoring server;
editing this copy changes nothing except your own understanding.
"""

import jax, jax.numpy as jnp
import numpy as np

N = 10000
E = 320000
D = 128
H = 64
K = 3


def setup_inputs(seed: int = 0) -> dict:
    key = jax.random.key(seed)
    ks = jax.random.split(key, 8)
    x = jax.random.normal(ks[0], (N, D), dtype=jnp.float32)
    edge_index = jax.random.randint(ks[1], (2, E), 0, N, dtype=jnp.int32)
    W1 = 0.05 * jax.random.normal(ks[2], (K, D, H), dtype=jnp.float32)
    b1 = jnp.zeros((H,), dtype=jnp.float32)
    gamma = jnp.ones((H,), dtype=jnp.float32)
    beta = jnp.zeros((H,), dtype=jnp.float32)
    W2 = 0.05 * jax.random.normal(ks[3], (K, H, D), dtype=jnp.float32)
    b2 = jnp.zeros((D,), dtype=jnp.float32)
    return {"x": x, "edge_index": edge_index, "W1": W1, "b1": b1,
            "gamma": gamma, "beta": beta, "W2": W2, "b2": b2}


def cheb_conv(x, edge_index, W, b):
    # PyG ChebConv with normalization='sym', lambda_max=2.0:
    # L_hat = L - I = -D^{-1/2} A D^{-1/2}
    src, dst = edge_index[0], edge_index[1]
    n = x.shape[0]
    deg = jax.ops.segment_sum(jnp.ones_like(src, dtype=x.dtype), dst, num_segments=n)
    dinv = jnp.where(deg > 0, 1.0 / jnp.sqrt(deg), 0.0)
    w = -dinv[src] * dinv[dst]

    def prop(h):
        return jax.ops.segment_sum(w[:, None] * h[src], dst, num_segments=n)

    Tx0 = x
    out = Tx0 @ W[0]
    Tx1 = prop(x)
    out = out + Tx1 @ W[1]
    for k in range(2, W.shape[0]):
        Tx2 = 2.0 * prop(Tx1) - Tx0
        out = out + Tx2 @ W[k]
        Tx0, Tx1 = Tx1, Tx2
    return out + b


def encoder(x, edge_index, W1, b1, gamma, beta, W2, b2):
    h = cheb_conv(x, edge_index, W1, b1)
    # BatchNorm1d (training-mode batch statistics over nodes)
    mu = jnp.mean(h, axis=0)
    var = jnp.var(h, axis=0)
    h = (h - mu) / jnp.sqrt(var + 1e-5) * gamma + beta
    # LeakyReLU (negative_slope=0.01)
    h = jnp.where(h >= 0, h, 0.01 * h)
    x_hat = cheb_conv(h, edge_index, W2, b2)
    return x_hat


def reference(x, edge_index, W1, b1, gamma, beta, W2, b2):
    x_hat = encoder(x, edge_index, W1, b1, gamma, beta, W2, b2)
    loss = jnp.mean((x_hat - x) ** 2)
    return (x_hat, loss)

if __name__ == "__main__":
    import jax
    _d = setup_inputs()
    print(jax.jit(kernel)(*tuple(_d.values())))

</pallas_src>

<mosaic_0001>
#map = affine_map<(d0, d1) -> (0, 0)>
#map1 = affine_map<(d0, d1) -> (0, 0, 0)>
module attributes {stable_mosaic.version = 14 : i64} {
  func.func @body_gather(%arg0: i32, %arg1: i32, %arg2: memref<10240x128xf32, #tpu.memory_space<hbm>>, %arg3: memref<32x80x128xi32, #tpu.memory_space<hbm>>, %arg4: memref<32x80x128xi32, #tpu.memory_space<hbm>>, %arg5: memref<2x10240x128xf32, #tpu.memory_space<hbm>>, %arg6: memref<40x128xi32, #tpu.memory_space<vmem>>, %arg7: memref<40x128xi32, #tpu.memory_space<vmem>>, %arg8: memref<128x128xf32, #tpu.memory_space<vmem>>, %arg9: memref<128x128xf32, #tpu.memory_space<vmem>>, %arg10: memref<10240x128xf32, #tpu.memory_space<vmem_shared>>, %arg11: memref<!tpu.dma_semaphore, #tpu.memory_space<semaphore_mem>>, %arg12: memref<!tpu.dma_semaphore, #tpu.memory_space<semaphore_mem>>) attributes {dimension_semantics = [#tpu.dimension_semantics<core_parallel>, #tpu.dimension_semantics<subcore_parallel>], iteration_bounds = array<i64: 2, 16>, scalar_prefetch = 0 : i64, scratch_operands = 7 : i64, tpu.core_type = #tpu.core_type<sc_vector_subcore>, window_params = [{transform_indices = #map}, {transform_indices = #map1}, {transform_indices = #map1}, {transform_indices = #map1}]} {
    %mul3A = arith.constant 2 : i32
    %mul3A_0 = arith.muli %arg1, %mul3A : i32
    %add3A = arith.addi %mul3A_0, %arg0 : i32
    %scan3A = arith.constant 0 : i32
    %scan3A_1 = arith.constant 0 : i32
    %scan3A_2 = arith.constant 1024 : i32
    %scan3A_3 = arith.addi %scan3A_1, %scan3A_2 : i32
    %scan3A_4 = arith.constant 1 : i32
    scf.for %scan3A_67 = %scan3A_1 to %scan3A_3 step %scan3A_4  : i32 {
      %broadcast_in_dim3A = arith.constant 0.000000e+00 : f32
      %broadcast_in_dim3A_68 = vector.broadcast %broadcast_in_dim3A : f32 to vector<16xf32>
      %jit3A = arith.constant 8 : i32
      %div3A = arith.divsi %scan3A_67, %jit3A : i32
      %sign3A = arith.constant 0 : i32
      %sign3A_69 = arith.cmpi sgt, %scan3A_67, %sign3A : i32
      %sign3A_70 = arith.extui %sign3A_69 : i1 to i32
      %sign3A_71 = arith.constant 0 : i32
      %sign3A_72 = arith.cmpi slt, %scan3A_67, %sign3A_71 : i32
      %sign3A_73 = arith.extui %sign3A_72 : i1 to i32
      %sign3A_74 = arith.subi %sign3A_70, %sign3A_73 : i32
      %sign3A_75 = arith.constant 0 : i32
      %sign3A_76 = arith.cmpi sgt, %jit3A, %sign3A_75 : i32
      %sign3A_77 = arith.extui %sign3A_76 : i1 to i32
      %sign3A_78 = arith.constant 0 : i32
      %sign3A_79 = arith.cmpi slt, %jit3A, %sign3A_78 : i32
      %sign3A_80 = arith.extui %sign3A_79 : i1 to i32
      %sign3A_81 = arith.subi %sign3A_77, %sign3A_80 : i32
      %ne3A = arith.cmpi ne, %sign3A_74, %sign3A_81 : i32
      %rem3A = arith.remsi %scan3A_67, %jit3A : i32
      %ne3A_82 = arith.constant 0 : i32
      %ne3A_83 = arith.cmpi ne, %rem3A, %ne3A_82 : i32
      %and3A = arith.andi %ne3A, %ne3A_83 : i1
      %sub3A = arith.constant 1 : i32
      %sub3A_84 = arith.subi %div3A, %sub3A : i32
      %select_n3A = arith.select %and3A, %sub3A_84, %div3A : i32
      %jit3A_85 = arith.constant 8 : i32
      %eq3A = arith.constant 0 : i32
      %eq3A_86 = arith.cmpi eq, %jit3A_85, %eq3A : i32
      %jit3A_87 = arith.constant 1 : i32
      %select_n3A_88 = arith.select %eq3A_86, %jit3A_87, %jit3A_85 : i32
      %rem3A_89 = arith.remsi %scan3A_67, %select_n3A_88 : i32
      %ne3A_90 = arith.constant 0 : i32
      %ne3A_91 = arith.cmpi ne, %rem3A_89, %ne3A_90 : i32
      %lt3A = arith.constant 0 : i32
      %lt3A_92 = arith.cmpi slt, %rem3A_89, %lt3A : i32
      %lt3A_93 = arith.constant 0 : i32
      %lt3A_94 = arith.cmpi slt, %select_n3A_88, %lt3A_93 : i32
      %ne3A_95 = arith.xori %lt3A_92, %lt3A_94 : i1
      %and3A_96 = arith.andi %ne3A_95, %ne3A_91 : i1
      %add3A_97 = arith.addi %rem3A_89, %select_n3A_88 : i32
      %select_n3A_98 = arith.select %and3A_96, %add3A_97, %rem3A_89 : i32
      %mul3A_99 = arith.constant 16 : i32
      %mul3A_100 = arith.muli %select_n3A_98, %mul3A_99 : i32
      %swap3A = arith.index_cast %select_n3A : i32 to index
      %swap3A_101 = arith.index_cast %mul3A_100 : i32 to index
      %swap3A_102 = tpu.vector_load %arg8[%swap3A, %swap3A_101] {strides = array<i32>} : memref<128x128xf32, #tpu.memory_space<vmem>>, vector<1x16xf32>,
      %swap3A_103 = vector.shape_cast %swap3A_102 : vector<1x16xf32> to vector<16xf32>
      %swap3A_104 = vector.shape_cast %broadcast_in_dim3A_68 : vector<16xf32> to vector<1x16xf32>
      tpu.vector_store %arg8[%swap3A, %swap3A_101], %swap3A_104 {strides = array<i32>} : memref<128x128xf32, #tpu.memory_space<vmem>>, vector<1x16xf32>,
    }
    %scan3A_5 = arith.constant 1024 : i32
    %mul3A_6 = arith.constant 640 : i32
    %mul3A_7 = arith.muli %arg1, %mul3A_6 : i32
    %add3A_8 = arith.constant 0 : i32
    %add3A_9 = arith.addi %mul3A_7, %add3A_8 : i32
    "tpu.region"() ({
      %run_scoped3A = tpu.sem_alloc : memref<!tpu.dma_semaphore, #tpu.memory_space<semaphore_mem>>
      %dma_start3A_67 = arith.constant 0 : i32
      %dma_start3A_68 = tpu.memref_slice %arg10[%add3A_9, %dma_start3A_67] : memref<10240x128xf32, #tpu.memory_space<vmem_shared>> -> memref<128x128xf32, #tpu.memory_space<vmem_shared>>
      %dma_start3A_69 = arith.constant 0 : i32
      %dma_start3A_70 = tpu.memref_slice %arg10[%add3A_9, %dma_start3A_69] : memref<10240x128xf32, #tpu.memory_space<vmem_shared>> -> memref<128x128xf32, #tpu.memory_space<vmem_shared>>
      tpu.enqueue_dma source(%arg8 : memref<128x128xf32, #tpu.memory_space<vmem>>) target(%dma_start3A_70 : memref<128x128xf32, #tpu.memory_space<vmem_shared>>) target_semaphore(%run_scoped3A : memref<!tpu.dma_semaphore, #tpu.memory_space<semaphore_mem>>)
      %dma_wait3A_71 = arith.constant 0 : i32
      %dma_wait3A_72 = tpu.memref_slice %arg10[%add3A_9, %dma_wait3A_71] : memref<10240x128xf32, #tpu.memory_space<vmem_shared>> -> memref<128x128xf32, #tpu.memory_space<vmem_shared>>
      %dma_wait3A_73 = arith.constant 0 : i32
      %dma_wait3A_74 = tpu.memref_slice %arg10[%add3A_9, %dma_wait3A_73] : memref<10240x128xf32, #tpu.memory_space<vmem_shared>> -> memref<128x128xf32, #tpu.memory_space<vmem_shared>>
      tpu.wait_dma2 semaphore(%run_scoped3A : memref<!tpu.dma_semaphore, #tpu.memory_space<semaphore_mem>>) src(%arg8 : memref<128x128xf32, #tpu.memory_space<vmem>>) dst(%dma_wait3A_74 : memref<128x128xf32, #tpu.memory_space<vmem_shared>>)
      tpu.yield
    }) : () -> ()
    %mul3A_10 = arith.constant 640 : i32
    %mul3A_11 = arith.muli %arg1, %mul3A_10 : i32
    %add3A_12 = arith.constant 128 : i32
    %add3A_13 = arith.addi %mul3A_11, %add3A_12 : i32
    "tpu.region"() ({
      %run_scoped3A = tpu.sem_alloc : memref<!tpu.dma_semaphore, #tpu.memory_space<semaphore_mem>>
      %dma_start3A_67 = arith.constant 0 : i32
      %dma_start3A_68 = tpu.memref_slice %arg10[%add3A_13, %dma_start3A_67] : memref<10240x128xf32, #tpu.memory_space<vmem_shared>> -> memref<128x128xf32, #tpu.memory_space<vmem_shared>>
      %dma_start3A_69 = arith.constant 0 : i32
      %dma_start3A_70 = tpu.memref_slice %arg10[%add3A_13, %dma_start3A_69] : memref<10240x128xf32, #tpu.memory_space<vmem_shared>> -> memref<128x128xf32, #tpu.memory_space<vmem_shared>>
      tpu.enqueue_dma source(%arg8 : memref<128x128xf32, #tpu.memory_space<vmem>>) target(%dma_start3A_70 : memref<128x128xf32, #tpu.memory_space<vmem_shared>>) target_semaphore(%run_scoped3A : memref<!tpu.dma_semaphore, #tpu.memory_space<semaphore_mem>>)
      %dma_wait3A_71 = arith.constant 0 : i32
      %dma_wait3A_72 = tpu.memref_slice %arg10[%add3A_13, %dma_wait3A_71] : memref<10240x128xf32, #tpu.memory_space<vmem_shared>> -> memref<128x128xf32, #tpu.memory_space<vmem_shared>>
      %dma_wait3A_73 = arith.constant 0 : i32
      %dma_wait3A_74 = tpu.memref_slice %arg10[%add3A_13, %dma_wait3A_73] : memref<10240x128xf32, #tpu.memory_space<vmem_shared>> -> memref<128x128xf32, #tpu.memory_space<vmem_shared>>
      tpu.wait_dma2 semaphore(%run_scoped3A : memref<!tpu.dma_semaphore, #tpu.memory_space<semaphore_mem>>) src(%arg8 : memref<128x128xf32, #tpu.memory_space<vmem>>) dst(%dma_wait3A_74 : memref<128x128xf32, #tpu.memory_space<vmem_shared>>)
      tpu.yield
    }) : () -> ()
    %mul3A_14 = arith.constant 640 : i32
    %mul3A_15 = arith.muli %arg1, %mul3A_14 : i32
    %add3A_16 = arith.constant 256 : i32
    %add3A_17 = arith.addi %mul3A_15, %add3A_16 : i32
    "tpu.region"() ({
      %run_scoped3A = tpu.sem_alloc : memref<!tpu.dma_semaphore, #tpu.memory_space<semaphore_mem>>
      %dma_start3A_67 = arith.constant 0 : i32
      %dma_start3A_68 = tpu.memref_slice %arg10[%add3A_17, %dma_start3A_67] : memref<10240x128xf32, #tpu.memory_space<vmem_shared>> -> memref<128x128xf32, #tpu.memory_space<vmem_shared>>
      %dma_start3A_69 = arith.constant 0 : i32
      %dma_start3A_70 = tpu.memref_slice %arg10[%add3A_17, %dma_start3A_69] : memref<10240x128xf32, #tpu.memory_space<vmem_shared>> -> memref<128x128xf32, #tpu.memory_space<vmem_shared>>
      tpu.enqueue_dma source(%arg8 : memref<128x128xf32, #tpu.memory_space<vmem>>) target(%dma_start3A_70 : memref<128x128xf32, #tpu.memory_space<vmem_shared>>) target_semaphore(%run_scoped3A : memref<!tpu.dma_semaphore, #tpu.memory_space<semaphore_mem>>)
      %dma_wait3A_71 = arith.constant 0 : i32
      %dma_wait3A_72 = tpu.memref_slice %arg10[%add3A_17, %dma_wait3A_71] : memref<10240x128xf32, #tpu.memory_space<vmem_shared>> -> memref<128x128xf32, #tpu.memory_space<vmem_shared>>
      %dma_wait3A_73 = arith.constant 0 : i32
      %dma_wait3A_74 = tpu.memref_slice %arg10[%add3A_17, %dma_wait3A_73] : memref<10240x128xf32, #tpu.memory_space<vmem_shared>> -> memref<128x128xf32, #tpu.memory_space<vmem_shared>>
      tpu.wait_dma2 semaphore(%run_scoped3A : memref<!tpu.dma_semaphore, #tpu.memory_space<semaphore_mem>>) src(%arg8 : memref<128x128xf32, #tpu.memory_space<vmem>>) dst(%dma_wait3A_74 : memref<128x128xf32, #tpu.memory_space<vmem_shared>>)
      tpu.yield
    }) : () -> ()
    %mul3A_18 = arith.constant 640 : i32
    %mul3A_19 = arith.muli %arg1, %mul3A_18 : i32
    %add3A_20 = arith.constant 384 : i32
    %add3A_21 = arith.addi %mul3A_19, %add3A_20 : i32
    "tpu.region"() ({
      %run_scoped3A = tpu.sem_alloc : memref<!tpu.dma_semaphore, #tpu.memory_space<semaphore_mem>>
      %dma_start3A_67 = arith.constant 0 : i32
      %dma_start3A_68 = tpu.memref_slice %arg10[%add3A_21, %dma_start3A_67] : memref<10240x128xf32, #tpu.memory_space<vmem_shared>> -> memref<128x128xf32, #tpu.memory_space<vmem_shared>>
      %dma_start3A_69 = arith.constant 0 : i32
      %dma_start3A_70 = tpu.memref_slice %arg10[%add3A_21, %dma_start3A_69] : memref<10240x128xf32, #tpu.memory_space<vmem_shared>> -> memref<128x128xf32, #tpu.memory_space<vmem_shared>>
      tpu.enqueue_dma source(%arg8 : memref<128x128xf32, #tpu.memory_space<vmem>>) target(%dma_start3A_70 : memref<128x128xf32, #tpu.memory_space<vmem_shared>>) target_semaphore(%run_scoped3A : memref<!tpu.dma_semaphore, #tpu.memory_space<semaphore_mem>>)
      %dma_wait3A_71 = arith.constant 0 : i32
      %dma_wait3A_72 = tpu.memref_slice %arg10[%add3A_21, %dma_wait3A_71] : memref<10240x128xf32, #tpu.memory_space<vmem_shared>> -> memref<128x128xf32, #tpu.memory_space<vmem_shared>>
      %dma_wait3A_73 = arith.constant 0 : i32
      %dma_wait3A_74 = tpu.memref_slice %arg10[%add3A_21, %dma_wait3A_73] : memref<10240x128xf32, #tpu.memory_space<vmem_shared>> -> memref<128x128xf32, #tpu.memory_space<vmem_shared>>
      tpu.wait_dma2 semaphore(%run_scoped3A : memref<!tpu.dma_semaphore, #tpu.memory_space<semaphore_mem>>) src(%arg8 : memref<128x128xf32, #tpu.memory_space<vmem>>) dst(%dma_wait3A_74 : memref<128x128xf32, #tpu.memory_space<vmem_shared>>)
      tpu.yield
    }) : () -> ()
    %mul3A_22 = arith.constant 640 : i32
    %mul3A_23 = arith.muli %arg1, %mul3A_22 : i32
    %add3A_24 = arith.constant 512 : i32
    %add3A_25 = arith.addi %mul3A_23, %add3A_24 : i32
    "tpu.region"() ({
      %run_scoped3A = tpu.sem_alloc : memref<!tpu.dma_semaphore, #tpu.memory_space<semaphore_mem>>
      %dma_start3A_67 = arith.constant 0 : i32
      %dma_start3A_68 = tpu.memref_slice %arg10[%add3A_25, %dma_start3A_67] : memref<10240x128xf32, #tpu.memory_space<vmem_shared>> -> memref<128x128xf32, #tpu.memory_space<vmem_shared>>
      %dma_start3A_69 = arith.constant 0 : i32
      %dma_start3A_70 = tpu.memref_slice %arg10[%add3A_25, %dma_start3A_69] : memref<10240x128xf32, #tpu.memory_space<vmem_shared>> -> memref<128x128xf32, #tpu.memory_space<vmem_shared>>
      tpu.enqueue_dma source(%arg8 : memref<128x128xf32, #tpu.memory_space<vmem>>) target(%dma_start3A_70 : memref<128x128xf32, #tpu.memory_space<vmem_shared>>) target_semaphore(%run_scoped3A : memref<!tpu.dma_semaphore, #tpu.memory_space<semaphore_mem>>)
      %dma_wait3A_71 = arith.constant 0 : i32
      %dma_wait3A_72 = tpu.memref_slice %arg10[%add3A_25, %dma_wait3A_71] : memref<10240x128xf32, #tpu.memory_space<vmem_shared>> -> memref<128x128xf32, #tpu.memory_space<vmem_shared>>
      %dma_wait3A_73 = arith.constant 0 : i32
      %dma_wait3A_74 = tpu.memref_slice %arg10[%add3A_25, %dma_wait3A_73] : memref<10240x128xf32, #tpu.memory_space<vmem_shared>> -> memref<128x128xf32, #tpu.memory_space<vmem_shared>>
      tpu.wait_dma2 semaphore(%run_scoped3A : memref<!tpu.dma_semaphore, #tpu.memory_space<semaphore_mem>>) src(%arg8 : memref<128x128xf32, #tpu.memory_space<vmem>>) dst(%dma_wait3A_74 : memref<128x128xf32, #tpu.memory_space<vmem_shared>>)
      tpu.yield
    }) : () -> ()
    %barrier3A = arith.constant 0 : index
    tpu.barrier barrier_id(%barrier3A)
    "tpu.region"() ({
      %run_scoped3A = tpu.sem_alloc : memref<!tpu.dma_semaphore, #tpu.memory_space<semaphore_mem>>
      %dma_start3A_67 = arith.constant 0 : i32
      %dma_start3A_68 = arith.constant 0 : i32
      %dma_start3A_69 = tpu.memref_slice %arg3[%add3A, %dma_start3A_67, %dma_start3A_68] : memref<32x80x128xi32, #tpu.memory_space<hbm>> -> memref<1x40x128xi32, #tpu.memory_space<hbm>>
      %dma_start3A_70 = tpu.memref_squeeze %dma_start3A_69 : memref<1x40x128xi32, #tpu.memory_space<hbm>> -> memref<40x128xi32, #tpu.memory_space<hbm>>
      %dma_start3A_71 = arith.constant 0 : i32
      %dma_start3A_72 = arith.constant 0 : i32
      %dma_start3A_73 = tpu.memref_slice %arg3[%add3A, %dma_start3A_71, %dma_start3A_72] : memref<32x80x128xi32, #tpu.memory_space<hbm>> -> memref<1x40x128xi32, #tpu.memory_space<hbm>>
      %dma_start3A_74 = tpu.memref_squeeze %dma_start3A_73 : memref<1x40x128xi32, #tpu.memory_space<hbm>> -> memref<40x128xi32, #tpu.memory_space<hbm>>
      tpu.enqueue_dma source(%dma_start3A_74 : memref<40x128xi32, #tpu.memory_space<hbm>>) target(%arg6 : memref<40x128xi32, #tpu.memory_space<vmem>>) target_semaphore(%run_scoped3A : memref<!tpu.dma_semaphore, #tpu.memory_space<semaphore_mem>>)
      %dma_wait3A_75 = arith.constant 0 : i32
      %dma_wait3A_76 = arith.constant 0 : i32
      %dma_wait3A_77 = tpu.memref_slice %arg3[%add3A, %dma_wait3A_75, %dma_wait3A_76] : memref<32x80x128xi32, #tpu.memory_space<hbm>> -> memref<1x40x128xi32, #tpu.memory_space<hbm>>
      %dma_wait3A_78 = tpu.memref_squeeze %dma_wait3A_77 : memref<1x40x128xi32, #tpu.memory_space<hbm>> -> memref<40x128xi32, #tpu.memory_space<hbm>>
      %dma_wait3A_79 = arith.constant 0 : i32
      %dma_wait3A_80 = arith.constant 0 : i32
      %dma_wait3A_81 = tpu.memref_slice %arg3[%add3A, %dma_wait3A_79, %dma_wait3A_80] : memref<32x80x128xi32, #tpu.memory_space<hbm>> -> memref<1x40x128xi32, #tpu.memory_space<hbm>>
      %dma_wait3A_82 = tpu.memref_squeeze %dma_wait3A_81 : memref<1x40x128xi32, #tpu.memory_space<hbm>> -> memref<40x128xi32, #tpu.memory_space<hbm>>
      tpu.wait_dma2 semaphore(%run_scoped3A : memref<!tpu.dma_semaphore, #tpu.memory_space<semaphore_mem>>) src(%dma_wait3A_82 : memref<40x128xi32, #tpu.memory_space<hbm>>) dst(%arg6 : memref<40x128xi32, #tpu.memory_space<vmem>>)
      tpu.yield
    }) : () -> ()
    "tpu.region"() ({
      %run_scoped3A = tpu.sem_alloc : memref<!tpu.dma_semaphore, #tpu.memory_space<semaphore_mem>>
      %dma_start3A_67 = arith.constant 0 : i32
      %dma_start3A_68 = arith.constant 0 : i32
      %dma_start3A_69 = tpu.memref_slice %arg4[%add3A, %dma_start3A_67, %dma_start3A_68] : memref<32x80x128xi32, #tpu.memory_space<hbm>> -> memref<1x40x128xi32, #tpu.memory_space<hbm>>
      %dma_start3A_70 = tpu.memref_squeeze %dma_start3A_69 : memref<1x40x128xi32, #tpu.memory_space<hbm>> -> memref<40x128xi32, #tpu.memory_space<hbm>>
      %dma_start3A_71 = arith.constant 0 : i32
      %dma_start3A_72 = arith.constant 0 : i32
      %dma_start3A_73 = tpu.memref_slice %arg4[%add3A, %dma_start3A_71, %dma_start3A_72] : memref<32x80x128xi32, #tpu.memory_space<hbm>> -> memref<1x40x128xi32, #tpu.memory_space<hbm>>
      %dma_start3A_74 = tpu.memref_squeeze %dma_start3A_73 : memref<1x40x128xi32, #tpu.memory_space<hbm>> -> memref<40x128xi32, #tpu.memory_space<hbm>>
      tpu.enqueue_dma source(%dma_start3A_74 : memref<40x128xi32, #tpu.memory_space<hbm>>) target(%arg7 : memref<40x128xi32, #tpu.memory_space<vmem>>) target_semaphore(%run_scoped3A : memref<!tpu.dma_semaphore, #tpu.memory_space<semaphore_mem>>)
      %dma_wait3A_75 = arith.constant 0 : i32
      %dma_wait3A_76 = arith.constant 0 : i32
      %dma_wait3A_77 = tpu.memref_slice %arg4[%add3A, %dma_wait3A_75, %dma_wait3A_76] : memref<32x80x128xi32, #tpu.memory_space<hbm>> -> memref<1x40x128xi32, #tpu.memory_space<hbm>>
      %dma_wait3A_78 = tpu.memref_squeeze %dma_wait3A_77 : memref<1x40x128xi32, #tpu.memory_space<hbm>> -> memref<40x128xi32, #tpu.memory_space<hbm>>
      %dma_wait3A_79 = arith.constant 0 : i32
      %dma_wait3A_80 = arith.constant 0 : i32
      %dma_wait3A_81 = tpu.memref_slice %arg4[%add3A, %dma_wait3A_79, %dma_wait3A_80] : memref<32x80x128xi32, #tpu.memory_space<hbm>> -> memref<1x40x128xi32, #tpu.memory_space<hbm>>
      %dma_wait3A_82 = tpu.memref_squeeze %dma_wait3A_81 : memref<1x40x128xi32, #tpu.memory_space<hbm>> -> memref<40x128xi32, #tpu.memory_space<hbm>>
      tpu.wait_dma2 semaphore(%run_scoped3A : memref<!tpu.dma_semaphore, #tpu.memory_space<semaphore_mem>>) src(%dma_wait3A_82 : memref<40x128xi32, #tpu.memory_space<hbm>>) dst(%arg7 : memref<40x128xi32, #tpu.memory_space<vmem>>)
      tpu.yield
    }) : () -> ()
    %dma_start3A = arith.constant 0 : i32
    %dma_start3A_26 = arith.constant 0 : i32
    %dma_start3A_27 = tpu.memref_slice %arg6[%dma_start3A, %dma_start3A_26] : memref<40x128xi32, #tpu.memory_space<vmem>> -> memref<1x128xi32, #tpu.memory_space<vmem>>
    %dma_start3A_28 = tpu.memref_squeeze %dma_start3A_27 : memref<1x128xi32, #tpu.memory_space<vmem>> -> memref<128xi32, #tpu.memory_space<vmem>>
    %dma_start3A_29 = arith.constant 0 : i32
    %dma_start3A_30 = arith.constant 0 : i32
    %dma_start3A_31 = tpu.memref_slice %arg2[%dma_start3A_29, %dma_start3A_30] : memref<10240x128xf32, #tpu.memory_space<hbm>> -> memref<10240x128xf32, #tpu.memory_space<hbm>>
    tpu.enqueue_indirect_dma source(%dma_start3A_31 : memref<10240x128xf32, #tpu.memory_space<hbm>>) target(%arg8 : memref<128x128xf32, #tpu.memory_space<vmem>>) offsets(%dma_start3A_28 : memref<128xi32, #tpu.memory_space<vmem>>) semaphore(%arg11 : memref<!tpu.dma_semaphore, #tpu.memory_space<semaphore_mem>>)
    %scan3A_32 = arith.constant 0 : i32
    %scan3A_33 = arith.constant 0 : i32
    %scan3A_34 = arith.constant 20 : i32
    %scan3A_35 = arith.addi %scan3A_33, %scan3A_34 : i32
    %scan3A_36 = arith.constant 1 : i32
    scf.for %scan3A_67 = %scan3A_33 to %scan3A_35 step %scan3A_36  : i32 {
      %mul3A_68 = arith.constant 2 : i32
      %mul3A_69 = arith.muli %mul3A_68, %scan3A_67 : i32
      %add3A_70 = arith.constant 1 : i32
      %add3A_71 = arith.addi %mul3A_69, %add3A_70 : i32
      %dma_start3A_72 = arith.constant 0 : i32
      %dma_start3A_73 = tpu.memref_slice %arg6[%add3A_71, %dma_start3A_72] : memref<40x128xi32, #tpu.memory_space<vmem>> -> memref<1x128xi32, #tpu.memory_space<vmem>>
      %dma_start3A_74 = tpu.memref_squeeze %dma_start3A_73 : memref<1x128xi32, #tpu.memory_space<vmem>> -> memref<128xi32, #tpu.memory_space<vmem>>
      %dma_start3A_75 = arith.constant 0 : i32
      %dma_start3A_76 = arith.constant 0 : i32
      %dma_start3A_77 = tpu.memref_slice %arg2[%dma_start3A_75, %dma_start3A_76] : memref<10240x128xf32, #tpu.memory_space<hbm>> -> memref<10240x128xf32, #tpu.memory_space<hbm>>
      tpu.enqueue_indirect_dma source(%dma_start3A_77 : memref<10240x128xf32, #tpu.memory_space<hbm>>) target(%arg9 : memref<128x128xf32, #tpu.memory_space<vmem>>) offsets(%dma_start3A_74 : memref<128xi32, #tpu.memory_space<vmem>>) semaphore(%arg12 : memref<!tpu.dma_semaphore, #tpu.memory_space<semaphore_mem>>)
      %dma_wait3A_78 = arith.constant 0 : i32
      %dma_wait3A_79 = arith.constant 0 : i32
      %dma_wait3A_80 = tpu.memref_slice %arg2[%dma_wait3A_78, %dma_wait3A_79] : memref<10240x128xf32, #tpu.memory_space<hbm>> -> memref<128x128xf32, #tpu.memory_space<hbm>>
      %dma_wait3A_81 = arith.constant 0 : i32
      %dma_wait3A_82 = arith.constant 0 : i32
      %dma_wait3A_83 = tpu.memref_slice %arg2[%dma_wait3A_81, %dma_wait3A_82] : memref<10240x128xf32, #tpu.memory_space<hbm>> -> memref<128x128xf32, #tpu.memory_space<hbm>>
      tpu.wait_dma2 semaphore(%arg11 : memref<!tpu.dma_semaphore, #tpu.memory_space<semaphore_mem>>) src(%dma_wait3A_83 : memref<128x128xf32, #tpu.memory_space<hbm>>) dst(%arg8 : memref<128x128xf32, #tpu.memory_space<vmem>>)
      "tpu.region"() ({
        %run_scoped3A = tpu.sem_alloc : memref<!tpu.dma_semaphore, #tpu.memory_space<semaphore_mem>>
        %dma_start3A_101 = arith.constant 0 : i32
        %dma_start3A_102 = tpu.memref_slice %arg7[%mul3A_69, %dma_start3A_101] : memref<40x128xi32, #tpu.memory_space<vmem>> -> memref<1x128xi32, #tpu.memory_space<vmem>>
        %dma_start3A_103 = tpu.memref_squeeze %dma_start3A_102 : memref<1x128xi32, #tpu.memory_space<vmem>> -> memref<128xi32, #tpu.memory_space<vmem>>
        %dma_start3A_104 = arith.constant 0 : i32
        %dma_start3A_105 = arith.constant 0 : i32
        %dma_start3A_106 = tpu.memref_slice %arg10[%dma_start3A_104, %dma_start3A_105] : memref<10240x128xf32, #tpu.memory_space<vmem_shared>> -> memref<10240x128xf32, #tpu.memory_space<vmem_shared>>
        tpu.enqueue_indirect_dma source(%arg8 : memref<128x128xf32, #tpu.memory_space<vmem>>) target(%dma_start3A_106 : memref<10240x128xf32, #tpu.memory_space<vmem_shared>>) offsets(%dma_start3A_103 : memref<128xi32, #tpu.memory_space<vmem>>) semaphore(%run_scoped3A : memref<!tpu.dma_semaphore, #tpu.memory_space<semaphore_mem>>) {add = true}
        %dma_wait3A_107 = arith.constant 0 : i32
        %dma_wait3A_108 = tpu.memref_slice %arg7[%mul3A_69, %dma_wait3A_107] : memref<40x128xi32, #tpu.memory_space<vmem>> -> memref<1x128xi32, #tpu.memory_space<vmem>>
        %dma_wait3A_109 = tpu.memref_squeeze %dma_wait3A_108 : memref<1x128xi32, #tpu.memory_space<vmem>> -> memref<128xi32, #tpu.memory_space<vmem>>
        %dma_wait3A_110 = arith.constant 0 : i32
        %dma_wait3A_111 = arith.constant 0 : i32
        %dma_wait3A_112 = tpu.memref_slice %arg10[%dma_wait3A_110, %dma_wait3A_111] : memref<10240x128xf32, #tpu.memory_space<vmem_shared>> -> memref<10240x128xf32, #tpu.memory_space<vmem_shared>>
        tpu.wait_indirect_dma semaphore(%run_scoped3A : memref<!tpu.dma_semaphore, #tpu.memory_space<semaphore_mem>>) src(%arg8 : memref<128x128xf32, #tpu.memory_space<vmem>>) dst(%dma_wait3A_112 : memref<10240x128xf32, #tpu.memory_space<vmem_shared>>)
        tpu.yield
      }) : () -> ()
      %add3A_84 = arith.constant 2 : i32
      %add3A_85 = arith.addi %mul3A_69, %add3A_84 : i32
      %min3A = arith.constant 39 : i32
      %min3A_86 = arith.minsi %add3A_85, %min3A : i32
      %dma_start3A_87 = arith.constant 0 : i32
      %dma_start3A_88 = tpu.memref_slice %arg6[%min3A_86, %dma_start3A_87] : memref<40x128xi32, #tpu.memory_space<vmem>> -> memref<1x128xi32, #tpu.memory_space<vmem>>
      %dma_start3A_89 = tpu.memref_squeeze %dma_start3A_88 : memref<1x128xi32, #tpu.memory_space<vmem>> -> memref<128xi32, #tpu.memory_space<vmem>>
      %dma_start3A_90 = arith.constant 0 : i32
      %dma_start3A_91 = arith.constant 0 : i32
      %dma_start3A_92 = tpu.memref_slice %arg2[%dma_start3A_90, %dma_start3A_91] : memref<10240x128xf32, #tpu.memory_space<hbm>> -> memref<10240x128xf32, #tpu.memory_space<hbm>>
      tpu.enqueue_indirect_dma source(%dma_start3A_92 : memref<10240x128xf32, #tpu.memory_space<hbm>>) target(%arg8 : memref<128x128xf32, #tpu.memory_space<vmem>>) offsets(%dma_start3A_89 : memref<128xi32, #tpu.memory_space<vmem>>) semaphore(%arg11 : memref<!tpu.dma_semaphore, #tpu.memory_space<semaphore_mem>>)
      %dma_wait3A_93 = arith.constant 0 : i32
      %dma_wait3A_94 = arith.constant 0 : i32
      %dma_wait3A_95 = tpu.memref_slice %arg2[%dma_wait3A_93, %dma_wait3A_94] : memref<10240x128xf32, #tpu.memory_space<hbm>> -> memref<128x128xf32, #tpu.memory_space<hbm>>
      %dma_wait3A_96 = arith.constant 0 : i32
      %dma_wait3A_97 = arith.constant 0 : i32
      %dma_wait3A_98 = tpu.memref_slice %arg2[%dma_wait3A_96, %dma_wait3A_97] : memref<10240x128xf32, #tpu.memory_space<hbm>> -> memref<128x128xf32, #tpu.memory_space<hbm>>
      tpu.wait_dma2 semaphore(%arg12 : memref<!tpu.dma_semaphore, #tpu.memory_space<semaphore_mem>>) src(%dma_wait3A_98 : memref<128x128xf32, #tpu.memory_space<hbm>>) dst(%arg9 : memref<128x128xf32, #tpu.memory_space<vmem>>)
      %add3A_99 = arith.constant 1 : i32
      %add3A_100 = arith.addi %mul3A_69, %add3A_99 : i32
      "tpu.region"() ({
        %run_scoped3A = tpu.sem_alloc : memref<!tpu.dma_semaphore, #tpu.memory_space<semaphore_mem>>
        %dma_start3A_101 = arith.constant 0 : i32
        %dma_start3A_102 = tpu.memref_slice %arg7[%add3A_100, %dma_start3A_101] : memref<40x128xi32, #tpu.memory_space<vmem>> -> memref<1x128xi32, #tpu.memory_space<vmem>>
        %dma_start3A_103 = tpu.memref_squeeze %dma_start3A_102 : memref<1x128xi32, #tpu.memory_space<vmem>> -> memref<128xi32, #tpu.memory_space<vmem>>
        %dma_start3A_104 = arith.constant 0 : i32
        %dma_start3A_105 = arith.constant 0 : i32
        %dma_start3A_106 = tpu.memref_slice %arg10[%dma_start3A_104, %dma_start3A_105] : memref<10240x128xf32, #tpu.memory_space<vmem_shared>> -> memref<10240x128xf32, #tpu.memory_space<vmem_shared>>
        tpu.enqueue_indirect_dma source(%arg9 : memref<128x128xf32, #tpu.memory_space<vmem>>) target(%dma_start3A_106 : memref<10240x128xf32, #tpu.memory_space<vmem_shared>>) offsets(%dma_start3A_103 : memref<128xi32, #tpu.memory_space<vmem>>) semaphore(%run_scoped3A : memref<!tpu.dma_semaphore, #tpu.memory_space<semaphore_mem>>) {add = true}
        %dma_wait3A_107 = arith.constant 0 : i32
        %dma_wait3A_108 = tpu.memref_slice %arg7[%add3A_100, %dma_wait3A_107] : memref<40x128xi32, #tpu.memory_space<vmem>> -> memref<1x128xi32, #tpu.memory_space<vmem>>
        %dma_wait3A_109 = tpu.memref_squeeze %dma_wait3A_108 : memref<1x128xi32, #tpu.memory_space<vmem>> -> memref<128xi32, #tpu.memory_space<vmem>>
        %dma_wait3A_110 = arith.constant 0 : i32
        %dma_wait3A_111 = arith.constant 0 : i32
        %dma_wait3A_112 = tpu.memref_slice %arg10[%dma_wait3A_110, %dma_wait3A_111] : memref<10240x128xf32, #tpu.memory_space<vmem_shared>> -> memref<10240x128xf32, #tpu.memory_space<vmem_shared>>
        tpu.wait_indirect_dma semaphore(%run_scoped3A : memref<!tpu.dma_semaphore, #tpu.memory_space<semaphore_mem>>) src(%arg9 : memref<128x128xf32, #tpu.memory_space<vmem>>) dst(%dma_wait3A_112 : memref<10240x128xf32, #tpu.memory_space<vmem_shared>>)
        tpu.yield
      }) : () -> ()
    }
    %scan3A_37 = arith.constant 20 : i32
    %dma_wait3A = arith.constant 0 : i32
    %dma_wait3A_38 = arith.constant 0 : i32
    %dma_wait3A_39 = tpu.memref_slice %arg2[%dma_wait3A, %dma_wait3A_38] : memref<10240x128xf32, #tpu.memory_space<hbm>> -> memref<128x128xf32, #tpu.memory_space<hbm>>
    %dma_wait3A_40 = arith.constant 0 : i32
    %dma_wait3A_41 = arith.constant 0 : i32
    %dma_wait3A_42 = tpu.memref_slice %arg2[%dma_wait3A_40, %dma_wait3A_41] : memref<10240x128xf32, #tpu.memory_space<hbm>> -> memref<128x128xf32, #tpu.memory_space<hbm>>
    tpu.wait_dma2 semaphore(%arg11 : memref<!tpu.dma_semaphore, #tpu.memory_space<semaphore_mem>>) src(%dma_wait3A_42 : memref<128x128xf32, #tpu.memory_space<hbm>>) dst(%arg8 : memref<128x128xf32, #tpu.memory_space<vmem>>)
    "tpu.region"() ({
      %run_scoped3A = tpu.sem_alloc : memref<!tpu.dma_semaphore, #tpu.memory_space<semaphore_mem>>
      %dma_start3A_67 = arith.constant 40 : i32
      %dma_start3A_68 = arith.constant 0 : i32
      %dma_start3A_69 = tpu.memref_slice %arg3[%add3A, %dma_start3A_67, %dma_start3A_68] : memref<32x80x128xi32, #tpu.memory_space<hbm>> -> memref<1x40x128xi32, #tpu.memory_space<hbm>>
      %dma_start3A_70 = tpu.memref_squeeze %dma_start3A_69 : memref<1x40x128xi32, #tpu.memory_space<hbm>> -> memref<40x128xi32, #tpu.memory_space<hbm>>
      %dma_start3A_71 = arith.constant 40 : i32
      %dma_start3A_72 = arith.constant 0 : i32
      %dma_start3A_73 = tpu.memref_slice %arg3[%add3A, %dma_start3A_71, %dma_start3A_72] : memref<32x80x128xi32, #tpu.memory_space<hbm>> -> memref<1x40x128xi32, #tpu.memory_space<hbm>>
      %dma_start3A_74 = tpu.memref_squeeze %dma_start3A_73 : memref<1x40x128xi32, #tpu.memory_space<hbm>> -> memref<40x128xi32, #tpu.memory_space<hbm>>
      tpu.enqueue_dma source(%dma_start3A_74 : memref<40x128xi32, #tpu.memory_space<hbm>>) target(%arg6 : memref<40x128xi32, #tpu.memory_space<vmem>>) target_semaphore(%run_scoped3A : memref<!tpu.dma_semaphore, #tpu.memory_space<semaphore_mem>>)
      %dma_wait3A_75 = arith.constant 40 : i32
      %dma_wait3A_76 = arith.constant 0 : i32
      %dma_wait3A_77 = tpu.memref_slice %arg3[%add3A, %dma_wait3A_75, %dma_wait3A_76] : memref<32x80x128xi32, #tpu.memory_space<hbm>> -> memref<1x40x128xi32, #tpu.memory_space<hbm>>
      %dma_wait3A_78 = tpu.memref_squeeze %dma_wait3A_77 : memref<1x40x128xi32, #tpu.memory_space<hbm>> -> memref<40x128xi32, #tpu.memory_space<hbm>>
      %dma_wait3A_79 = arith.constant 40 : i32
      %dma_wait3A_80 = arith.constant 0 : i32
      %dma_wait3A_81 = tpu.memref_slice %arg3[%add3A, %dma_wait3A_79, %dma_wait3A_80] : memref<32x80x128xi32, #tpu.memory_space<hbm>> -> memref<1x40x128xi32, #tpu.memory_space<hbm>>
      %dma_wait3A_82 = tpu.memref_squeeze %dma_wait3A_81 : memref<1x40x128xi32, #tpu.memory_space<hbm>> -> memref<40x128xi32, #tpu.memory_space<hbm>>
      tpu.wait_dma2 semaphore(%run_scoped3A : memref<!tpu.dma_semaphore, #tpu.memory_space<semaphore_mem>>) src(%dma_wait3A_82 : memref<40x128xi32, #tpu.memory_space<hbm>>) dst(%arg6 : memref<40x128xi32, #tpu.memory_space<vmem>>)
      tpu.yield
    }) : () -> ()
    "tpu.region"() ({
      %run_scoped3A = tpu.sem_alloc : memref<!tpu.dma_semaphore, #tpu.memory_space<semaphore_mem>>
      %dma_start3A_67 = arith.constant 40 : i32
      %dma_start3A_68 = arith.constant 0 : i32
      %dma_start3A_69 = tpu.memref_slice %arg4[%add3A, %dma_start3A_67, %dma_start3A_68] : memref<32x80x128xi32, #tpu.memory_space<hbm>> -> memref<1x40x128xi32, #tpu.memory_space<hbm>>
      %dma_start3A_70 = tpu.memref_squeeze %dma_start3A_69 : memref<1x40x128xi32, #tpu.memory_space<hbm>> -> memref<40x128xi32, #tpu.memory_space<hbm>>
      %dma_start3A_71 = arith.constant 40 : i32
      %dma_start3A_72 = arith.constant 0 : i32
      %dma_start3A_73 = tpu.memref_slice %arg4[%add3A, %dma_start3A_71, %dma_start3A_72] : memref<32x80x128xi32, #tpu.memory_space<hbm>> -> memref<1x40x128xi32, #tpu.memory_space<hbm>>
      %dma_start3A_74 = tpu.memref_squeeze %dma_start3A_73 : memref<1x40x128xi32, #tpu.memory_space<hbm>> -> memref<40x128xi32, #tpu.memory_space<hbm>>
      tpu.enqueue_dma source(%dma_start3A_74 : memref<40x128xi32, #tpu.memory_space<hbm>>) target(%arg7 : memref<40x128xi32, #tpu.memory_space<vmem>>) target_semaphore(%run_scoped3A : memref<!tpu.dma_semaphore, #tpu.memory_space<semaphore_mem>>)
      %dma_wait3A_75 = arith.constant 40 : i32
      %dma_wait3A_76 = arith.constant 0 : i32
      %dma_wait3A_77 = tpu.memref_slice %arg4[%add3A, %dma_wait3A_75, %dma_wait3A_76] : memref<32x80x128xi32, #tpu.memory_space<hbm>> -> memref<1x40x128xi32, #tpu.memory_space<hbm>>
      %dma_wait3A_78 = tpu.memref_squeeze %dma_wait3A_77 : memref<1x40x128xi32, #tpu.memory_space<hbm>> -> memref<40x128xi32, #tpu.memory_space<hbm>>
      %dma_wait3A_79 = arith.constant 40 : i32
      %dma_wait3A_80 = arith.constant 0 : i32
      %dma_wait3A_81 = tpu.memref_slice %arg4[%add3A, %dma_wait3A_79, %dma_wait3A_80] : memref<32x80x128xi32, #tpu.memory_space<hbm>> -> memref<1x40x128xi32, #tpu.memory_space<hbm>>
      %dma_wait3A_82 = tpu.memref_squeeze %dma_wait3A_81 : memref<1x40x128xi32, #tpu.memory_space<hbm>> -> memref<40x128xi32, #tpu.memory_space<hbm>>
      tpu.wait_dma2 semaphore(%run_scoped3A : memref<!tpu.dma_semaphore, #tpu.memory_space<semaphore_mem>>) src(%dma_wait3A_82 : memref<40x128xi32, #tpu.memory_space<hbm>>) dst(%arg7 : memref<40x128xi32, #tpu.memory_space<vmem>>)
      tpu.yield
    }) : () -> ()
    %dma_start3A_43 = arith.constant 0 : i32
    %dma_start3A_44 = arith.constant 0 : i32
    %dma_start3A_45 = tpu.memref_slice %arg6[%dma_start3A_43, %dma_start3A_44] : memref<40x128xi32, #tpu.memory_space<vmem>> -> memref<1x128xi32, #tpu.memory_space<vmem>>
    %dma_start3A_46 = tpu.memref_squeeze %dma_start3A_45 : memref<1x128xi32, #tpu.memory_space<vmem>> -> memref<128xi32, #tpu.memory_space<vmem>>
    %dma_start3A_47 = arith.constant 0 : i32
    %dma_start3A_48 = arith.constant 0 : i32
    %dma_start3A_49 = tpu.memref_slice %arg2[%dma_start3A_47, %dma_start3A_48] : memref<10240x128xf32, #tpu.memory_space<hbm>> -> memref<10240x128xf32, #tpu.memory_space<hbm>>
    tpu.enqueue_indirect_dma source(%dma_start3A_49 : memref<10240x128xf32, #tpu.memory_space<hbm>>) target(%arg8 : memref<128x128xf32, #tpu.memory_space<vmem>>) offsets(%dma_start3A_46 : memref<128xi32, #tpu.memory_space<vmem>>) semaphore(%arg11 : memref<!tpu.dma_semaphore, #tpu.memory_space<semaphore_mem>>)
    %scan3A_50 = arith.constant 0 : i32
    %scan3A_51 = arith.constant 0 : i32
    %scan3A_52 = arith.constant 20 : i32
    %scan3A_53 = arith.addi %scan3A_51, %scan3A_52 : i32
    %scan3A_54 = arith.constant 1 : i32
    scf.for %scan3A_67 = %scan3A_51 to %scan3A_53 step %scan3A_54  : i32 {
      %mul3A_68 = arith.constant 2 : i32
      %mul3A_69 = arith.muli %mul3A_68, %scan3A_67 : i32
      %add3A_70 = arith.constant 1 : i32
      %add3A_71 = arith.addi %mul3A_69, %add3A_70 : i32
      %dma_start3A_72 = arith.constant 0 : i32
      %dma_start3A_73 = tpu.memref_slice %arg6[%add3A_71, %dma_start3A_72] : memref<40x128xi32, #tpu.memory_space<vmem>> -> memref<1x128xi32, #tpu.memory_space<vmem>>
      %dma_start3A_74 = tpu.memref_squeeze %dma_start3A_73 : memref<1x128xi32, #tpu.memory_space<vmem>> -> memref<128xi32, #tpu.memory_space<vmem>>
      %dma_start3A_75 = arith.constant 0 : i32
      %dma_start3A_76 = arith.constant 0 : i32
      %dma_start3A_77 = tpu.memref_slice %arg2[%dma_start3A_75, %dma_start3A_76] : memref<10240x128xf32, #tpu.memory_space<hbm>> -> memref<10240x128xf32, #tpu.memory_space<hbm>>
      tpu.enqueue_indirect_dma source(%dma_start3A_77 : memref<10240x128xf32, #tpu.memory_space<hbm>>) target(%arg9 : memref<128x128xf32, #tpu.memory_space<vmem>>) offsets(%dma_start3A_74 : memref<128xi32, #tpu.memory_space<vmem>>) semaphore(%arg12 : memref<!tpu.dma_semaphore, #tpu.memory_space<semaphore_mem>>)
      %dma_wait3A_78 = arith.constant 0 : i32
      %dma_wait3A_79 = arith.constant 0 : i32
      %dma_wait3A_80 = tpu.memref_slice %arg2[%dma_wait3A_78, %dma_wait3A_79] : memref<10240x128xf32, #tpu.memory_space<hbm>> -> memref<128x128xf32, #tpu.memory_space<hbm>>
      %dma_wait3A_81 = arith.constant 0 : i32
      %dma_wait3A_82 = arith.constant 0 : i32
      %dma_wait3A_83 = tpu.memref_slice %arg2[%dma_wait3A_81, %dma_wait3A_82] : memref<10240x128xf32, #tpu.memory_space<hbm>> -> memref<128x128xf32, #tpu.memory_space<hbm>>
      tpu.wait_dma2 semaphore(%arg11 : memref<!tpu.dma_semaphore, #tpu.memory_space<semaphore_mem>>) src(%dma_wait3A_83 : memref<128x128xf32, #tpu.memory_space<hbm>>) dst(%arg8 : memref<128x128xf32, #tpu.memory_space<vmem>>)
      "tpu.region"() ({
        %run_scoped3A = tpu.sem_alloc : memref<!tpu.dma_semaphore, #tpu.memory_space<semaphore_mem>>
        %dma_start3A_101 = arith.constant 0 : i32
        %dma_start3A_102 = tpu.memref_slice %arg7[%mul3A_69, %dma_start3A_101] : memref<40x128xi32, #tpu.memory_space<vmem>> -> memref<1x128xi32, #tpu.memory_space<vmem>>
        %dma_start3A_103 = tpu.memref_squeeze %dma_start3A_102 : memref<1x128xi32, #tpu.memory_space<vmem>> -> memref<128xi32, #tpu.memory_space<vmem>>
        %dma_start3A_104 = arith.constant 0 : i32
        %dma_start3A_105 = arith.constant 0 : i32
        %dma_start3A_106 = tpu.memref_slice %arg10[%dma_start3A_104, %dma_start3A_105] : memref<10240x128xf32, #tpu.memory_space<vmem_shared>> -> memref<10240x128xf32, #tpu.memory_space<vmem_shared>>
        tpu.enqueue_indirect_dma source(%arg8 : memref<128x128xf32, #tpu.memory_space<vmem>>) target(%dma_start3A_106 : memref<10240x128xf32, #tpu.memory_space<vmem_shared>>) offsets(%dma_start3A_103 : memref<128xi32, #tpu.memory_space<vmem>>) semaphore(%run_scoped3A : memref<!tpu.dma_semaphore, #tpu.memory_space<semaphore_mem>>) {add = true}
        %dma_wait3A_107 = arith.constant 0 : i32
        %dma_wait3A_108 = tpu.memref_slice %arg7[%mul3A_69, %dma_wait3A_107] : memref<40x128xi32, #tpu.memory_space<vmem>> -> memref<1x128xi32, #tpu.memory_space<vmem>>
        %dma_wait3A_109 = tpu.memref_squeeze %dma_wait3A_108 : memref<1x128xi32, #tpu.memory_space<vmem>> -> memref<128xi32, #tpu.memory_space<vmem>>
        %dma_wait3A_110 = arith.constant 0 : i32
        %dma_wait3A_111 = arith.constant 0 : i32
        %dma_wait3A_112 = tpu.memref_slice %arg10[%dma_wait3A_110, %dma_wait3A_111] : memref<10240x128xf32, #tpu.memory_space<vmem_shared>> -> memref<10240x128xf32, #tpu.memory_space<vmem_shared>>
        tpu.wait_indirect_dma semaphore(%run_scoped3A : memref<!tpu.dma_semaphore, #tpu.memory_space<semaphore_mem>>) src(%arg8 : memref<128x128xf32, #tpu.memory_space<vmem>>) dst(%dma_wait3A_112 : memref<10240x128xf32, #tpu.memory_space<vmem_shared>>)
        tpu.yield
      }) : () -> ()
      %add3A_84 = arith.constant 2 : i32
      %add3A_85 = arith.addi %mul3A_69, %add3A_84 : i32
      %min3A = arith.constant 39 : i32
      %min3A_86 = arith.minsi %add3A_85, %min3A : i32
      %dma_start3A_87 = arith.constant 0 : i32
      %dma_start3A_88 = tpu.memref_slice %arg6[%min3A_86, %dma_start3A_87] : memref<40x128xi32, #tpu.memory_space<vmem>> -> memref<1x128xi32, #tpu.memory_space<vmem>>
      %dma_start3A_89 = tpu.memref_squeeze %dma_start3A_88 : memref<1x128xi32, #tpu.memory_space<vmem>> -> memref<128xi32, #tpu.memory_space<vmem>>
      %dma_start3A_90 = arith.constant 0 : i32
      %dma_start3A_91 = arith.constant 0 : i32
      %dma_start3A_92 = tpu.memref_slice %arg2[%dma_start3A_90, %dma_start3A_91] : memref<10240x128xf32, #tpu.memory_space<hbm>> -> memref<10240x128xf32, #tpu.memory_space<hbm>>
      tpu.enqueue_indirect_dma source(%dma_start3A_92 : memref<10240x128xf32, #tpu.memory_space<hbm>>) target(%arg8 : memref<128x128xf32, #tpu.memory_space<vmem>>) offsets(%dma_start3A_89 : memref<128xi32, #tpu.memory_space<vmem>>) semaphore(%arg11 : memref<!tpu.dma_semaphore, #tpu.memory_space<semaphore_mem>>)
      %dma_wait3A_93 = arith.constant 0 : i32
      %dma_wait3A_94 = arith.constant 0 : i32
      %dma_wait3A_95 = tpu.memref_slice %arg2[%dma_wait3A_93, %dma_wait3A_94] : memref<10240x128xf32, #tpu.memory_space<hbm>> -> memref<128x128xf32, #tpu.memory_space<hbm>>
      %dma_wait3A_96 = arith.constant 0 : i32
      %dma_wait3A_97 = arith.constant 0 : i32
      %dma_wait3A_98 = tpu.memref_slice %arg2[%dma_wait3A_96, %dma_wait3A_97] : memref<10240x128xf32, #tpu.memory_space<hbm>> -> memref<128x128xf32, #tpu.memory_space<hbm>>
      tpu.wait_dma2 semaphore(%arg12 : memref<!tpu.dma_semaphore, #tpu.memory_space<semaphore_mem>>) src(%dma_wait3A_98 : memref<128x128xf32, #tpu.memory_space<hbm>>) dst(%arg9 : memref<128x128xf32, #tpu.memory_space<vmem>>)
      %add3A_99 = arith.constant 1 : i32
      %add3A_100 = arith.addi %mul3A_69, %add3A_99 : i32
      "tpu.region"() ({
        %run_scoped3A = tpu.sem_alloc : memref<!tpu.dma_semaphore, #tpu.memory_space<semaphore_mem>>
        %dma_start3A_101 = arith.constant 0 : i32
        %dma_start3A_102 = tpu.memref_slice %arg7[%add3A_100, %dma_start3A_101] : memref<40x128xi32, #tpu.memory_space<vmem>> -> memref<1x128xi32, #tpu.memory_space<vmem>>
        %dma_start3A_103 = tpu.memref_squeeze %dma_start3A_102 : memref<1x128xi32, #tpu.memory_space<vmem>> -> memref<128xi32, #tpu.memory_space<vmem>>
        %dma_start3A_104 = arith.constant 0 : i32
        %dma_start3A_105 = arith.constant 0 : i32
        %dma_start3A_106 = tpu.memref_slice %arg10[%dma_start3A_104, %dma_start3A_105] : memref<10240x128xf32, #tpu.memory_space<vmem_shared>> -> memref<10240x128xf32, #tpu.memory_space<vmem_shared>>
        tpu.enqueue_indirect_dma source(%arg9 : memref<128x128xf32, #tpu.memory_space<vmem>>) target(%dma_start3A_106 : memref<10240x128xf32, #tpu.memory_space<vmem_shared>>) offsets(%dma_start3A_103 : memref<128xi32, #tpu.memory_space<vmem>>) semaphore(%run_scoped3A : memref<!tpu.dma_semaphore, #tpu.memory_space<semaphore_mem>>) {add = true}
        %dma_wait3A_107 = arith.constant 0 : i32
        %dma_wait3A_108 = tpu.memref_slice %arg7[%add3A_100, %dma_wait3A_107] : memref<40x128xi32, #tpu.memory_space<vmem>> -> memref<1x128xi32, #tpu.memory_space<vmem>>
        %dma_wait3A_109 = tpu.memref_squeeze %dma_wait3A_108 : memref<1x128xi32, #tpu.memory_space<vmem>> -> memref<128xi32, #tpu.memory_space<vmem>>
        %dma_wait3A_110 = arith.constant 0 : i32
        %dma_wait3A_111 = arith.constant 0 : i32
        %dma_wait3A_112 = tpu.memref_slice %arg10[%dma_wait3A_110, %dma_wait3A_111] : memref<10240x128xf32, #tpu.memory_space<vmem_shared>> -> memref<10240x128xf32, #tpu.memory_space<vmem_shared>>
        tpu.wait_indirect_dma semaphore(%run_scoped3A : memref<!tpu.dma_semaphore, #tpu.memory_space<semaphore_mem>>) src(%arg9 : memref<128x128xf32, #tpu.memory_space<vmem>>) dst(%dma_wait3A_112 : memref<10240x128xf32, #tpu.memory_space<vmem_shared>>)
        tpu.yield
      }) : () -> ()
    }
    %scan3A_55 = arith.constant 20 : i32
    %dma_wait3A_56 = arith.constant 0 : i32
    %dma_wait3A_57 = arith.constant 0 : i32
    %dma_wait3A_58 = tpu.memref_slice %arg2[%dma_wait3A_56, %dma_wait3A_57] : memref<10240x128xf32, #tpu.memory_space<hbm>> -> memref<128x128xf32, #tpu.memory_space<hbm>>
    %dma_wait3A_59 = arith.constant 0 : i32
    %dma_wait3A_60 = arith.constant 0 : i32
    %dma_wait3A_61 = tpu.memref_slice %arg2[%dma_wait3A_59, %dma_wait3A_60] : memref<10240x128xf32, #tpu.memory_space<hbm>> -> memref<128x128xf32, #tpu.memory_space<hbm>>
    tpu.wait_dma2 semaphore(%arg11 : memref<!tpu.dma_semaphore, #tpu.memory_space<semaphore_mem>>) src(%dma_wait3A_61 : memref<128x128xf32, #tpu.memory_space<hbm>>) dst(%arg8 : memref<128x128xf32, #tpu.memory_space<vmem>>)
    %barrier3A_62 = arith.constant 0 : index
    tpu.barrier barrier_id(%barrier3A_62)
    %mul3A_63 = arith.constant 640 : i32
    %mul3A_64 = arith.muli %arg1, %mul3A_63 : i32
    %mul3A_65 = arith.constant 640 : i32
    %mul3A_66 = arith.muli %arg1, %mul3A_65 : i32
    "tpu.region"() ({
      %run_scoped3A = tpu.sem_alloc : memref<!tpu.dma_semaphore, #tpu.memory_space<semaphore_mem>>
      %dma_start3A_67 = arith.constant 0 : i32
      %dma_start3A_68 = tpu.memref_slice %arg5[%arg0, %mul3A_66, %dma_start3A_67] : memref<2x10240x128xf32, #tpu.memory_space<hbm>> -> memref<1x640x128xf32, #tpu.memory_space<hbm>>
      %dma_start3A_69 = tpu.memref_squeeze %dma_start3A_68 : memref<1x640x128xf32, #tpu.memory_space<hbm>> -> memref<640x128xf32, #tpu.memory_space<hbm>>
      %dma_start3A_70 = arith.constant 0 : i32
      %dma_start3A_71 = tpu.memref_slice %arg10[%mul3A_64, %dma_start3A_70] : memref<10240x128xf32, #tpu.memory_space<vmem_shared>> -> memref<640x128xf32, #tpu.memory_space<vmem_shared>>
      tpu.enqueue_dma source(%dma_start3A_71 : memref<640x128xf32, #tpu.memory_space<vmem_shared>>) target(%dma_start3A_69 : memref<640x128xf32, #tpu.memory_space<hbm>>) target_semaphore(%run_scoped3A : memref<!tpu.dma_semaphore, #tpu.memory_space<semaphore_mem>>)
      %dma_wait3A_72 = arith.constant 0 : i32
      %dma_wait3A_73 = tpu.memref_slice %arg5[%arg0, %mul3A_66, %dma_wait3A_72] : memref<2x10240x128xf32, #tpu.memory_space<hbm>> -> memref<1x640x128xf32, #tpu.memory_space<hbm>>
      %dma_wait3A_74 = tpu.memref_squeeze %dma_wait3A_73 : memref<1x640x128xf32, #tpu.memory_space<hbm>> -> memref<640x128xf32, #tpu.memory_space<hbm>>
      %dma_wait3A_75 = arith.constant 0 : i32
      %dma_wait3A_76 = tpu.memref_slice %arg10[%mul3A_64, %dma_wait3A_75] : memref<10240x128xf32, #tpu.memory_space<vmem_shared>> -> memref<640x128xf32, #tpu.memory_space<vmem_shared>>
      tpu.wait_dma2 semaphore(%run_scoped3A : memref<!tpu.dma_semaphore, #tpu.memory_space<semaphore_mem>>) src(%dma_wait3A_76 : memref<640x128xf32, #tpu.memory_space<vmem_shared>>) dst(%dma_wait3A_74 : memref<640x128xf32, #tpu.memory_space<hbm>>)
      tpu.yield
    }) : () -> ()
    return
  }
}

#map = affine_map<(d0, d1) -> (0, 0, 0)>
module attributes {stable_mosaic.version = 14 : i64} {
  func.func @body_ones(%arg0: i32, %arg1: i32, %arg2: memref<32x80x128xi32, #tpu.memory_space<hbm>>, %arg3: memref<2x10240x128xf32, #tpu.memory_space<hbm>>, %arg4: memref<40x128xi32, #tpu.memory_space<vmem>>, %arg5: memref<128x128xf32, #tpu.memory_space<vmem>>, %arg6: memref<10240x128xf32, #tpu.memory_space<vmem_shared>>) attributes {dimension_semantics = [#tpu.dimension_semantics<core_parallel>, #tpu.dimension_semantics<subcore_parallel>], iteration_bounds = array<i64: 2, 16>, scalar_prefetch = 0 : i64, scratch_operands = 3 : i64, tpu.core_type = #tpu.core_type<sc_vector_subcore>, window_params = [{transform_indices = #map}, {transform_indices = #map}]} {
    %mul3A = arith.constant 2 : i32
    %mul3A_0 = arith.muli %arg1, %mul3A : i32
    %add3A = arith.addi %mul3A_0, %arg0 : i32
    %scan3A = arith.constant 0 : i32
    %scan3A_1 = arith.constant 0 : i32
    %scan3A_2 = arith.constant 1024 : i32
    %scan3A_3 = arith.addi %scan3A_1, %scan3A_2 : i32
    %scan3A_4 = arith.constant 1 : i32
    scf.for %scan3A_49 = %scan3A_1 to %scan3A_3 step %scan3A_4  : i32 {
      %broadcast_in_dim3A = arith.constant 0.000000e+00 : f32
      %broadcast_in_dim3A_50 = vector.broadcast %broadcast_in_dim3A : f32 to vector<16xf32>
      %jit3A = arith.constant 8 : i32
      %div3A = arith.divsi %scan3A_49, %jit3A : i32
      %sign3A = arith.constant 0 : i32
      %sign3A_51 = arith.cmpi sgt, %scan3A_49, %sign3A : i32
      %sign3A_52 = arith.extui %sign3A_51 : i1 to i32
      %sign3A_53 = arith.constant 0 : i32
      %sign3A_54 = arith.cmpi slt, %scan3A_49, %sign3A_53 : i32
      %sign3A_55 = arith.extui %sign3A_54 : i1 to i32
      %sign3A_56 = arith.subi %sign3A_52, %sign3A_55 : i32
      %sign3A_57 = arith.constant 0 : i32
      %sign3A_58 = arith.cmpi sgt, %jit3A, %sign3A_57 : i32
      %sign3A_59 = arith.extui %sign3A_58 : i1 to i32
      %sign3A_60 = arith.constant 0 : i32
      %sign3A_61 = arith.cmpi slt, %jit3A, %sign3A_60 : i32
      %sign3A_62 = arith.extui %sign3A_61 : i1 to i32
      %sign3A_63 = arith.subi %sign3A_59, %sign3A_62 : i32
      %ne3A = arith.cmpi ne, %sign3A_56, %sign3A_63 : i32
      %rem3A = arith.remsi %scan3A_49, %jit3A : i32
      %ne3A_64 = arith.constant 0 : i32
      %ne3A_65 = arith.cmpi ne, %rem3A, %ne3A_64 : i32
      %and3A = arith.andi %ne3A, %ne3A_65 : i1
      %sub3A = arith.constant 1 : i32
      %sub3A_66 = arith.subi %div3A, %sub3A : i32
      %select_n3A = arith.select %and3A, %sub3A_66, %div3A : i32
      %jit3A_67 = arith.constant 8 : i32
      %eq3A = arith.constant 0 : i32
      %eq3A_68 = arith.cmpi eq, %jit3A_67, %eq3A : i32
      %jit3A_69 = arith.constant 1 : i32
      %select_n3A_70 = arith.select %eq3A_68, %jit3A_69, %jit3A_67 : i32
      %rem3A_71 = arith.remsi %scan3A_49, %select_n3A_70 : i32
      %ne3A_72 = arith.constant 0 : i32
      %ne3A_73 = arith.cmpi ne, %rem3A_71, %ne3A_72 : i32
      %lt3A = arith.constant 0 : i32
      %lt3A_74 = arith.cmpi slt, %rem3A_71, %lt3A : i32
      %lt3A_75 = arith.constant 0 : i32
      %lt3A_76 = arith.cmpi slt, %select_n3A_70, %lt3A_75 : i32
      %ne3A_77 = arith.xori %lt3A_74, %lt3A_76 : i1
      %and3A_78 = arith.andi %ne3A_77, %ne3A_73 : i1
      %add3A_79 = arith.addi %rem3A_71, %select_n3A_70 : i32
      %select_n3A_80 = arith.select %and3A_78, %add3A_79, %rem3A_71 : i32
      %mul3A_81 = arith.constant 16 : i32
      %mul3A_82 = arith.muli %select_n3A_80, %mul3A_81 : i32
      %swap3A = arith.index_cast %select_n3A : i32 to index
      %swap3A_83 = arith.index_cast %mul3A_82 : i32 to index
      %swap3A_84 = tpu.vector_load %arg5[%swap3A, %swap3A_83] {strides = array<i32>} : memref<128x128xf32, #tpu.memory_space<vmem>>, vector<1x16xf32>,
      %swap3A_85 = vector.shape_cast %swap3A_84 : vector<1x16xf32> to vector<16xf32>
      %swap3A_86 = vector.shape_cast %broadcast_in_dim3A_50 : vector<16xf32> to vector<1x16xf32>
      tpu.vector_store %arg5[%swap3A, %swap3A_83], %swap3A_86 {strides = array<i32>} : memref<128x128xf32, #tpu.memory_space<vmem>>, vector<1x16xf32>,
    }
    %scan3A_5 = arith.constant 1024 : i32
    %mul3A_6 = arith.constant 640 : i32
    %mul3A_7 = arith.muli %arg1, %mul3A_6 : i32
    %add3A_8 = arith.constant 0 : i32
    %add3A_9 = arith.addi %mul3A_7, %add3A_8 : i32
    "tpu.region"() ({
      %run_scoped3A = tpu.sem_alloc : memref<!tpu.dma_semaphore, #tpu.memory_space<semaphore_mem>>
      %dma_start3A = arith.constant 0 : i32
      %dma_start3A_49 = tpu.memref_slice %arg6[%add3A_9, %dma_start3A] : memref<10240x128xf32, #tpu.memory_space<vmem_shared>> -> memref<128x128xf32, #tpu.memory_space<vmem_shared>>
      %dma_start3A_50 = arith.constant 0 : i32
      %dma_start3A_51 = tpu.memref_slice %arg6[%add3A_9, %dma_start3A_50] : memref<10240x128xf32, #tpu.memory_space<vmem_shared>> -> memref<128x128xf32, #tpu.memory_space<vmem_shared>>
      tpu.enqueue_dma source(%arg5 : memref<128x128xf32, #tpu.memory_space<vmem>>) target(%dma_start3A_51 : memref<128x128xf32, #tpu.memory_space<vmem_shared>>) target_semaphore(%run_scoped3A : memref<!tpu.dma_semaphore, #tpu.memory_space<semaphore_mem>>)
      %dma_wait3A = arith.constant 0 : i32
      %dma_wait3A_52 = tpu.memref_slice %arg6[%add3A_9, %dma_wait3A] : memref<10240x128xf32, #tpu.memory_space<vmem_shared>> -> memref<128x128xf32, #tpu.memory_space<vmem_shared>>
      %dma_wait3A_53 = arith.constant 0 : i32
      %dma_wait3A_54 = tpu.memref_slice %arg6[%add3A_9, %dma_wait3A_53] : memref<10240x128xf32, #tpu.memory_space<vmem_shared>> -> memref<128x128xf32, #tpu.memory_space<vmem_shared>>
      tpu.wait_dma2 semaphore(%run_scoped3A : memref<!tpu.dma_semaphore, #tpu.memory_space<semaphore_mem>>) src(%arg5 : memref<128x128xf32, #tpu.memory_space<vmem>>) dst(%dma_wait3A_54 : memref<128x128xf32, #tpu.memory_space<vmem_shared>>)
      tpu.yield
    }) : () -> ()
    %mul3A_10 = arith.constant 640 : i32
    %mul3A_11 = arith.muli %arg1, %mul3A_10 : i32
    %add3A_12 = arith.constant 128 : i32
    %add3A_13 = arith.addi %mul3A_11, %add3A_12 : i32
    "tpu.region"() ({
      %run_scoped3A = tpu.sem_alloc : memref<!tpu.dma_semaphore, #tpu.memory_space<semaphore_mem>>
      %dma_start3A = arith.constant 0 : i32
      %dma_start3A_49 = tpu.memref_slice %arg6[%add3A_13, %dma_start3A] : memref<10240x128xf32, #tpu.memory_space<vmem_shared>> -> memref<128x128xf32, #tpu.memory_space<vmem_shared>>
      %dma_start3A_50 = arith.constant 0 : i32
      %dma_start3A_51 = tpu.memref_slice %arg6[%add3A_13, %dma_start3A_50] : memref<10240x128xf32, #tpu.memory_space<vmem_shared>> -> memref<128x128xf32, #tpu.memory_space<vmem_shared>>
      tpu.enqueue_dma source(%arg5 : memref<128x128xf32, #tpu.memory_space<vmem>>) target(%dma_start3A_51 : memref<128x128xf32, #tpu.memory_space<vmem_shared>>) target_semaphore(%run_scoped3A : memref<!tpu.dma_semaphore, #tpu.memory_space<semaphore_mem>>)
      %dma_wait3A = arith.constant 0 : i32
      %dma_wait3A_52 = tpu.memref_slice %arg6[%add3A_13, %dma_wait3A] : memref<10240x128xf32, #tpu.memory_space<vmem_shared>> -> memref<128x128xf32, #tpu.memory_space<vmem_shared>>
      %dma_wait3A_53 = arith.constant 0 : i32
      %dma_wait3A_54 = tpu.memref_slice %arg6[%add3A_13, %dma_wait3A_53] : memref<10240x128xf32, #tpu.memory_space<vmem_shared>> -> memref<128x128xf32, #tpu.memory_space<vmem_shared>>
      tpu.wait_dma2 semaphore(%run_scoped3A : memref<!tpu.dma_semaphore, #tpu.memory_space<semaphore_mem>>) src(%arg5 : memref<128x128xf32, #tpu.memory_space<vmem>>) dst(%dma_wait3A_54 : memref<128x128xf32, #tpu.memory_space<vmem_shared>>)
      tpu.yield
    }) : () -> ()
    %mul3A_14 = arith.constant 640 : i32
    %mul3A_15 = arith.muli %arg1, %mul3A_14 : i32
    %add3A_16 = arith.constant 256 : i32
    %add3A_17 = arith.addi %mul3A_15, %add3A_16 : i32
    "tpu.region"() ({
      %run_scoped3A = tpu.sem_alloc : memref<!tpu.dma_semaphore, #tpu.memory_space<semaphore_mem>>
      %dma_start3A = arith.constant 0 : i32
      %dma_start3A_49 = tpu.memref_slice %arg6[%add3A_17, %dma_start3A] : memref<10240x128xf32, #tpu.memory_space<vmem_shared>> -> memref<128x128xf32, #tpu.memory_space<vmem_shared>>
      %dma_start3A_50 = arith.constant 0 : i32
      %dma_start3A_51 = tpu.memref_slice %arg6[%add3A_17, %dma_start3A_50] : memref<10240x128xf32, #tpu.memory_space<vmem_shared>> -> memref<128x128xf32, #tpu.memory_space<vmem_shared>>
      tpu.enqueue_dma source(%arg5 : memref<128x128xf32, #tpu.memory_space<vmem>>) target(%dma_start3A_51 : memref<128x128xf32, #tpu.memory_space<vmem_shared>>) target_semaphore(%run_scoped3A : memref<!tpu.dma_semaphore, #tpu.memory_space<semaphore_mem>>)
      %dma_wait3A = arith.constant 0 : i32
      %dma_wait3A_52 = tpu.memref_slice %arg6[%add3A_17, %dma_wait3A] : memref<10240x128xf32, #tpu.memory_space<vmem_shared>> -> memref<128x128xf32, #tpu.memory_space<vmem_shared>>
      %dma_wait3A_53 = arith.constant 0 : i32
      %dma_wait3A_54 = tpu.memref_slice %arg6[%add3A_17, %dma_wait3A_53] : memref<10240x128xf32, #tpu.memory_space<vmem_shared>> -> memref<128x128xf32, #tpu.memory_space<vmem_shared>>
      tpu.wait_dma2 semaphore(%run_scoped3A : memref<!tpu.dma_semaphore, #tpu.memory_space<semaphore_mem>>) src(%arg5 : memref<128x128xf32, #tpu.memory_space<vmem>>) dst(%dma_wait3A_54 : memref<128x128xf32, #tpu.memory_space<vmem_shared>>)
      tpu.yield
    }) : () -> ()
    %mul3A_18 = arith.constant 640 : i32
    %mul3A_19 = arith.muli %arg1, %mul3A_18 : i32
    %add3A_20 = arith.constant 384 : i32
    %add3A_21 = arith.addi %mul3A_19, %add3A_20 : i32
    "tpu.region"() ({
      %run_scoped3A = tpu.sem_alloc : memref<!tpu.dma_semaphore, #tpu.memory_space<semaphore_mem>>
      %dma_start3A = arith.constant 0 : i32
      %dma_start3A_49 = tpu.memref_slice %arg6[%add3A_21, %dma_start3A] : memref<10240x128xf32, #tpu.memory_space<vmem_shared>> -> memref<128x128xf32, #tpu.memory_space<vmem_shared>>
      %dma_start3A_50 = arith.constant 0 : i32
      %dma_start3A_51 = tpu.memref_slice %arg6[%add3A_21, %dma_start3A_50] : memref<10240x128xf32, #tpu.memory_space<vmem_shared>> -> memref<128x128xf32, #tpu.memory_space<vmem_shared>>
      tpu.enqueue_dma source(%arg5 : memref<128x128xf32, #tpu.memory_space<vmem>>) target(%dma_start3A_51 : memref<128x128xf32, #tpu.memory_space<vmem_shared>>) target_semaphore(%run_scoped3A : memref<!tpu.dma_semaphore, #tpu.memory_space<semaphore_mem>>)
      %dma_wait3A = arith.constant 0 : i32
      %dma_wait3A_52 = tpu.memref_slice %arg6[%add3A_21, %dma_wait3A] : memref<10240x128xf32, #tpu.memory_space<vmem_shared>> -> memref<128x128xf32, #tpu.memory_space<vmem_shared>>
      %dma_wait3A_53 = arith.constant 0 : i32
      %dma_wait3A_54 = tpu.memref_slice %arg6[%add3A_21, %dma_wait3A_53] : memref<10240x128xf32, #tpu.memory_space<vmem_shared>> -> memref<128x128xf32, #tpu.memory_space<vmem_shared>>
      tpu.wait_dma2 semaphore(%run_scoped3A : memref<!tpu.dma_semaphore, #tpu.memory_space<semaphore_mem>>) src(%arg5 : memref<128x128xf32, #tpu.memory_space<vmem>>) dst(%dma_wait3A_54 : memref<128x128xf32, #tpu.memory_space<vmem_shared>>)
      tpu.yield
    }) : () -> ()
    %mul3A_22 = arith.constant 640 : i32
    %mul3A_23 = arith.muli %arg1, %mul3A_22 : i32
    %add3A_24 = arith.constant 512 : i32
    %add3A_25 = arith.addi %mul3A_23, %add3A_24 : i32
    "tpu.region"() ({
      %run_scoped3A = tpu.sem_alloc : memref<!tpu.dma_semaphore, #tpu.memory_space<semaphore_mem>>
      %dma_start3A = arith.constant 0 : i32
      %dma_start3A_49 = tpu.memref_slice %arg6[%add3A_25, %dma_start3A] : memref<10240x128xf32, #tpu.memory_space<vmem_shared>> -> memref<128x128xf32, #tpu.memory_space<vmem_shared>>
      %dma_start3A_50 = arith.constant 0 : i32
      %dma_start3A_51 = tpu.memref_slice %arg6[%add3A_25, %dma_start3A_50] : memref<10240x128xf32, #tpu.memory_space<vmem_shared>> -> memref<128x128xf32, #tpu.memory_space<vmem_shared>>
      tpu.enqueue_dma source(%arg5 : memref<128x128xf32, #tpu.memory_space<vmem>>) target(%dma_start3A_51 : memref<128x128xf32, #tpu.memory_space<vmem_shared>>) target_semaphore(%run_scoped3A : memref<!tpu.dma_semaphore, #tpu.memory_space<semaphore_mem>>)
      %dma_wait3A = arith.constant 0 : i32
      %dma_wait3A_52 = tpu.memref_slice %arg6[%add3A_25, %dma_wait3A] : memref<10240x128xf32, #tpu.memory_space<vmem_shared>> -> memref<128x128xf32, #tpu.memory_space<vmem_shared>>
      %dma_wait3A_53 = arith.constant 0 : i32
      %dma_wait3A_54 = tpu.memref_slice %arg6[%add3A_25, %dma_wait3A_53] : memref<10240x128xf32, #tpu.memory_space<vmem_shared>> -> memref<128x128xf32, #tpu.memory_space<vmem_shared>>
      tpu.wait_dma2 semaphore(%run_scoped3A : memref<!tpu.dma_semaphore, #tpu.memory_space<semaphore_mem>>) src(%arg5 : memref<128x128xf32, #tpu.memory_space<vmem>>) dst(%dma_wait3A_54 : memref<128x128xf32, #tpu.memory_space<vmem_shared>>)
      tpu.yield
    }) : () -> ()
    %scan3A_26 = arith.constant 0 : i32
    %scan3A_27 = arith.constant 0 : i32
    %scan3A_28 = arith.constant 1024 : i32
    %scan3A_29 = arith.addi %scan3A_27, %scan3A_28 : i32
    %scan3A_30 = arith.constant 1 : i32
    scf.for %scan3A_49 = %scan3A_27 to %scan3A_29 step %scan3A_30  : i32 {
      %broadcast_in_dim3A = arith.constant 1.000000e+00 : f32
      %broadcast_in_dim3A_50 = vector.broadcast %broadcast_in_dim3A : f32 to vector<16xf32>
      %jit3A = arith.constant 8 : i32
      %div3A = arith.divsi %scan3A_49, %jit3A : i32
      %sign3A = arith.constant 0 : i32
      %sign3A_51 = arith.cmpi sgt, %scan3A_49, %sign3A : i32
      %sign3A_52 = arith.extui %sign3A_51 : i1 to i32
      %sign3A_53 = arith.constant 0 : i32
      %sign3A_54 = arith.cmpi slt, %scan3A_49, %sign3A_53 : i32
      %sign3A_55 = arith.extui %sign3A_54 : i1 to i32
      %sign3A_56 = arith.subi %sign3A_52, %sign3A_55 : i32
      %sign3A_57 = arith.constant 0 : i32
      %sign3A_58 = arith.cmpi sgt, %jit3A, %sign3A_57 : i32
      %sign3A_59 = arith.extui %sign3A_58 : i1 to i32
      %sign3A_60 = arith.constant 0 : i32
      %sign3A_61 = arith.cmpi slt, %jit3A, %sign3A_60 : i32
      %sign3A_62 = arith.extui %sign3A_61 : i1 to i32
      %sign3A_63 = arith.subi %sign3A_59, %sign3A_62 : i32
      %ne3A = arith.cmpi ne, %sign3A_56, %sign3A_63 : i32
      %rem3A = arith.remsi %scan3A_49, %jit3A : i32
      %ne3A_64 = arith.constant 0 : i32
      %ne3A_65 = arith.cmpi ne, %rem3A, %ne3A_64 : i32
      %and3A = arith.andi %ne3A, %ne3A_65 : i1
      %sub3A = arith.constant 1 : i32
      %sub3A_66 = arith.subi %div3A, %sub3A : i32
      %select_n3A = arith.select %and3A, %sub3A_66, %div3A : i32
      %jit3A_67 = arith.constant 8 : i32
      %eq3A = arith.constant 0 : i32
      %eq3A_68 = arith.cmpi eq, %jit3A_67, %eq3A : i32
      %jit3A_69 = arith.constant 1 : i32
      %select_n3A_70 = arith.select %eq3A_68, %jit3A_69, %jit3A_67 : i32
      %rem3A_71 = arith.remsi %scan3A_49, %select_n3A_70 : i32
      %ne3A_72 = arith.constant 0 : i32
      %ne3A_73 = arith.cmpi ne, %rem3A_71, %ne3A_72 : i32
      %lt3A = arith.constant 0 : i32
      %lt3A_74 = arith.cmpi slt, %rem3A_71, %lt3A : i32
      %lt3A_75 = arith.constant 0 : i32
      %lt3A_76 = arith.cmpi slt, %select_n3A_70, %lt3A_75 : i32
      %ne3A_77 = arith.xori %lt3A_74, %lt3A_76 : i1
      %and3A_78 = arith.andi %ne3A_77, %ne3A_73 : i1
      %add3A_79 = arith.addi %rem3A_71, %select_n3A_70 : i32
      %select_n3A_80 = arith.select %and3A_78, %add3A_79, %rem3A_71 : i32
      %mul3A_81 = arith.constant 16 : i32
      %mul3A_82 = arith.muli %select_n3A_80, %mul3A_81 : i32
      %swap3A = arith.index_cast %select_n3A : i32 to index
      %swap3A_83 = arith.index_cast %mul3A_82 : i32 to index
      %swap3A_84 = tpu.vector_load %arg5[%swap3A, %swap3A_83] {strides = array<i32>} : memref<128x128xf32, #tpu.memory_space<vmem>>, vector<1x16xf32>,
      %swap3A_85 = vector.shape_cast %swap3A_84 : vector<1x16xf32> to vector<16xf32>
      %swap3A_86 = vector.shape_cast %broadcast_in_dim3A_50 : vector<16xf32> to vector<1x16xf32>
      tpu.vector_store %arg5[%swap3A, %swap3A_83], %swap3A_86 {strides = array<i32>} : memref<128x128xf32, #tpu.memory_space<vmem>>, vector<1x16xf32>,
    }
    %scan3A_31 = arith.constant 1024 : i32
    %barrier3A = arith.constant 0 : index
    tpu.barrier barrier_id(%barrier3A)
    "tpu.region"() ({
      %run_scoped3A = tpu.sem_alloc : memref<!tpu.dma_semaphore, #tpu.memory_space<semaphore_mem>>
      %dma_start3A = arith.constant 0 : i32
      %dma_start3A_49 = arith.constant 0 : i32
      %dma_start3A_50 = tpu.memref_slice %arg2[%add3A, %dma_start3A, %dma_start3A_49] : memref<32x80x128xi32, #tpu.memory_space<hbm>> -> memref<1x40x128xi32, #tpu.memory_space<hbm>>
      %dma_start3A_51 = tpu.memref_squeeze %dma_start3A_50 : memref<1x40x128xi32, #tpu.memory_space<hbm>> -> memref<40x128xi32, #tpu.memory_space<hbm>>
      %dma_start3A_52 = arith.constant 0 : i32
      %dma_start3A_53 = arith.constant 0 : i32
      %dma_start3A_54 = tpu.memref_slice %arg2[%add3A, %dma_start3A_52, %dma_start3A_53] : memref<32x80x128xi32, #tpu.memory_space<hbm>> -> memref<1x40x128xi32, #tpu.memory_space<hbm>>
      %dma_start3A_55 = tpu.memref_squeeze %dma_start3A_54 : memref<1x40x128xi32, #tpu.memory_space<hbm>> -> memref<40x128xi32, #tpu.memory_space<hbm>>
      tpu.enqueue_dma source(%dma_start3A_55 : memref<40x128xi32, #tpu.memory_space<hbm>>) target(%arg4 : memref<40x128xi32, #tpu.memory_space<vmem>>) target_semaphore(%run_scoped3A : memref<!tpu.dma_semaphore, #tpu.memory_space<semaphore_mem>>)
      %dma_wait3A = arith.constant 0 : i32
      %dma_wait3A_56 = arith.constant 0 : i32
      %dma_wait3A_57 = tpu.memref_slice %arg2[%add3A, %dma_wait3A, %dma_wait3A_56] : memref<32x80x128xi32, #tpu.memory_space<hbm>> -> memref<1x40x128xi32, #tpu.memory_space<hbm>>
      %dma_wait3A_58 = tpu.memref_squeeze %dma_wait3A_57 : memref<1x40x128xi32, #tpu.memory_space<hbm>> -> memref<40x128xi32, #tpu.memory_space<hbm>>
      %dma_wait3A_59 = arith.constant 0 : i32
      %dma_wait3A_60 = arith.constant 0 : i32
      %dma_wait3A_61 = tpu.memref_slice %arg2[%add3A, %dma_wait3A_59, %dma_wait3A_60] : memref<32x80x128xi32, #tpu.memory_space<hbm>> -> memref<1x40x128xi32, #tpu.memory_space<hbm>>
      %dma_wait3A_62 = tpu.memref_squeeze %dma_wait3A_61 : memref<1x40x128xi32, #tpu.memory_space<hbm>> -> memref<40x128xi32, #tpu.memory_space<hbm>>
      tpu.wait_dma2 semaphore(%run_scoped3A : memref<!tpu.dma_semaphore, #tpu.memory_space<semaphore_mem>>) src(%dma_wait3A_62 : memref<40x128xi32, #tpu.memory_space<hbm>>) dst(%arg4 : memref<40x128xi32, #tpu.memory_space<vmem>>)
      tpu.yield
    }) : () -> ()
    %scan3A_32 = arith.constant 0 : i32
    %scan3A_33 = arith.constant 0 : i32
    %scan3A_34 = arith.constant 40 : i32
    %scan3A_35 = arith.addi %scan3A_33, %scan3A_34 : i32
    %scan3A_36 = arith.constant 1 : i32
    scf.for %scan3A_49 = %scan3A_33 to %scan3A_35 step %scan3A_36  : i32 {
      "tpu.region"() ({
        %run_scoped3A = tpu.sem_alloc : memref<!tpu.dma_semaphore, #tpu.memory_space<semaphore_mem>>
        %dma_start3A = arith.constant 0 : i32
        %dma_start3A_50 = tpu.memref_slice %arg4[%scan3A_49, %dma_start3A] : memref<40x128xi32, #tpu.memory_space<vmem>> -> memref<1x128xi32, #tpu.memory_space<vmem>>
        %dma_start3A_51 = tpu.memref_squeeze %dma_start3A_50 : memref<1x128xi32, #tpu.memory_space<vmem>> -> memref<128xi32, #tpu.memory_space<vmem>>
        %dma_start3A_52 = arith.constant 0 : i32
        %dma_start3A_53 = arith.constant 0 : i32
        %dma_start3A_54 = tpu.memref_slice %arg6[%dma_start3A_52, %dma_start3A_53] : memref<10240x128xf32, #tpu.memory_space<vmem_shared>> -> memref<10240x128xf32, #tpu.memory_space<vmem_shared>>
        tpu.enqueue_indirect_dma source(%arg5 : memref<128x128xf32, #tpu.memory_space<vmem>>) target(%dma_start3A_54 : memref<10240x128xf32, #tpu.memory_space<vmem_shared>>) offsets(%dma_start3A_51 : memref<128xi32, #tpu.memory_space<vmem>>) semaphore(%run_scoped3A : memref<!tpu.dma_semaphore, #tpu.memory_space<semaphore_mem>>) {add = true}
        %dma_wait3A = arith.constant 0 : i32
        %dma_wait3A_55 = tpu.memref_slice %arg4[%scan3A_49, %dma_wait3A] : memref<40x128xi32, #tpu.memory_space<vmem>> -> memref<1x128xi32, #tpu.memory_space<vmem>>
        %dma_wait3A_56 = tpu.memref_squeeze %dma_wait3A_55 : memref<1x128xi32, #tpu.memory_space<vmem>> -> memref<128xi32, #tpu.memory_space<vmem>>
        %dma_wait3A_57 = arith.constant 0 : i32
        %dma_wait3A_58 = arith.constant 0 : i32
        %dma_wait3A_59 = tpu.memref_slice %arg6[%dma_wait3A_57, %dma_wait3A_58] : memref<10240x128xf32, #tpu.memory_space<vmem_shared>> -> memref<10240x128xf32, #tpu.memory_space<vmem_shared>>
        tpu.wait_indirect_dma semaphore(%run_scoped3A : memref<!tpu.dma_semaphore, #tpu.memory_space<semaphore_mem>>) src(%arg5 : memref<128x128xf32, #tpu.memory_space<vmem>>) dst(%dma_wait3A_59 : memref<10240x128xf32, #tpu.memory_space<vmem_shared>>)
        tpu.yield
      }) : () -> ()
    }
    %scan3A_37 = arith.constant 40 : i32
    "tpu.region"() ({
      %run_scoped3A = tpu.sem_alloc : memref<!tpu.dma_semaphore, #tpu.memory_space<semaphore_mem>>
      %dma_start3A = arith.constant 40 : i32
      %dma_start3A_49 = arith.constant 0 : i32
      %dma_start3A_50 = tpu.memref_slice %arg2[%add3A, %dma_start3A, %dma_start3A_49] : memref<32x80x128xi32, #tpu.memory_space<hbm>> -> memref<1x40x128xi32, #tpu.memory_space<hbm>>
      %dma_start3A_51 = tpu.memref_squeeze %dma_start3A_50 : memref<1x40x128xi32, #tpu.memory_space<hbm>> -> memref<40x128xi32, #tpu.memory_space<hbm>>
      %dma_start3A_52 = arith.constant 40 : i32
      %dma_start3A_53 = arith.constant 0 : i32
      %dma_start3A_54 = tpu.memref_slice %arg2[%add3A, %dma_start3A_52, %dma_start3A_53] : memref<32x80x128xi32, #tpu.memory_space<hbm>> -> memref<1x40x128xi32, #tpu.memory_space<hbm>>
      %dma_start3A_55 = tpu.memref_squeeze %dma_start3A_54 : memref<1x40x128xi32, #tpu.memory_space<hbm>> -> memref<40x128xi32, #tpu.memory_space<hbm>>
      tpu.enqueue_dma source(%dma_start3A_55 : memref<40x128xi32, #tpu.memory_space<hbm>>) target(%arg4 : memref<40x128xi32, #tpu.memory_space<vmem>>) target_semaphore(%run_scoped3A : memref<!tpu.dma_semaphore, #tpu.memory_space<semaphore_mem>>)
      %dma_wait3A = arith.constant 40 : i32
      %dma_wait3A_56 = arith.constant 0 : i32
      %dma_wait3A_57 = tpu.memref_slice %arg2[%add3A, %dma_wait3A, %dma_wait3A_56] : memref<32x80x128xi32, #tpu.memory_space<hbm>> -> memref<1x40x128xi32, #tpu.memory_space<hbm>>
      %dma_wait3A_58 = tpu.memref_squeeze %dma_wait3A_57 : memref<1x40x128xi32, #tpu.memory_space<hbm>> -> memref<40x128xi32, #tpu.memory_space<hbm>>
      %dma_wait3A_59 = arith.constant 40 : i32
      %dma_wait3A_60 = arith.constant 0 : i32
      %dma_wait3A_61 = tpu.memref_slice %arg2[%add3A, %dma_wait3A_59, %dma_wait3A_60] : memref<32x80x128xi32, #tpu.memory_space<hbm>> -> memref<1x40x128xi32, #tpu.memory_space<hbm>>
      %dma_wait3A_62 = tpu.memref_squeeze %dma_wait3A_61 : memref<1x40x128xi32, #tpu.memory_space<hbm>> -> memref<40x128xi32, #tpu.memory_space<hbm>>
      tpu.wait_dma2 semaphore(%run_scoped3A : memref<!tpu.dma_semaphore, #tpu.memory_space<semaphore_mem>>) src(%dma_wait3A_62 : memref<40x128xi32, #tpu.memory_space<hbm>>) dst(%arg4 : memref<40x128xi32, #tpu.memory_space<vmem>>)
      tpu.yield
    }) : () -> ()
    %scan3A_38 = arith.constant 0 : i32
    %scan3A_39 = arith.constant 0 : i32
    %scan3A_40 = arith.constant 40 : i32
    %scan3A_41 = arith.addi %scan3A_39, %scan3A_40 : i32
    %scan3A_42 = arith.constant 1 : i32
    scf.for %scan3A_49 = %scan3A_39 to %scan3A_41 step %scan3A_42  : i32 {
      "tpu.region"() ({
        %run_scoped3A = tpu.sem_alloc : memref<!tpu.dma_semaphore, #tpu.memory_space<semaphore_mem>>
        %dma_start3A = arith.constant 0 : i32
        %dma_start3A_50 = tpu.memref_slice %arg4[%scan3A_49, %dma_start3A] : memref<40x128xi32, #tpu.memory_space<vmem>> -> memref<1x128xi32, #tpu.memory_space<vmem>>
        %dma_start3A_51 = tpu.memref_squeeze %dma_start3A_50 : memref<1x128xi32, #tpu.memory_space<vmem>> -> memref<128xi32, #tpu.memory_space<vmem>>
        %dma_start3A_52 = arith.constant 0 : i32
        %dma_start3A_53 = arith.constant 0 : i32
        %dma_start3A_54 = tpu.memref_slice %arg6[%dma_start3A_52, %dma_start3A_53] : memref<10240x128xf32, #tpu.memory_space<vmem_shared>> -> memref<10240x128xf32, #tpu.memory_space<vmem_shared>>
        tpu.enqueue_indirect_dma source(%arg5 : memref<128x128xf32, #tpu.memory_space<vmem>>) target(%dma_start3A_54 : memref<10240x128xf32, #tpu.memory_space<vmem_shared>>) offsets(%dma_start3A_51 : memref<128xi32, #tpu.memory_space<vmem>>) semaphore(%run_scoped3A : memref<!tpu.dma_semaphore, #tpu.memory_space<semaphore_mem>>) {add = true}
        %dma_wait3A = arith.constant 0 : i32
        %dma_wait3A_55 = tpu.memref_slice %arg4[%scan3A_49, %dma_wait3A] : memref<40x128xi32, #tpu.memory_space<vmem>> -> memref<1x128xi32, #tpu.memory_space<vmem>>
        %dma_wait3A_56 = tpu.memref_squeeze %dma_wait3A_55 : memref<1x128xi32, #tpu.memory_space<vmem>> -> memref<128xi32, #tpu.memory_space<vmem>>
        %dma_wait3A_57 = arith.constant 0 : i32
        %dma_wait3A_58 = arith.constant 0 : i32
        %dma_wait3A_59 = tpu.memref_slice %arg6[%dma_wait3A_57, %dma_wait3A_58] : memref<10240x128xf32, #tpu.memory_space<vmem_shared>> -> memref<10240x128xf32, #tpu.memory_space<vmem_shared>>
        tpu.wait_indirect_dma semaphore(%run_scoped3A : memref<!tpu.dma_semaphore, #tpu.memory_space<semaphore_mem>>) src(%arg5 : memref<128x128xf32, #tpu.memory_space<vmem>>) dst(%dma_wait3A_59 : memref<10240x128xf32, #tpu.memory_space<vmem_shared>>)
        tpu.yield
      }) : () -> ()
    }
    %scan3A_43 = arith.constant 40 : i32
    %barrier3A_44 = arith.constant 0 : index
    tpu.barrier barrier_id(%barrier3A_44)
    %mul3A_45 = arith.constant 640 : i32
    %mul3A_46 = arith.muli %arg1, %mul3A_45 : i32
    %mul3A_47 = arith.constant 640 : i32
    %mul3A_48 = arith.muli %arg1, %mul3A_47 : i32
    "tpu.region"() ({
      %run_scoped3A = tpu.sem_alloc : memref<!tpu.dma_semaphore, #tpu.memory_space<semaphore_mem>>
      %dma_start3A = arith.constant 0 : i32
      %dma_start3A_49 = tpu.memref_slice %arg3[%arg0, %mul3A_48, %dma_start3A] : memref<2x10240x128xf32, #tpu.memory_space<hbm>> -> memref<1x640x128xf32, #tpu.memory_space<hbm>>
      %dma_start3A_50 = tpu.memref_squeeze %dma_start3A_49 : memref<1x640x128xf32, #tpu.memory_space<hbm>> -> memref<640x128xf32, #tpu.memory_space<hbm>>
      %dma_start3A_51 = arith.constant 0 : i32
      %dma_start3A_52 = tpu.memref_slice %arg6[%mul3A_46, %dma_start3A_51] : memref<10240x128xf32, #tpu.memory_space<vmem_shared>> -> memref<640x128xf32, #tpu.memory_space<vmem_shared>>
      tpu.enqueue_dma source(%dma_start3A_52 : memref<640x128xf32, #tpu.memory_space<vmem_shared>>) target(%dma_start3A_50 : memref<640x128xf32, #tpu.memory_space<hbm>>) target_semaphore(%run_scoped3A : memref<!tpu.dma_semaphore, #tpu.memory_space<semaphore_mem>>)
      %dma_wait3A = arith.constant 0 : i32
      %dma_wait3A_53 = tpu.memref_slice %arg3[%arg0, %mul3A_48, %dma_wait3A] : memref<2x10240x128xf32, #tpu.memory_space<hbm>> -> memref<1x640x128xf32, #tpu.memory_space<hbm>>
      %dma_wait3A_54 = tpu.memref_squeeze %dma_wait3A_53 : memref<1x640x128xf32, #tpu.memory_space<hbm>> -> memref<640x128xf32, #tpu.memory_space<hbm>>
      %dma_wait3A_55 = arith.constant 0 : i32
      %dma_wait3A_56 = tpu.memref_slice %arg6[%mul3A_46, %dma_wait3A_55] : memref<10240x128xf32, #tpu.memory_space<vmem_shared>> -> memref<640x128xf32, #tpu.memory_space<vmem_shared>>
      tpu.wait_dma2 semaphore(%run_scoped3A : memref<!tpu.dma_semaphore, #tpu.memory_space<semaphore_mem>>) src(%dma_wait3A_56 : memref<640x128xf32, #tpu.memory_space<vmem_shared>>) dst(%dma_wait3A_54 : memref<640x128xf32, #tpu.memory_space<hbm>>)
      tpu.yield
    }) : () -> ()
    return
  }
}

#map = affine_map<(d0, d1) -> (0, 0)>
#map1 = affine_map<(d0, d1) -> (0, 0, 0)>
module attributes {stable_mosaic.version = 14 : i64} {
  func.func @body_gather(%arg0: i32, %arg1: i32, %arg2: memref<10240x128xf32, #tpu.memory_space<hbm>>, %arg3: memref<32x80x128xi32, #tpu.memory_space<hbm>>, %arg4: memref<32x80x128xi32, #tpu.memory_space<hbm>>, %arg5: memref<2x10240x128xf32, #tpu.memory_space<hbm>>, %arg6: memref<40x128xi32, #tpu.memory_space<vmem>>, %arg7: memref<40x128xi32, #tpu.memory_space<vmem>>, %arg8: memref<128x128xf32, #tpu.memory_space<vmem>>, %arg9: memref<128x128xf32, #tpu.memory_space<vmem>>, %arg10: memref<10240x128xf32, #tpu.memory_space<vmem_shared>>, %arg11: memref<!tpu.dma_semaphore, #tpu.memory_space<semaphore_mem>>, %arg12: memref<!tpu.dma_semaphore, #tpu.memory_space<semaphore_mem>>) attributes {dimension_semantics = [#tpu.dimension_semantics<core_parallel>, #tpu.dimension_semantics<subcore_parallel>], iteration_bounds = array<i64: 2, 16>, scalar_prefetch = 0 : i64, scratch_operands = 7 : i64, tpu.core_type = #tpu.core_type<sc_vector_subcore>, window_params = [{transform_indices = #map}, {transform_indices = #map1}, {transform_indices = #map1}, {transform_indices = #map1}]} {
    %mul3A = arith.constant 2 : i32
    %mul3A_0 = arith.muli %arg1, %mul3A : i32
    %add3A = arith.addi %mul3A_0, %arg0 : i32
    %scan3A = arith.constant 0 : i32
    %scan3A_1 = arith.constant 0 : i32
    %scan3A_2 = arith.constant 1024 : i32
    %scan3A_3 = arith.addi %scan3A_1, %scan3A_2 : i32
    %scan3A_4 = arith.constant 1 : i32
    scf.for %scan3A_67 = %scan3A_1 to %scan3A_3 step %scan3A_4  : i32 {
      %broadcast_in_dim3A = arith.constant 0.000000e+00 : f32
      %broadcast_in_dim3A_68 = vector.broadcast %broadcast_in_dim3A : f32 to vector<16xf32>
      %jit3A = arith.constant 8 : i32
      %div3A = arith.divsi %scan3A_67, %jit3A : i32
      %sign3A = arith.constant 0 : i32
      %sign3A_69 = arith.cmpi sgt, %scan3A_67, %sign3A : i32
      %sign3A_70 = arith.extui %sign3A_69 : i1 to i32
      %sign3A_71 = arith.constant 0 : i32
      %sign3A_72 = arith.cmpi slt, %scan3A_67, %sign3A_71 : i32
      %sign3A_73 = arith.extui %sign3A_72 : i1 to i32
      %sign3A_74 = arith.subi %sign3A_70, %sign3A_73 : i32
      %sign3A_75 = arith.constant 0 : i32
      %sign3A_76 = arith.cmpi sgt, %jit3A, %sign3A_75 : i32
      %sign3A_77 = arith.extui %sign3A_76 : i1 to i32
      %sign3A_78 = arith.constant 0 : i32
      %sign3A_79 = arith.cmpi slt, %jit3A, %sign3A_78 : i32
      %sign3A_80 = arith.extui %sign3A_79 : i1 to i32
      %sign3A_81 = arith.subi %sign3A_77, %sign3A_80 : i32
      %ne3A = arith.cmpi ne, %sign3A_74, %sign3A_81 : i32
      %rem3A = arith.remsi %scan3A_67, %jit3A : i32
      %ne3A_82 = arith.constant 0 : i32
      %ne3A_83 = arith.cmpi ne, %rem3A, %ne3A_82 : i32
      %and3A = arith.andi %ne3A, %ne3A_83 : i1
      %sub3A = arith.constant 1 : i32
      %sub3A_84 = arith.subi %div3A, %sub3A : i32
      %select_n3A = arith.select %and3A, %sub3A_84, %div3A : i32
      %jit3A_85 = arith.constant 8 : i32
      %eq3A = arith.constant 0 : i32
      %eq3A_86 = arith.cmpi eq, %jit3A_85, %eq3A : i32
      %jit3A_87 = arith.constant 1 : i32
      %select_n3A_88 = arith.select %eq3A_86, %jit3A_87, %jit3A_85 : i32
      %rem3A_89 = arith.remsi %scan3A_67, %select_n3A_88 : i32
      %ne3A_90 = arith.constant 0 : i32
      %ne3A_91 = arith.cmpi ne, %rem3A_89, %ne3A_90 : i32
      %lt3A = arith.constant 0 : i32
      %lt3A_92 = arith.cmpi slt, %rem3A_89, %lt3A : i32
      %lt3A_93 = arith.constant 0 : i32
      %lt3A_94 = arith.cmpi slt, %select_n3A_88, %lt3A_93 : i32
      %ne3A_95 = arith.xori %lt3A_92, %lt3A_94 : i1
      %and3A_96 = arith.andi %ne3A_95, %ne3A_91 : i1
      %add3A_97 = arith.addi %rem3A_89, %select_n3A_88 : i32
      %select_n3A_98 = arith.select %and3A_96, %add3A_97, %rem3A_89 : i32
      %mul3A_99 = arith.constant 16 : i32
      %mul3A_100 = arith.muli %select_n3A_98, %mul3A_99 : i32
      %swap3A = arith.index_cast %select_n3A : i32 to index
      %swap3A_101 = arith.index_cast %mul3A_100 : i32 to index
      %swap3A_102 = tpu.vector_load %arg8[%swap3A, %swap3A_101] {strides = array<i32>} : memref<128x128xf32, #tpu.memory_space<vmem>>, vector<1x16xf32>,
      %swap3A_103 = vector.shape_cast %swap3A_102 : vector<1x16xf32> to vector<16xf32>
      %swap3A_104 = vector.shape_cast %broadcast_in_dim3A_68 : vector<16xf32> to vector<1x16xf32>
      tpu.vector_store %arg8[%swap3A, %swap3A_101], %swap3A_104 {strides = array<i32>} : memref<128x128xf32, #tpu.memory_space<vmem>>, vector<1x16xf32>,
    }
    %scan3A_5 = arith.constant 1024 : i32
    %mul3A_6 = arith.constant 640 : i32
    %mul3A_7 = arith.muli %arg1, %mul3A_6 : i32
    %add3A_8 = arith.constant 0 : i32
    %add3A_9 = arith.addi %mul3A_7, %add3A_8 : i32
    "tpu.region"() ({
      %run_scoped3A = tpu.sem_alloc : memref<!tpu.dma_semaphore, #tpu.memory_space<semaphore_mem>>
      %dma_start3A_67 = arith.constant 0 : i32
      %dma_start3A_68 = tpu.memref_slice %arg10[%add3A_9, %dma_start3A_67] : memref<10240x128xf32, #tpu.memory_space<vmem_shared>> -> memref<128x128xf32, #tpu.memory_space<vmem_shared>>
      %dma_start3A_69 = arith.constant 0 : i32
      %dma_start3A_70 = tpu.memref_slice %arg10[%add3A_9, %dma_start3A_69] : memref<10240x128xf32, #tpu.memory_space<vmem_shared>> -> memref<128x128xf32, #tpu.memory_space<vmem_shared>>
      tpu.enqueue_dma source(%arg8 : memref<128x128xf32, #tpu.memory_space<vmem>>) target(%dma_start3A_70 : memref<128x128xf32, #tpu.memory_space<vmem_shared>>) target_semaphore(%run_scoped3A : memref<!tpu.dma_semaphore, #tpu.memory_space<semaphore_mem>>)
      %dma_wait3A_71 = arith.constant 0 : i32
      %dma_wait3A_72 = tpu.memref_slice %arg10[%add3A_9, %dma_wait3A_71] : memref<10240x128xf32, #tpu.memory_space<vmem_shared>> -> memref<128x128xf32, #tpu.memory_space<vmem_shared>>
      %dma_wait3A_73 = arith.constant 0 : i32
      %dma_wait3A_74 = tpu.memref_slice %arg10[%add3A_9, %dma_wait3A_73] : memref<10240x128xf32, #tpu.memory_space<vmem_shared>> -> memref<128x128xf32, #tpu.memory_space<vmem_shared>>
      tpu.wait_dma2 semaphore(%run_scoped3A : memref<!tpu.dma_semaphore, #tpu.memory_space<semaphore_mem>>) src(%arg8 : memref<128x128xf32, #tpu.memory_space<vmem>>) dst(%dma_wait3A_74 : memref<128x128xf32, #tpu.memory_space<vmem_shared>>)
      tpu.yield
    }) : () -> ()
    %mul3A_10 = arith.constant 640 : i32
    %mul3A_11 = arith.muli %arg1, %mul3A_10 : i32
    %add3A_12 = arith.constant 128 : i32
    %add3A_13 = arith.addi %mul3A_11, %add3A_12 : i32
    "tpu.region"() ({
      %run_scoped3A = tpu.sem_alloc : memref<!tpu.dma_semaphore, #tpu.memory_space<semaphore_mem>>
      %dma_start3A_67 = arith.constant 0 : i32
      %dma_start3A_68 = tpu.memref_slice %arg10[%add3A_13, %dma_start3A_67] : memref<10240x128xf32, #tpu.memory_space<vmem_shared>> -> memref<128x128xf32, #tpu.memory_space<vmem_shared>>
      %dma_start3A_69 = arith.constant 0 : i32
      %dma_start3A_70 = tpu.memref_slice %arg10[%add3A_13, %dma_start3A_69] : memref<10240x128xf32, #tpu.memory_space<vmem_shared>> -> memref<128x128xf32, #tpu.memory_space<vmem_shared>>
      tpu.enqueue_dma source(%arg8 : memref<128x128xf32, #tpu.memory_space<vmem>>) target(%dma_start3A_70 : memref<128x128xf32, #tpu.memory_space<vmem_shared>>) target_semaphore(%run_scoped3A : memref<!tpu.dma_semaphore, #tpu.memory_space<semaphore_mem>>)
      %dma_wait3A_71 = arith.constant 0 : i32
      %dma_wait3A_72 = tpu.memref_slice %arg10[%add3A_13, %dma_wait3A_71] : memref<10240x128xf32, #tpu.memory_space<vmem_shared>> -> memref<128x128xf32, #tpu.memory_space<vmem_shared>>
      %dma_wait3A_73 = arith.constant 0 : i32
      %dma_wait3A_74 = tpu.memref_slice %arg10[%add3A_13, %dma_wait3A_73] : memref<10240x128xf32, #tpu.memory_space<vmem_shared>> -> memref<128x128xf32, #tpu.memory_space<vmem_shared>>
      tpu.wait_dma2 semaphore(%run_scoped3A : memref<!tpu.dma_semaphore, #tpu.memory_space<semaphore_mem>>) src(%arg8 : memref<128x128xf32, #tpu.memory_space<vmem>>) dst(%dma_wait3A_74 : memref<128x128xf32, #tpu.memory_space<vmem_shared>>)
      tpu.yield
    }) : () -> ()
    %mul3A_14 = arith.constant 640 : i32
    %mul3A_15 = arith.muli %arg1, %mul3A_14 : i32
    %add3A_16 = arith.constant 256 : i32
    %add3A_17 = arith.addi %mul3A_15, %add3A_16 : i32
    "tpu.region"() ({
      %run_scoped3A = tpu.sem_alloc : memref<!tpu.dma_semaphore, #tpu.memory_space<semaphore_mem>>
      %dma_start3A_67 = arith.constant 0 : i32
      %dma_start3A_68 = tpu.memref_slice %arg10[%add3A_17, %dma_start3A_67] : memref<10240x128xf32, #tpu.memory_space<vmem_shared>> -> memref<128x128xf32, #tpu.memory_space<vmem_shared>>
      %dma_start3A_69 = arith.constant 0 : i32
      %dma_start3A_70 = tpu.memref_slice %arg10[%add3A_17, %dma_start3A_69] : memref<10240x128xf32, #tpu.memory_space<vmem_shared>> -> memref<128x128xf32, #tpu.memory_space<vmem_shared>>
      tpu.enqueue_dma source(%arg8 : memref<128x128xf32, #tpu.memory_space<vmem>>) target(%dma_start3A_70 : memref<128x128xf32, #tpu.memory_space<vmem_shared>>) target_semaphore(%run_scoped3A : memref<!tpu.dma_semaphore, #tpu.memory_space<semaphore_mem>>)
      %dma_wait3A_71 = arith.constant 0 : i32
      %dma_wait3A_72 = tpu.memref_slice %arg10[%add3A_17, %dma_wait3A_71] : memref<10240x128xf32, #tpu.memory_space<vmem_shared>> -> memref<128x128xf32, #tpu.memory_space<vmem_shared>>
      %dma_wait3A_73 = arith.constant 0 : i32
      %dma_wait3A_74 = tpu.memref_slice %arg10[%add3A_17, %dma_wait3A_73] : memref<10240x128xf32, #tpu.memory_space<vmem_shared>> -> memref<128x128xf32, #tpu.memory_space<vmem_shared>>
      tpu.wait_dma2 semaphore(%run_scoped3A : memref<!tpu.dma_semaphore, #tpu.memory_space<semaphore_mem>>) src(%arg8 : memref<128x128xf32, #tpu.memory_space<vmem>>) dst(%dma_wait3A_74 : memref<128x128xf32, #tpu.memory_space<vmem_shared>>)
      tpu.yield
    }) : () -> ()
    %mul3A_18 = arith.constant 640 : i32
    %mul3A_19 = arith.muli %arg1, %mul3A_18 : i32
    %add3A_20 = arith.constant 384 : i32
    %add3A_21 = arith.addi %mul3A_19, %add3A_20 : i32
    "tpu.region"() ({
      %run_scoped3A = tpu.sem_alloc : memref<!tpu.dma_semaphore, #tpu.memory_space<semaphore_mem>>
      %dma_start3A_67 = arith.constant 0 : i32
      %dma_start3A_68 = tpu.memref_slice %arg10[%add3A_21, %dma_start3A_67] : memref<10240x128xf32, #tpu.memory_space<vmem_shared>> -> memref<128x128xf32, #tpu.memory_space<vmem_shared>>
      %dma_start3A_69 = arith.constant 0 : i32
      %dma_start3A_70 = tpu.memref_slice %arg10[%add3A_21, %dma_start3A_69] : memref<10240x128xf32, #tpu.memory_space<vmem_shared>> -> memref<128x128xf32, #tpu.memory_space<vmem_shared>>
      tpu.enqueue_dma source(%arg8 : memref<128x128xf32, #tpu.memory_space<vmem>>) target(%dma_start3A_70 : memref<128x128xf32, #tpu.memory_space<vmem_shared>>) target_semaphore(%run_scoped3A : memref<!tpu.dma_semaphore, #tpu.memory_space<semaphore_mem>>)
      %dma_wait3A_71 = arith.constant 0 : i32
      %dma_wait3A_72 = tpu.memref_slice %arg10[%add3A_21, %dma_wait3A_71] : memref<10240x128xf32, #tpu.memory_space<vmem_shared>> -> memref<128x128xf32, #tpu.memory_space<vmem_shared>>
      %dma_wait3A_73 = arith.constant 0 : i32
      %dma_wait3A_74 = tpu.memref_slice %arg10[%add3A_21, %dma_wait3A_73] : memref<10240x128xf32, #tpu.memory_space<vmem_shared>> -> memref<128x128xf32, #tpu.memory_space<vmem_shared>>
      tpu.wait_dma2 semaphore(%run_scoped3A : memref<!tpu.dma_semaphore, #tpu.memory_space<semaphore_mem>>) src(%arg8 : memref<128x128xf32, #tpu.memory_space<vmem>>) dst(%dma_wait3A_74 : memref<128x128xf32, #tpu.memory_space<vmem_shared>>)
      tpu.yield
    }) : () -> ()
    %mul3A_22 = arith.constant 640 : i32
    %mul3A_23 = arith.muli %arg1, %mul3A_22 : i32
    %add3A_24 = arith.constant 512 : i32
    %add3A_25 = arith.addi %mul3A_23, %add3A_24 : i32
    "tpu.region"() ({
      %run_scoped3A = tpu.sem_alloc : memref<!tpu.dma_semaphore, #tpu.memory_space<semaphore_mem>>
      %dma_start3A_67 = arith.constant 0 : i32
      %dma_start3A_68 = tpu.memref_slice %arg10[%add3A_25, %dma_start3A_67] : memref<10240x128xf32, #tpu.memory_space<vmem_shared>> -> memref<128x128xf32, #tpu.memory_space<vmem_shared>>
      %dma_start3A_69 = arith.constant 0 : i32
      %dma_start3A_70 = tpu.memref_slice %arg10[%add3A_25, %dma_start3A_69] : memref<10240x128xf32, #tpu.memory_space<vmem_shared>> -> memref<128x128xf32, #tpu.memory_space<vmem_shared>>
      tpu.enqueue_dma source(%arg8 : memref<128x128xf32, #tpu.memory_space<vmem>>) target(%dma_start3A_70 : memref<128x128xf32, #tpu.memory_space<vmem_shared>>) target_semaphore(%run_scoped3A : memref<!tpu.dma_semaphore, #tpu.memory_space<semaphore_mem>>)
      %dma_wait3A_71 = arith.constant 0 : i32
      %dma_wait3A_72 = tpu.memref_slice %arg10[%add3A_25, %dma_wait3A_71] : memref<10240x128xf32, #tpu.memory_space<vmem_shared>> -> memref<128x128xf32, #tpu.memory_space<vmem_shared>>
      %dma_wait3A_73 = arith.constant 0 : i32
      %dma_wait3A_74 = tpu.memref_slice %arg10[%add3A_25, %dma_wait3A_73] : memref<10240x128xf32, #tpu.memory_space<vmem_shared>> -> memref<128x128xf32, #tpu.memory_space<vmem_shared>>
      tpu.wait_dma2 semaphore(%run_scoped3A : memref<!tpu.dma_semaphore, #tpu.memory_space<semaphore_mem>>) src(%arg8 : memref<128x128xf32, #tpu.memory_space<vmem>>) dst(%dma_wait3A_74 : memref<128x128xf32, #tpu.memory_space<vmem_shared>>)
      tpu.yield
    }) : () -> ()
    %barrier3A = arith.constant 0 : index
    tpu.barrier barrier_id(%barrier3A)
    "tpu.region"() ({
      %run_scoped3A = tpu.sem_alloc : memref<!tpu.dma_semaphore, #tpu.memory_space<semaphore_mem>>
      %dma_start3A_67 = arith.constant 0 : i32
      %dma_start3A_68 = arith.constant 0 : i32
      %dma_start3A_69 = tpu.memref_slice %arg3[%add3A, %dma_start3A_67, %dma_start3A_68] : memref<32x80x128xi32, #tpu.memory_space<hbm>> -> memref<1x40x128xi32, #tpu.memory_space<hbm>>
      %dma_start3A_70 = tpu.memref_squeeze %dma_start3A_69 : memref<1x40x128xi32, #tpu.memory_space<hbm>> -> memref<40x128xi32, #tpu.memory_space<hbm>>
      %dma_start3A_71 = arith.constant 0 : i32
      %dma_start3A_72 = arith.constant 0 : i32
      %dma_start3A_73 = tpu.memref_slice %arg3[%add3A, %dma_start3A_71, %dma_start3A_72] : memref<32x80x128xi32, #tpu.memory_space<hbm>> -> memref<1x40x128xi32, #tpu.memory_space<hbm>>
      %dma_start3A_74 = tpu.memref_squeeze %dma_start3A_73 : memref<1x40x128xi32, #tpu.memory_space<hbm>> -> memref<40x128xi32, #tpu.memory_space<hbm>>
      tpu.enqueue_dma source(%dma_start3A_74 : memref<40x128xi32, #tpu.memory_space<hbm>>) target(%arg6 : memref<40x128xi32, #tpu.memory_space<vmem>>) target_semaphore(%run_scoped3A : memref<!tpu.dma_semaphore, #tpu.memory_space<semaphore_mem>>)
      %dma_wait3A_75 = arith.constant 0 : i32
      %dma_wait3A_76 = arith.constant 0 : i32
      %dma_wait3A_77 = tpu.memref_slice %arg3[%add3A, %dma_wait3A_75, %dma_wait3A_76] : memref<32x80x128xi32, #tpu.memory_space<hbm>> -> memref<1x40x128xi32, #tpu.memory_space<hbm>>
      %dma_wait3A_78 = tpu.memref_squeeze %dma_wait3A_77 : memref<1x40x128xi32, #tpu.memory_space<hbm>> -> memref<40x128xi32, #tpu.memory_space<hbm>>
      %dma_wait3A_79 = arith.constant 0 : i32
      %dma_wait3A_80 = arith.constant 0 : i32
      %dma_wait3A_81 = tpu.memref_slice %arg3[%add3A, %dma_wait3A_79, %dma_wait3A_80] : memref<32x80x128xi32, #tpu.memory_space<hbm>> -> memref<1x40x128xi32, #tpu.memory_space<hbm>>
      %dma_wait3A_82 = tpu.memref_squeeze %dma_wait3A_81 : memref<1x40x128xi32, #tpu.memory_space<hbm>> -> memref<40x128xi32, #tpu.memory_space<hbm>>
      tpu.wait_dma2 semaphore(%run_scoped3A : memref<!tpu.dma_semaphore, #tpu.memory_space<semaphore_mem>>) src(%dma_wait3A_82 : memref<40x128xi32, #tpu.memory_space<hbm>>) dst(%arg6 : memref<40x128xi32, #tpu.memory_space<vmem>>)
      tpu.yield
    }) : () -> ()
    "tpu.region"() ({
      %run_scoped3A = tpu.sem_alloc : memref<!tpu.dma_semaphore, #tpu.memory_space<semaphore_mem>>
      %dma_start3A_67 = arith.constant 0 : i32
      %dma_start3A_68 = arith.constant 0 : i32
      %dma_start3A_69 = tpu.memref_slice %arg4[%add3A, %dma_start3A_67, %dma_start3A_68] : memref<32x80x128xi32, #tpu.memory_space<hbm>> -> memref<1x40x128xi32, #tpu.memory_space<hbm>>
      %dma_start3A_70 = tpu.memref_squeeze %dma_start3A_69 : memref<1x40x128xi32, #tpu.memory_space<hbm>> -> memref<40x128xi32, #tpu.memory_space<hbm>>
      %dma_start3A_71 = arith.constant 0 : i32
      %dma_start3A_72 = arith.constant 0 : i32
      %dma_start3A_73 = tpu.memref_slice %arg4[%add3A, %dma_start3A_71, %dma_start3A_72] : memref<32x80x128xi32, #tpu.memory_space<hbm>> -> memref<1x40x128xi32, #tpu.memory_space<hbm>>
      %dma_start3A_74 = tpu.memref_squeeze %dma_start3A_73 : memref<1x40x128xi32, #tpu.memory_space<hbm>> -> memref<40x128xi32, #tpu.memory_space<hbm>>
      tpu.enqueue_dma source(%dma_start3A_74 : memref<40x128xi32, #tpu.memory_space<hbm>>) target(%arg7 : memref<40x128xi32, #tpu.memory_space<vmem>>) target_semaphore(%run_scoped3A : memref<!tpu.dma_semaphore, #tpu.memory_space<semaphore_mem>>)
      %dma_wait3A_75 = arith.constant 0 : i32
      %dma_wait3A_76 = arith.constant 0 : i32
      %dma_wait3A_77 = tpu.memref_slice %arg4[%add3A, %dma_wait3A_75, %dma_wait3A_76] : memref<32x80x128xi32, #tpu.memory_space<hbm>> -> memref<1x40x128xi32, #tpu.memory_space<hbm>>
      %dma_wait3A_78 = tpu.memref_squeeze %dma_wait3A_77 : memref<1x40x128xi32, #tpu.memory_space<hbm>> -> memref<40x128xi32, #tpu.memory_space<hbm>>
      %dma_wait3A_79 = arith.constant 0 : i32
      %dma_wait3A_80 = arith.constant 0 : i32
      %dma_wait3A_81 = tpu.memref_slice %arg4[%add3A, %dma_wait3A_79, %dma_wait3A_80] : memref<32x80x128xi32, #tpu.memory_space<hbm>> -> memref<1x40x128xi32, #tpu.memory_space<hbm>>
      %dma_wait3A_82 = tpu.memref_squeeze %dma_wait3A_81 : memref<1x40x128xi32, #tpu.memory_space<hbm>> -> memref<40x128xi32, #tpu.memory_space<hbm>>
      tpu.wait_dma2 semaphore(%run_scoped3A : memref<!tpu.dma_semaphore, #tpu.memory_space<semaphore_mem>>) src(%dma_wait3A_82 : memref<40x128xi32, #tpu.memory_space<hbm>>) dst(%arg7 : memref<40x128xi32, #tpu.memory_space<vmem>>)
      tpu.yield
    }) : () -> ()
    %dma_start3A = arith.constant 0 : i32
    %dma_start3A_26 = arith.constant 0 : i32
    %dma_start3A_27 = tpu.memref_slice %arg6[%dma_start3A, %dma_start3A_26] : memref<40x128xi32, #tpu.memory_space<vmem>> -> memref<1x128xi32, #tpu.memory_space<vmem>>
    %dma_start3A_28 = tpu.memref_squeeze %dma_start3A_27 : memref<1x128xi32, #tpu.memory_space<vmem>> -> memref<128xi32, #tpu.memory_space<vmem>>
    %dma_start3A_29 = arith.constant 0 : i32
    %dma_start3A_30 = arith.constant 0 : i32
    %dma_start3A_31 = tpu.memref_slice %arg2[%dma_start3A_29, %dma_start3A_30] : memref<10240x128xf32, #tpu.memory_space<hbm>> -> memref<10240x128xf32, #tpu.memory_space<hbm>>
    tpu.enqueue_indirect_dma source(%dma_start3A_31 : memref<10240x128xf32, #tpu.memory_space<hbm>>) target(%arg8 : memref<128x128xf32, #tpu.memory_space<vmem>>) offsets(%dma_start3A_28 : memref<128xi32, #tpu.memory_space<vmem>>) semaphore(%arg11 : memref<!tpu.dma_semaphore, #tpu.memory_space<semaphore_mem>>)
    %scan3A_32 = arith.constant 0 : i32
    %scan3A_33 = arith.constant 0 : i32
    %scan3A_34 = arith.constant 20 : i32
    %scan3A_35 = arith.addi %scan3A_33, %scan3A_34 : i32
    %scan3A_36 = arith.constant 1 : i32
    scf.for %scan3A_67 = %scan3A_33 to %scan3A_35 step %scan3A_36  : i32 {
      %mul3A_68 = arith.constant 2 : i32
      %mul3A_69 = arith.muli %mul3A_68, %scan3A_67 : i32
      %add3A_70 = arith.constant 1 : i32
      %add3A_71 = arith.addi %mul3A_69, %add3A_70 : i32
      %dma_start3A_72 = arith.constant 0 : i32
      %dma_start3A_73 = tpu.memref_slice %arg6[%add3A_71, %dma_start3A_72] : memref<40x128xi32, #tpu.memory_space<vmem>> -> memref<1x128xi32, #tpu.memory_space<vmem>>
      %dma_start3A_74 = tpu.memref_squeeze %dma_start3A_73 : memref<1x128xi32, #tpu.memory_space<vmem>> -> memref<128xi32, #tpu.memory_space<vmem>>
      %dma_start3A_75 = arith.constant 0 : i32
      %dma_start3A_76 = arith.constant 0 : i32
      %dma_start3A_77 = tpu.memref_slice %arg2[%dma_start3A_75, %dma_start3A_76] : memref<10240x128xf32, #tpu.memory_space<hbm>> -> memref<10240x128xf32, #tpu.memory_space<hbm>>
      tpu.enqueue_indirect_dma source(%dma_start3A_77 : memref<10240x128xf32, #tpu.memory_space<hbm>>) target(%arg9 : memref<128x128xf32, #tpu.memory_space<vmem>>) offsets(%dma_start3A_74 : memref<128xi32, #tpu.memory_space<vmem>>) semaphore(%arg12 : memref<!tpu.dma_semaphore, #tpu.memory_space<semaphore_mem>>)
      %dma_wait3A_78 = arith.constant 0 : i32
      %dma_wait3A_79 = arith.constant 0 : i32
      %dma_wait3A_80 = tpu.memref_slice %arg2[%dma_wait3A_78, %dma_wait3A_79] : memref<10240x128xf32, #tpu.memory_space<hbm>> -> memref<128x128xf32, #tpu.memory_space<hbm>>
      %dma_wait3A_81 = arith.constant 0 : i32
      %dma_wait3A_82 = arith.constant 0 : i32
      %dma_wait3A_83 = tpu.memref_slice %arg2[%dma_wait3A_81, %dma_wait3A_82] : memref<10240x128xf32, #tpu.memory_space<hbm>> -> memref<128x128xf32, #tpu.memory_space<hbm>>
      tpu.wait_dma2 semaphore(%arg11 : memref<!tpu.dma_semaphore, #tpu.memory_space<semaphore_mem>>) src(%dma_wait3A_83 : memref<128x128xf32, #tpu.memory_space<hbm>>) dst(%arg8 : memref<128x128xf32, #tpu.memory_space<vmem>>)
      "tpu.region"() ({
        %run_scoped3A = tpu.sem_alloc : memref<!tpu.dma_semaphore, #tpu.memory_space<semaphore_mem>>
        %dma_start3A_101 = arith.constant 0 : i32
        %dma_start3A_102 = tpu.memref_slice %arg7[%mul3A_69, %dma_start3A_101] : memref<40x128xi32, #tpu.memory_space<vmem>> -> memref<1x128xi32, #tpu.memory_space<vmem>>
        %dma_start3A_103 = tpu.memref_squeeze %dma_start3A_102 : memref<1x128xi32, #tpu.memory_space<vmem>> -> memref<128xi32, #tpu.memory_space<vmem>>
        %dma_start3A_104 = arith.constant 0 : i32
        %dma_start3A_105 = arith.constant 0 : i32
        %dma_start3A_106 = tpu.memref_slice %arg10[%dma_start3A_104, %dma_start3A_105] : memref<10240x128xf32, #tpu.memory_space<vmem_shared>> -> memref<10240x128xf32, #tpu.memory_space<vmem_shared>>
        tpu.enqueue_indirect_dma source(%arg8 : memref<128x128xf32, #tpu.memory_space<vmem>>) target(%dma_start3A_106 : memref<10240x128xf32, #tpu.memory_space<vmem_shared>>) offsets(%dma_start3A_103 : memref<128xi32, #tpu.memory_space<vmem>>) semaphore(%run_scoped3A : memref<!tpu.dma_semaphore, #tpu.memory_space<semaphore_mem>>) {add = true}
        %dma_wait3A_107 = arith.constant 0 : i32
        %dma_wait3A_108 = tpu.memref_slice %arg7[%mul3A_69, %dma_wait3A_107] : memref<40x128xi32, #tpu.memory_space<vmem>> -> memref<1x128xi32, #tpu.memory_space<vmem>>
        %dma_wait3A_109 = tpu.memref_squeeze %dma_wait3A_108 : memref<1x128xi32, #tpu.memory_space<vmem>> -> memref<128xi32, #tpu.memory_space<vmem>>
        %dma_wait3A_110 = arith.constant 0 : i32
        %dma_wait3A_111 = arith.constant 0 : i32
        %dma_wait3A_112 = tpu.memref_slice %arg10[%dma_wait3A_110, %dma_wait3A_111] : memref<10240x128xf32, #tpu.memory_space<vmem_shared>> -> memref<10240x128xf32, #tpu.memory_space<vmem_shared>>
        tpu.wait_indirect_dma semaphore(%run_scoped3A : memref<!tpu.dma_semaphore, #tpu.memory_space<semaphore_mem>>) src(%arg8 : memref<128x128xf32, #tpu.memory_space<vmem>>) dst(%dma_wait3A_112 : memref<10240x128xf32, #tpu.memory_space<vmem_shared>>)
        tpu.yield
      }) : () -> ()
      %add3A_84 = arith.constant 2 : i32
      %add3A_85 = arith.addi %mul3A_69, %add3A_84 : i32
      %min3A = arith.constant 39 : i32
      %min3A_86 = arith.minsi %add3A_85, %min3A : i32
      %dma_start3A_87 = arith.constant 0 : i32
      %dma_start3A_88 = tpu.memref_slice %arg6[%min3A_86, %dma_start3A_87] : memref<40x128xi32, #tpu.memory_space<vmem>> -> memref<1x128xi32, #tpu.memory_space<vmem>>
      %dma_start3A_89 = tpu.memref_squeeze %dma_start3A_88 : memref<1x128xi32, #tpu.memory_space<vmem>> -> memref<128xi32, #tpu.memory_space<vmem>>
      %dma_start3A_90 = arith.constant 0 : i32
      %dma_start3A_91 = arith.constant 0 : i32
      %dma_start3A_92 = tpu.memref_slice %arg2[%dma_start3A_90, %dma_start3A_91] : memref<10240x128xf32, #tpu.memory_space<hbm>> -> memref<10240x128xf32, #tpu.memory_space<hbm>>
      tpu.enqueue_indirect_dma source(%dma_start3A_92 : memref<10240x128xf32, #tpu.memory_space<hbm>>) target(%arg8 : memref<128x128xf32, #tpu.memory_space<vmem>>) offsets(%dma_start3A_89 : memref<128xi32, #tpu.memory_space<vmem>>) semaphore(%arg11 : memref<!tpu.dma_semaphore, #tpu.memory_space<semaphore_mem>>)
      %dma_wait3A_93 = arith.constant 0 : i32
      %dma_wait3A_94 = arith.constant 0 : i32
      %dma_wait3A_95 = tpu.memref_slice %arg2[%dma_wait3A_93, %dma_wait3A_94] : memref<10240x128xf32, #tpu.memory_space<hbm>> -> memref<128x128xf32, #tpu.memory_space<hbm>>
      %dma_wait3A_96 = arith.constant 0 : i32
      %dma_wait3A_97 = arith.constant 0 : i32
      %dma_wait3A_98 = tpu.memref_slice %arg2[%dma_wait3A_96, %dma_wait3A_97] : memref<10240x128xf32, #tpu.memory_space<hbm>> -> memref<128x128xf32, #tpu.memory_space<hbm>>
      tpu.wait_dma2 semaphore(%arg12 : memref<!tpu.dma_semaphore, #tpu.memory_space<semaphore_mem>>) src(%dma_wait3A_98 : memref<128x128xf32, #tpu.memory_space<hbm>>) dst(%arg9 : memref<128x128xf32, #tpu.memory_space<vmem>>)
      %add3A_99 = arith.constant 1 : i32
      %add3A_100 = arith.addi %mul3A_69, %add3A_99 : i32
      "tpu.region"() ({
        %run_scoped3A = tpu.sem_alloc : memref<!tpu.dma_semaphore, #tpu.memory_space<semaphore_mem>>
        %dma_start3A_101 = arith.constant 0 : i32
        %dma_start3A_102 = tpu.memref_slice %arg7[%add3A_100, %dma_start3A_101] : memref<40x128xi32, #tpu.memory_space<vmem>> -> memref<1x128xi32, #tpu.memory_space<vmem>>
        %dma_start3A_103 = tpu.memref_squeeze %dma_start3A_102 : memref<1x128xi32, #tpu.memory_space<vmem>> -> memref<128xi32, #tpu.memory_space<vmem>>
        %dma_start3A_104 = arith.constant 0 : i32
        %dma_start3A_105 = arith.constant 0 : i32
        %dma_start3A_106 = tpu.memref_slice %arg10[%dma_start3A_104, %dma_start3A_105] : memref<10240x128xf32, #tpu.memory_space<vmem_shared>> -> memref<10240x128xf32, #tpu.memory_space<vmem_shared>>
        tpu.enqueue_indirect_dma source(%arg9 : memref<128x128xf32, #tpu.memory_space<vmem>>) target(%dma_start3A_106 : memref<10240x128xf32, #tpu.memory_space<vmem_shared>>) offsets(%dma_start3A_103 : memref<128xi32, #tpu.memory_space<vmem>>) semaphore(%run_scoped3A : memref<!tpu.dma_semaphore, #tpu.memory_space<semaphore_mem>>) {add = true}
        %dma_wait3A_107 = arith.constant 0 : i32
        %dma_wait3A_108 = tpu.memref_slice %arg7[%add3A_100, %dma_wait3A_107] : memref<40x128xi32, #tpu.memory_space<vmem>> -> memref<1x128xi32, #tpu.memory_space<vmem>>
        %dma_wait3A_109 = tpu.memref_squeeze %dma_wait3A_108 : memref<1x128xi32, #tpu.memory_space<vmem>> -> memref<128xi32, #tpu.memory_space<vmem>>
        %dma_wait3A_110 = arith.constant 0 : i32
        %dma_wait3A_111 = arith.constant 0 : i32
        %dma_wait3A_112 = tpu.memref_slice %arg10[%dma_wait3A_110, %dma_wait3A_111] : memref<10240x128xf32, #tpu.memory_space<vmem_shared>> -> memref<10240x128xf32, #tpu.memory_space<vmem_shared>>
        tpu.wait_indirect_dma semaphore(%run_scoped3A : memref<!tpu.dma_semaphore, #tpu.memory_space<semaphore_mem>>) src(%arg9 : memref<128x128xf32, #tpu.memory_space<vmem>>) dst(%dma_wait3A_112 : memref<10240x128xf32, #tpu.memory_space<vmem_shared>>)
        tpu.yield
      }) : () -> ()
    }
    %scan3A_37 = arith.constant 20 : i32
    %dma_wait3A = arith.constant 0 : i32
    %dma_wait3A_38 = arith.constant 0 : i32
    %dma_wait3A_39 = tpu.memref_slice %arg2[%dma_wait3A, %dma_wait3A_38] : memref<10240x128xf32, #tpu.memory_space<hbm>> -> memref<128x128xf32, #tpu.memory_space<hbm>>
    %dma_wait3A_40 = arith.constant 0 : i32
    %dma_wait3A_41 = arith.constant 0 : i32
    %dma_wait3A_42 = tpu.memref_slice %arg2[%dma_wait3A_40, %dma_wait3A_41] : memref<10240x128xf32, #tpu.memory_space<hbm>> -> memref<128x128xf32, #tpu.memory_space<hbm>>
    tpu.wait_dma2 semaphore(%arg11 : memref<!tpu.dma_semaphore, #tpu.memory_space<semaphore_mem>>) src(%dma_wait3A_42 : memref<128x128xf32, #tpu.memory_space<hbm>>) dst(%arg8 : memref<128x128xf32, #tpu.memory_space<vmem>>)
    "tpu.region"() ({
      %run_scoped3A = tpu.sem_alloc : memref<!tpu.dma_semaphore, #tpu.memory_space<semaphore_mem>>
      %dma_start3A_67 = arith.constant 40 : i32
      %dma_start3A_68 = arith.constant 0 : i32
      %dma_start3A_69 = tpu.memref_slice %arg3[%add3A, %dma_start3A_67, %dma_start3A_68] : memref<32x80x128xi32, #tpu.memory_space<hbm>> -> memref<1x40x128xi32, #tpu.memory_space<hbm>>
      %dma_start3A_70 = tpu.memref_squeeze %dma_start3A_69 : memref<1x40x128xi32, #tpu.memory_space<hbm>> -> memref<40x128xi32, #tpu.memory_space<hbm>>
      %dma_start3A_71 = arith.constant 40 : i32
      %dma_start3A_72 = arith.constant 0 : i32
      %dma_start3A_73 = tpu.memref_slice %arg3[%add3A, %dma_start3A_71, %dma_start3A_72] : memref<32x80x128xi32, #tpu.memory_space<hbm>> -> memref<1x40x128xi32, #tpu.memory_space<hbm>>
      %dma_start3A_74 = tpu.memref_squeeze %dma_start3A_73 : memref<1x40x128xi32, #tpu.memory_space<hbm>> -> memref<40x128xi32, #tpu.memory_space<hbm>>
      tpu.enqueue_dma source(%dma_start3A_74 : memref<40x128xi32, #tpu.memory_space<hbm>>) target(%arg6 : memref<40x128xi32, #tpu.memory_space<vmem>>) target_semaphore(%run_scoped3A : memref<!tpu.dma_semaphore, #tpu.memory_space<semaphore_mem>>)
      %dma_wait3A_75 = arith.constant 40 : i32
      %dma_wait3A_76 = arith.constant 0 : i32
      %dma_wait3A_77 = tpu.memref_slice %arg3[%add3A, %dma_wait3A_75, %dma_wait3A_76] : memref<32x80x128xi32, #tpu.memory_space<hbm>> -> memref<1x40x128xi32, #tpu.memory_space<hbm>>
      %dma_wait3A_78 = tpu.memref_squeeze %dma_wait3A_77 : memref<1x40x128xi32, #tpu.memory_space<hbm>> -> memref<40x128xi32, #tpu.memory_space<hbm>>
      %dma_wait3A_79 = arith.constant 40 : i32
      %dma_wait3A_80 = arith.constant 0 : i32
      %dma_wait3A_81 = tpu.memref_slice %arg3[%add3A, %dma_wait3A_79, %dma_wait3A_80] : memref<32x80x128xi32, #tpu.memory_space<hbm>> -> memref<1x40x128xi32, #tpu.memory_space<hbm>>
      %dma_wait3A_82 = tpu.memref_squeeze %dma_wait3A_81 : memref<1x40x128xi32, #tpu.memory_space<hbm>> -> memref<40x128xi32, #tpu.memory_space<hbm>>
      tpu.wait_dma2 semaphore(%run_scoped3A : memref<!tpu.dma_semaphore, #tpu.memory_space<semaphore_mem>>) src(%dma_wait3A_82 : memref<40x128xi32, #tpu.memory_space<hbm>>) dst(%arg6 : memref<40x128xi32, #tpu.memory_space<vmem>>)
      tpu.yield
    }) : () -> ()
    "tpu.region"() ({
      %run_scoped3A = tpu.sem_alloc : memref<!tpu.dma_semaphore, #tpu.memory_space<semaphore_mem>>
      %dma_start3A_67 = arith.constant 40 : i32
      %dma_start3A_68 = arith.constant 0 : i32
      %dma_start3A_69 = tpu.memref_slice %arg4[%add3A, %dma_start3A_67, %dma_start3A_68] : memref<32x80x128xi32, #tpu.memory_space<hbm>> -> memref<1x40x128xi32, #tpu.memory_space<hbm>>
      %dma_start3A_70 = tpu.memref_squeeze %dma_start3A_69 : memref<1x40x128xi32, #tpu.memory_space<hbm>> -> memref<40x128xi32, #tpu.memory_space<hbm>>
      %dma_start3A_71 = arith.constant 40 : i32
      %dma_start3A_72 = arith.constant 0 : i32
      %dma_start3A_73 = tpu.memref_slice %arg4[%add3A, %dma_start3A_71, %dma_start3A_72] : memref<32x80x128xi32, #tpu.memory_space<hbm>> -> memref<1x40x128xi32, #tpu.memory_space<hbm>>
      %dma_start3A_74 = tpu.memref_squeeze %dma_start3A_73 : memref<1x40x128xi32, #tpu.memory_space<hbm>> -> memref<40x128xi32, #tpu.memory_space<hbm>>
      tpu.enqueue_dma source(%dma_start3A_74 : memref<40x128xi32, #tpu.memory_space<hbm>>) target(%arg7 : memref<40x128xi32, #tpu.memory_space<vmem>>) target_semaphore(%run_scoped3A : memref<!tpu.dma_semaphore, #tpu.memory_space<semaphore_mem>>)
      %dma_wait3A_75 = arith.constant 40 : i32
      %dma_wait3A_76 = arith.constant 0 : i32
      %dma_wait3A_77 = tpu.memref_slice %arg4[%add3A, %dma_wait3A_75, %dma_wait3A_76] : memref<32x80x128xi32, #tpu.memory_space<hbm>> -> memref<1x40x128xi32, #tpu.memory_space<hbm>>
      %dma_wait3A_78 = tpu.memref_squeeze %dma_wait3A_77 : memref<1x40x128xi32, #tpu.memory_space<hbm>> -> memref<40x128xi32, #tpu.memory_space<hbm>>
      %dma_wait3A_79 = arith.constant 40 : i32
      %dma_wait3A_80 = arith.constant 0 : i32
      %dma_wait3A_81 = tpu.memref_slice %arg4[%add3A, %dma_wait3A_79, %dma_wait3A_80] : memref<32x80x128xi32, #tpu.memory_space<hbm>> -> memref<1x40x128xi32, #tpu.memory_space<hbm>>
      %dma_wait3A_82 = tpu.memref_squeeze %dma_wait3A_81 : memref<1x40x128xi32, #tpu.memory_space<hbm>> -> memref<40x128xi32, #tpu.memory_space<hbm>>
      tpu.wait_dma2 semaphore(%run_scoped3A : memref<!tpu.dma_semaphore, #tpu.memory_space<semaphore_mem>>) src(%dma_wait3A_82 : memref<40x128xi32, #tpu.memory_space<hbm>>) dst(%arg7 : memref<40x128xi32, #tpu.memory_space<vmem>>)
      tpu.yield
    }) : () -> ()
    %dma_start3A_43 = arith.constant 0 : i32
    %dma_start3A_44 = arith.constant 0 : i32
    %dma_start3A_45 = tpu.memref_slice %arg6[%dma_start3A_43, %dma_start3A_44] : memref<40x128xi32, #tpu.memory_space<vmem>> -> memref<1x128xi32, #tpu.memory_space<vmem>>
    %dma_start3A_46 = tpu.memref_squeeze %dma_start3A_45 : memref<1x128xi32, #tpu.memory_space<vmem>> -> memref<128xi32, #tpu.memory_space<vmem>>
    %dma_start3A_47 = arith.constant 0 : i32
    %dma_start3A_48 = arith.constant 0 : i32
    %dma_start3A_49 = tpu.memref_slice %arg2[%dma_start3A_47, %dma_start3A_48] : memref<10240x128xf32, #tpu.memory_space<hbm>> -> memref<10240x128xf32, #tpu.memory_space<hbm>>
    tpu.enqueue_indirect_dma source(%dma_start3A_49 : memref<10240x128xf32, #tpu.memory_space<hbm>>) target(%arg8 : memref<128x128xf32, #tpu.memory_space<vmem>>) offsets(%dma_start3A_46 : memref<128xi32, #tpu.memory_space<vmem>>) semaphore(%arg11 : memref<!tpu.dma_semaphore, #tpu.memory_space<semaphore_mem>>)
    %scan3A_50 = arith.constant 0 : i32
    %scan3A_51 = arith.constant 0 : i32
    %scan3A_52 = arith.constant 20 : i32
    %scan3A_53 = arith.addi %scan3A_51, %scan3A_52 : i32
    %scan3A_54 = arith.constant 1 : i32
    scf.for %scan3A_67 = %scan3A_51 to %scan3A_53 step %scan3A_54  : i32 {
      %mul3A_68 = arith.constant 2 : i32
      %mul3A_69 = arith.muli %mul3A_68, %scan3A_67 : i32
      %add3A_70 = arith.constant 1 : i32
      %add3A_71 = arith.addi %mul3A_69, %add3A_70 : i32
      %dma_start3A_72 = arith.constant 0 : i32
      %dma_start3A_73 = tpu.memref_slice %arg6[%add3A_71, %dma_start3A_72] : memref<40x128xi32, #tpu.memory_space<vmem>> -> memref<1x128xi32, #tpu.memory_space<vmem>>
      %dma_start3A_74 = tpu.memref_squeeze %dma_start3A_73 : memref<1x128xi32, #tpu.memory_space<vmem>> -> memref<128xi32, #tpu.memory_space<vmem>>
      %dma_start3A_75 = arith.constant 0 : i32
      %dma_start3A_76 = arith.constant 0 : i32
      %dma_start3A_77 = tpu.memref_slice %arg2[%dma_start3A_75, %dma_start3A_76] : memref<10240x128xf32, #tpu.memory_space<hbm>> -> memref<10240x128xf32, #tpu.memory_space<hbm>>
      tpu.enqueue_indirect_dma source(%dma_start3A_77 : memref<10240x128xf32, #tpu.memory_space<hbm>>) target(%arg9 : memref<128x128xf32, #tpu.memory_space<vmem>>) offsets(%dma_start3A_74 : memref<128xi32, #tpu.memory_space<vmem>>) semaphore(%arg12 : memref<!tpu.dma_semaphore, #tpu.memory_space<semaphore_mem>>)
      %dma_wait3A_78 = arith.constant 0 : i32
      %dma_wait3A_79 = arith.constant 0 : i32
      %dma_wait3A_80 = tpu.memref_slice %arg2[%dma_wait3A_78, %dma_wait3A_79] : memref<10240x128xf32, #tpu.memory_space<hbm>> -> memref<128x128xf32, #tpu.memory_space<hbm>>
      %dma_wait3A_81 = arith.constant 0 : i32
      %dma_wait3A_82 = arith.constant 0 : i32
      %dma_wait3A_83 = tpu.memref_slice %arg2[%dma_wait3A_81, %dma_wait3A_82] : memref<10240x128xf32, #tpu.memory_space<hbm>> -> memref<128x128xf32, #tpu.memory_space<hbm>>
      tpu.wait_dma2 semaphore(%arg11 : memref<!tpu.dma_semaphore, #tpu.memory_space<semaphore_mem>>) src(%dma_wait3A_83 : memref<128x128xf32, #tpu.memory_space<hbm>>) dst(%arg8 : memref<128x128xf32, #tpu.memory_space<vmem>>)
      "tpu.region"() ({
        %run_scoped3A = tpu.sem_alloc : memref<!tpu.dma_semaphore, #tpu.memory_space<semaphore_mem>>
        %dma_start3A_101 = arith.constant 0 : i32
        %dma_start3A_102 = tpu.memref_slice %arg7[%mul3A_69, %dma_start3A_101] : memref<40x128xi32, #tpu.memory_space<vmem>> -> memref<1x128xi32, #tpu.memory_space<vmem>>
        %dma_start3A_103 = tpu.memref_squeeze %dma_start3A_102 : memref<1x128xi32, #tpu.memory_space<vmem>> -> memref<128xi32, #tpu.memory_space<vmem>>
        %dma_start3A_104 = arith.constant 0 : i32
        %dma_start3A_105 = arith.constant 0 : i32
        %dma_start3A_106 = tpu.memref_slice %arg10[%dma_start3A_104, %dma_start3A_105] : memref<10240x128xf32, #tpu.memory_space<vmem_shared>> -> memref<10240x128xf32, #tpu.memory_space<vmem_shared>>
        tpu.enqueue_indirect_dma source(%arg8 : memref<128x128xf32, #tpu.memory_space<vmem>>) target(%dma_start3A_106 : memref<10240x128xf32, #tpu.memory_space<vmem_shared>>) offsets(%dma_start3A_103 : memref<128xi32, #tpu.memory_space<vmem>>) semaphore(%run_scoped3A : memref<!tpu.dma_semaphore, #tpu.memory_space<semaphore_mem>>) {add = true}
        %dma_wait3A_107 = arith.constant 0 : i32
        %dma_wait3A_108 = tpu.memref_slice %arg7[%mul3A_69, %dma_wait3A_107] : memref<40x128xi32, #tpu.memory_space<vmem>> -> memref<1x128xi32, #tpu.memory_space<vmem>>
        %dma_wait3A_109 = tpu.memref_squeeze %dma_wait3A_108 : memref<1x128xi32, #tpu.memory_space<vmem>> -> memref<128xi32, #tpu.memory_space<vmem>>
        %dma_wait3A_110 = arith.constant 0 : i32
        %dma_wait3A_111 = arith.constant 0 : i32
        %dma_wait3A_112 = tpu.memref_slice %arg10[%dma_wait3A_110, %dma_wait3A_111] : memref<10240x128xf32, #tpu.memory_space<vmem_shared>> -> memref<10240x128xf32, #tpu.memory_space<vmem_shared>>
        tpu.wait_indirect_dma semaphore(%run_scoped3A : memref<!tpu.dma_semaphore, #tpu.memory_space<semaphore_mem>>) src(%arg8 : memref<128x128xf32, #tpu.memory_space<vmem>>) dst(%dma_wait3A_112 : memref<10240x128xf32, #tpu.memory_space<vmem_shared>>)
        tpu.yield
      }) : () -> ()
      %add3A_84 = arith.constant 2 : i32
      %add3A_85 = arith.addi %mul3A_69, %add3A_84 : i32
      %min3A = arith.constant 39 : i32
      %min3A_86 = arith.minsi %add3A_85, %min3A : i32
      %dma_start3A_87 = arith.constant 0 : i32
      %dma_start3A_88 = tpu.memref_slice %arg6[%min3A_86, %dma_start3A_87] : memref<40x128xi32, #tpu.memory_space<vmem>> -> memref<1x128xi32, #tpu.memory_space<vmem>>
      %dma_start3A_89 = tpu.memref_squeeze %dma_start3A_88 : memref<1x128xi32, #tpu.memory_space<vmem>> -> memref<128xi32, #tpu.memory_space<vmem>>
      %dma_start3A_90 = arith.constant 0 : i32
      %dma_start3A_91 = arith.constant 0 : i32
      %dma_start3A_92 = tpu.memref_slice %arg2[%dma_start3A_90, %dma_start3A_91] : memref<10240x128xf32, #tpu.memory_space<hbm>> -> memref<10240x128xf32, #tpu.memory_space<hbm>>
      tpu.enqueue_indirect_dma source(%dma_start3A_92 : memref<10240x128xf32, #tpu.memory_space<hbm>>) target(%arg8 : memref<128x128xf32, #tpu.memory_space<vmem>>) offsets(%dma_start3A_89 : memref<128xi32, #tpu.memory_space<vmem>>) semaphore(%arg11 : memref<!tpu.dma_semaphore, #tpu.memory_space<semaphore_mem>>)
      %dma_wait3A_93 = arith.constant 0 : i32
      %dma_wait3A_94 = arith.constant 0 : i32
      %dma_wait3A_95 = tpu.memref_slice %arg2[%dma_wait3A_93, %dma_wait3A_94] : memref<10240x128xf32, #tpu.memory_space<hbm>> -> memref<128x128xf32, #tpu.memory_space<hbm>>
      %dma_wait3A_96 = arith.constant 0 : i32
      %dma_wait3A_97 = arith.constant 0 : i32
      %dma_wait3A_98 = tpu.memref_slice %arg2[%dma_wait3A_96, %dma_wait3A_97] : memref<10240x128xf32, #tpu.memory_space<hbm>> -> memref<128x128xf32, #tpu.memory_space<hbm>>
      tpu.wait_dma2 semaphore(%arg12 : memref<!tpu.dma_semaphore, #tpu.memory_space<semaphore_mem>>) src(%dma_wait3A_98 : memref<128x128xf32, #tpu.memory_space<hbm>>) dst(%arg9 : memref<128x128xf32, #tpu.memory_space<vmem>>)
      %add3A_99 = arith.constant 1 : i32
      %add3A_100 = arith.addi %mul3A_69, %add3A_99 : i32
      "tpu.region"() ({
        %run_scoped3A = tpu.sem_alloc : memref<!tpu.dma_semaphore, #tpu.memory_space<semaphore_mem>>
        %dma_start3A_101 = arith.constant 0 : i32
        %dma_start3A_102 = tpu.memref_slice %arg7[%add3A_100, %dma_start3A_101] : memref<40x128xi32, #tpu.memory_space<vmem>> -> memref<1x128xi32, #tpu.memory_space<vmem>>
        %dma_start3A_103 = tpu.memref_squeeze %dma_start3A_102 : memref<1x128xi32, #tpu.memory_space<vmem>> -> memref<128xi32, #tpu.memory_space<vmem>>
        %dma_start3A_104 = arith.constant 0 : i32
        %dma_start3A_105 = arith.constant 0 : i32
        %dma_start3A_106 = tpu.memref_slice %arg10[%dma_start3A_104, %dma_start3A_105] : memref<10240x128xf32, #tpu.memory_space<vmem_shared>> -> memref<10240x128xf32, #tpu.memory_space<vmem_shared>>
        tpu.enqueue_indirect_dma source(%arg9 : memref<128x128xf32, #tpu.memory_space<vmem>>) target(%dma_start3A_106 : memref<10240x128xf32, #tpu.memory_space<vmem_shared>>) offsets(%dma_start3A_103 : memref<128xi32, #tpu.memory_space<vmem>>) semaphore(%run_scoped3A : memref<!tpu.dma_semaphore, #tpu.memory_space<semaphore_mem>>) {add = true}
        %dma_wait3A_107 = arith.constant 0 : i32
        %dma_wait3A_108 = tpu.memref_slice %arg7[%add3A_100, %dma_wait3A_107] : memref<40x128xi32, #tpu.memory_space<vmem>> -> memref<1x128xi32, #tpu.memory_space<vmem>>
        %dma_wait3A_109 = tpu.memref_squeeze %dma_wait3A_108 : memref<1x128xi32, #tpu.memory_space<vmem>> -> memref<128xi32, #tpu.memory_space<vmem>>
        %dma_wait3A_110 = arith.constant 0 : i32
        %dma_wait3A_111 = arith.constant 0 : i32
        %dma_wait3A_112 = tpu.memref_slice %arg10[%dma_wait3A_110, %dma_wait3A_111] : memref<10240x128xf32, #tpu.memory_space<vmem_shared>> -> memref<10240x128xf32, #tpu.memory_space<vmem_shared>>
        tpu.wait_indirect_dma semaphore(%run_scoped3A : memref<!tpu.dma_semaphore, #tpu.memory_space<semaphore_mem>>) src(%arg9 : memref<128x128xf32, #tpu.memory_space<vmem>>) dst(%dma_wait3A_112 : memref<10240x128xf32, #tpu.memory_space<vmem_shared>>)
        tpu.yield
      }) : () -> ()
    }
    %scan3A_55 = arith.constant 20 : i32
    %dma_wait3A_56 = arith.constant 0 : i32
    %dma_wait3A_57 = arith.constant 0 : i32
    %dma_wait3A_58 = tpu.memref_slice %arg2[%dma_wait3A_56, %dma_wait3A_57] : memref<10240x128xf32, #tpu.memory_space<hbm>> -> memref<128x128xf32, #tpu.memory_space<hbm>>
    %dma_wait3A_59 = arith.constant 0 : i32
    %dma_wait3A_60 = arith.constant 0 : i32
    %dma_wait3A_61 = tpu.memref_slice %arg2[%dma_wait3A_59, %dma_wait3A_60] : memref<10240x128xf32, #tpu.memory_space<hbm>> -> memref<128x128xf32, #tpu.memory_space<hbm>>
    tpu.wait_dma2 semaphore(%arg11 : memref<!tpu.dma_semaphore, #tpu.memory_space<semaphore_mem>>) src(%dma_wait3A_61 : memref<128x128xf32, #tpu.memory_space<hbm>>) dst(%arg8 : memref<128x128xf32, #tpu.memory_space<vmem>>)
    %barrier3A_62 = arith.constant 0 : index
    tpu.barrier barrier_id(%barrier3A_62)
    %mul3A_63 = arith.constant 640 : i32
    %mul3A_64 = arith.muli %arg1, %mul3A_63 : i32
    %mul3A_65 = arith.constant 640 : i32
    %mul3A_66 = arith.muli %arg1, %mul3A_65 : i32
    "tpu.region"() ({
      %run_scoped3A = tpu.sem_alloc : memref<!tpu.dma_semaphore, #tpu.memory_space<semaphore_mem>>
      %dma_start3A_67 = arith.constant 0 : i32
      %dma_start3A_68 = tpu.memref_slice %arg5[%arg0, %mul3A_66, %dma_start3A_67] : memref<2x10240x128xf32, #tpu.memory_space<hbm>> -> memref<1x640x128xf32, #tpu.memory_space<hbm>>
      %dma_start3A_69 = tpu.memref_squeeze %dma_start3A_68 : memref<1x640x128xf32, #tpu.memory_space<hbm>> -> memref<640x128xf32, #tpu.memory_space<hbm>>
      %dma_start3A_70 = arith.constant 0 : i32
      %dma_start3A_71 = tpu.memref_slice %arg10[%mul3A_64, %dma_start3A_70] : memref<10240x128xf32, #tpu.memory_space<vmem_shared>> -> memref<640x128xf32, #tpu.memory_space<vmem_shared>>
      tpu.enqueue_dma source(%dma_start3A_71 : memref<640x128xf32, #tpu.memory_space<vmem_shared>>) target(%dma_start3A_69 : memref<640x128xf32, #tpu.memory_space<hbm>>) target_semaphore(%run_scoped3A : memref<!tpu.dma_semaphore, #tpu.memory_space<semaphore_mem>>)
      %dma_wait3A_72 = arith.constant 0 : i32
      %dma_wait3A_73 = tpu.memref_slice %arg5[%arg0, %mul3A_66, %dma_wait3A_72] : memref<2x10240x128xf32, #tpu.memory_space<hbm>> -> memref<1x640x128xf32, #tpu.memory_space<hbm>>
      %dma_wait3A_74 = tpu.memref_squeeze %dma_wait3A_73 : memref<1x640x128xf32, #tpu.memory_space<hbm>> -> memref<640x128xf32, #tpu.memory_space<hbm>>
      %dma_wait3A_75 = arith.constant 0 : i32
      %dma_wait3A_76 = tpu.memref_slice %arg10[%mul3A_64, %dma_wait3A_75] : memref<10240x128xf32, #tpu.memory_space<vmem_shared>> -> memref<640x128xf32, #tpu.memory_space<vmem_shared>>
      tpu.wait_dma2 semaphore(%run_scoped3A : memref<!tpu.dma_semaphore, #tpu.memory_space<semaphore_mem>>) src(%dma_wait3A_76 : memref<640x128xf32, #tpu.memory_space<vmem_shared>>) dst(%dma_wait3A_74 : memref<640x128xf32, #tpu.memory_space<hbm>>)
      tpu.yield
    }) : () -> ()
    return
  }
}

#map = affine_map<(d0, d1) -> (0, 0)>
#map1 = affine_map<(d0, d1) -> (0, 0, 0)>
module attributes {stable_mosaic.version = 14 : i64} {
  func.func @body_gather(%arg0: i32, %arg1: i32, %arg2: memref<10240x128xf32, #tpu.memory_space<hbm>>, %arg3: memref<32x80x128xi32, #tpu.memory_space<hbm>>, %arg4: memref<32x80x128xi32, #tpu.memory_space<hbm>>, %arg5: memref<2x10240x128xf32, #tpu.memory_space<hbm>>, %arg6: memref<40x128xi32, #tpu.memory_space<vmem>>, %arg7: memref<40x128xi32, #tpu.memory_space<vmem>>, %arg8: memref<128x128xf32, #tpu.memory_space<vmem>>, %arg9: memref<128x128xf32, #tpu.memory_space<vmem>>, %arg10: memref<10240x128xf32, #tpu.memory_space<vmem_shared>>, %arg11: memref<!tpu.dma_semaphore, #tpu.memory_space<semaphore_mem>>, %arg12: memref<!tpu.dma_semaphore, #tpu.memory_space<semaphore_mem>>) attributes {dimension_semantics = [#tpu.dimension_semantics<core_parallel>, #tpu.dimension_semantics<subcore_parallel>], iteration_bounds = array<i64: 2, 16>, scalar_prefetch = 0 : i64, scratch_operands = 7 : i64, tpu.core_type = #tpu.core_type<sc_vector_subcore>, window_params = [{transform_indices = #map}, {transform_indices = #map1}, {transform_indices = #map1}, {transform_indices = #map1}]} {
    %mul3A = arith.constant 2 : i32
    %mul3A_0 = arith.muli %arg1, %mul3A : i32
    %add3A = arith.addi %mul3A_0, %arg0 : i32
    %scan3A = arith.constant 0 : i32
    %scan3A_1 = arith.constant 0 : i32
    %scan3A_2 = arith.constant 1024 : i32
    %scan3A_3 = arith.addi %scan3A_1, %scan3A_2 : i32
    %scan3A_4 = arith.constant 1 : i32
    scf.for %scan3A_67 = %scan3A_1 to %scan3A_3 step %scan3A_4  : i32 {
      %broadcast_in_dim3A = arith.constant 0.000000e+00 : f32
      %broadcast_in_dim3A_68 = vector.broadcast %broadcast_in_dim3A : f32 to vector<16xf32>
      %jit3A = arith.constant 8 : i32
      %div3A = arith.divsi %scan3A_67, %jit3A : i32
      %sign3A = arith.constant 0 : i32
      %sign3A_69 = arith.cmpi sgt, %scan3A_67, %sign3A : i32
      %sign3A_70 = arith.extui %sign3A_69 : i1 to i32
      %sign3A_71 = arith.constant 0 : i32
      %sign3A_72 = arith.cmpi slt, %scan3A_67, %sign3A_71 : i32
      %sign3A_73 = arith.extui %sign3A_72 : i1 to i32
      %sign3A_74 = arith.subi %sign3A_70, %sign3A_73 : i32
      %sign3A_75 = arith.constant 0 : i32
      %sign3A_76 = arith.cmpi sgt, %jit3A, %sign3A_75 : i32
      %sign3A_77 = arith.extui %sign3A_76 : i1 to i32
      %sign3A_78 = arith.constant 0 : i32
      %sign3A_79 = arith.cmpi slt, %jit3A, %sign3A_78 : i32
      %sign3A_80 = arith.extui %sign3A_79 : i1 to i32
      %sign3A_81 = arith.subi %sign3A_77, %sign3A_80 : i32
      %ne3A = arith.cmpi ne, %sign3A_74, %sign3A_81 : i32
      %rem3A = arith.remsi %scan3A_67, %jit3A : i32
      %ne3A_82 = arith.constant 0 : i32
      %ne3A_83 = arith.cmpi ne, %rem3A, %ne3A_82 : i32
      %and3A = arith.andi %ne3A, %ne3A_83 : i1
      %sub3A = arith.constant 1 : i32
      %sub3A_84 = arith.subi %div3A, %sub3A : i32
      %select_n3A = arith.select %and3A, %sub3A_84, %div3A : i32
      %jit3A_85 = arith.constant 8 : i32
      %eq3A = arith.constant 0 : i32
      %eq3A_86 = arith.cmpi eq, %jit3A_85, %eq3A : i32
      %jit3A_87 = arith.constant 1 : i32
      %select_n3A_88 = arith.select %eq3A_86, %jit3A_87, %jit3A_85 : i32
      %rem3A_89 = arith.remsi %scan3A_67, %select_n3A_88 : i32
      %ne3A_90 = arith.constant 0 : i32
      %ne3A_91 = arith.cmpi ne, %rem3A_89, %ne3A_90 : i32
      %lt3A = arith.constant 0 : i32
      %lt3A_92 = arith.cmpi slt, %rem3A_89, %lt3A : i32
      %lt3A_93 = arith.constant 0 : i32
      %lt3A_94 = arith.cmpi slt, %select_n3A_88, %lt3A_93 : i32
      %ne3A_95 = arith.xori %lt3A_92, %lt3A_94 : i1
      %and3A_96 = arith.andi %ne3A_95, %ne3A_91 : i1
      %add3A_97 = arith.addi %rem3A_89, %select_n3A_88 : i32
      %select_n3A_98 = arith.select %and3A_96, %add3A_97, %rem3A_89 : i32
      %mul3A_99 = arith.constant 16 : i32
      %mul3A_100 = arith.muli %select_n3A_98, %mul3A_99 : i32
      %swap3A = arith.index_cast %select_n3A : i32 to index
      %swap3A_101 = arith.index_cast %mul3A_100 : i32 to index
      %swap3A_102 = tpu.vector_load %arg8[%swap3A, %swap3A_101] {strides = array<i32>} : memref<128x128xf32, #tpu.memory_space<vmem>>, vector<1x16xf32>,
      %swap3A_103 = vector.shape_cast %swap3A_102 : vector<1x16xf32> to vector<16xf32>
      %swap3A_104 = vector.shape_cast %broadcast_in_dim3A_68 : vector<16xf32> to vector<1x16xf32>
      tpu.vector_store %arg8[%swap3A, %swap3A_101], %swap3A_104 {strides = array<i32>} : memref<128x128xf32, #tpu.memory_space<vmem>>, vector<1x16xf32>,
    }
    %scan3A_5 = arith.constant 1024 : i32
    %mul3A_6 = arith.constant 640 : i32
    %mul3A_7 = arith.muli %arg1, %mul3A_6 : i32
    %add3A_8 = arith.constant 0 : i32
    %add3A_9 = arith.addi %mul3A_7, %add3A_8 : i32
    "tpu.region"() ({
      %run_scoped3A = tpu.sem_alloc : memref<!tpu.dma_semaphore, #tpu.memory_space<semaphore_mem>>
      %dma_start3A_67 = arith.constant 0 : i32
      %dma_start3A_68 = tpu.memref_slice %arg10[%add3A_9, %dma_start3A_67] : memref<10240x128xf32, #tpu.memory_space<vmem_shared>> -> memref<128x128xf32, #tpu.memory_space<vmem_shared>>
      %dma_start3A_69 = arith.constant 0 : i32
      %dma_start3A_70 = tpu.memref_slice %arg10[%add3A_9, %dma_start3A_69] : memref<10240x128xf32, #tpu.memory_space<vmem_shared>> -> memref<128x128xf32, #tpu.memory_space<vmem_shared>>
      tpu.enqueue_dma source(%arg8 : memref<128x128xf32, #tpu.memory_space<vmem>>) target(%dma_start3A_70 : memref<128x128xf32, #tpu.memory_space<vmem_shared>>) target_semaphore(%run_scoped3A : memref<!tpu.dma_semaphore, #tpu.memory_space<semaphore_mem>>)
      %dma_wait3A_71 = arith.constant 0 : i32
      %dma_wait3A_72 = tpu.memref_slice %arg10[%add3A_9, %dma_wait3A_71] : memref<10240x128xf32, #tpu.memory_space<vmem_shared>> -> memref<128x128xf32, #tpu.memory_space<vmem_shared>>
      %dma_wait3A_73 = arith.constant 0 : i32
      %dma_wait3A_74 = tpu.memref_slice %arg10[%add3A_9, %dma_wait3A_73] : memref<10240x128xf32, #tpu.memory_space<vmem_shared>> -> memref<128x128xf32, #tpu.memory_space<vmem_shared>>
      tpu.wait_dma2 semaphore(%run_scoped3A : memref<!tpu.dma_semaphore, #tpu.memory_space<semaphore_mem>>) src(%arg8 : memref<128x128xf32, #tpu.memory_space<vmem>>) dst(%dma_wait3A_74 : memref<128x128xf32, #tpu.memory_space<vmem_shared>>)
      tpu.yield
    }) : () -> ()
    %mul3A_10 = arith.constant 640 : i32
    %mul3A_11 = arith.muli %arg1, %mul3A_10 : i32
    %add3A_12 = arith.constant 128 : i32
    %add3A_13 = arith.addi %mul3A_11, %add3A_12 : i32
    "tpu.region"() ({
      %run_scoped3A = tpu.sem_alloc : memref<!tpu.dma_semaphore, #tpu.memory_space<semaphore_mem>>
      %dma_start3A_67 = arith.constant 0 : i32
      %dma_start3A_68 = tpu.memref_slice %arg10[%add3A_13, %dma_start3A_67] : memref<10240x128xf32, #tpu.memory_space<vmem_shared>> -> memref<128x128xf32, #tpu.memory_space<vmem_shared>>
      %dma_start3A_69 = arith.constant 0 : i32
      %dma_start3A_70 = tpu.memref_slice %arg10[%add3A_13, %dma_start3A_69] : memref<10240x128xf32, #tpu.memory_space<vmem_shared>> -> memref<128x128xf32, #tpu.memory_space<vmem_shared>>
      tpu.enqueue_dma source(%arg8 : memref<128x128xf32, #tpu.memory_space<vmem>>) target(%dma_start3A_70 : memref<128x128xf32, #tpu.memory_space<vmem_shared>>) target_semaphore(%run_scoped3A : memref<!tpu.dma_semaphore, #tpu.memory_space<semaphore_mem>>)
      %dma_wait3A_71 = arith.constant 0 : i32
      %dma_wait3A_72 = tpu.memref_slice %arg10[%add3A_13, %dma_wait3A_71] : memref<10240x128xf32, #tpu.memory_space<vmem_shared>> -> memref<128x128xf32, #tpu.memory_space<vmem_shared>>
      %dma_wait3A_73 = arith.constant 0 : i32
      %dma_wait3A_74 = tpu.memref_slice %arg10[%add3A_13, %dma_wait3A_73] : memref<10240x128xf32, #tpu.memory_space<vmem_shared>> -> memref<128x128xf32, #tpu.memory_space<vmem_shared>>
      tpu.wait_dma2 semaphore(%run_scoped3A : memref<!tpu.dma_semaphore, #tpu.memory_space<semaphore_mem>>) src(%arg8 : memref<128x128xf32, #tpu.memory_space<vmem>>) dst(%dma_wait3A_74 : memref<128x128xf32, #tpu.memory_space<vmem_shared>>)
      tpu.yield
    }) : () -> ()
    %mul3A_14 = arith.constant 640 : i32
    %mul3A_15 = arith.muli %arg1, %mul3A_14 : i32
    %add3A_16 = arith.constant 256 : i32
    %add3A_17 = arith.addi %mul3A_15, %add3A_16 : i32
    "tpu.region"() ({
      %run_scoped3A = tpu.sem_alloc : memref<!tpu.dma_semaphore, #tpu.memory_space<semaphore_mem>>
      %dma_start3A_67 = arith.constant 0 : i32
      %dma_start3A_68 = tpu.memref_slice %arg10[%add3A_17, %dma_start3A_67] : memref<10240x128xf32, #tpu.memory_space<vmem_shared>> -> memref<128x128xf32, #tpu.memory_space<vmem_shared>>
      %dma_start3A_69 = arith.constant 0 : i32
      %dma_start3A_70 = tpu.memref_slice %arg10[%add3A_17, %dma_start3A_69] : memref<10240x128xf32, #tpu.memory_space<vmem_shared>> -> memref<128x128xf32, #tpu.memory_space<vmem_shared>>
      tpu.enqueue_dma source(%arg8 : memref<128x128xf32, #tpu.memory_space<vmem>>) target(%dma_start3A_70 : memref<128x128xf32, #tpu.memory_space<vmem_shared>>) target_semaphore(%run_scoped3A : memref<!tpu.dma_semaphore, #tpu.memory_space<semaphore_mem>>)
      %dma_wait3A_71 = arith.constant 0 : i32
      %dma_wait3A_72 = tpu.memref_slice %arg10[%add3A_17, %dma_wait3A_71] : memref<10240x128xf32, #tpu.memory_space<vmem_shared>> -> memref<128x128xf32, #tpu.memory_space<vmem_shared>>
      %dma_wait3A_73 = arith.constant 0 : i32
      %dma_wait3A_74 = tpu.memref_slice %arg10[%add3A_17, %dma_wait3A_73] : memref<10240x128xf32, #tpu.memory_space<vmem_shared>> -> memref<128x128xf32, #tpu.memory_space<vmem_shared>>
      tpu.wait_dma2 semaphore(%run_scoped3A : memref<!tpu.dma_semaphore, #tpu.memory_space<semaphore_mem>>) src(%arg8 : memref<128x128xf32, #tpu.memory_space<vmem>>) dst(%dma_wait3A_74 : memref<128x128xf32, #tpu.memory_space<vmem_shared>>)
      tpu.yield
    }) : () -> ()
    %mul3A_18 = arith.constant 640 : i32
    %mul3A_19 = arith.muli %arg1, %mul3A_18 : i32
    %add3A_20 = arith.constant 384 : i32
    %add3A_21 = arith.addi %mul3A_19, %add3A_20 : i32
    "tpu.region"() ({
      %run_scoped3A = tpu.sem_alloc : memref<!tpu.dma_semaphore, #tpu.memory_space<semaphore_mem>>
      %dma_start3A_67 = arith.constant 0 : i32
      %dma_start3A_68 = tpu.memref_slice %arg10[%add3A_21, %dma_start3A_67] : memref<10240x128xf32, #tpu.memory_space<vmem_shared>> -> memref<128x128xf32, #tpu.memory_space<vmem_shared>>
      %dma_start3A_69 = arith.constant 0 : i32
      %dma_start3A_70 = tpu.memref_slice %arg10[%add3A_21, %dma_start3A_69] : memref<10240x128xf32, #tpu.memory_space<vmem_shared>> -> memref<128x128xf32, #tpu.memory_space<vmem_shared>>
      tpu.enqueue_dma source(%arg8 : memref<128x128xf32, #tpu.memory_space<vmem>>) target(%dma_start3A_70 : memref<128x128xf32, #tpu.memory_space<vmem_shared>>) target_semaphore(%run_scoped3A : memref<!tpu.dma_semaphore, #tpu.memory_space<semaphore_mem>>)
      %dma_wait3A_71 = arith.constant 0 : i32
      %dma_wait3A_72 = tpu.memref_slice %arg10[%add3A_21, %dma_wait3A_71] : memref<10240x128xf32, #tpu.memory_space<vmem_shared>> -> memref<128x128xf32, #tpu.memory_space<vmem_shared>>
      %dma_wait3A_73 = arith.constant 0 : i32
      %dma_wait3A_74 = tpu.memref_slice %arg10[%add3A_21, %dma_wait3A_73] : memref<10240x128xf32, #tpu.memory_space<vmem_shared>> -> memref<128x128xf32, #tpu.memory_space<vmem_shared>>
      tpu.wait_dma2 semaphore(%run_scoped3A : memref<!tpu.dma_semaphore, #tpu.memory_space<semaphore_mem>>) src(%arg8 : memref<128x128xf32, #tpu.memory_space<vmem>>) dst(%dma_wait3A_74 : memref<128x128xf32, #tpu.memory_space<vmem_shared>>)
      tpu.yield
    }) : () -> ()
    %mul3A_22 = arith.constant 640 : i32
    %mul3A_23 = arith.muli %arg1, %mul3A_22 : i32
    %add3A_24 = arith.constant 512 : i32
    %add3A_25 = arith.addi %mul3A_23, %add3A_24 : i32
    "tpu.region"() ({
      %run_scoped3A = tpu.sem_alloc : memref<!tpu.dma_semaphore, #tpu.memory_space<semaphore_mem>>
      %dma_start3A_67 = arith.constant 0 : i32
      %dma_start3A_68 = tpu.memref_slice %arg10[%add3A_25, %dma_start3A_67] : memref<10240x128xf32, #tpu.memory_space<vmem_shared>> -> memref<128x128xf32, #tpu.memory_space<vmem_shared>>
      %dma_start3A_69 = arith.constant 0 : i32
      %dma_start3A_70 = tpu.memref_slice %arg10[%add3A_25, %dma_start3A_69] : memref<10240x128xf32, #tpu.memory_space<vmem_shared>> -> memref<128x128xf32, #tpu.memory_space<vmem_shared>>
      tpu.enqueue_dma source(%arg8 : memref<128x128xf32, #tpu.memory_space<vmem>>) target(%dma_start3A_70 : memref<128x128xf32, #tpu.memory_space<vmem_shared>>) target_semaphore(%run_scoped3A : memref<!tpu.dma_semaphore, #tpu.memory_space<semaphore_mem>>)
      %dma_wait3A_71 = arith.constant 0 : i32
      %dma_wait3A_72 = tpu.memref_slice %arg10[%add3A_25, %dma_wait3A_71] : memref<10240x128xf32, #tpu.memory_space<vmem_shared>> -> memref<128x128xf32, #tpu.memory_space<vmem_shared>>
      %dma_wait3A_73 = arith.constant 0 : i32
      %dma_wait3A_74 = tpu.memref_slice %arg10[%add3A_25, %dma_wait3A_73] : memref<10240x128xf32, #tpu.memory_space<vmem_shared>> -> memref<128x128xf32, #tpu.memory_space<vmem_shared>>
      tpu.wait_dma2 semaphore(%run_scoped3A : memref<!tpu.dma_semaphore, #tpu.memory_space<semaphore_mem>>) src(%arg8 : memref<128x128xf32, #tpu.memory_space<vmem>>) dst(%dma_wait3A_74 : memref<128x128xf32, #tpu.memory_space<vmem_shared>>)
      tpu.yield
    }) : () -> ()
    %barrier3A = arith.constant 0 : index
    tpu.barrier barrier_id(%barrier3A)
    "tpu.region"() ({
      %run_scoped3A = tpu.sem_alloc : memref<!tpu.dma_semaphore, #tpu.memory_space<semaphore_mem>>
      %dma_start3A_67 = arith.constant 0 : i32
      %dma_start3A_68 = arith.constant 0 : i32
      %dma_start3A_69 = tpu.memref_slice %arg3[%add3A, %dma_start3A_67, %dma_start3A_68] : memref<32x80x128xi32, #tpu.memory_space<hbm>> -> memref<1x40x128xi32, #tpu.memory_space<hbm>>
      %dma_start3A_70 = tpu.memref_squeeze %dma_start3A_69 : memref<1x40x128xi32, #tpu.memory_space<hbm>> -> memref<40x128xi32, #tpu.memory_space<hbm>>
      %dma_start3A_71 = arith.constant 0 : i32
      %dma_start3A_72 = arith.constant 0 : i32
      %dma_start3A_73 = tpu.memref_slice %arg3[%add3A, %dma_start3A_71, %dma_start3A_72] : memref<32x80x128xi32, #tpu.memory_space<hbm>> -> memref<1x40x128xi32, #tpu.memory_space<hbm>>
      %dma_start3A_74 = tpu.memref_squeeze %dma_start3A_73 : memref<1x40x128xi32, #tpu.memory_space<hbm>> -> memref<40x128xi32, #tpu.memory_space<hbm>>
      tpu.enqueue_dma source(%dma_start3A_74 : memref<40x128xi32, #tpu.memory_space<hbm>>) target(%arg6 : memref<40x128xi32, #tpu.memory_space<vmem>>) target_semaphore(%run_scoped3A : memref<!tpu.dma_semaphore, #tpu.memory_space<semaphore_mem>>)
      %dma_wait3A_75 = arith.constant 0 : i32
      %dma_wait3A_76 = arith.constant 0 : i32
      %dma_wait3A_77 = tpu.memref_slice %arg3[%add3A, %dma_wait3A_75, %dma_wait3A_76] : memref<32x80x128xi32, #tpu.memory_space<hbm>> -> memref<1x40x128xi32, #tpu.memory_space<hbm>>
      %dma_wait3A_78 = tpu.memref_squeeze %dma_wait3A_77 : memref<1x40x128xi32, #tpu.memory_space<hbm>> -> memref<40x128xi32, #tpu.memory_space<hbm>>
      %dma_wait3A_79 = arith.constant 0 : i32
      %dma_wait3A_80 = arith.constant 0 : i32
      %dma_wait3A_81 = tpu.memref_slice %arg3[%add3A, %dma_wait3A_79, %dma_wait3A_80] : memref<32x80x128xi32, #tpu.memory_space<hbm>> -> memref<1x40x128xi32, #tpu.memory_space<hbm>>
      %dma_wait3A_82 = tpu.memref_squeeze %dma_wait3A_81 : memref<1x40x128xi32, #tpu.memory_space<hbm>> -> memref<40x128xi32, #tpu.memory_space<hbm>>
      tpu.wait_dma2 semaphore(%run_scoped3A : memref<!tpu.dma_semaphore, #tpu.memory_space<semaphore_mem>>) src(%dma_wait3A_82 : memref<40x128xi32, #tpu.memory_space<hbm>>) dst(%arg6 : memref<40x128xi32, #tpu.memory_space<vmem>>)
      tpu.yield
    }) : () -> ()
    "tpu.region"() ({
      %run_scoped3A = tpu.sem_alloc : memref<!tpu.dma_semaphore, #tpu.memory_space<semaphore_mem>>
      %dma_start3A_67 = arith.constant 0 : i32
      %dma_start3A_68 = arith.constant 0 : i32
      %dma_start3A_69 = tpu.memref_slice %arg4[%add3A, %dma_start3A_67, %dma_start3A_68] : memref<32x80x128xi32, #tpu.memory_space<hbm>> -> memref<1x40x128xi32, #tpu.memory_space<hbm>>
      %dma_start3A_70 = tpu.memref_squeeze %dma_start3A_69 : memref<1x40x128xi32, #tpu.memory_space<hbm>> -> memref<40x128xi32, #tpu.memory_space<hbm>>
      %dma_start3A_71 = arith.constant 0 : i32
      %dma_start3A_72 = arith.constant 0 : i32
      %dma_start3A_73 = tpu.memref_slice %arg4[%add3A, %dma_start3A_71, %dma_start3A_72] : memref<32x80x128xi32, #tpu.memory_space<hbm>> -> memref<1x40x128xi32, #tpu.memory_space<hbm>>
      %dma_start3A_74 = tpu.memref_squeeze %dma_start3A_73 : memref<1x40x128xi32, #tpu.memory_space<hbm>> -> memref<40x128xi32, #tpu.memory_space<hbm>>
      tpu.enqueue_dma source(%dma_start3A_74 : memref<40x128xi32, #tpu.memory_space<hbm>>) target(%arg7 : memref<40x128xi32, #tpu.memory_space<vmem>>) target_semaphore(%run_scoped3A : memref<!tpu.dma_semaphore, #tpu.memory_space<semaphore_mem>>)
      %dma_wait3A_75 = arith.constant 0 : i32
      %dma_wait3A_76 = arith.constant 0 : i32
      %dma_wait3A_77 = tpu.memref_slice %arg4[%add3A, %dma_wait3A_75, %dma_wait3A_76] : memref<32x80x128xi32, #tpu.memory_space<hbm>> -> memref<1x40x128xi32, #tpu.memory_space<hbm>>
      %dma_wait3A_78 = tpu.memref_squeeze %dma_wait3A_77 : memref<1x40x128xi32, #tpu.memory_space<hbm>> -> memref<40x128xi32, #tpu.memory_space<hbm>>
      %dma_wait3A_79 = arith.constant 0 : i32
      %dma_wait3A_80 = arith.constant 0 : i32
      %dma_wait3A_81 = tpu.memref_slice %arg4[%add3A, %dma_wait3A_79, %dma_wait3A_80] : memref<32x80x128xi32, #tpu.memory_space<hbm>> -> memref<1x40x128xi32, #tpu.memory_space<hbm>>
      %dma_wait3A_82 = tpu.memref_squeeze %dma_wait3A_81 : memref<1x40x128xi32, #tpu.memory_space<hbm>> -> memref<40x128xi32, #tpu.memory_space<hbm>>
      tpu.wait_dma2 semaphore(%run_scoped3A : memref<!tpu.dma_semaphore, #tpu.memory_space<semaphore_mem>>) src(%dma_wait3A_82 : memref<40x128xi32, #tpu.memory_space<hbm>>) dst(%arg7 : memref<40x128xi32, #tpu.memory_space<vmem>>)
      tpu.yield
    }) : () -> ()
    %dma_start3A = arith.constant 0 : i32
    %dma_start3A_26 = arith.constant 0 : i32
    %dma_start3A_27 = tpu.memref_slice %arg6[%dma_start3A, %dma_start3A_26] : memref<40x128xi32, #tpu.memory_space<vmem>> -> memref<1x128xi32, #tpu.memory_space<vmem>>
    %dma_start3A_28 = tpu.memref_squeeze %dma_start3A_27 : memref<1x128xi32, #tpu.memory_space<vmem>> -> memref<128xi32, #tpu.memory_space<vmem>>
    %dma_start3A_29 = arith.constant 0 : i32
    %dma_start3A_30 = arith.constant 0 : i32
    %dma_start3A_31 = tpu.memref_slice %arg2[%dma_start3A_29, %dma_start3A_30] : memref<10240x128xf32, #tpu.memory_space<hbm>> -> memref<10240x128xf32, #tpu.memory_space<hbm>>
    tpu.enqueue_indirect_dma source(%dma_start3A_31 : memref<10240x128xf32, #tpu.memory_space<hbm>>) target(%arg8 : memref<128x128xf32, #tpu.memory_space<vmem>>) offsets(%dma_start3A_28 : memref<128xi32, #tpu.memory_space<vmem>>) semaphore(%arg11 : memref<!tpu.dma_semaphore, #tpu.memory_space<semaphore_mem>>)
    %scan3A_32 = arith.constant 0 : i32
    %scan3A_33 = arith.constant 0 : i32
    %scan3A_34 = arith.constant 20 : i32
    %scan3A_35 = arith.addi %scan3A_33, %scan3A_34 : i32
    %scan3A_36 = arith.constant 1 : i32
    scf.for %scan3A_67 = %scan3A_33 to %scan3A_35 step %scan3A_36  : i32 {
      %mul3A_68 = arith.constant 2 : i32
      %mul3A_69 = arith.muli %mul3A_68, %scan3A_67 : i32
      %add3A_70 = arith.constant 1 : i32
      %add3A_71 = arith.addi %mul3A_69, %add3A_70 : i32
      %dma_start3A_72 = arith.constant 0 : i32
      %dma_start3A_73 = tpu.memref_slice %arg6[%add3A_71, %dma_start3A_72] : memref<40x128xi32, #tpu.memory_space<vmem>> -> memref<1x128xi32, #tpu.memory_space<vmem>>
      %dma_start3A_74 = tpu.memref_squeeze %dma_start3A_73 : memref<1x128xi32, #tpu.memory_space<vmem>> -> memref<128xi32, #tpu.memory_space<vmem>>
      %dma_start3A_75 = arith.constant 0 : i32
      %dma_start3A_76 = arith.constant 0 : i32
      %dma_start3A_77 = tpu.memref_slice %arg2[%dma_start3A_75, %dma_start3A_76] : memref<10240x128xf32, #tpu.memory_space<hbm>> -> memref<10240x128xf32, #tpu.memory_space<hbm>>
      tpu.enqueue_indirect_dma source(%dma_start3A_77 : memref<10240x128xf32, #tpu.memory_space<hbm>>) target(%arg9 : memref<128x128xf32, #tpu.memory_space<vmem>>) offsets(%dma_start3A_74 : memref<128xi32, #tpu.memory_space<vmem>>) semaphore(%arg12 : memref<!tpu.dma_semaphore, #tpu.memory_space<semaphore_mem>>)
      %dma_wait3A_78 = arith.constant 0 : i32
      %dma_wait3A_79 = arith.constant 0 : i32
      %dma_wait3A_80 = tpu.memref_slice %arg2[%dma_wait3A_78, %dma_wait3A_79] : memref<10240x128xf32, #tpu.memory_space<hbm>> -> memref<128x128xf32, #tpu.memory_space<hbm>>
      %dma_wait3A_81 = arith.constant 0 : i32
      %dma_wait3A_82 = arith.constant 0 : i32
      %dma_wait3A_83 = tpu.memref_slice %arg2[%dma_wait3A_81, %dma_wait3A_82] : memref<10240x128xf32, #tpu.memory_space<hbm>> -> memref<128x128xf32, #tpu.memory_space<hbm>>
      tpu.wait_dma2 semaphore(%arg11 : memref<!tpu.dma_semaphore, #tpu.memory_space<semaphore_mem>>) src(%dma_wait3A_83 : memref<128x128xf32, #tpu.memory_space<hbm>>) dst(%arg8 : memref<128x128xf32, #tpu.memory_space<vmem>>)
      "tpu.region"() ({
        %run_scoped3A = tpu.sem_alloc : memref<!tpu.dma_semaphore, #tpu.memory_space<semaphore_mem>>
        %dma_start3A_101 = arith.constant 0 : i32
        %dma_start3A_102 = tpu.memref_slice %arg7[%mul3A_69, %dma_start3A_101] : memref<40x128xi32, #tpu.memory_space<vmem>> -> memref<1x128xi32, #tpu.memory_space<vmem>>
        %dma_start3A_103 = tpu.memref_squeeze %dma_start3A_102 : memref<1x128xi32, #tpu.memory_space<vmem>> -> memref<128xi32, #tpu.memory_space<vmem>>
        %dma_start3A_104 = arith.constant 0 : i32
        %dma_start3A_105 = arith.constant 0 : i32
        %dma_start3A_106 = tpu.memref_slice %arg10[%dma_start3A_104, %dma_start3A_105] : memref<10240x128xf32, #tpu.memory_space<vmem_shared>> -> memref<10240x128xf32, #tpu.memory_space<vmem_shared>>
        tpu.enqueue_indirect_dma source(%arg8 : memref<128x128xf32, #tpu.memory_space<vmem>>) target(%dma_start3A_106 : memref<10240x128xf32, #tpu.memory_space<vmem_shared>>) offsets(%dma_start3A_103 : memref<128xi32, #tpu.memory_space<vmem>>) semaphore(%run_scoped3A : memref<!tpu.dma_semaphore, #tpu.memory_space<semaphore_mem>>) {add = true}
        %dma_wait3A_107 = arith.constant 0 : i32
        %dma_wait3A_108 = tpu.memref_slice %arg7[%mul3A_69, %dma_wait3A_107] : memref<40x128xi32, #tpu.memory_space<vmem>> -> memref<1x128xi32, #tpu.memory_space<vmem>>
        %dma_wait3A_109 = tpu.memref_squeeze %dma_wait3A_108 : memref<1x128xi32, #tpu.memory_space<vmem>> -> memref<128xi32, #tpu.memory_space<vmem>>
        %dma_wait3A_110 = arith.constant 0 : i32
        %dma_wait3A_111 = arith.constant 0 : i32
        %dma_wait3A_112 = tpu.memref_slice %arg10[%dma_wait3A_110, %dma_wait3A_111] : memref<10240x128xf32, #tpu.memory_space<vmem_shared>> -> memref<10240x128xf32, #tpu.memory_space<vmem_shared>>
        tpu.wait_indirect_dma semaphore(%run_scoped3A : memref<!tpu.dma_semaphore, #tpu.memory_space<semaphore_mem>>) src(%arg8 : memref<128x128xf32, #tpu.memory_space<vmem>>) dst(%dma_wait3A_112 : memref<10240x128xf32, #tpu.memory_space<vmem_shared>>)
        tpu.yield
      }) : () -> ()
      %add3A_84 = arith.constant 2 : i32
      %add3A_85 = arith.addi %mul3A_69, %add3A_84 : i32
      %min3A = arith.constant 39 : i32
      %min3A_86 = arith.minsi %add3A_85, %min3A : i32
      %dma_start3A_87 = arith.constant 0 : i32
      %dma_start3A_88 = tpu.memref_slice %arg6[%min3A_86, %dma_start3A_87] : memref<40x128xi32, #tpu.memory_space<vmem>> -> memref<1x128xi32, #tpu.memory_space<vmem>>
      %dma_start3A_89 = tpu.memref_squeeze %dma_start3A_88 : memref<1x128xi32, #tpu.memory_space<vmem>> -> memref<128xi32, #tpu.memory_space<vmem>>
      %dma_start3A_90 = arith.constant 0 : i32
      %dma_start3A_91 = arith.constant 0 : i32
      %dma_start3A_92 = tpu.memref_slice %arg2[%dma_start3A_90, %dma_start3A_91] : memref<10240x128xf32, #tpu.memory_space<hbm>> -> memref<10240x128xf32, #tpu.memory_space<hbm>>
      tpu.enqueue_indirect_dma source(%dma_start3A_92 : memref<10240x128xf32, #tpu.memory_space<hbm>>) target(%arg8 : memref<128x128xf32, #tpu.memory_space<vmem>>) offsets(%dma_start3A_89 : memref<128xi32, #tpu.memory_space<vmem>>) semaphore(%arg11 : memref<!tpu.dma_semaphore, #tpu.memory_space<semaphore_mem>>)
      %dma_wait3A_93 = arith.constant 0 : i32
      %dma_wait3A_94 = arith.constant 0 : i32
      %dma_wait3A_95 = tpu.memref_slice %arg2[%dma_wait3A_93, %dma_wait3A_94] : memref<10240x128xf32, #tpu.memory_space<hbm>> -> memref<128x128xf32, #tpu.memory_space<hbm>>
      %dma_wait3A_96 = arith.constant 0 : i32
      %dma_wait3A_97 = arith.constant 0 : i32
      %dma_wait3A_98 = tpu.memref_slice %arg2[%dma_wait3A_96, %dma_wait3A_97] : memref<10240x128xf32, #tpu.memory_space<hbm>> -> memref<128x128xf32, #tpu.memory_space<hbm>>
      tpu.wait_dma2 semaphore(%arg12 : memref<!tpu.dma_semaphore, #tpu.memory_space<semaphore_mem>>) src(%dma_wait3A_98 : memref<128x128xf32, #tpu.memory_space<hbm>>) dst(%arg9 : memref<128x128xf32, #tpu.memory_space<vmem>>)
      %add3A_99 = arith.constant 1 : i32
      %add3A_100 = arith.addi %mul3A_69, %add3A_99 : i32
      "tpu.region"() ({
        %run_scoped3A = tpu.sem_alloc : memref<!tpu.dma_semaphore, #tpu.memory_space<semaphore_mem>>
        %dma_start3A_101 = arith.constant 0 : i32
        %dma_start3A_102 = tpu.memref_slice %arg7[%add3A_100, %dma_start3A_101] : memref<40x128xi32, #tpu.memory_space<vmem>> -> memref<1x128xi32, #tpu.memory_space<vmem>>
        %dma_start3A_103 = tpu.memref_squeeze %dma_start3A_102 : memref<1x128xi32, #tpu.memory_space<vmem>> -> memref<128xi32, #tpu.memory_space<vmem>>
        %dma_start3A_104 = arith.constant 0 : i32
        %dma_start3A_105 = arith.constant 0 : i32
        %dma_start3A_106 = tpu.memref_slice %arg10[%dma_start3A_104, %dma_start3A_105] : memref<10240x128xf32, #tpu.memory_space<vmem_shared>> -> memref<10240x128xf32, #tpu.memory_space<vmem_shared>>
        tpu.enqueue_indirect_dma source(%arg9 : memref<128x128xf32, #tpu.memory_space<vmem>>) target(%dma_start3A_106 : memref<10240x128xf32, #tpu.memory_space<vmem_shared>>) offsets(%dma_start3A_103 : memref<128xi32, #tpu.memory_space<vmem>>) semaphore(%run_scoped3A : memref<!tpu.dma_semaphore, #tpu.memory_space<semaphore_mem>>) {add = true}
        %dma_wait3A_107 = arith.constant 0 : i32
        %dma_wait3A_108 = tpu.memref_slice %arg7[%add3A_100, %dma_wait3A_107] : memref<40x128xi32, #tpu.memory_space<vmem>> -> memref<1x128xi32, #tpu.memory_space<vmem>>
        %dma_wait3A_109 = tpu.memref_squeeze %dma_wait3A_108 : memref<1x128xi32, #tpu.memory_space<vmem>> -> memref<128xi32, #tpu.memory_space<vmem>>
        %dma_wait3A_110 = arith.constant 0 : i32
        %dma_wait3A_111 = arith.constant 0 : i32
        %dma_wait3A_112 = tpu.memref_slice %arg10[%dma_wait3A_110, %dma_wait3A_111] : memref<10240x128xf32, #tpu.memory_space<vmem_shared>> -> memref<10240x128xf32, #tpu.memory_space<vmem_shared>>
        tpu.wait_indirect_dma semaphore(%run_scoped3A : memref<!tpu.dma_semaphore, #tpu.memory_space<semaphore_mem>>) src(%arg9 : memref<128x128xf32, #tpu.memory_space<vmem>>) dst(%dma_wait3A_112 : memref<10240x128xf32, #tpu.memory_space<vmem_shared>>)
        tpu.yield
      }) : () -> ()
    }
    %scan3A_37 = arith.constant 20 : i32
    %dma_wait3A = arith.constant 0 : i32
    %dma_wait3A_38 = arith.constant 0 : i32
    %dma_wait3A_39 = tpu.memref_slice %arg2[%dma_wait3A, %dma_wait3A_38] : memref<10240x128xf32, #tpu.memory_space<hbm>> -> memref<128x128xf32, #tpu.memory_space<hbm>>
    %dma_wait3A_40 = arith.constant 0 : i32
    %dma_wait3A_41 = arith.constant 0 : i32
    %dma_wait3A_42 = tpu.memref_slice %arg2[%dma_wait3A_40, %dma_wait3A_41] : memref<10240x128xf32, #tpu.memory_space<hbm>> -> memref<128x128xf32, #tpu.memory_space<hbm>>
    tpu.wait_dma2 semaphore(%arg11 : memref<!tpu.dma_semaphore, #tpu.memory_space<semaphore_mem>>) src(%dma_wait3A_42 : memref<128x128xf32, #tpu.memory_space<hbm>>) dst(%arg8 : memref<128x128xf32, #tpu.memory_space<vmem>>)
    "tpu.region"() ({
      %run_scoped3A = tpu.sem_alloc : memref<!tpu.dma_semaphore, #tpu.memory_space<semaphore_mem>>
      %dma_start3A_67 = arith.constant 40 : i32
      %dma_start3A_68 = arith.constant 0 : i32
      %dma_start3A_69 = tpu.memref_slice %arg3[%add3A, %dma_start3A_67, %dma_start3A_68] : memref<32x80x128xi32, #tpu.memory_space<hbm>> -> memref<1x40x128xi32, #tpu.memory_space<hbm>>
      %dma_start3A_70 = tpu.memref_squeeze %dma_start3A_69 : memref<1x40x128xi32, #tpu.memory_space<hbm>> -> memref<40x128xi32, #tpu.memory_space<hbm>>
      %dma_start3A_71 = arith.constant 40 : i32
      %dma_start3A_72 = arith.constant 0 : i32
      %dma_start3A_73 = tpu.memref_slice %arg3[%add3A, %dma_start3A_71, %dma_start3A_72] : memref<32x80x128xi32, #tpu.memory_space<hbm>> -> memref<1x40x128xi32, #tpu.memory_space<hbm>>
      %dma_start3A_74 = tpu.memref_squeeze %dma_start3A_73 : memref<1x40x128xi32, #tpu.memory_space<hbm>> -> memref<40x128xi32, #tpu.memory_space<hbm>>
      tpu.enqueue_dma source(%dma_start3A_74 : memref<40x128xi32, #tpu.memory_space<hbm>>) target(%arg6 : memref<40x128xi32, #tpu.memory_space<vmem>>) target_semaphore(%run_scoped3A : memref<!tpu.dma_semaphore, #tpu.memory_space<semaphore_mem>>)
      %dma_wait3A_75 = arith.constant 40 : i32
      %dma_wait3A_76 = arith.constant 0 : i32
      %dma_wait3A_77 = tpu.memref_slice %arg3[%add3A, %dma_wait3A_75, %dma_wait3A_76] : memref<32x80x128xi32, #tpu.memory_space<hbm>> -> memref<1x40x128xi32, #tpu.memory_space<hbm>>
      %dma_wait3A_78 = tpu.memref_squeeze %dma_wait3A_77 : memref<1x40x128xi32, #tpu.memory_space<hbm>> -> memref<40x128xi32, #tpu.memory_space<hbm>>
      %dma_wait3A_79 = arith.constant 40 : i32
      %dma_wait3A_80 = arith.constant 0 : i32
      %dma_wait3A_81 = tpu.memref_slice %arg3[%add3A, %dma_wait3A_79, %dma_wait3A_80] : memref<32x80x128xi32, #tpu.memory_space<hbm>> -> memref<1x40x128xi32, #tpu.memory_space<hbm>>
      %dma_wait3A_82 = tpu.memref_squeeze %dma_wait3A_81 : memref<1x40x128xi32, #tpu.memory_space<hbm>> -> memref<40x128xi32, #tpu.memory_space<hbm>>
      tpu.wait_dma2 semaphore(%run_scoped3A : memref<!tpu.dma_semaphore, #tpu.memory_space<semaphore_mem>>) src(%dma_wait3A_82 : memref<40x128xi32, #tpu.memory_space<hbm>>) dst(%arg6 : memref<40x128xi32, #tpu.memory_space<vmem>>)
      tpu.yield
    }) : () -> ()
    "tpu.region"() ({
      %run_scoped3A = tpu.sem_alloc : memref<!tpu.dma_semaphore, #tpu.memory_space<semaphore_mem>>
      %dma_start3A_67 = arith.constant 40 : i32
      %dma_start3A_68 = arith.constant 0 : i32
      %dma_start3A_69 = tpu.memref_slice %arg4[%add3A, %dma_start3A_67, %dma_start3A_68] : memref<32x80x128xi32, #tpu.memory_space<hbm>> -> memref<1x40x128xi32, #tpu.memory_space<hbm>>
      %dma_start3A_70 = tpu.memref_squeeze %dma_start3A_69 : memref<1x40x128xi32, #tpu.memory_space<hbm>> -> memref<40x128xi32, #tpu.memory_space<hbm>>
      %dma_start3A_71 = arith.constant 40 : i32
      %dma_start3A_72 = arith.constant 0 : i32
      %dma_start3A_73 = tpu.memref_slice %arg4[%add3A, %dma_start3A_71, %dma_start3A_72] : memref<32x80x128xi32, #tpu.memory_space<hbm>> -> memref<1x40x128xi32, #tpu.memory_space<hbm>>
      %dma_start3A_74 = tpu.memref_squeeze %dma_start3A_73 : memref<1x40x128xi32, #tpu.memory_space<hbm>> -> memref<40x128xi32, #tpu.memory_space<hbm>>
      tpu.enqueue_dma source(%dma_start3A_74 : memref<40x128xi32, #tpu.memory_space<hbm>>) target(%arg7 : memref<40x128xi32, #tpu.memory_space<vmem>>) target_semaphore(%run_scoped3A : memref<!tpu.dma_semaphore, #tpu.memory_space<semaphore_mem>>)
      %dma_wait3A_75 = arith.constant 40 : i32
      %dma_wait3A_76 = arith.constant 0 : i32
      %dma_wait3A_77 = tpu.memref_slice %arg4[%add3A, %dma_wait3A_75, %dma_wait3A_76] : memref<32x80x128xi32, #tpu.memory_space<hbm>> -> memref<1x40x128xi32, #tpu.memory_space<hbm>>
      %dma_wait3A_78 = tpu.memref_squeeze %dma_wait3A_77 : memref<1x40x128xi32, #tpu.memory_space<hbm>> -> memref<40x128xi32, #tpu.memory_space<hbm>>
      %dma_wait3A_79 = arith.constant 40 : i32
      %dma_wait3A_80 = arith.constant 0 : i32
      %dma_wait3A_81 = tpu.memref_slice %arg4[%add3A, %dma_wait3A_79, %dma_wait3A_80] : memref<32x80x128xi32, #tpu.memory_space<hbm>> -> memref<1x40x128xi32, #tpu.memory_space<hbm>>
      %dma_wait3A_82 = tpu.memref_squeeze %dma_wait3A_81 : memref<1x40x128xi32, #tpu.memory_space<hbm>> -> memref<40x128xi32, #tpu.memory_space<hbm>>
      tpu.wait_dma2 semaphore(%run_scoped3A : memref<!tpu.dma_semaphore, #tpu.memory_space<semaphore_mem>>) src(%dma_wait3A_82 : memref<40x128xi32, #tpu.memory_space<hbm>>) dst(%arg7 : memref<40x128xi32, #tpu.memory_space<vmem>>)
      tpu.yield
    }) : () -> ()
    %dma_start3A_43 = arith.constant 0 : i32
    %dma_start3A_44 = arith.constant 0 : i32
    %dma_start3A_45 = tpu.memref_slice %arg6[%dma_start3A_43, %dma_start3A_44] : memref<40x128xi32, #tpu.memory_space<vmem>> -> memref<1x128xi32, #tpu.memory_space<vmem>>
    %dma_start3A_46 = tpu.memref_squeeze %dma_start3A_45 : memref<1x128xi32, #tpu.memory_space<vmem>> -> memref<128xi32, #tpu.memory_space<vmem>>
    %dma_start3A_47 = arith.constant 0 : i32
    %dma_start3A_48 = arith.constant 0 : i32
    %dma_start3A_49 = tpu.memref_slice %arg2[%dma_start3A_47, %dma_start3A_48] : memref<10240x128xf32, #tpu.memory_space<hbm>> -> memref<10240x128xf32, #tpu.memory_space<hbm>>
    tpu.enqueue_indirect_dma source(%dma_start3A_49 : memref<10240x128xf32, #tpu.memory_space<hbm>>) target(%arg8 : memref<128x128xf32, #tpu.memory_space<vmem>>) offsets(%dma_start3A_46 : memref<128xi32, #tpu.memory_space<vmem>>) semaphore(%arg11 : memref<!tpu.dma_semaphore, #tpu.memory_space<semaphore_mem>>)
    %scan3A_50 = arith.constant 0 : i32
    %scan3A_51 = arith.constant 0 : i32
    %scan3A_52 = arith.constant 20 : i32
    %scan3A_53 = arith.addi %scan3A_51, %scan3A_52 : i32
    %scan3A_54 = arith.constant 1 : i32
    scf.for %scan3A_67 = %scan3A_51 to %scan3A_53 step %scan3A_54  : i32 {
      %mul3A_68 = arith.constant 2 : i32
      %mul3A_69 = arith.muli %mul3A_68, %scan3A_67 : i32
      %add3A_70 = arith.constant 1 : i32
      %add3A_71 = arith.addi %mul3A_69, %add3A_70 : i32
      %dma_start3A_72 = arith.constant 0 : i32
      %dma_start3A_73 = tpu.memref_slice %arg6[%add3A_71, %dma_start3A_72] : memref<40x128xi32, #tpu.memory_space<vmem>> -> memref<1x128xi32, #tpu.memory_space<vmem>>
      %dma_start3A_74 = tpu.memref_squeeze %dma_start3A_73 : memref<1x128xi32, #tpu.memory_space<vmem>> -> memref<128xi32, #tpu.memory_space<vmem>>
      %dma_start3A_75 = arith.constant 0 : i32
      %dma_start3A_76 = arith.constant 0 : i32
      %dma_start3A_77 = tpu.memref_slice %arg2[%dma_start3A_75, %dma_start3A_76] : memref<10240x128xf32, #tpu.memory_space<hbm>> -> memref<10240x128xf32, #tpu.memory_space<hbm>>
      tpu.enqueue_indirect_dma source(%dma_start3A_77 : memref<10240x128xf32, #tpu.memory_space<hbm>>) target(%arg9 : memref<128x128xf32, #tpu.memory_space<vmem>>) offsets(%dma_start3A_74 : memref<128xi32, #tpu.memory_space<vmem>>) semaphore(%arg12 : memref<!tpu.dma_semaphore, #tpu.memory_space<semaphore_mem>>)
      %dma_wait3A_78 = arith.constant 0 : i32
      %dma_wait3A_79 = arith.constant 0 : i32
      %dma_wait3A_80 = tpu.memref_slice %arg2[%dma_wait3A_78, %dma_wait3A_79] : memref<10240x128xf32, #tpu.memory_space<hbm>> -> memref<128x128xf32, #tpu.memory_space<hbm>>
      %dma_wait3A_81 = arith.constant 0 : i32
      %dma_wait3A_82 = arith.constant 0 : i32
      %dma_wait3A_83 = tpu.memref_slice %arg2[%dma_wait3A_81, %dma_wait3A_82] : memref<10240x128xf32, #tpu.memory_space<hbm>> -> memref<128x128xf32, #tpu.memory_space<hbm>>
      tpu.wait_dma2 semaphore(%arg11 : memref<!tpu.dma_semaphore, #tpu.memory_space<semaphore_mem>>) src(%dma_wait3A_83 : memref<128x128xf32, #tpu.memory_space<hbm>>) dst(%arg8 : memref<128x128xf32, #tpu.memory_space<vmem>>)
      "tpu.region"() ({
        %run_scoped3A = tpu.sem_alloc : memref<!tpu.dma_semaphore, #tpu.memory_space<semaphore_mem>>
        %dma_start3A_101 = arith.constant 0 : i32
        %dma_start3A_102 = tpu.memref_slice %arg7[%mul3A_69, %dma_start3A_101] : memref<40x128xi32, #tpu.memory_space<vmem>> -> memref<1x128xi32, #tpu.memory_space<vmem>>
        %dma_start3A_103 = tpu.memref_squeeze %dma_start3A_102 : memref<1x128xi32, #tpu.memory_space<vmem>> -> memref<128xi32, #tpu.memory_space<vmem>>
        %dma_start3A_104 = arith.constant 0 : i32
        %dma_start3A_105 = arith.constant 0 : i32
        %dma_start3A_106 = tpu.memref_slice %arg10[%dma_start3A_104, %dma_start3A_105] : memref<10240x128xf32, #tpu.memory_space<vmem_shared>> -> memref<10240x128xf32, #tpu.memory_space<vmem_shared>>
        tpu.enqueue_indirect_dma source(%arg8 : memref<128x128xf32, #tpu.memory_space<vmem>>) target(%dma_start3A_106 : memref<10240x128xf32, #tpu.memory_space<vmem_shared>>) offsets(%dma_start3A_103 : memref<128xi32, #tpu.memory_space<vmem>>) semaphore(%run_scoped3A : memref<!tpu.dma_semaphore, #tpu.memory_space<semaphore_mem>>) {add = true}
        %dma_wait3A_107 = arith.constant 0 : i32
        %dma_wait3A_108 = tpu.memref_slice %arg7[%mul3A_69, %dma_wait3A_107] : memref<40x128xi32, #tpu.memory_space<vmem>> -> memref<1x128xi32, #tpu.memory_space<vmem>>
        %dma_wait3A_109 = tpu.memref_squeeze %dma_wait3A_108 : memref<1x128xi32, #tpu.memory_space<vmem>> -> memref<128xi32, #tpu.memory_space<vmem>>
        %dma_wait3A_110 = arith.constant 0 : i32
        %dma_wait3A_111 = arith.constant 0 : i32
        %dma_wait3A_112 = tpu.memref_slice %arg10[%dma_wait3A_110, %dma_wait3A_111] : memref<10240x128xf32, #tpu.memory_space<vmem_shared>> -> memref<10240x128xf32, #tpu.memory_space<vmem_shared>>
        tpu.wait_indirect_dma semaphore(%run_scoped3A : memref<!tpu.dma_semaphore, #tpu.memory_space<semaphore_mem>>) src(%arg8 : memref<128x128xf32, #tpu.memory_space<vmem>>) dst(%dma_wait3A_112 : memref<10240x128xf32, #tpu.memory_space<vmem_shared>>)
        tpu.yield
      }) : () -> ()
      %add3A_84 = arith.constant 2 : i32
      %add3A_85 = arith.addi %mul3A_69, %add3A_84 : i32
      %min3A = arith.constant 39 : i32
      %min3A_86 = arith.minsi %add3A_85, %min3A : i32
      %dma_start3A_87 = arith.constant 0 : i32
      %dma_start3A_88 = tpu.memref_slice %arg6[%min3A_86, %dma_start3A_87] : memref<40x128xi32, #tpu.memory_space<vmem>> -> memref<1x128xi32, #tpu.memory_space<vmem>>
      %dma_start3A_89 = tpu.memref_squeeze %dma_start3A_88 : memref<1x128xi32, #tpu.memory_space<vmem>> -> memref<128xi32, #tpu.memory_space<vmem>>
      %dma_start3A_90 = arith.constant 0 : i32
      %dma_start3A_91 = arith.constant 0 : i32
      %dma_start3A_92 = tpu.memref_slice %arg2[%dma_start3A_90, %dma_start3A_91] : memref<10240x128xf32, #tpu.memory_space<hbm>> -> memref<10240x128xf32, #tpu.memory_space<hbm>>
      tpu.enqueue_indirect_dma source(%dma_start3A_92 : memref<10240x128xf32, #tpu.memory_space<hbm>>) target(%arg8 : memref<128x128xf32, #tpu.memory_space<vmem>>) offsets(%dma_start3A_89 : memref<128xi32, #tpu.memory_space<vmem>>) semaphore(%arg11 : memref<!tpu.dma_semaphore, #tpu.memory_space<semaphore_mem>>)
      %dma_wait3A_93 = arith.constant 0 : i32
      %dma_wait3A_94 = arith.constant 0 : i32
      %dma_wait3A_95 = tpu.memref_slice %arg2[%dma_wait3A_93, %dma_wait3A_94] : memref<10240x128xf32, #tpu.memory_space<hbm>> -> memref<128x128xf32, #tpu.memory_space<hbm>>
      %dma_wait3A_96 = arith.constant 0 : i32
      %dma_wait3A_97 = arith.constant 0 : i32
      %dma_wait3A_98 = tpu.memref_slice %arg2[%dma_wait3A_96, %dma_wait3A_97] : memref<10240x128xf32, #tpu.memory_space<hbm>> -> memref<128x128xf32, #tpu.memory_space<hbm>>
      tpu.wait_dma2 semaphore(%arg12 : memref<!tpu.dma_semaphore, #tpu.memory_space<semaphore_mem>>) src(%dma_wait3A_98 : memref<128x128xf32, #tpu.memory_space<hbm>>) dst(%arg9 : memref<128x128xf32, #tpu.memory_space<vmem>>)
      %add3A_99 = arith.constant 1 : i32
      %add3A_100 = arith.addi %mul3A_69, %add3A_99 : i32
      "tpu.region"() ({
        %run_scoped3A = tpu.sem_alloc : memref<!tpu.dma_semaphore, #tpu.memory_space<semaphore_mem>>
        %dma_start3A_101 = arith.constant 0 : i32
        %dma_start3A_102 = tpu.memref_slice %arg7[%add3A_100, %dma_start3A_101] : memref<40x128xi32, #tpu.memory_space<vmem>> -> memref<1x128xi32, #tpu.memory_space<vmem>>
        %dma_start3A_103 = tpu.memref_squeeze %dma_start3A_102 : memref<1x128xi32, #tpu.memory_space<vmem>> -> memref<128xi32, #tpu.memory_space<vmem>>
        %dma_start3A_104 = arith.constant 0 : i32
        %dma_start3A_105 = arith.constant 0 : i32
        %dma_start3A_106 = tpu.memref_slice %arg10[%dma_start3A_104, %dma_start3A_105] : memref<10240x128xf32, #tpu.memory_space<vmem_shared>> -> memref<10240x128xf32, #tpu.memory_space<vmem_shared>>
        tpu.enqueue_indirect_dma source(%arg9 : memref<128x128xf32, #tpu.memory_space<vmem>>) target(%dma_start3A_106 : memref<10240x128xf32, #tpu.memory_space<vmem_shared>>) offsets(%dma_start3A_103 : memref<128xi32, #tpu.memory_space<vmem>>) semaphore(%run_scoped3A : memref<!tpu.dma_semaphore, #tpu.memory_space<semaphore_mem>>) {add = true}
        %dma_wait3A_107 = arith.constant 0 : i32
        %dma_wait3A_108 = tpu.memref_slice %arg7[%add3A_100, %dma_wait3A_107] : memref<40x128xi32, #tpu.memory_space<vmem>> -> memref<1x128xi32, #tpu.memory_space<vmem>>
        %dma_wait3A_109 = tpu.memref_squeeze %dma_wait3A_108 : memref<1x128xi32, #tpu.memory_space<vmem>> -> memref<128xi32, #tpu.memory_space<vmem>>
        %dma_wait3A_110 = arith.constant 0 : i32
        %dma_wait3A_111 = arith.constant 0 : i32
        %dma_wait3A_112 = tpu.memref_slice %arg10[%dma_wait3A_110, %dma_wait3A_111] : memref<10240x128xf32, #tpu.memory_space<vmem_shared>> -> memref<10240x128xf32, #tpu.memory_space<vmem_shared>>
        tpu.wait_indirect_dma semaphore(%run_scoped3A : memref<!tpu.dma_semaphore, #tpu.memory_space<semaphore_mem>>) src(%arg9 : memref<128x128xf32, #tpu.memory_space<vmem>>) dst(%dma_wait3A_112 : memref<10240x128xf32, #tpu.memory_space<vmem_shared>>)
        tpu.yield
      }) : () -> ()
    }
    %scan3A_55 = arith.constant 20 : i32
    %dma_wait3A_56 = arith.constant 0 : i32
    %dma_wait3A_57 = arith.constant 0 : i32
    %dma_wait3A_58 = tpu.memref_slice %arg2[%dma_wait3A_56, %dma_wait3A_57] : memref<10240x128xf32, #tpu.memory_space<hbm>> -> memref<128x128xf32, #tpu.memory_space<hbm>>
    %dma_wait3A_59 = arith.constant 0 : i32
    %dma_wait3A_60 = arith.constant 0 : i32
    %dma_wait3A_61 = tpu.memref_slice %arg2[%dma_wait3A_59, %dma_wait3A_60] : memref<10240x128xf32, #tpu.memory_space<hbm>> -> memref<128x128xf32, #tpu.memory_space<hbm>>
    tpu.wait_dma2 semaphore(%arg11 : memref<!tpu.dma_semaphore, #tpu.memory_space<semaphore_mem>>) src(%dma_wait3A_61 : memref<128x128xf32, #tpu.memory_space<hbm>>) dst(%arg8 : memref<128x128xf32, #tpu.memory_space<vmem>>)
    %barrier3A_62 = arith.constant 0 : index
    tpu.barrier barrier_id(%barrier3A_62)
    %mul3A_63 = arith.constant 640 : i32
    %mul3A_64 = arith.muli %arg1, %mul3A_63 : i32
    %mul3A_65 = arith.constant 640 : i32
    %mul3A_66 = arith.muli %arg1, %mul3A_65 : i32
    "tpu.region"() ({
      %run_scoped3A = tpu.sem_alloc : memref<!tpu.dma_semaphore, #tpu.memory_space<semaphore_mem>>
      %dma_start3A_67 = arith.constant 0 : i32
      %dma_start3A_68 = tpu.memref_slice %arg5[%arg0, %mul3A_66, %dma_start3A_67] : memref<2x10240x128xf32, #tpu.memory_space<hbm>> -> memref<1x640x128xf32, #tpu.memory_space<hbm>>
      %dma_start3A_69 = tpu.memref_squeeze %dma_start3A_68 : memref<1x640x128xf32, #tpu.memory_space<hbm>> -> memref<640x128xf32, #tpu.memory_space<hbm>>
      %dma_start3A_70 = arith.constant 0 : i32
      %dma_start3A_71 = tpu.memref_slice %arg10[%mul3A_64, %dma_start3A_70] : memref<10240x128xf32, #tpu.memory_space<vmem_shared>> -> memref<640x128xf32, #tpu.memory_space<vmem_shared>>
      tpu.enqueue_dma source(%dma_start3A_71 : memref<640x128xf32, #tpu.memory_space<vmem_shared>>) target(%dma_start3A_69 : memref<640x128xf32, #tpu.memory_space<hbm>>) target_semaphore(%run_scoped3A : memref<!tpu.dma_semaphore, #tpu.memory_space<semaphore_mem>>)
      %dma_wait3A_72 = arith.constant 0 : i32
      %dma_wait3A_73 = tpu.memref_slice %arg5[%arg0, %mul3A_66, %dma_wait3A_72] : memref<2x10240x128xf32, #tpu.memory_space<hbm>> -> memref<1x640x128xf32, #tpu.memory_space<hbm>>
      %dma_wait3A_74 = tpu.memref_squeeze %dma_wait3A_73 : memref<1x640x128xf32, #tpu.memory_space<hbm>> -> memref<640x128xf32, #tpu.memory_space<hbm>>
      %dma_wait3A_75 = arith.constant 0 : i32
      %dma_wait3A_76 = tpu.memref_slice %arg10[%mul3A_64, %dma_wait3A_75] : memref<10240x128xf32, #tpu.memory_space<vmem_shared>> -> memref<640x128xf32, #tpu.memory_space<vmem_shared>>
      tpu.wait_dma2 semaphore(%run_scoped3A : memref<!tpu.dma_semaphore, #tpu.memory_space<semaphore_mem>>) src(%dma_wait3A_76 : memref<640x128xf32, #tpu.memory_space<vmem_shared>>) dst(%dma_wait3A_74 : memref<640x128xf32, #tpu.memory_space<hbm>>)
      tpu.yield
    }) : () -> ()
    return
  }
}

#map = affine_map<(d0, d1) -> (0, 0)>
#map1 = affine_map<(d0, d1) -> (0, 0, 0)>
module attributes {stable_mosaic.version = 14 : i64} {
  func.func @body_gather(%arg0: i32, %arg1: i32, %arg2: memref<10240x128xf32, #tpu.memory_space<hbm>>, %arg3: memref<32x80x128xi32, #tpu.memory_space<hbm>>, %arg4: memref<32x80x128xi32, #tpu.memory_space<hbm>>, %arg5: memref<2x10240x128xf32, #tpu.memory_space<hbm>>, %arg6: memref<40x128xi32, #tpu.memory_space<vmem>>, %arg7: memref<40x128xi32, #tpu.memory_space<vmem>>, %arg8: memref<128x128xf32, #tpu.memory_space<vmem>>, %arg9: memref<128x128xf32, #tpu.memory_space<vmem>>, %arg10: memref<10240x128xf32, #tpu.memory_space<vmem_shared>>, %arg11: memref<!tpu.dma_semaphore, #tpu.memory_space<semaphore_mem>>, %arg12: memref<!tpu.dma_semaphore, #tpu.memory_space<semaphore_mem>>) attributes {dimension_semantics = [#tpu.dimension_semantics<core_parallel>, #tpu.dimension_semantics<subcore_parallel>], iteration_bounds = array<i64: 2, 16>, scalar_prefetch = 0 : i64, scratch_operands = 7 : i64, tpu.core_type = #tpu.core_type<sc_vector_subcore>, window_params = [{transform_indices = #map}, {transform_indices = #map1}, {transform_indices = #map1}, {transform_indices = #map1}]} {
    %mul3A = arith.constant 2 : i32
    %mul3A_0 = arith.muli %arg1, %mul3A : i32
    %add3A = arith.addi %mul3A_0, %arg0 : i32
    %scan3A = arith.constant 0 : i32
    %scan3A_1 = arith.constant 0 : i32
    %scan3A_2 = arith.constant 1024 : i32
    %scan3A_3 = arith.addi %scan3A_1, %scan3A_2 : i32
    %scan3A_4 = arith.constant 1 : i32
    scf.for %scan3A_67 = %scan3A_1 to %scan3A_3 step %scan3A_4  : i32 {
      %broadcast_in_dim3A = arith.constant 0.000000e+00 : f32
      %broadcast_in_dim3A_68 = vector.broadcast %broadcast_in_dim3A : f32 to vector<16xf32>
      %jit3A = arith.constant 8 : i32
      %div3A = arith.divsi %scan3A_67, %jit3A : i32
      %sign3A = arith.constant 0 : i32
      %sign3A_69 = arith.cmpi sgt, %scan3A_67, %sign3A : i32
      %sign3A_70 = arith.extui %sign3A_69 : i1 to i32
      %sign3A_71 = arith.constant 0 : i32
      %sign3A_72 = arith.cmpi slt, %scan3A_67, %sign3A_71 : i32
      %sign3A_73 = arith.extui %sign3A_72 : i1 to i32
      %sign3A_74 = arith.subi %sign3A_70, %sign3A_73 : i32
      %sign3A_75 = arith.constant 0 : i32
      %sign3A_76 = arith.cmpi sgt, %jit3A, %sign3A_75 : i32
      %sign3A_77 = arith.extui %sign3A_76 : i1 to i32
      %sign3A_78 = arith.constant 0 : i32
      %sign3A_79 = arith.cmpi slt, %jit3A, %sign3A_78 : i32
      %sign3A_80 = arith.extui %sign3A_79 : i1 to i32
      %sign3A_81 = arith.subi %sign3A_77, %sign3A_80 : i32
      %ne3A = arith.cmpi ne, %sign3A_74, %sign3A_81 : i32
      %rem3A = arith.remsi %scan3A_67, %jit3A : i32
      %ne3A_82 = arith.constant 0 : i32
      %ne3A_83 = arith.cmpi ne, %rem3A, %ne3A_82 : i32
      %and3A = arith.andi %ne3A, %ne3A_83 : i1
      %sub3A = arith.constant 1 : i32
      %sub3A_84 = arith.subi %div3A, %sub3A : i32
      %select_n3A = arith.select %and3A, %sub3A_84, %div3A : i32
      %jit3A_85 = arith.constant 8 : i32
      %eq3A = arith.constant 0 : i32
      %eq3A_86 = arith.cmpi eq, %jit3A_85, %eq3A : i32
      %jit3A_87 = arith.constant 1 : i32
      %select_n3A_88 = arith.select %eq3A_86, %jit3A_87, %jit3A_85 : i32
      %rem3A_89 = arith.remsi %scan3A_67, %select_n3A_88 : i32
      %ne3A_90 = arith.constant 0 : i32
      %ne3A_91 = arith.cmpi ne, %rem3A_89, %ne3A_90 : i32
      %lt3A = arith.constant 0 : i32
      %lt3A_92 = arith.cmpi slt, %rem3A_89, %lt3A : i32
      %lt3A_93 = arith.constant 0 : i32
      %lt3A_94 = arith.cmpi slt, %select_n3A_88, %lt3A_93 : i32
      %ne3A_95 = arith.xori %lt3A_92, %lt3A_94 : i1
      %and3A_96 = arith.andi %ne3A_95, %ne3A_91 : i1
      %add3A_97 = arith.addi %rem3A_89, %select_n3A_88 : i32
      %select_n3A_98 = arith.select %and3A_96, %add3A_97, %rem3A_89 : i32
      %mul3A_99 = arith.constant 16 : i32
      %mul3A_100 = arith.muli %select_n3A_98, %mul3A_99 : i32
      %swap3A = arith.index_cast %select_n3A : i32 to index
      %swap3A_101 = arith.index_cast %mul3A_100 : i32 to index
      %swap3A_102 = tpu.vector_load %arg8[%swap3A, %swap3A_101] {strides = array<i32>} : memref<128x128xf32, #tpu.memory_space<vmem>>, vector<1x16xf32>,
      %swap3A_103 = vector.shape_cast %swap3A_102 : vector<1x16xf32> to vector<16xf32>
      %swap3A_104 = vector.shape_cast %broadcast_in_dim3A_68 : vector<16xf32> to vector<1x16xf32>
      tpu.vector_store %arg8[%swap3A, %swap3A_101], %swap3A_104 {strides = array<i32>} : memref<128x128xf32, #tpu.memory_space<vmem>>, vector<1x16xf32>,
    }
    %scan3A_5 = arith.constant 1024 : i32
    %mul3A_6 = arith.constant 640 : i32
    %mul3A_7 = arith.muli %arg1, %mul3A_6 : i32
    %add3A_8 = arith.constant 0 : i32
    %add3A_9 = arith.addi %mul3A_7, %add3A_8 : i32
    "tpu.region"() ({
      %run_scoped3A = tpu.sem_alloc : memref<!tpu.dma_semaphore, #tpu.memory_space<semaphore_mem>>
      %dma_start3A_67 = arith.constant 0 : i32
      %dma_start3A_68 = tpu.memref_slice %arg10[%add3A_9, %dma_start3A_67] : memref<10240x128xf32, #tpu.memory_space<vmem_shared>> -> memref<128x128xf32, #tpu.memory_space<vmem_shared>>
      %dma_start3A_69 = arith.constant 0 : i32
      %dma_start3A_70 = tpu.memref_slice %arg10[%add3A_9, %dma_start3A_69] : memref<10240x128xf32, #tpu.memory_space<vmem_shared>> -> memref<128x128xf32, #tpu.memory_space<vmem_shared>>
      tpu.enqueue_dma source(%arg8 : memref<128x128xf32, #tpu.memory_space<vmem>>) target(%dma_start3A_70 : memref<128x128xf32, #tpu.memory_space<vmem_shared>>) target_semaphore(%run_scoped3A : memref<!tpu.dma_semaphore, #tpu.memory_space<semaphore_mem>>)
      %dma_wait3A_71 = arith.constant 0 : i32
      %dma_wait3A_72 = tpu.memref_slice %arg10[%add3A_9, %dma_wait3A_71] : memref<10240x128xf32, #tpu.memory_space<vmem_shared>> -> memref<128x128xf32, #tpu.memory_space<vmem_shared>>
      %dma_wait3A_73 = arith.constant 0 : i32
      %dma_wait3A_74 = tpu.memref_slice %arg10[%add3A_9, %dma_wait3A_73] : memref<10240x128xf32, #tpu.memory_space<vmem_shared>> -> memref<128x128xf32, #tpu.memory_space<vmem_shared>>
      tpu.wait_dma2 semaphore(%run_scoped3A : memref<!tpu.dma_semaphore, #tpu.memory_space<semaphore_mem>>) src(%arg8 : memref<128x128xf32, #tpu.memory_space<vmem>>) dst(%dma_wait3A_74 : memref<128x128xf32, #tpu.memory_space<vmem_shared>>)
      tpu.yield
    }) : () -> ()
    %mul3A_10 = arith.constant 640 : i32
    %mul3A_11 = arith.muli %arg1, %mul3A_10 : i32
    %add3A_12 = arith.constant 128 : i32
    %add3A_13 = arith.addi %mul3A_11, %add3A_12 : i32
    "tpu.region"() ({
      %run_scoped3A = tpu.sem_alloc : memref<!tpu.dma_semaphore, #tpu.memory_space<semaphore_mem>>
      %dma_start3A_67 = arith.constant 0 : i32
      %dma_start3A_68 = tpu.memref_slice %arg10[%add3A_13, %dma_start3A_67] : memref<10240x128xf32, #tpu.memory_space<vmem_shared>> -> memref<128x128xf32, #tpu.memory_space<vmem_shared>>
      %dma_start3A_69 = arith.constant 0 : i32
      %dma_start3A_70 = tpu.memref_slice %arg10[%add3A_13, %dma_start3A_69] : memref<10240x128xf32, #tpu.memory_space<vmem_shared>> -> memref<128x128xf32, #tpu.memory_space<vmem_shared>>
      tpu.enqueue_dma source(%arg8 : memref<128x128xf32, #tpu.memory_space<vmem>>) target(%dma_start3A_70 : memref<128x128xf32, #tpu.memory_space<vmem_shared>>) target_semaphore(%run_scoped3A : memref<!tpu.dma_semaphore, #tpu.memory_space<semaphore_mem>>)
      %dma_wait3A_71 = arith.constant 0 : i32
      %dma_wait3A_72 = tpu.memref_slice %arg10[%add3A_13, %dma_wait3A_71] : memref<10240x128xf32, #tpu.memory_space<vmem_shared>> -> memref<128x128xf32, #tpu.memory_space<vmem_shared>>
      %dma_wait3A_73 = arith.constant 0 : i32
      %dma_wait3A_74 = tpu.memref_slice %arg10[%add3A_13, %dma_wait3A_73] : memref<10240x128xf32, #tpu.memory_space<vmem_shared>> -> memref<128x128xf32, #tpu.memory_space<vmem_shared>>
      tpu.wait_dma2 semaphore(%run_scoped3A : memref<!tpu.dma_semaphore, #tpu.memory_space<semaphore_mem>>) src(%arg8 : memref<128x128xf32, #tpu.memory_space<vmem>>) dst(%dma_wait3A_74 : memref<128x128xf32, #tpu.memory_space<vmem_shared>>)
      tpu.yield
    }) : () -> ()
    %mul3A_14 = arith.constant 640 : i32
    %mul3A_15 = arith.muli %arg1, %mul3A_14 : i32
    %add3A_16 = arith.constant 256 : i32
    %add3A_17 = arith.addi %mul3A_15, %add3A_16 : i32
    "tpu.region"() ({
      %run_scoped3A = tpu.sem_alloc : memref<!tpu.dma_semaphore, #tpu.memory_space<semaphore_mem>>
      %dma_start3A_67 = arith.constant 0 : i32
      %dma_start3A_68 = tpu.memref_slice %arg10[%add3A_17, %dma_start3A_67] : memref<10240x128xf32, #tpu.memory_space<vmem_shared>> -> memref<128x128xf32, #tpu.memory_space<vmem_shared>>
      %dma_start3A_69 = arith.constant 0 : i32
      %dma_start3A_70 = tpu.memref_slice %arg10[%add3A_17, %dma_start3A_69] : memref<10240x128xf32, #tpu.memory_space<vmem_shared>> -> memref<128x128xf32, #tpu.memory_space<vmem_shared>>
      tpu.enqueue_dma source(%arg8 : memref<128x128xf32, #tpu.memory_space<vmem>>) target(%dma_start3A_70 : memref<128x128xf32, #tpu.memory_space<vmem_shared>>) target_semaphore(%run_scoped3A : memref<!tpu.dma_semaphore, #tpu.memory_space<semaphore_mem>>)
      %dma_wait3A_71 = arith.constant 0 : i32
      %dma_wait3A_72 = tpu.memref_slice %arg10[%add3A_17, %dma_wait3A_71] : memref<10240x128xf32, #tpu.memory_space<vmem_shared>> -> memref<128x128xf32, #tpu.memory_space<vmem_shared>>
      %dma_wait3A_73 = arith.constant 0 : i32
      %dma_wait3A_74 = tpu.memref_slice %arg10[%add3A_17, %dma_wait3A_73] : memref<10240x128xf32, #tpu.memory_space<vmem_shared>> -> memref<128x128xf32, #tpu.memory_space<vmem_shared>>
      tpu.wait_dma2 semaphore(%run_scoped3A : memref<!tpu.dma_semaphore, #tpu.memory_space<semaphore_mem>>) src(%arg8 : memref<128x128xf32, #tpu.memory_space<vmem>>) dst(%dma_wait3A_74 : memref<128x128xf32, #tpu.memory_space<vmem_shared>>)
      tpu.yield
    }) : () -> ()
    %mul3A_18 = arith.constant 640 : i32
    %mul3A_19 = arith.muli %arg1, %mul3A_18 : i32
    %add3A_20 = arith.constant 384 : i32
    %add3A_21 = arith.addi %mul3A_19, %add3A_20 : i32
    "tpu.region"() ({
      %run_scoped3A = tpu.sem_alloc : memref<!tpu.dma_semaphore, #tpu.memory_space<semaphore_mem>>
      %dma_start3A_67 = arith.constant 0 : i32
      %dma_start3A_68 = tpu.memref_slice %arg10[%add3A_21, %dma_start3A_67] : memref<10240x128xf32, #tpu.memory_space<vmem_shared>> -> memref<128x128xf32, #tpu.memory_space<vmem_shared>>
      %dma_start3A_69 = arith.constant 0 : i32
      %dma_start3A_70 = tpu.memref_slice %arg10[%add3A_21, %dma_start3A_69] : memref<10240x128xf32, #tpu.memory_space<vmem_shared>> -> memref<128x128xf32, #tpu.memory_space<vmem_shared>>
      tpu.enqueue_dma source(%arg8 : memref<128x128xf32, #tpu.memory_space<vmem>>) target(%dma_start3A_70 : memref<128x128xf32, #tpu.memory_space<vmem_shared>>) target_semaphore(%run_scoped3A : memref<!tpu.dma_semaphore, #tpu.memory_space<semaphore_mem>>)
      %dma_wait3A_71 = arith.constant 0 : i32
      %dma_wait3A_72 = tpu.memref_slice %arg10[%add3A_21, %dma_wait3A_71] : memref<10240x128xf32, #tpu.memory_space<vmem_shared>> -> memref<128x128xf32, #tpu.memory_space<vmem_shared>>
      %dma_wait3A_73 = arith.constant 0 : i32
      %dma_wait3A_74 = tpu.memref_slice %arg10[%add3A_21, %dma_wait3A_73] : memref<10240x128xf32, #tpu.memory_space<vmem_shared>> -> memref<128x128xf32, #tpu.memory_space<vmem_shared>>
      tpu.wait_dma2 semaphore(%run_scoped3A : memref<!tpu.dma_semaphore, #tpu.memory_space<semaphore_mem>>) src(%arg8 : memref<128x128xf32, #tpu.memory_space<vmem>>) dst(%dma_wait3A_74 : memref<128x128xf32, #tpu.memory_space<vmem_shared>>)
      tpu.yield
    }) : () -> ()
    %mul3A_22 = arith.constant 640 : i32
    %mul3A_23 = arith.muli %arg1, %mul3A_22 : i32
    %add3A_24 = arith.constant 512 : i32
    %add3A_25 = arith.addi %mul3A_23, %add3A_24 : i32
    "tpu.region"() ({
      %run_scoped3A = tpu.sem_alloc : memref<!tpu.dma_semaphore, #tpu.memory_space<semaphore_mem>>
      %dma_start3A_67 = arith.constant 0 : i32
      %dma_start3A_68 = tpu.memref_slice %arg10[%add3A_25, %dma_start3A_67] : memref<10240x128xf32, #tpu.memory_space<vmem_shared>> -> memref<128x128xf32, #tpu.memory_space<vmem_shared>>
      %dma_start3A_69 = arith.constant 0 : i32
      %dma_start3A_70 = tpu.memref_slice %arg10[%add3A_25, %dma_start3A_69] : memref<10240x128xf32, #tpu.memory_space<vmem_shared>> -> memref<128x128xf32, #tpu.memory_space<vmem_shared>>
      tpu.enqueue_dma source(%arg8 : memref<128x128xf32, #tpu.memory_space<vmem>>) target(%dma_start3A_70 : memref<128x128xf32, #tpu.memory_space<vmem_shared>>) target_semaphore(%run_scoped3A : memref<!tpu.dma_semaphore, #tpu.memory_space<semaphore_mem>>)
      %dma_wait3A_71 = arith.constant 0 : i32
      %dma_wait3A_72 = tpu.memref_slice %arg10[%add3A_25, %dma_wait3A_71] : memref<10240x128xf32, #tpu.memory_space<vmem_shared>> -> memref<128x128xf32, #tpu.memory_space<vmem_shared>>
      %dma_wait3A_73 = arith.constant 0 : i32
      %dma_wait3A_74 = tpu.memref_slice %arg10[%add3A_25, %dma_wait3A_73] : memref<10240x128xf32, #tpu.memory_space<vmem_shared>> -> memref<128x128xf32, #tpu.memory_space<vmem_shared>>
      tpu.wait_dma2 semaphore(%run_scoped3A : memref<!tpu.dma_semaphore, #tpu.memory_space<semaphore_mem>>) src(%arg8 : memref<128x128xf32, #tpu.memory_space<vmem>>) dst(%dma_wait3A_74 : memref<128x128xf32, #tpu.memory_space<vmem_shared>>)
      tpu.yield
    }) : () -> ()
    %barrier3A = arith.constant 0 : index
    tpu.barrier barrier_id(%barrier3A)
    "tpu.region"() ({
      %run_scoped3A = tpu.sem_alloc : memref<!tpu.dma_semaphore, #tpu.memory_space<semaphore_mem>>
      %dma_start3A_67 = arith.constant 0 : i32
      %dma_start3A_68 = arith.constant 0 : i32
      %dma_start3A_69 = tpu.memref_slice %arg3[%add3A, %dma_start3A_67, %dma_start3A_68] : memref<32x80x128xi32, #tpu.memory_space<hbm>> -> memref<1x40x128xi32, #tpu.memory_space<hbm>>
      %dma_start3A_70 = tpu.memref_squeeze %dma_start3A_69 : memref<1x40x128xi32, #tpu.memory_space<hbm>> -> memref<40x128xi32, #tpu.memory_space<hbm>>
      %dma_start3A_71 = arith.constant 0 : i32
      %dma_start3A_72 = arith.constant 0 : i32
      %dma_start3A_73 = tpu.memref_slice %arg3[%add3A, %dma_start3A_71, %dma_start3A_72] : memref<32x80x128xi32, #tpu.memory_space<hbm>> -> memref<1x40x128xi32, #tpu.memory_space<hbm>>
      %dma_start3A_74 = tpu.memref_squeeze %dma_start3A_73 : memref<1x40x128xi32, #tpu.memory_space<hbm>> -> memref<40x128xi32, #tpu.memory_space<hbm>>
      tpu.enqueue_dma source(%dma_start3A_74 : memref<40x128xi32, #tpu.memory_space<hbm>>) target(%arg6 : memref<40x128xi32, #tpu.memory_space<vmem>>) target_semaphore(%run_scoped3A : memref<!tpu.dma_semaphore, #tpu.memory_space<semaphore_mem>>)
      %dma_wait3A_75 = arith.constant 0 : i32
      %dma_wait3A_76 = arith.constant 0 : i32
      %dma_wait3A_77 = tpu.memref_slice %arg3[%add3A, %dma_wait3A_75, %dma_wait3A_76] : memref<32x80x128xi32, #tpu.memory_space<hbm>> -> memref<1x40x128xi32, #tpu.memory_space<hbm>>
      %dma_wait3A_78 = tpu.memref_squeeze %dma_wait3A_77 : memref<1x40x128xi32, #tpu.memory_space<hbm>> -> memref<40x128xi32, #tpu.memory_space<hbm>>
      %dma_wait3A_79 = arith.constant 0 : i32
      %dma_wait3A_80 = arith.constant 0 : i32
      %dma_wait3A_81 = tpu.memref_slice %arg3[%add3A, %dma_wait3A_79, %dma_wait3A_80] : memref<32x80x128xi32, #tpu.memory_space<hbm>> -> memref<1x40x128xi32, #tpu.memory_space<hbm>>
      %dma_wait3A_82 = tpu.memref_squeeze %dma_wait3A_81 : memref<1x40x128xi32, #tpu.memory_space<hbm>> -> memref<40x128xi32, #tpu.memory_space<hbm>>
      tpu.wait_dma2 semaphore(%run_scoped3A : memref<!tpu.dma_semaphore, #tpu.memory_space<semaphore_mem>>) src(%dma_wait3A_82 : memref<40x128xi32, #tpu.memory_space<hbm>>) dst(%arg6 : memref<40x128xi32, #tpu.memory_space<vmem>>)
      tpu.yield
    }) : () -> ()
    "tpu.region"() ({
      %run_scoped3A = tpu.sem_alloc : memref<!tpu.dma_semaphore, #tpu.memory_space<semaphore_mem>>
      %dma_start3A_67 = arith.constant 0 : i32
      %dma_start3A_68 = arith.constant 0 : i32
      %dma_start3A_69 = tpu.memref_slice %arg4[%add3A, %dma_start3A_67, %dma_start3A_68] : memref<32x80x128xi32, #tpu.memory_space<hbm>> -> memref<1x40x128xi32, #tpu.memory_space<hbm>>
      %dma_start3A_70 = tpu.memref_squeeze %dma_start3A_69 : memref<1x40x128xi32, #tpu.memory_space<hbm>> -> memref<40x128xi32, #tpu.memory_space<hbm>>
      %dma_start3A_71 = arith.constant 0 : i32
      %dma_start3A_72 = arith.constant 0 : i32
      %dma_start3A_73 = tpu.memref_slice %arg4[%add3A, %dma_start3A_71, %dma_start3A_72] : memref<32x80x128xi32, #tpu.memory_space<hbm>> -> memref<1x40x128xi32, #tpu.memory_space<hbm>>
      %dma_start3A_74 = tpu.memref_squeeze %dma_start3A_73 : memref<1x40x128xi32, #tpu.memory_space<hbm>> -> memref<40x128xi32, #tpu.memory_space<hbm>>
      tpu.enqueue_dma source(%dma_start3A_74 : memref<40x128xi32, #tpu.memory_space<hbm>>) target(%arg7 : memref<40x128xi32, #tpu.memory_space<vmem>>) target_semaphore(%run_scoped3A : memref<!tpu.dma_semaphore, #tpu.memory_space<semaphore_mem>>)
      %dma_wait3A_75 = arith.constant 0 : i32
      %dma_wait3A_76 = arith.constant 0 : i32
      %dma_wait3A_77 = tpu.memref_slice %arg4[%add3A, %dma_wait3A_75, %dma_wait3A_76] : memref<32x80x128xi32, #tpu.memory_space<hbm>> -> memref<1x40x128xi32, #tpu.memory_space<hbm>>
      %dma_wait3A_78 = tpu.memref_squeeze %dma_wait3A_77 : memref<1x40x128xi32, #tpu.memory_space<hbm>> -> memref<40x128xi32, #tpu.memory_space<hbm>>
      %dma_wait3A_79 = arith.constant 0 : i32
      %dma_wait3A_80 = arith.constant 0 : i32
      %dma_wait3A_81 = tpu.memref_slice %arg4[%add3A, %dma_wait3A_79, %dma_wait3A_80] : memref<32x80x128xi32, #tpu.memory_space<hbm>> -> memref<1x40x128xi32, #tpu.memory_space<hbm>>
      %dma_wait3A_82 = tpu.memref_squeeze %dma_wait3A_81 : memref<1x40x128xi32, #tpu.memory_space<hbm>> -> memref<40x128xi32, #tpu.memory_space<hbm>>
      tpu.wait_dma2 semaphore(%run_scoped3A : memref<!tpu.dma_semaphore, #tpu.memory_space<semaphore_mem>>) src(%dma_wait3A_82 : memref<40x128xi32, #tpu.memory_space<hbm>>) dst(%arg7 : memref<40x128xi32, #tpu.memory_space<vmem>>)
      tpu.yield
    }) : () -> ()
    %dma_start3A = arith.constant 0 : i32
    %dma_start3A_26 = arith.constant 0 : i32
    %dma_start3A_27 = tpu.memref_slice %arg6[%dma_start3A, %dma_start3A_26] : memref<40x128xi32, #tpu.memory_space<vmem>> -> memref<1x128xi32, #tpu.memory_space<vmem>>
    %dma_start3A_28 = tpu.memref_squeeze %dma_start3A_27 : memref<1x128xi32, #tpu.memory_space<vmem>> -> memref<128xi32, #tpu.memory_space<vmem>>
    %dma_start3A_29 = arith.constant 0 : i32
    %dma_start3A_30 = arith.constant 0 : i32
    %dma_start3A_31 = tpu.memref_slice %arg2[%dma_start3A_29, %dma_start3A_30] : memref<10240x128xf32, #tpu.memory_space<hbm>> -> memref<10240x128xf32, #tpu.memory_space<hbm>>
    tpu.enqueue_indirect_dma source(%dma_start3A_31 : memref<10240x128xf32, #tpu.memory_space<hbm>>) target(%arg8 : memref<128x128xf32, #tpu.memory_space<vmem>>) offsets(%dma_start3A_28 : memref<128xi32, #tpu.memory_space<vmem>>) semaphore(%arg11 : memref<!tpu.dma_semaphore, #tpu.memory_space<semaphore_mem>>)
    %scan3A_32 = arith.constant 0 : i32
    %scan3A_33 = arith.constant 0 : i32
    %scan3A_34 = arith.constant 20 : i32
    %scan3A_35 = arith.addi %scan3A_33, %scan3A_34 : i32
    %scan3A_36 = arith.constant 1 : i32
    scf.for %scan3A_67 = %scan3A_33 to %scan3A_35 step %scan3A_36  : i32 {
      %mul3A_68 = arith.constant 2 : i32
      %mul3A_69 = arith.muli %mul3A_68, %scan3A_67 : i32
      %add3A_70 = arith.constant 1 : i32
      %add3A_71 = arith.addi %mul3A_69, %add3A_70 : i32
      %dma_start3A_72 = arith.constant 0 : i32
      %dma_start3A_73 = tpu.memref_slice %arg6[%add3A_71, %dma_start3A_72] : memref<40x128xi32, #tpu.memory_space<vmem>> -> memref<1x128xi32, #tpu.memory_space<vmem>>
      %dma_start3A_74 = tpu.memref_squeeze %dma_start3A_73 : memref<1x128xi32, #tpu.memory_space<vmem>> -> memref<128xi32, #tpu.memory_space<vmem>>
      %dma_start3A_75 = arith.constant 0 : i32
      %dma_start3A_76 = arith.constant 0 : i32
      %dma_start3A_77 = tpu.memref_slice %arg2[%dma_start3A_75, %dma_start3A_76] : memref<10240x128xf32, #tpu.memory_space<hbm>> -> memref<10240x128xf32, #tpu.memory_space<hbm>>
      tpu.enqueue_indirect_dma source(%dma_start3A_77 : memref<10240x128xf32, #tpu.memory_space<hbm>>) target(%arg9 : memref<128x128xf32, #tpu.memory_space<vmem>>) offsets(%dma_start3A_74 : memref<128xi32, #tpu.memory_space<vmem>>) semaphore(%arg12 : memref<!tpu.dma_semaphore, #tpu.memory_space<semaphore_mem>>)
      %dma_wait3A_78 = arith.constant 0 : i32
      %dma_wait3A_79 = arith.constant 0 : i32
      %dma_wait3A_80 = tpu.memref_slice %arg2[%dma_wait3A_78, %dma_wait3A_79] : memref<10240x128xf32, #tpu.memory_space<hbm>> -> memref<128x128xf32, #tpu.memory_space<hbm>>
      %dma_wait3A_81 = arith.constant 0 : i32
      %dma_wait3A_82 = arith.constant 0 : i32
      %dma_wait3A_83 = tpu.memref_slice %arg2[%dma_wait3A_81, %dma_wait3A_82] : memref<10240x128xf32, #tpu.memory_space<hbm>> -> memref<128x128xf32, #tpu.memory_space<hbm>>
      tpu.wait_dma2 semaphore(%arg11 : memref<!tpu.dma_semaphore, #tpu.memory_space<semaphore_mem>>) src(%dma_wait3A_83 : memref<128x128xf32, #tpu.memory_space<hbm>>) dst(%arg8 : memref<128x128xf32, #tpu.memory_space<vmem>>)
      "tpu.region"() ({
        %run_scoped3A = tpu.sem_alloc : memref<!tpu.dma_semaphore, #tpu.memory_space<semaphore_mem>>
        %dma_start3A_101 = arith.constant 0 : i32
        %dma_start3A_102 = tpu.memref_slice %arg7[%mul3A_69, %dma_start3A_101] : memref<40x128xi32, #tpu.memory_space<vmem>> -> memref<1x128xi32, #tpu.memory_space<vmem>>
        %dma_start3A_103 = tpu.memref_squeeze %dma_start3A_102 : memref<1x128xi32, #tpu.memory_space<vmem>> -> memref<128xi32, #tpu.memory_space<vmem>>
        %dma_start3A_104 = arith.constant 0 : i32
        %dma_start3A_105 = arith.constant 0 : i32
        %dma_start3A_106 = tpu.memref_slice %arg10[%dma_start3A_104, %dma_start3A_105] : memref<10240x128xf32, #tpu.memory_space<vmem_shared>> -> memref<10240x128xf32, #tpu.memory_space<vmem_shared>>
        tpu.enqueue_indirect_dma source(%arg8 : memref<128x128xf32, #tpu.memory_space<vmem>>) target(%dma_start3A_106 : memref<10240x128xf32, #tpu.memory_space<vmem_shared>>) offsets(%dma_start3A_103 : memref<128xi32, #tpu.memory_space<vmem>>) semaphore(%run_scoped3A : memref<!tpu.dma_semaphore, #tpu.memory_space<semaphore_mem>>) {add = true}
        %dma_wait3A_107 = arith.constant 0 : i32
        %dma_wait3A_108 = tpu.memref_slice %arg7[%mul3A_69, %dma_wait3A_107] : memref<40x128xi32, #tpu.memory_space<vmem>> -> memref<1x128xi32, #tpu.memory_space<vmem>>
        %dma_wait3A_109 = tpu.memref_squeeze %dma_wait3A_108 : memref<1x128xi32, #tpu.memory_space<vmem>> -> memref<128xi32, #tpu.memory_space<vmem>>
        %dma_wait3A_110 = arith.constant 0 : i32
        %dma_wait3A_111 = arith.constant 0 : i32
        %dma_wait3A_112 = tpu.memref_slice %arg10[%dma_wait3A_110, %dma_wait3A_111] : memref<10240x128xf32, #tpu.memory_space<vmem_shared>> -> memref<10240x128xf32, #tpu.memory_space<vmem_shared>>
        tpu.wait_indirect_dma semaphore(%run_scoped3A : memref<!tpu.dma_semaphore, #tpu.memory_space<semaphore_mem>>) src(%arg8 : memref<128x128xf32, #tpu.memory_space<vmem>>) dst(%dma_wait3A_112 : memref<10240x128xf32, #tpu.memory_space<vmem_shared>>)
        tpu.yield
      }) : () -> ()
      %add3A_84 = arith.constant 2 : i32
      %add3A_85 = arith.addi %mul3A_69, %add3A_84 : i32
      %min3A = arith.constant 39 : i32
      %min3A_86 = arith.minsi %add3A_85, %min3A : i32
      %dma_start3A_87 = arith.constant 0 : i32
      %dma_start3A_88 = tpu.memref_slice %arg6[%min3A_86, %dma_start3A_87] : memref<40x128xi32, #tpu.memory_space<vmem>> -> memref<1x128xi32, #tpu.memory_space<vmem>>
      %dma_start3A_89 = tpu.memref_squeeze %dma_start3A_88 : memref<1x128xi32, #tpu.memory_space<vmem>> -> memref<128xi32, #tpu.memory_space<vmem>>
      %dma_start3A_90 = arith.constant 0 : i32
      %dma_start3A_91 = arith.constant 0 : i32
      %dma_start3A_92 = tpu.memref_slice %arg2[%dma_start3A_90, %dma_start3A_91] : memref<10240x128xf32, #tpu.memory_space<hbm>> -> memref<10240x128xf32, #tpu.memory_space<hbm>>
      tpu.enqueue_indirect_dma source(%dma_start3A_92 : memref<10240x128xf32, #tpu.memory_space<hbm>>) target(%arg8 : memref<128x128xf32, #tpu.memory_space<vmem>>) offsets(%dma_start3A_89 : memref<128xi32, #tpu.memory_space<vmem>>) semaphore(%arg11 : memref<!tpu.dma_semaphore, #tpu.memory_space<semaphore_mem>>)
      %dma_wait3A_93 = arith.constant 0 : i32
      %dma_wait3A_94 = arith.constant 0 : i32
      %dma_wait3A_95 = tpu.memref_slice %arg2[%dma_wait3A_93, %dma_wait3A_94] : memref<10240x128xf32, #tpu.memory_space<hbm>> -> memref<128x128xf32, #tpu.memory_space<hbm>>
      %dma_wait3A_96 = arith.constant 0 : i32
      %dma_wait3A_97 = arith.constant 0 : i32
      %dma_wait3A_98 = tpu.memref_slice %arg2[%dma_wait3A_96, %dma_wait3A_97] : memref<10240x128xf32, #tpu.memory_space<hbm>> -> memref<128x128xf32, #tpu.memory_space<hbm>>
      tpu.wait_dma2 semaphore(%arg12 : memref<!tpu.dma_semaphore, #tpu.memory_space<semaphore_mem>>) src(%dma_wait3A_98 : memref<128x128xf32, #tpu.memory_space<hbm>>) dst(%arg9 : memref<128x128xf32, #tpu.memory_space<vmem>>)
      %add3A_99 = arith.constant 1 : i32
      %add3A_100 = arith.addi %mul3A_69, %add3A_99 : i32
      "tpu.region"() ({
        %run_scoped3A = tpu.sem_alloc : memref<!tpu.dma_semaphore, #tpu.memory_space<semaphore_mem>>
        %dma_start3A_101 = arith.constant 0 : i32
        %dma_start3A_102 = tpu.memref_slice %arg7[%add3A_100, %dma_start3A_101] : memref<40x128xi32, #tpu.memory_space<vmem>> -> memref<1x128xi32, #tpu.memory_space<vmem>>
        %dma_start3A_103 = tpu.memref_squeeze %dma_start3A_102 : memref<1x128xi32, #tpu.memory_space<vmem>> -> memref<128xi32, #tpu.memory_space<vmem>>
        %dma_start3A_104 = arith.constant 0 : i32
        %dma_start3A_105 = arith.constant 0 : i32
        %dma_start3A_106 = tpu.memref_slice %arg10[%dma_start3A_104, %dma_start3A_105] : memref<10240x128xf32, #tpu.memory_space<vmem_shared>> -> memref<10240x128xf32, #tpu.memory_space<vmem_shared>>
        tpu.enqueue_indirect_dma source(%arg9 : memref<128x128xf32, #tpu.memory_space<vmem>>) target(%dma_start3A_106 : memref<10240x128xf32, #tpu.memory_space<vmem_shared>>) offsets(%dma_start3A_103 : memref<128xi32, #tpu.memory_space<vmem>>) semaphore(%run_scoped3A : memref<!tpu.dma_semaphore, #tpu.memory_space<semaphore_mem>>) {add = true}
        %dma_wait3A_107 = arith.constant 0 : i32
        %dma_wait3A_108 = tpu.memref_slice %arg7[%add3A_100, %dma_wait3A_107] : memref<40x128xi32, #tpu.memory_space<vmem>> -> memref<1x128xi32, #tpu.memory_space<vmem>>
        %dma_wait3A_109 = tpu.memref_squeeze %dma_wait3A_108 : memref<1x128xi32, #tpu.memory_space<vmem>> -> memref<128xi32, #tpu.memory_space<vmem>>
        %dma_wait3A_110 = arith.constant 0 : i32
        %dma_wait3A_111 = arith.constant 0 : i32
        %dma_wait3A_112 = tpu.memref_slice %arg10[%dma_wait3A_110, %dma_wait3A_111] : memref<10240x128xf32, #tpu.memory_space<vmem_shared>> -> memref<10240x128xf32, #tpu.memory_space<vmem_shared>>
        tpu.wait_indirect_dma semaphore(%run_scoped3A : memref<!tpu.dma_semaphore, #tpu.memory_space<semaphore_mem>>) src(%arg9 : memref<128x128xf32, #tpu.memory_space<vmem>>) dst(%dma_wait3A_112 : memref<10240x128xf32, #tpu.memory_space<vmem_shared>>)
        tpu.yield
      }) : () -> ()
    }
    %scan3A_37 = arith.constant 20 : i32
    %dma_wait3A = arith.constant 0 : i32
    %dma_wait3A_38 = arith.constant 0 : i32
    %dma_wait3A_39 = tpu.memref_slice %arg2[%dma_wait3A, %dma_wait3A_38] : memref<10240x128xf32, #tpu.memory_space<hbm>> -> memref<128x128xf32, #tpu.memory_space<hbm>>
    %dma_wait3A_40 = arith.constant 0 : i32
    %dma_wait3A_41 = arith.constant 0 : i32
    %dma_wait3A_42 = tpu.memref_slice %arg2[%dma_wait3A_40, %dma_wait3A_41] : memref<10240x128xf32, #tpu.memory_space<hbm>> -> memref<128x128xf32, #tpu.memory_space<hbm>>
    tpu.wait_dma2 semaphore(%arg11 : memref<!tpu.dma_semaphore, #tpu.memory_space<semaphore_mem>>) src(%dma_wait3A_42 : memref<128x128xf32, #tpu.memory_space<hbm>>) dst(%arg8 : memref<128x128xf32, #tpu.memory_space<vmem>>)
    "tpu.region"() ({
      %run_scoped3A = tpu.sem_alloc : memref<!tpu.dma_semaphore, #tpu.memory_space<semaphore_mem>>
      %dma_start3A_67 = arith.constant 40 : i32
      %dma_start3A_68 = arith.constant 0 : i32
      %dma_start3A_69 = tpu.memref_slice %arg3[%add3A, %dma_start3A_67, %dma_start3A_68] : memref<32x80x128xi32, #tpu.memory_space<hbm>> -> memref<1x40x128xi32, #tpu.memory_space<hbm>>
      %dma_start3A_70 = tpu.memref_squeeze %dma_start3A_69 : memref<1x40x128xi32, #tpu.memory_space<hbm>> -> memref<40x128xi32, #tpu.memory_space<hbm>>
      %dma_start3A_71 = arith.constant 40 : i32
      %dma_start3A_72 = arith.constant 0 : i32
      %dma_start3A_73 = tpu.memref_slice %arg3[%add3A, %dma_start3A_71, %dma_start3A_72] : memref<32x80x128xi32, #tpu.memory_space<hbm>> -> memref<1x40x128xi32, #tpu.memory_space<hbm>>
      %dma_start3A_74 = tpu.memref_squeeze %dma_start3A_73 : memref<1x40x128xi32, #tpu.memory_space<hbm>> -> memref<40x128xi32, #tpu.memory_space<hbm>>
      tpu.enqueue_dma source(%dma_start3A_74 : memref<40x128xi32, #tpu.memory_space<hbm>>) target(%arg6 : memref<40x128xi32, #tpu.memory_space<vmem>>) target_semaphore(%run_scoped3A : memref<!tpu.dma_semaphore, #tpu.memory_space<semaphore_mem>>)
      %dma_wait3A_75 = arith.constant 40 : i32
      %dma_wait3A_76 = arith.constant 0 : i32
      %dma_wait3A_77 = tpu.memref_slice %arg3[%add3A, %dma_wait3A_75, %dma_wait3A_76] : memref<32x80x128xi32, #tpu.memory_space<hbm>> -> memref<1x40x128xi32, #tpu.memory_space<hbm>>
      %dma_wait3A_78 = tpu.memref_squeeze %dma_wait3A_77 : memref<1x40x128xi32, #tpu.memory_space<hbm>> -> memref<40x128xi32, #tpu.memory_space<hbm>>
      %dma_wait3A_79 = arith.constant 40 : i32
      %dma_wait3A_80 = arith.constant 0 : i32
      %dma_wait3A_81 = tpu.memref_slice %arg3[%add3A, %dma_wait3A_79, %dma_wait3A_80] : memref<32x80x128xi32, #tpu.memory_space<hbm>> -> memref<1x40x128xi32, #tpu.memory_space<hbm>>
      %dma_wait3A_82 = tpu.memref_squeeze %dma_wait3A_81 : memref<1x40x128xi32, #tpu.memory_space<hbm>> -> memref<40x128xi32, #tpu.memory_space<hbm>>
      tpu.wait_dma2 semaphore(%run_scoped3A : memref<!tpu.dma_semaphore, #tpu.memory_space<semaphore_mem>>) src(%dma_wait3A_82 : memref<40x128xi32, #tpu.memory_space<hbm>>) dst(%arg6 : memref<40x128xi32, #tpu.memory_space<vmem>>)
      tpu.yield
    }) : () -> ()
    "tpu.region"() ({
      %run_scoped3A = tpu.sem_alloc : memref<!tpu.dma_semaphore, #tpu.memory_space<semaphore_mem>>
      %dma_start3A_67 = arith.constant 40 : i32
      %dma_start3A_68 = arith.constant 0 : i32
      %dma_start3A_69 = tpu.memref_slice %arg4[%add3A, %dma_start3A_67, %dma_start3A_68] : memref<32x80x128xi32, #tpu.memory_space<hbm>> -> memref<1x40x128xi32, #tpu.memory_space<hbm>>
      %dma_start3A_70 = tpu.memref_squeeze %dma_start3A_69 : memref<1x40x128xi32, #tpu.memory_space<hbm>> -> memref<40x128xi32, #tpu.memory_space<hbm>>
      %dma_start3A_71 = arith.constant 40 : i32
      %dma_start3A_72 = arith.constant 0 : i32
      %dma_start3A_73 = tpu.memref_slice %arg4[%add3A, %dma_start3A_71, %dma_start3A_72] : memref<32x80x128xi32, #tpu.memory_space<hbm>> -> memref<1x40x128xi32, #tpu.memory_space<hbm>>
      %dma_start3A_74 = tpu.memref_squeeze %dma_start3A_73 : memref<1x40x128xi32, #tpu.memory_space<hbm>> -> memref<40x128xi32, #tpu.memory_space<hbm>>
      tpu.enqueue_dma source(%dma_start3A_74 : memref<40x128xi32, #tpu.memory_space<hbm>>) target(%arg7 : memref<40x128xi32, #tpu.memory_space<vmem>>) target_semaphore(%run_scoped3A : memref<!tpu.dma_semaphore, #tpu.memory_space<semaphore_mem>>)
      %dma_wait3A_75 = arith.constant 40 : i32
      %dma_wait3A_76 = arith.constant 0 : i32
      %dma_wait3A_77 = tpu.memref_slice %arg4[%add3A, %dma_wait3A_75, %dma_wait3A_76] : memref<32x80x128xi32, #tpu.memory_space<hbm>> -> memref<1x40x128xi32, #tpu.memory_space<hbm>>
      %dma_wait3A_78 = tpu.memref_squeeze %dma_wait3A_77 : memref<1x40x128xi32, #tpu.memory_space<hbm>> -> memref<40x128xi32, #tpu.memory_space<hbm>>
      %dma_wait3A_79 = arith.constant 40 : i32
      %dma_wait3A_80 = arith.constant 0 : i32
      %dma_wait3A_81 = tpu.memref_slice %arg4[%add3A, %dma_wait3A_79, %dma_wait3A_80] : memref<32x80x128xi32, #tpu.memory_space<hbm>> -> memref<1x40x128xi32, #tpu.memory_space<hbm>>
      %dma_wait3A_82 = tpu.memref_squeeze %dma_wait3A_81 : memref<1x40x128xi32, #tpu.memory_space<hbm>> -> memref<40x128xi32, #tpu.memory_space<hbm>>
      tpu.wait_dma2 semaphore(%run_scoped3A : memref<!tpu.dma_semaphore, #tpu.memory_space<semaphore_mem>>) src(%dma_wait3A_82 : memref<40x128xi32, #tpu.memory_space<hbm>>) dst(%arg7 : memref<40x128xi32, #tpu.memory_space<vmem>>)
      tpu.yield
    }) : () -> ()
    %dma_start3A_43 = arith.constant 0 : i32
    %dma_start3A_44 = arith.constant 0 : i32
    %dma_start3A_45 = tpu.memref_slice %arg6[%dma_start3A_43, %dma_start3A_44] : memref<40x128xi32, #tpu.memory_space<vmem>> -> memref<1x128xi32, #tpu.memory_space<vmem>>
    %dma_start3A_46 = tpu.memref_squeeze %dma_start3A_45 : memref<1x128xi32, #tpu.memory_space<vmem>> -> memref<128xi32, #tpu.memory_space<vmem>>
    %dma_start3A_47 = arith.constant 0 : i32
    %dma_start3A_48 = arith.constant 0 : i32
    %dma_start3A_49 = tpu.memref_slice %arg2[%dma_start3A_47, %dma_start3A_48] : memref<10240x128xf32, #tpu.memory_space<hbm>> -> memref<10240x128xf32, #tpu.memory_space<hbm>>
    tpu.enqueue_indirect_dma source(%dma_start3A_49 : memref<10240x128xf32, #tpu.memory_space<hbm>>) target(%arg8 : memref<128x128xf32, #tpu.memory_space<vmem>>) offsets(%dma_start3A_46 : memref<128xi32, #tpu.memory_space<vmem>>) semaphore(%arg11 : memref<!tpu.dma_semaphore, #tpu.memory_space<semaphore_mem>>)
    %scan3A_50 = arith.constant 0 : i32
    %scan3A_51 = arith.constant 0 : i32
    %scan3A_52 = arith.constant 20 : i32
    %scan3A_53 = arith.addi %scan3A_51, %scan3A_52 : i32
    %scan3A_54 = arith.constant 1 : i32
    scf.for %scan3A_67 = %scan3A_51 to %scan3A_53 step %scan3A_54  : i32 {
      %mul3A_68 = arith.constant 2 : i32
      %mul3A_69 = arith.muli %mul3A_68, %scan3A_67 : i32
      %add3A_70 = arith.constant 1 : i32
      %add3A_71 = arith.addi %mul3A_69, %add3A_70 : i32
      %dma_start3A_72 = arith.constant 0 : i32
      %dma_start3A_73 = tpu.memref_slice %arg6[%add3A_71, %dma_start3A_72] : memref<40x128xi32, #tpu.memory_space<vmem>> -> memref<1x128xi32, #tpu.memory_space<vmem>>
      %dma_start3A_74 = tpu.memref_squeeze %dma_start3A_73 : memref<1x128xi32, #tpu.memory_space<vmem>> -> memref<128xi32, #tpu.memory_space<vmem>>
      %dma_start3A_75 = arith.constant 0 : i32
      %dma_start3A_76 = arith.constant 0 : i32
      %dma_start3A_77 = tpu.memref_slice %arg2[%dma_start3A_75, %dma_start3A_76] : memref<10240x128xf32, #tpu.memory_space<hbm>> -> memref<10240x128xf32, #tpu.memory_space<hbm>>
      tpu.enqueue_indirect_dma source(%dma_start3A_77 : memref<10240x128xf32, #tpu.memory_space<hbm>>) target(%arg9 : memref<128x128xf32, #tpu.memory_space<vmem>>) offsets(%dma_start3A_74 : memref<128xi32, #tpu.memory_space<vmem>>) semaphore(%arg12 : memref<!tpu.dma_semaphore, #tpu.memory_space<semaphore_mem>>)
      %dma_wait3A_78 = arith.constant 0 : i32
      %dma_wait3A_79 = arith.constant 0 : i32
      %dma_wait3A_80 = tpu.memref_slice %arg2[%dma_wait3A_78, %dma_wait3A_79] : memref<10240x128xf32, #tpu.memory_space<hbm>> -> memref<128x128xf32, #tpu.memory_space<hbm>>
      %dma_wait3A_81 = arith.constant 0 : i32
      %dma_wait3A_82 = arith.constant 0 : i32
      %dma_wait3A_83 = tpu.memref_slice %arg2[%dma_wait3A_81, %dma_wait3A_82] : memref<10240x128xf32, #tpu.memory_space<hbm>> -> memref<128x128xf32, #tpu.memory_space<hbm>>
      tpu.wait_dma2 semaphore(%arg11 : memref<!tpu.dma_semaphore, #tpu.memory_space<semaphore_mem>>) src(%dma_wait3A_83 : memref<128x128xf32, #tpu.memory_space<hbm>>) dst(%arg8 : memref<128x128xf32, #tpu.memory_space<vmem>>)
      "tpu.region"() ({
        %run_scoped3A = tpu.sem_alloc : memref<!tpu.dma_semaphore, #tpu.memory_space<semaphore_mem>>
        %dma_start3A_101 = arith.constant 0 : i32
        %dma_start3A_102 = tpu.memref_slice %arg7[%mul3A_69, %dma_start3A_101] : memref<40x128xi32, #tpu.memory_space<vmem>> -> memref<1x128xi32, #tpu.memory_space<vmem>>
        %dma_start3A_103 = tpu.memref_squeeze %dma_start3A_102 : memref<1x128xi32, #tpu.memory_space<vmem>> -> memref<128xi32, #tpu.memory_space<vmem>>
        %dma_start3A_104 = arith.constant 0 : i32
        %dma_start3A_105 = arith.constant 0 : i32
        %dma_start3A_106 = tpu.memref_slice %arg10[%dma_start3A_104, %dma_start3A_105] : memref<10240x128xf32, #tpu.memory_space<vmem_shared>> -> memref<10240x128xf32, #tpu.memory_space<vmem_shared>>
        tpu.enqueue_indirect_dma source(%arg8 : memref<128x128xf32, #tpu.memory_space<vmem>>) target(%dma_start3A_106 : memref<10240x128xf32, #tpu.memory_space<vmem_shared>>) offsets(%dma_start3A_103 : memref<128xi32, #tpu.memory_space<vmem>>) semaphore(%run_scoped3A : memref<!tpu.dma_semaphore, #tpu.memory_space<semaphore_mem>>) {add = true}
        %dma_wait3A_107 = arith.constant 0 : i32
        %dma_wait3A_108 = tpu.memref_slice %arg7[%mul3A_69, %dma_wait3A_107] : memref<40x128xi32, #tpu.memory_space<vmem>> -> memref<1x128xi32, #tpu.memory_space<vmem>>
        %dma_wait3A_109 = tpu.memref_squeeze %dma_wait3A_108 : memref<1x128xi32, #tpu.memory_space<vmem>> -> memref<128xi32, #tpu.memory_space<vmem>>
        %dma_wait3A_110 = arith.constant 0 : i32
        %dma_wait3A_111 = arith.constant 0 : i32
        %dma_wait3A_112 = tpu.memref_slice %arg10[%dma_wait3A_110, %dma_wait3A_111] : memref<10240x128xf32, #tpu.memory_space<vmem_shared>> -> memref<10240x128xf32, #tpu.memory_space<vmem_shared>>
        tpu.wait_indirect_dma semaphore(%run_scoped3A : memref<!tpu.dma_semaphore, #tpu.memory_space<semaphore_mem>>) src(%arg8 : memref<128x128xf32, #tpu.memory_space<vmem>>) dst(%dma_wait3A_112 : memref<10240x128xf32, #tpu.memory_space<vmem_shared>>)
        tpu.yield
      }) : () -> ()
      %add3A_84 = arith.constant 2 : i32
      %add3A_85 = arith.addi %mul3A_69, %add3A_84 : i32
      %min3A = arith.constant 39 : i32
      %min3A_86 = arith.minsi %add3A_85, %min3A : i32
      %dma_start3A_87 = arith.constant 0 : i32
      %dma_start3A_88 = tpu.memref_slice %arg6[%min3A_86, %dma_start3A_87] : memref<40x128xi32, #tpu.memory_space<vmem>> -> memref<1x128xi32, #tpu.memory_space<vmem>>
      %dma_start3A_89 = tpu.memref_squeeze %dma_start3A_88 : memref<1x128xi32, #tpu.memory_space<vmem>> -> memref<128xi32, #tpu.memory_space<vmem>>
      %dma_start3A_90 = arith.constant 0 : i32
      %dma_start3A_91 = arith.constant 0 : i32
      %dma_start3A_92 = tpu.memref_slice %arg2[%dma_start3A_90, %dma_start3A_91] : memref<10240x128xf32, #tpu.memory_space<hbm>> -> memref<10240x128xf32, #tpu.memory_space<hbm>>
      tpu.enqueue_indirect_dma source(%dma_start3A_92 : memref<10240x128xf32, #tpu.memory_space<hbm>>) target(%arg8 : memref<128x128xf32, #tpu.memory_space<vmem>>) offsets(%dma_start3A_89 : memref<128xi32, #tpu.memory_space<vmem>>) semaphore(%arg11 : memref<!tpu.dma_semaphore, #tpu.memory_space<semaphore_mem>>)
      %dma_wait3A_93 = arith.constant 0 : i32
      %dma_wait3A_94 = arith.constant 0 : i32
      %dma_wait3A_95 = tpu.memref_slice %arg2[%dma_wait3A_93, %dma_wait3A_94] : memref<10240x128xf32, #tpu.memory_space<hbm>> -> memref<128x128xf32, #tpu.memory_space<hbm>>
      %dma_wait3A_96 = arith.constant 0 : i32
      %dma_wait3A_97 = arith.constant 0 : i32
      %dma_wait3A_98 = tpu.memref_slice %arg2[%dma_wait3A_96, %dma_wait3A_97] : memref<10240x128xf32, #tpu.memory_space<hbm>> -> memref<128x128xf32, #tpu.memory_space<hbm>>
      tpu.wait_dma2 semaphore(%arg12 : memref<!tpu.dma_semaphore, #tpu.memory_space<semaphore_mem>>) src(%dma_wait3A_98 : memref<128x128xf32, #tpu.memory_space<hbm>>) dst(%arg9 : memref<128x128xf32, #tpu.memory_space<vmem>>)
      %add3A_99 = arith.constant 1 : i32
      %add3A_100 = arith.addi %mul3A_69, %add3A_99 : i32
      "tpu.region"() ({
        %run_scoped3A = tpu.sem_alloc : memref<!tpu.dma_semaphore, #tpu.memory_space<semaphore_mem>>
        %dma_start3A_101 = arith.constant 0 : i32
        %dma_start3A_102 = tpu.memref_slice %arg7[%add3A_100, %dma_start3A_101] : memref<40x128xi32, #tpu.memory_space<vmem>> -> memref<1x128xi32, #tpu.memory_space<vmem>>
        %dma_start3A_103 = tpu.memref_squeeze %dma_start3A_102 : memref<1x128xi32, #tpu.memory_space<vmem>> -> memref<128xi32, #tpu.memory_space<vmem>>
        %dma_start3A_104 = arith.constant 0 : i32
        %dma_start3A_105 = arith.constant 0 : i32
        %dma_start3A_106 = tpu.memref_slice %arg10[%dma_start3A_104, %dma_start3A_105] : memref<10240x128xf32, #tpu.memory_space<vmem_shared>> -> memref<10240x128xf32, #tpu.memory_space<vmem_shared>>
        tpu.enqueue_indirect_dma source(%arg9 : memref<128x128xf32, #tpu.memory_space<vmem>>) target(%dma_start3A_106 : memref<10240x128xf32, #tpu.memory_space<vmem_shared>>) offsets(%dma_start3A_103 : memref<128xi32, #tpu.memory_space<vmem>>) semaphore(%run_scoped3A : memref<!tpu.dma_semaphore, #tpu.memory_space<semaphore_mem>>) {add = true}
        %dma_wait3A_107 = arith.constant 0 : i32
        %dma_wait3A_108 = tpu.memref_slice %arg7[%add3A_100, %dma_wait3A_107] : memref<40x128xi32, #tpu.memory_space<vmem>> -> memref<1x128xi32, #tpu.memory_space<vmem>>
        %dma_wait3A_109 = tpu.memref_squeeze %dma_wait3A_108 : memref<1x128xi32, #tpu.memory_space<vmem>> -> memref<128xi32, #tpu.memory_space<vmem>>
        %dma_wait3A_110 = arith.constant 0 : i32
        %dma_wait3A_111 = arith.constant 0 : i32
        %dma_wait3A_112 = tpu.memref_slice %arg10[%dma_wait3A_110, %dma_wait3A_111] : memref<10240x128xf32, #tpu.memory_space<vmem_shared>> -> memref<10240x128xf32, #tpu.memory_space<vmem_shared>>
        tpu.wait_indirect_dma semaphore(%run_scoped3A : memref<!tpu.dma_semaphore, #tpu.memory_space<semaphore_mem>>) src(%arg9 : memref<128x128xf32, #tpu.memory_space<vmem>>) dst(%dma_wait3A_112 : memref<10240x128xf32, #tpu.memory_space<vmem_shared>>)
        tpu.yield
      }) : () -> ()
    }
    %scan3A_55 = arith.constant 20 : i32
    %dma_wait3A_56 = arith.constant 0 : i32
    %dma_wait3A_57 = arith.constant 0 : i32
    %dma_wait3A_58 = tpu.memref_slice %arg2[%dma_wait3A_56, %dma_wait3A_57] : memref<10240x128xf32, #tpu.memory_space<hbm>> -> memref<128x128xf32, #tpu.memory_space<hbm>>
    %dma_wait3A_59 = arith.constant 0 : i32
    %dma_wait3A_60 = arith.constant 0 : i32
    %dma_wait3A_61 = tpu.memref_slice %arg2[%dma_wait3A_59, %dma_wait3A_60] : memref<10240x128xf32, #tpu.memory_space<hbm>> -> memref<128x128xf32, #tpu.memory_space<hbm>>
    tpu.wait_dma2 semaphore(%arg11 : memref<!tpu.dma_semaphore, #tpu.memory_space<semaphore_mem>>) src(%dma_wait3A_61 : memref<128x128xf32, #tpu.memory_space<hbm>>) dst(%arg8 : memref<128x128xf32, #tpu.memory_space<vmem>>)
    %barrier3A_62 = arith.constant 0 : index
    tpu.barrier barrier_id(%barrier3A_62)
    %mul3A_63 = arith.constant 640 : i32
    %mul3A_64 = arith.muli %arg1, %mul3A_63 : i32
    %mul3A_65 = arith.constant 640 : i32
    %mul3A_66 = arith.muli %arg1, %mul3A_65 : i32
    "tpu.region"() ({
      %run_scoped3A = tpu.sem_alloc : memref<!tpu.dma_semaphore, #tpu.memory_space<semaphore_mem>>
      %dma_start3A_67 = arith.constant 0 : i32
      %dma_start3A_68 = tpu.memref_slice %arg5[%arg0, %mul3A_66, %dma_start3A_67] : memref<2x10240x128xf32, #tpu.memory_space<hbm>> -> memref<1x640x128xf32, #tpu.memory_space<hbm>>
      %dma_start3A_69 = tpu.memref_squeeze %dma_start3A_68 : memref<1x640x128xf32, #tpu.memory_space<hbm>> -> memref<640x128xf32, #tpu.memory_space<hbm>>
      %dma_start3A_70 = arith.constant 0 : i32
      %dma_start3A_71 = tpu.memref_slice %arg10[%mul3A_64, %dma_start3A_70] : memref<10240x128xf32, #tpu.memory_space<vmem_shared>> -> memref<640x128xf32, #tpu.memory_space<vmem_shared>>
      tpu.enqueue_dma source(%dma_start3A_71 : memref<640x128xf32, #tpu.memory_space<vmem_shared>>) target(%dma_start3A_69 : memref<640x128xf32, #tpu.memory_space<hbm>>) target_semaphore(%run_scoped3A : memref<!tpu.dma_semaphore, #tpu.memory_space<semaphore_mem>>)
      %dma_wait3A_72 = arith.constant 0 : i32
      %dma_wait3A_73 = tpu.memref_slice %arg5[%arg0, %mul3A_66, %dma_wait3A_72] : memref<2x10240x128xf32, #tpu.memory_space<hbm>> -> memref<1x640x128xf32, #tpu.memory_space<hbm>>
      %dma_wait3A_74 = tpu.memref_squeeze %dma_wait3A_73 : memref<1x640x128xf32, #tpu.memory_space<hbm>> -> memref<640x128xf32, #tpu.memory_space<hbm>>
      %dma_wait3A_75 = arith.constant 0 : i32
      %dma_wait3A_76 = tpu.memref_slice %arg10[%mul3A_64, %dma_wait3A_75] : memref<10240x128xf32, #tpu.memory_space<vmem_shared>> -> memref<640x128xf32, #tpu.memory_space<vmem_shared>>
      tpu.wait_dma2 semaphore(%run_scoped3A : memref<!tpu.dma_semaphore, #tpu.memory_space<semaphore_mem>>) src(%dma_wait3A_76 : memref<640x128xf32, #tpu.memory_space<vmem_shared>>) dst(%dma_wait3A_74 : memref<640x128xf32, #tpu.memory_space<hbm>>)
      tpu.yield
    }) : () -> ()
    return
  }
}

module attributes {stable_mosaic.version = 14 : i64} {
  func.func @_prep_body(%arg0: memref<2x10240x128xf32, #tpu.memory_space<vmem>>, %arg1: memref<10000x128xf32, #tpu.memory_space<vmem>>, %arg2: memref<10000x1xf32, #tpu.memory_space<vmem>>, %arg3: memref<10240x128xf32, #tpu.memory_space<vmem>>) attributes {dimension_semantics = [], scalar_prefetch = 0 : i64, scratch_operands = 0 : i64, tpu.core_type = #tpu.core_type<tc>} {
    %get3A = arith.constant 0 : index
    %get3A_0 = arith.constant 0 : index
    %get3A_1 = arith.constant 0 : index
    %get3A_2 = vector.load %arg0[%get3A, %get3A_0, %get3A_1] : memref<2x10240x128xf32, #tpu.memory_space<vmem>>, vector<1x10240x128xf32>
    %get3A_3 = vector.shape_cast %get3A_2 : vector<1x10240x128xf32> to vector<10240x128xf32>
    %get3A_4 = arith.constant 1 : index
    %get3A_5 = arith.constant 0 : index
    %get3A_6 = arith.constant 0 : index
    %get3A_7 = vector.load %arg0[%get3A_4, %get3A_5, %get3A_6] : memref<2x10240x128xf32, #tpu.memory_space<vmem>>, vector<1x10240x128xf32>
    %get3A_8 = vector.shape_cast %get3A_7 : vector<1x10240x128xf32> to vector<10240x128xf32>
    %add3A = arith.addf %get3A_3, %get3A_8 : vector<10240x128xf32>
    %slice3A = vector.extract_strided_slice %add3A {offsets = [0, 0], sizes = [10000, 1], strides = [1, 1]} : vector<10240x128xf32> to vector<10000x1xf32>
    %gt3A = arith.constant 0.000000e+00 : f32
    %gt3A_9 = vector.broadcast %gt3A : f32 to vector<10000x1xf32>
    %gt3A_10 = arith.cmpf ogt, %slice3A, %gt3A_9 : vector<10000x1xf32>
    %rsqrt3A = math.rsqrt %slice3A : vector<10000x1xf32>
    %jit3A = arith.constant 0.000000e+00 : f32
    %broadcast_in_dim3A = vector.broadcast %jit3A : f32 to vector<10000x1xf32>
    %select_n3A = arith.select %gt3A_10, %rsqrt3A, %broadcast_in_dim3A : vector<10000x1xi1>, vector<10000x1xf32>
    %swap3A = arith.constant 0 : index
    %swap3A_11 = arith.constant 0 : index
    %swap3A_12 = vector.load %arg2[%swap3A, %swap3A_11] : memref<10000x1xf32, #tpu.memory_space<vmem>>, vector<10000x1xf32>
    tpu.vector_store %arg2[%swap3A, %swap3A_11], %select_n3A {strides = array<i32>} : memref<10000x1xf32, #tpu.memory_space<vmem>>, vector<10000x1xf32>,
    %get3A_13 = arith.constant 0 : index
    %get3A_14 = arith.constant 0 : index
    %get3A_15 = vector.load %arg1[%get3A_13, %get3A_14] : memref<10000x128xf32, #tpu.memory_space<vmem>>, vector<10000x128xf32>
    %mul3A = vector.broadcast %select_n3A : vector<10000x1xf32> to vector<10000x128xf32>
    %mul3A_16 = arith.mulf %get3A_15, %mul3A : vector<10000x128xf32>
    %swap3A_17 = arith.constant 0 : index
    %swap3A_18 = arith.constant 0 : index
    %swap3A_19 = vector.load %arg3[%swap3A_17, %swap3A_18] : memref<10240x128xf32, #tpu.memory_space<vmem>>, vector<10000x128xf32>
    tpu.vector_store %arg3[%swap3A_17, %swap3A_18], %mul3A_16 {strides = array<i32>} : memref<10240x128xf32, #tpu.memory_space<vmem>>, vector<10000x128xf32>,
    %broadcast_in_dim3A_20 = arith.constant 0.000000e+00 : f32
    %broadcast_in_dim3A_21 = vector.broadcast %broadcast_in_dim3A_20 : f32 to vector<240x128xf32>
    %swap3A_22 = arith.constant 10000 : index
    %swap3A_23 = arith.constant 0 : index
    %swap3A_24 = vector.load %arg3[%swap3A_22, %swap3A_23] : memref<10240x128xf32, #tpu.memory_space<vmem>>, vector<240x128xf32>
    tpu.vector_store %arg3[%swap3A_22, %swap3A_23], %broadcast_in_dim3A_21 {strides = array<i32>} : memref<10240x128xf32, #tpu.memory_space<vmem>>, vector<240x128xf32>,
    return
  }
}

module attributes {stable_mosaic.version = 14 : i64} {
  func.func @_scale_body(%arg0: memref<2x10240x128xf32, #tpu.memory_space<vmem>>, %arg1: memref<10000x1xf32, #tpu.memory_space<vmem>>, %arg2: memref<10000x128xf32, #tpu.memory_space<vmem>>, %arg3: memref<10240x128xf32, #tpu.memory_space<vmem>>) attributes {dimension_semantics = [], scalar_prefetch = 0 : i64, scratch_operands = 0 : i64, tpu.core_type = #tpu.core_type<tc>} {
    %get3A = arith.constant 0 : index
    %get3A_0 = arith.constant 0 : index
    %get3A_1 = arith.constant 0 : index
    %get3A_2 = vector.load %arg0[%get3A, %get3A_0, %get3A_1] : memref<2x10240x128xf32, #tpu.memory_space<vmem>>, vector<1x10240x128xf32>
    %get3A_3 = vector.shape_cast %get3A_2 : vector<1x10240x128xf32> to vector<10240x128xf32>
    %get3A_4 = arith.constant 1 : index
    %get3A_5 = arith.constant 0 : index
    %get3A_6 = arith.constant 0 : index
    %get3A_7 = vector.load %arg0[%get3A_4, %get3A_5, %get3A_6] : memref<2x10240x128xf32, #tpu.memory_space<vmem>>, vector<1x10240x128xf32>
    %get3A_8 = vector.shape_cast %get3A_7 : vector<1x10240x128xf32> to vector<10240x128xf32>
    %add3A = arith.addf %get3A_3, %get3A_8 : vector<10240x128xf32>
    %slice3A = vector.extract_strided_slice %add3A {offsets = [0, 0], sizes = [10000, 128], strides = [1, 1]} : vector<10240x128xf32> to vector<10000x128xf32>
    %get3A_9 = arith.constant 0 : index
    %get3A_10 = arith.constant 0 : index
    %get3A_11 = vector.load %arg1[%get3A_9, %get3A_10] : memref<10000x1xf32, #tpu.memory_space<vmem>>, vector<10000x1xf32>
    %mul3A = vector.broadcast %get3A_11 : vector<10000x1xf32> to vector<10000x128xf32>
    %mul3A_12 = arith.mulf %slice3A, %mul3A : vector<10000x128xf32>
    %swap3A = arith.constant 0 : index
    %swap3A_13 = arith.constant 0 : index
    %swap3A_14 = vector.load %arg2[%swap3A, %swap3A_13] : memref<10000x128xf32, #tpu.memory_space<vmem>>, vector<10000x128xf32>
    tpu.vector_store %arg2[%swap3A, %swap3A_13], %mul3A_12 {strides = array<i32>} : memref<10000x128xf32, #tpu.memory_space<vmem>>, vector<10000x128xf32>,
    %mul3A_15 = vector.broadcast %get3A_11 : vector<10000x1xf32> to vector<10000x128xf32>
    %mul3A_16 = arith.mulf %mul3A_12, %mul3A_15 : vector<10000x128xf32>
    %swap3A_17 = arith.constant 0 : index
    %swap3A_18 = arith.constant 0 : index
    %swap3A_19 = vector.load %arg3[%swap3A_17, %swap3A_18] : memref<10240x128xf32, #tpu.memory_space<vmem>>, vector<10000x128xf32>
    tpu.vector_store %arg3[%swap3A_17, %swap3A_18], %mul3A_16 {strides = array<i32>} : memref<10240x128xf32, #tpu.memory_space<vmem>>, vector<10000x128xf32>,
    %broadcast_in_dim3A = arith.constant 0.000000e+00 : f32
    %broadcast_in_dim3A_20 = vector.broadcast %broadcast_in_dim3A : f32 to vector<240x128xf32>
    %swap3A_21 = arith.constant 10000 : index
    %swap3A_22 = arith.constant 0 : index
    %swap3A_23 = vector.load %arg3[%swap3A_21, %swap3A_22] : memref<10240x128xf32, #tpu.memory_space<vmem>>, vector<240x128xf32>
    tpu.vector_store %arg3[%swap3A_21, %swap3A_22], %broadcast_in_dim3A_20 {strides = array<i32>} : memref<10240x128xf32, #tpu.memory_space<vmem>>, vector<240x128xf32>,
    return
  }
}

module attributes {stable_mosaic.version = 14 : i64} {
  func.func @_conv1bn_body(%arg0: memref<10000x128xf32, #tpu.memory_space<vmem>>, %arg1: memref<10000x128xf32, #tpu.memory_space<vmem>>, %arg2: memref<2x10240x128xf32, #tpu.memory_space<vmem>>, %arg3: memref<10000x1xf32, #tpu.memory_space<vmem>>, %arg4: memref<3x128x64xf32, #tpu.memory_space<vmem>>, %arg5: memref<64xf32, #tpu.memory_space<vmem>>, %arg6: memref<64xf32, #tpu.memory_space<vmem>>, %arg7: memref<64xf32, #tpu.memory_space<vmem>>, %arg8: memref<10000x64xf32, #tpu.memory_space<vmem>>, %arg9: memref<10240x128xf32, #tpu.memory_space<vmem>>) attributes {dimension_semantics = [], scalar_prefetch = 0 : i64, scratch_operands = 0 : i64, tpu.core_type = #tpu.core_type<tc>} {
    %get3A = arith.constant 0 : index
    %get3A_0 = arith.constant 0 : index
    %get3A_1 = arith.constant 0 : index
    %get3A_2 = vector.load %arg2[%get3A, %get3A_0, %get3A_1] : memref<2x10240x128xf32, #tpu.memory_space<vmem>>, vector<1x10240x128xf32>
    %get3A_3 = vector.shape_cast %get3A_2 : vector<1x10240x128xf32> to vector<10240x128xf32>
    %get3A_4 = arith.constant 1 : index
    %get3A_5 = arith.constant 0 : index
    %get3A_6 = arith.constant 0 : index
    %get3A_7 = vector.load %arg2[%get3A_4, %get3A_5, %get3A_6] : memref<2x10240x128xf32, #tpu.memory_space<vmem>>, vector<1x10240x128xf32>
    %get3A_8 = vector.shape_cast %get3A_7 : vector<1x10240x128xf32> to vector<10240x128xf32>
    %add3A = arith.addf %get3A_3, %get3A_8 : vector<10240x128xf32>
    %slice3A = vector.extract_strided_slice %add3A {offsets = [0, 0], sizes = [10000, 128], strides = [1, 1]} : vector<10240x128xf32> to vector<10000x128xf32>
    %get3A_9 = arith.constant 0 : index
    %get3A_10 = arith.constant 0 : index
    %get3A_11 = vector.load %arg3[%get3A_9, %get3A_10] : memref<10000x1xf32, #tpu.memory_space<vmem>>, vector<10000x1xf32>
    %mul3A = vector.broadcast %get3A_11 : vector<10000x1xf32> to vector<10000x128xf32>
    %mul3A_12 = arith.mulf %slice3A, %mul3A : vector<10000x128xf32>
    %get3A_13 = arith.constant 0 : index
    %get3A_14 = arith.constant 0 : index
    %get3A_15 = vector.load %arg0[%get3A_13, %get3A_14] : memref<10000x128xf32, #tpu.memory_space<vmem>>, vector<10000x128xf32>
    %get3A_16 = arith.constant 0 : index
    %get3A_17 = arith.constant 0 : index
    %get3A_18 = arith.constant 0 : index
    %get3A_19 = vector.load %arg4[%get3A_16, %get3A_17, %get3A_18] : memref<3x128x64xf32, #tpu.memory_space<vmem>>, vector<1x128x64xf32>
    %get3A_20 = vector.shape_cast %get3A_19 : vector<1x128x64xf32> to vector<128x64xf32>
    %get3A_21 = arith.constant 2 : index
    %get3A_22 = arith.constant 0 : index
    %get3A_23 = arith.constant 0 : index
    %get3A_24 = vector.load %arg4[%get3A_21, %get3A_22, %get3A_23] : memref<3x128x64xf32, #tpu.memory_space<vmem>>, vector<1x128x64xf32>
    %get3A_25 = vector.shape_cast %get3A_24 : vector<1x128x64xf32> to vector<128x64xf32>
    %sub3A = arith.subf %get3A_20, %get3A_25 : vector<128x64xf32>
    %dot_general3A = arith.constant dense<0.000000e+00> : vector<10000x64xf32>
    %dot_general3A_26 = tpu.matmul %get3A_15, %sub3A, %dot_general3A {dimension_numbers = #tpu.dot_dimension_numbers<[1], [0], [0], [1], [0, 0, 1, 1], [], []>, transpose_lhs_hint = false} : vector<10000x128xf32>, vector<128x64xf32>, vector<10000x64xf32> -> vector<10000x64xf32>
    %get3A_27 = arith.constant 0 : index
    %get3A_28 = arith.constant 0 : index
    %get3A_29 = vector.load %arg1[%get3A_27, %get3A_28] : memref<10000x128xf32, #tpu.memory_space<vmem>>, vector<10000x128xf32>
    %get3A_30 = arith.constant 1 : index
    %get3A_31 = arith.constant 0 : index
    %get3A_32 = arith.constant 0 : index
    %get3A_33 = vector.load %arg4[%get3A_30, %get3A_31, %get3A_32] : memref<3x128x64xf32, #tpu.memory_space<vmem>>, vector<1x128x64xf32>
    %get3A_34 = vector.shape_cast %get3A_33 : vector<1x128x64xf32> to vector<128x64xf32>
    %dot_general3A_35 = arith.constant dense<0.000000e+00> : vector<10000x64xf32>
    %dot_general3A_36 = tpu.matmul %get3A_29, %get3A_34, %dot_general3A_35 {dimension_numbers = #tpu.dot_dimension_numbers<[1], [0], [0], [1], [0, 0, 1, 1], [], []>, transpose_lhs_hint = false} : vector<10000x128xf32>, vector<128x64xf32>, vector<10000x64xf32> -> vector<10000x64xf32>
    %sub3A_37 = arith.subf %dot_general3A_26, %dot_general3A_36 : vector<10000x64xf32>
    %get3A_38 = arith.constant 2 : index
    %get3A_39 = arith.constant 0 : index
    %get3A_40 = arith.constant 0 : index
    %get3A_41 = vector.load %arg4[%get3A_38, %get3A_39, %get3A_40] : memref<3x128x64xf32, #tpu.memory_space<vmem>>, vector<1x128x64xf32>
    %get3A_42 = vector.shape_cast %get3A_41 : vector<1x128x64xf32> to vector<128x64xf32>
    %dot_general3A_43 = arith.constant dense<0.000000e+00> : vector<10000x64xf32>
    %dot_general3A_44 = tpu.matmul %mul3A_12, %get3A_42, %dot_general3A_43 {dimension_numbers = #tpu.dot_dimension_numbers<[1], [0], [0], [1], [0, 0, 1, 1], [], []>, transpose_lhs_hint = false} : vector<10000x128xf32>, vector<128x64xf32>, vector<10000x64xf32> -> vector<10000x64xf32>
    %mul3A_45 = arith.constant 2.000000e+00 : f32
    %mul3A_46 = vector.broadcast %mul3A_45 : f32 to vector<10000x64xf32>
    %mul3A_47 = arith.mulf %mul3A_46, %dot_general3A_44 : vector<10000x64xf32>
    %add3A_48 = arith.addf %sub3A_37, %mul3A_47 : vector<10000x64xf32>
    %get3A_49 = arith.constant 0 : index
    %get3A_50 = vector.load %arg5[%get3A_49] : memref<64xf32, #tpu.memory_space<vmem>>, vector<64xf32>
    %broadcast_in_dim3A = vector.shape_cast %get3A_50 : vector<64xf32> to vector<1x64xf32>
    %add3A_51 = vector.broadcast %broadcast_in_dim3A : vector<1x64xf32> to vector<10000x64xf32>
    %add3A_52 = arith.addf %add3A_48, %add3A_51 : vector<10000x64xf32>
    %reduce_sum3A = arith.constant dense<0.000000e+00> : vector<64xf32>
    %reduce_sum3A_53 = vector.multi_reduction <add>, %add3A_52, %reduce_sum3A [0] : vector<10000x64xf32> to vector<64xf32>
    %mul3A_54 = arith.constant 9.99999974E-5 : f32
    %mul3A_55 = vector.broadcast %mul3A_54 : f32 to vector<64xf32>
    %mul3A_56 = arith.mulf %reduce_sum3A_53, %mul3A_55 : vector<64xf32>
    %mul3A_57 = arith.mulf %add3A_52, %add3A_52 : vector<10000x64xf32>
    %reduce_sum3A_58 = arith.constant dense<0.000000e+00> : vector<64xf32>
    %reduce_sum3A_59 = vector.multi_reduction <add>, %mul3A_57, %reduce_sum3A_58 [0] : vector<10000x64xf32> to vector<64xf32>
    %mul3A_60 = arith.constant 9.99999974E-5 : f32
    %mul3A_61 = vector.broadcast %mul3A_60 : f32 to vector<64xf32>
    %mul3A_62 = arith.mulf %reduce_sum3A_59, %mul3A_61 : vector<64xf32>
    %mul3A_63 = arith.mulf %mul3A_56, %mul3A_56 : vector<64xf32>
    %sub3A_64 = arith.subf %mul3A_62, %mul3A_63 : vector<64xf32>
    %broadcast_in_dim3A_65 = vector.shape_cast %mul3A_56 : vector<64xf32> to vector<1x64xf32>
    %sub3A_66 = vector.broadcast %broadcast_in_dim3A_65 : vector<1x64xf32> to vector<10000x64xf32>
    %sub3A_67 = arith.subf %add3A_52, %sub3A_66 : vector<10000x64xf32>
    %add3A_68 = arith.constant 9.99999974E-6 : f32
    %add3A_69 = vector.broadcast %add3A_68 : f32 to vector<64xf32>
    %add3A_70 = arith.addf %sub3A_64, %add3A_69 : vector<64xf32>
    %sqrt3A = math.sqrt %add3A_70 : vector<64xf32>
    %broadcast_in_dim3A_71 = vector.shape_cast %sqrt3A : vector<64xf32> to vector<1x64xf32>
    %div3A = vector.broadcast %broadcast_in_dim3A_71 : vector<1x64xf32> to vector<10000x64xf32>
    %div3A_72 = arith.divf %sub3A_67, %div3A : vector<10000x64xf32>
    %get3A_73 = arith.constant 0 : index
    %get3A_74 = vector.load %arg6[%get3A_73] : memref<64xf32, #tpu.memory_space<vmem>>, vector<64xf32>
    %broadcast_in_dim3A_75 = vector.shape_cast %get3A_74 : vector<64xf32> to vector<1x64xf32>
    %mul3A_76 = vector.broadcast %broadcast_in_dim3A_75 : vector<1x64xf32> to vector<10000x64xf32>
    %mul3A_77 = arith.mulf %div3A_72, %mul3A_76 : vector<10000x64xf32>
    %get3A_78 = arith.constant 0 : index
    %get3A_79 = vector.load %arg7[%get3A_78] : memref<64xf32, #tpu.memory_space<vmem>>, vector<64xf32>
    %broadcast_in_dim3A_80 = vector.shape_cast %get3A_79 : vector<64xf32> to vector<1x64xf32>
    %add3A_81 = vector.broadcast %broadcast_in_dim3A_80 : vector<1x64xf32> to vector<10000x64xf32>
    %add3A_82 = arith.addf %mul3A_77, %add3A_81 : vector<10000x64xf32>
    %ge3A = arith.constant 0.000000e+00 : f32
    %ge3A_83 = vector.broadcast %ge3A : f32 to vector<10000x64xf32>
    %ge3A_84 = arith.cmpf oge, %add3A_82, %ge3A_83 : vector<10000x64xf32>
    %mul3A_85 = arith.constant 0.00999999977 : f32
    %mul3A_86 = vector.broadcast %mul3A_85 : f32 to vector<10000x64xf32>
    %mul3A_87 = arith.mulf %mul3A_86, %add3A_82 : vector<10000x64xf32>
    %select_n3A = arith.select %ge3A_84, %add3A_82, %mul3A_87 : vector<10000x64xi1>, vector<10000x64xf32>
    %swap3A = arith.constant 0 : index
    %swap3A_88 = arith.constant 0 : index
    %swap3A_89 = vector.load %arg8[%swap3A, %swap3A_88] : memref<10000x64xf32, #tpu.memory_space<vmem>>, vector<10000x64xf32>
    tpu.vector_store %arg8[%swap3A, %swap3A_88], %select_n3A {strides = array<i32>} : memref<10000x64xf32, #tpu.memory_space<vmem>>, vector<10000x64xf32>,
    %get3A_90 = arith.constant 0 : index
    %get3A_91 = arith.constant 0 : index
    %get3A_92 = vector.load %arg3[%get3A_90, %get3A_91] : memref<10000x1xf32, #tpu.memory_space<vmem>>, vector<10000x1xf32>
    %mul3A_93 = vector.broadcast %get3A_92 : vector<10000x1xf32> to vector<10000x64xf32>
    %mul3A_94 = arith.mulf %select_n3A, %mul3A_93 : vector<10000x64xf32>
    %broadcast_in_dim3A_95 = arith.constant 0.000000e+00 : f32
    %broadcast_in_dim3A_96 = vector.broadcast %broadcast_in_dim3A_95 : f32 to vector<10000x64xf32>
    %concatenate3A = tpu.concatenate %mul3A_94, %broadcast_in_dim3A_96 in 1 : vector<10000x64xf32>, vector<10000x64xf32> -> vector<10000x128xf32>
    %swap3A_97 = arith.constant 0 : index
    %swap3A_98 = arith.constant 0 : index
    %swap3A_99 = vector.load %arg9[%swap3A_97, %swap3A_98] : memref<10240x128xf32, #tpu.memory_space<vmem>>, vector<10000x128xf32>
    tpu.vector_store %arg9[%swap3A_97, %swap3A_98], %concatenate3A {strides = array<i32>} : memref<10240x128xf32, #tpu.memory_space<vmem>>, vector<10000x128xf32>,
    %broadcast_in_dim3A_100 = arith.constant 0.000000e+00 : f32
    %broadcast_in_dim3A_101 = vector.broadcast %broadcast_in_dim3A_100 : f32 to vector<240x128xf32>
    %swap3A_102 = arith.constant 10000 : index
    %swap3A_103 = arith.constant 0 : index
    %swap3A_104 = vector.load %arg9[%swap3A_102, %swap3A_103] : memref<10240x128xf32, #tpu.memory_space<vmem>>, vector<240x128xf32>
    tpu.vector_store %arg9[%swap3A_102, %swap3A_103], %broadcast_in_dim3A_101 {strides = array<i32>} : memref<10240x128xf32, #tpu.memory_space<vmem>>, vector<240x128xf32>,
    return
  }
}

module attributes {stable_mosaic.version = 14 : i64} {
  func.func @_conv2_body(%arg0: memref<10000x64xf32, #tpu.memory_space<vmem>>, %arg1: memref<10000x128xf32, #tpu.memory_space<vmem>>, %arg2: memref<2x10240x128xf32, #tpu.memory_space<vmem>>, %arg3: memref<10000x1xf32, #tpu.memory_space<vmem>>, %arg4: memref<3x64x128xf32, #tpu.memory_space<vmem>>, %arg5: memref<128xf32, #tpu.memory_space<vmem>>, %arg6: memref<10000x128xf32, #tpu.memory_space<vmem>>, %arg7: memref<10000x128xf32, #tpu.memory_space<vmem>>, %arg8: memref<1x1xf32, #tpu.memory_space<vmem>>) attributes {dimension_semantics = [], scalar_prefetch = 0 : i64, scratch_operands = 0 : i64, tpu.core_type = #tpu.core_type<tc>} {
    %get3A = arith.constant 0 : index
    %get3A_0 = arith.constant 0 : index
    %get3A_1 = arith.constant 0 : index
    %get3A_2 = vector.load %arg2[%get3A, %get3A_0, %get3A_1] : memref<2x10240x128xf32, #tpu.memory_space<vmem>>, vector<1x10240x128xf32>
    %get3A_3 = vector.shape_cast %get3A_2 : vector<1x10240x128xf32> to vector<10240x128xf32>
    %get3A_4 = arith.constant 1 : index
    %get3A_5 = arith.constant 0 : index
    %get3A_6 = arith.constant 0 : index
    %get3A_7 = vector.load %arg2[%get3A_4, %get3A_5, %get3A_6] : memref<2x10240x128xf32, #tpu.memory_space<vmem>>, vector<1x10240x128xf32>
    %get3A_8 = vector.shape_cast %get3A_7 : vector<1x10240x128xf32> to vector<10240x128xf32>
    %add3A = arith.addf %get3A_3, %get3A_8 : vector<10240x128xf32>
    %slice3A = vector.extract_strided_slice %add3A {offsets = [0, 0], sizes = [10000, 64], strides = [1, 1]} : vector<10240x128xf32> to vector<10000x64xf32>
    %get3A_9 = arith.constant 0 : index
    %get3A_10 = arith.constant 0 : index
    %get3A_11 = vector.load %arg3[%get3A_9, %get3A_10] : memref<10000x1xf32, #tpu.memory_space<vmem>>, vector<10000x1xf32>
    %mul3A = vector.broadcast %get3A_11 : vector<10000x1xf32> to vector<10000x64xf32>
    %mul3A_12 = arith.mulf %slice3A, %mul3A : vector<10000x64xf32>
    %get3A_13 = arith.constant 0 : index
    %get3A_14 = arith.constant 0 : index
    %get3A_15 = vector.load %arg0[%get3A_13, %get3A_14] : memref<10000x64xf32, #tpu.memory_space<vmem>>, vector<10000x64xf32>
    %get3A_16 = arith.constant 0 : index
    %get3A_17 = arith.constant 0 : index
    %get3A_18 = arith.constant 0 : index
    %get3A_19 = vector.load %arg4[%get3A_16, %get3A_17, %get3A_18] : memref<3x64x128xf32, #tpu.memory_space<vmem>>, vector<1x64x128xf32>
    %get3A_20 = vector.shape_cast %get3A_19 : vector<1x64x128xf32> to vector<64x128xf32>
    %get3A_21 = arith.constant 2 : index
    %get3A_22 = arith.constant 0 : index
    %get3A_23 = arith.constant 0 : index
    %get3A_24 = vector.load %arg4[%get3A_21, %get3A_22, %get3A_23] : memref<3x64x128xf32, #tpu.memory_space<vmem>>, vector<1x64x128xf32>
    %get3A_25 = vector.shape_cast %get3A_24 : vector<1x64x128xf32> to vector<64x128xf32>
    %sub3A = arith.subf %get3A_20, %get3A_25 : vector<64x128xf32>
    %dot_general3A = arith.constant dense<0.000000e+00> : vector<10000x128xf32>
    %dot_general3A_26 = tpu.matmul %get3A_15, %sub3A, %dot_general3A {dimension_numbers = #tpu.dot_dimension_numbers<[1], [0], [0], [1], [0, 0, 1, 1], [], []>, transpose_lhs_hint = false} : vector<10000x64xf32>, vector<64x128xf32>, vector<10000x128xf32> -> vector<10000x128xf32>
    %get3A_27 = arith.constant 0 : index
    %get3A_28 = arith.constant 0 : index
    %get3A_29 = vector.load %arg1[%get3A_27, %get3A_28] : memref<10000x128xf32, #tpu.memory_space<vmem>>, vector<10000x128xf32>
    %slice3A_30 = vector.extract_strided_slice %get3A_29 {offsets = [0, 0], sizes = [10000, 64], strides = [1, 1]} : vector<10000x128xf32> to vector<10000x64xf32>
    %get3A_31 = arith.constant 1 : index
    %get3A_32 = arith.constant 0 : index
    %get3A_33 = arith.constant 0 : index
    %get3A_34 = vector.load %arg4[%get3A_31, %get3A_32, %get3A_33] : memref<3x64x128xf32, #tpu.memory_space<vmem>>, vector<1x64x128xf32>
    %get3A_35 = vector.shape_cast %get3A_34 : vector<1x64x128xf32> to vector<64x128xf32>
    %dot_general3A_36 = arith.constant dense<0.000000e+00> : vector<10000x128xf32>
    %dot_general3A_37 = tpu.matmul %slice3A_30, %get3A_35, %dot_general3A_36 {dimension_numbers = #tpu.dot_dimension_numbers<[1], [0], [0], [1], [0, 0, 1, 1], [], []>, transpose_lhs_hint = false} : vector<10000x64xf32>, vector<64x128xf32>, vector<10000x128xf32> -> vector<10000x128xf32>
    %sub3A_38 = arith.subf %dot_general3A_26, %dot_general3A_37 : vector<10000x128xf32>
    %get3A_39 = arith.constant 2 : index
    %get3A_40 = arith.constant 0 : index
    %get3A_41 = arith.constant 0 : index
    %get3A_42 = vector.load %arg4[%get3A_39, %get3A_40, %get3A_41] : memref<3x64x128xf32, #tpu.memory_space<vmem>>, vector<1x64x128xf32>
    %get3A_43 = vector.shape_cast %get3A_42 : vector<1x64x128xf32> to vector<64x128xf32>
    %dot_general3A_44 = arith.constant dense<0.000000e+00> : vector<10000x128xf32>
    %dot_general3A_45 = tpu.matmul %mul3A_12, %get3A_43, %dot_general3A_44 {dimension_numbers = #tpu.dot_dimension_numbers<[1], [0], [0], [1], [0, 0, 1, 1], [], []>, transpose_lhs_hint = false} : vector<10000x64xf32>, vector<64x128xf32>, vector<10000x128xf32> -> vector<10000x128xf32>
    %mul3A_46 = arith.constant 2.000000e+00 : f32
    %mul3A_47 = vector.broadcast %mul3A_46 : f32 to vector<10000x128xf32>
    %mul3A_48 = arith.mulf %mul3A_47, %dot_general3A_45 : vector<10000x128xf32>
    %add3A_49 = arith.addf %sub3A_38, %mul3A_48 : vector<10000x128xf32>
    %get3A_50 = arith.constant 0 : index
    %get3A_51 = vector.load %arg5[%get3A_50] : memref<128xf32, #tpu.memory_space<vmem>>, vector<128xf32>
    %broadcast_in_dim3A = vector.shape_cast %get3A_51 : vector<128xf32> to vector<1x128xf32>
    %add3A_52 = vector.broadcast %broadcast_in_dim3A : vector<1x128xf32> to vector<10000x128xf32>
    %add3A_53 = arith.addf %add3A_49, %add3A_52 : vector<10000x128xf32>
    %swap3A = arith.constant 0 : index
    %swap3A_54 = arith.constant 0 : index
    %swap3A_55 = vector.load %arg7[%swap3A, %swap3A_54] : memref<10000x128xf32, #tpu.memory_space<vmem>>, vector<10000x128xf32>
    tpu.vector_store %arg7[%swap3A, %swap3A_54], %add3A_53 {strides = array<i32>} : memref<10000x128xf32, #tpu.memory_space<vmem>>, vector<10000x128xf32>,
    %get3A_56 = arith.constant 0 : index
    %get3A_57 = arith.constant 0 : index
    %get3A_58 = vector.load %arg6[%get3A_56, %get3A_57] : memref<10000x128xf32, #tpu.memory_space<vmem>>, vector<10000x128xf32>
    %sub3A_59 = arith.subf %add3A_53, %get3A_58 : vector<10000x128xf32>
    %mul3A_60 = arith.mulf %sub3A_59, %sub3A_59 : vector<10000x128xf32>
    %reduce_sum3A = vector.shape_cast %mul3A_60 : vector<10000x128xf32> to vector<1x10000x128xf32>
    %reduce_sum3A_61 = arith.constant dense<0.000000e+00> : vector<1xf32>
    %reduce_sum3A_62 = vector.multi_reduction <add>, %reduce_sum3A, %reduce_sum3A_61 [1, 2] : vector<1x10000x128xf32> to vector<1xf32>
    %reduce_sum3A_63 = vector.shape_cast %reduce_sum3A_62 : vector<1xf32> to vector<1x1x1xf32>
    %reduce_sum3A_64 = vector.extract %reduce_sum3A_63[0, 0, 0] : f32 from vector<1x1x1xf32>
    %mul3A_65 = arith.constant 7.812500e-07 : f32
    %mul3A_66 = arith.mulf %reduce_sum3A_64, %mul3A_65 : f32
    %reshape3A = vector.broadcast %mul3A_66 : f32 to vector<1x1xf32>
    %swap3A_67 = arith.constant 0 : index
    %swap3A_68 = arith.constant 0 : index
    %swap3A_69 = vector.load %arg8[%swap3A_67, %swap3A_68] : memref<1x1xf32, #tpu.memory_space<vmem>>, vector<1x1xf32>
    tpu.vector_store %arg8[%swap3A_67, %swap3A_68], %reshape3A {strides = array<i32>} : memref<1x1xf32, #tpu.memory_space<vmem>>, vector<1x1xf32>,
    return
  }
}

</mosaic_0001>

<sc_bundles>
// kernel: kernel.12.cloned.1.call-start
scs
__scs_entry_jumppad:
0x0: {  	(pc) =	sbr.rel $0x88, $3  }
0x1: {  	(tag) =	ssettag $0x0;
	lr =	simm.s32 $0x1  }
0x2: {  	[smem:$0x3F99] =	sst lr;
	_ =	strace $0xD0000000  }
0x3: {  	_ = 	snop  }
0x4: {  	_ = 	snop  }
0x5: {  	_ = 	snop  }
0x6: {  	_ = 	snop  }
0x7: {  	_ = 	snop  }
__scs_overlays_trampoline_lowered:
0x8: {  	[smem:$0x3FA8] =	sst s0  }
0x9: {  	[smem:$0x3FA9] =	sst s1  }
0xa: {  	[smem:$0x3FAA] =	sst s2  }
0xb: {  	[smem:$0x3FAB] =	sst s3  }
0xc: {  	[smem:$0x3FAC] =	sst s4  }
0xd: {  	[smem:$0x3FAD] =	sst s5  }
0xe: {  	[smem:$0x3FAE] =	sst s6  }
0xf: {  	[smem:$0x3FAF] =	sst s7  }
0x10: {  	[smem:$0x3FB0] =	sst s8  }
0x11: {  	[smem:$0x3FB1] =	sst s9;
	s0 =	simm.s32 @!p0 $0x0  }
0x12: {  	s1 =	sld [smem:$0x3F97];
	s0 =	simm.s32 @p0 $0x1  }
0x13: {  	[smem:$0x3FB2] =	sst s0;
	s0 =	simm.s32 @!p1 $0x0  }
0x14: {  	s2 =	sld [smem:$0x3F96];
	s0 =	simm.s32 @p1 $0x1  }
0x15: {  	[smem:$0x3FB3] =	sst s0;
	s0 =	simm.s32 @!p2 $0x0  }
0x16: {  	s3 =	sld [smem:$0x3FDB];
	s0 =	simm.s32 @p2 $0x1  }
0x17: {  	s4 =	simm.s32 $0x1BF5;
	[smem:$0x3FB5] =	sst s0  }
0x18: {  	s0 =	sld [smem:$0x3F98];
	_ =	swait.ge [sflag:s4], $0x0  }
0x19: {  	s7 =	sld [smem:$0x3F99]  }
0x1a: {  	s8 =	sadd.s32 $0xFFFFE003, lr  }
0x1b: {  	s9 =	sadd.s32 $0xFFFFFEF7, lr;
	s5 =	simm.s32 $0xFFFFFFFF;
	p2 =	slt.u32 s8, $0xFFFFF086  }
0x1c: {  	p1 =	slt.u32 s9, $0xF7A;
	s5 =	simm.s32 @!p2 $0x0  }
0x1d: {  	s5 =	simm.s32 @p1 $0x1;
	p0 =	seq.s32 s7, s2  }
0x1e: {  	s7 =	smul.u32 @!p0 $0xF7A, s2;
	p2 =	seq.s32 @!p0 s5, $0x0  }
0x1f: {  	s9 =	smul.u32 $0xF7A, s1;
	s8 =	simm.s32 @!p0 $0x1BF5;
	p2 =	por !p2, p0  }
0x20: {  	[sflag:s8] =	ssyncset.s32 @!p0 $0xFFFFF086;
	s6 =	sadd.s32 @!p0 s3, s7;
	s7 =	simm.s32 @!p0 $0x108  }
0x21: {  	s3 =	sadd.s32 s3, s9;
	s6 =	sadd.s32 @!p0 $0x88, s6;
	s7 =	simm.s32 @p2 $0x1082  }
0x22: {  	[simem:s7], [sflag:s8] =	dma.local @!p0 [hbm:s6], $0xF7A  }
0x23: {  	s9 =	sor.u32 $0xD0000000, s2;
	s6 =	simm.s32 $0x108;
	_ =	swait.ge @!p0 [sflag:s8], $0x0  }
0x24: {  	s3 =	sadd.s32 $0x88, s3;
	s6 =	simm.s32 @!p1 $0x1082;
	[sflag:s4] =	ssyncset.s32 $0xFFFFF086  }
0x25: {  	[simem:s6], [sflag:s4] =	dma.local [hbm:s3], $0xF7A  }
0x26: {  	[smem:$0x3F99] =	sst s1;
	(tag) =	ssettag s2;
	_ =	strace s9  }
0x27: {  	s1 =	sld [smem:$0x3FA9]  }
0x28: {  	s2 =	sld [smem:$0x3FAA]  }
0x29: {  	s4 =	sld [smem:$0x3FAC]  }
0x2a: {  	p0 =	seq.s32 s5, $0x0;
	s5 =	sld [smem:$0x3FAD]  }
0x2b: {  	s6 =	sld [smem:$0x3FAE]  }
0x2c: {  	s7 =	sld [smem:$0x3FAF]  }
0x2d: {  	s3 =	simm.s32 $0x108;
	s8 =	sld [smem:$0x3FB0]  }
0x2e: {  	s3 =	simm.s32 @!p0 $0x1082;
	s9 =	sld [smem:$0x3FB1]  }
0x2f: {  	lr =	sadd.s32 s0, s3;
	s0 =	sld [smem:$0x3FA8]  }
0x30: {  	s3 =	sld [smem:$0x3FAB]  }
0x31: {  	[smem:$0x3FB4] =	sst s10  }
0x32: {  	s10 =	sld [smem:$0x3FB2];
	_ =	sdelay $0x3  }
0x33: {  	p0 =	seq.s32 s10, $0x1;
	s10 =	sld [smem:$0x3FB4];
	_ =	sdelay $0x3  }
0x34: {  	[smem:$0x3FB4] =	sst s10  }
0x35: {  	s10 =	sld [smem:$0x3FB3];
	_ =	sdelay $0x3  }
0x36: {  	p1 =	seq.s32 s10, $0x1;
	s10 =	sld [smem:$0x3FB4];
	_ =	sdelay $0x3  }
0x37: {  	[smem:$0x3FB4] =	sst s10  }
0x38: {  	s10 =	sld [smem:$0x3FB5]  }
0x39: {  	_ = 	snop;
	(pc) =	sbr.ind lr, $3  }
0x3a: {  	_ = 	snop  }
0x3b: {  	_ = 	snop  }
0x3c: {  	p2 =	seq.s32 s10, $0x1;
	s10 =	sld [smem:$0x3FB4]  }
0x3d: {  	_ =	shalt  }
0x3e: {  	_ =	shalt  }
0x3f: {  	_ =	shalt  }
0x40: {  	_ =	shalt  }
0x41: {  	_ =	shalt  }
0x42: {  	_ =	shalt  }
0x43: {  	_ =	shalt  }
0x44: {  	_ =	shalt  }
0x45: {  	_ =	shalt  }
0x46: {  	_ =	shalt  }
0x47: {  	_ =	shalt  }
0x48: {  	_ =	shalt  }
0x49: {  	_ =	shalt  }
0x4a: {  	_ =	shalt  }
0x4b: {  	_ =	shalt  }
0x4c: {  	_ =	shalt  }
0x4d: {  	_ =	shalt  }
0x4e: {  	_ =	shalt  }
0x4f: {  	_ =	shalt  }
0x50: {  	_ =	shalt  }
0x51: {  	_ =	shalt  }
0x52: {  	_ =	shalt  }
0x53: {  	_ =	shalt  }
0x54: {  	_ =	shalt  }
0x55: {  	_ =	shalt  }
0x56: {  	_ =	shalt  }
0x57: {  	_ =	shalt  }
0x58: {  	_ =	shalt  }
0x59: {  	_ =	shalt  }
0x5a: {  	_ =	shalt  }
0x5b: {  	_ =	shalt  }
0x5c: {  	_ =	shalt  }
0x5d: {  	_ =	shalt  }
0x5e: {  	_ =	shalt  }
0x5f: {  	_ =	shalt  }
0x60: {  	_ =	shalt  }
0x61: {  	_ =	shalt  }
0x62: {  	_ =	shalt  }
0x63: {  	_ =	shalt  }
0x64: {  	_ =	shalt  }
0x65: {  	_ =	shalt  }
0x66: {  	_ =	shalt  }
0x67: {  	_ =	shalt  }
0x68: {  	_ =	shalt  }
0x69: {  	_ =	shalt  }
0x6a: {  	_ =	shalt  }
0x6b: {  	_ =	shalt  }
0x6c: {  	_ =	shalt  }
0x6d: {  	_ =	shalt  }
0x6e: {  	_ =	shalt  }
0x6f: {  	_ =	shalt  }
0x70: {  	_ =	shalt  }
0x71: {  	_ =	shalt  }
0x72: {  	_ =	shalt  }
0x73: {  	_ =	shalt  }
0x74: {  	_ =	shalt  }
0x75: {  	_ =	shalt  }
0x76: {  	_ =	shalt  }
0x77: {  	_ =	shalt  }
0x78: {  	_ =	shalt  }
0x79: {  	_ =	shalt  }
0x7a: {  	_ =	shalt  }
0x7b: {  	_ =	shalt  }
0x7c: {  	_ =	shalt  }
0x7d: {  	_ =	shalt  }
0x7e: {  	_ =	shalt  }
0x7f: {  	_ =	shalt  }
0x80: {  	_ =	shalt  }
0x81: {  	_ =	shalt  }
0x82: {  	_ =	shalt  }
0x83: {  	_ =	shalt  }
0x84: {  	_ =	shalt  }
0x85: {  	_ =	shalt  }
0x86: {  	_ =	shalt  }
0x87: {  	_ =	shalt  }
.Lfunc_end0:
.L_simem_size_0:
called_computation_lowered:
.L_overlay_start_0:
0x88: {  	s2 =	sld [smem:$0x3FD9]  }
0x89: {  	s3 =	sld [smem:$0x3FFE];
	_ =	sdelay $0x1  }
0x8a: {  	s1 =	srdreg.scid  }
0x8b: {  	s0 =	sand.u32 $0x1, s1  }
0x8c: {  	s16 =	sshll.u32 s0, $0xA;
	s2 =	sadd.s32 s3, s2  }
0x8d: {  	s2 =	sadd.s32 s2, s16  }
0x8e: {  	[smem:$0x3FC0] =	sst s2  }
0x8f: {  	_ = 	snop  }
0x90: {  	(tm) =	ssettm $0x1  }
0x91: {  	s17 =	sld [smem:$0x3FFB];
	_ =	sdelay $0x3  }
0x92: {  	_ =	strace s17  }
0x93: {  	s2 =	sld [smem:$0x3FFC];
	_ =	sdelay $0x3  }
0x94: {  	_ =	strace s2  }
0x95: {  	s2 =	sld [smem:$0x3FFD];
	_ =	sdelay $0x3  }
0x96: {  	_ =	strace s2  }
0x97: {  	_ =	strace $0x8FFFFFFF  }
0x98: {  	s18 =	sld [smem:$0x3FDB];
	_ =	sdelay $0x1  }
0x99: {  	s19 =	simm.s32 $_scs_section_size  }
0x9a: {  	s4 =	simm.s32 $_size__tile_overlayer_lowered;
	s5 =	simm.s32 $_tile_overlayer_lowered  }
0x9b: {  	s22 =	simm.s32 $0x1BFF;
	s21 =	sshll.u32 s5, $0x1;
	s2 =	sadd.s32 s19, s18  }
0x9c: {  	s6 =	simm.s32 $0x0;
	s20 =	sshll.u32 s4, $0x1;
	s4 =	sadd.s32 s21, s2  }
0x9d: {  	[timem:s6], [sflag:s22] =	dma.local [hbm:s4], s20  }
0x9e: {  	_ =	swait.ge [sflag:s22], s20  }
0x9f: {  	s3 =	ssub.s32 $0x0, s20;
	[sflag:s22] =	ssyncset.done $0x0  }
0xa0: {  	[sflag:s22] =	ssyncadd.s32 s3;
	_ =	sdelay $0x1  }
0xa1: {  	s23 =	simm.s32 $0x1B8B  }
0xa2: {  	_ =	swait.ge [sflag:s23], $0x1  }
0xa3: {  	[sflag:s23] =	ssyncset.done $0x0  }
0xa4: {  	s25 =	simm.s32 $0x1B8E;
	s24 =	sld [smem:$0x3FFE];
	[sflag:s23] =	ssyncadd.s32 $0xFFFFFFFF  }
0xa5: {  	s26 =	simm.s32 $execute0_lowered;
	[smem:$0x3FD2] =	sst s25  }
0xa6: {  	s4 =	sshll.u32 s26, $0x1;
	_ =	strace $0x80000046;
	[dreg:$0x1] =	wrdreg $0xFFFFFFFF  }
0xa7: {  	s28 =	simm.s32 $_size_execute0_lowered;
	s2 =	sadd.s32 s2, s4;
	[dreg:$0x0] =	wrdreg $0x0  }
0xa8: {  	s4 =	sshll.u32 s28, $0x1;
	[dreg:$0x2] =	wrdreg s2  }
0xa9: {  	[dreg:$0x3] =	wrdreg s4  }
0xaa: {  	[dreg:$0x4] =	wrdreg $0xC0  }
0xab: {  	_ =	task [dreg:s6], $0x5FFFF  }
0xac: {  	[dreg:$0x1] =	wrdreg $0xFFFFFFFF  }
0xad: {  	[dreg:$0x0] =	wrdreg $0x60  }
0xae: {  	[dreg:$0x2] =	wrdreg s24  }
0xaf: {  	[dreg:$0x3] =	wrdreg $0x54000  }
0xb0: {  	[dreg:$0x4] =	wrdreg $0x9  }
0xb1: {  	_ =	task.clear_ibuf [dreg:s6], $0x5FFFF;
	_ =	strace $0x90000046  }
0xb2: {  	s29 =	simm.s32 $0x9;
	_ =	strace $0x80000048  }
0xb3: {  	_ =	swait.ge [sflag:s29], $0x1  }
0xb4: {  	[sflag:s29] =	ssyncadd.s32 $0xFFFFFFFF  }
0xb5: {  	_ =	strace $0x90000048  }
0xb6: {  	_ =	sfence  }
0xb7: {  	s30 =	sld [smem:$0x0];
	_ =	sdelay $0x2  }
0xb8: {  	s31 =	sshll.u32 s1, $0xD;
	s1 =	sshrl.u32 s1, $0x2  }
0xb9: {  	s3 =	sand.u32 $0x4000, s31;
	s1 =	sadd.s32 s1, s30  }
0xba: {  	s0 =	sor.u32 s3, s0;
	s1 =	sshll.u32 s1, $0x11  }
0xbb: {  	s0 =	sor.u32 s1, s0  }
0xbc: {  	s0 =	sadd.s32 $0x8F2B, s0  }
0xbd: {  	[sflag:s0] =	ssyncadd.remote.s32 $0x1  }
0xbe: {  	_ =	sfence.sel $0xFFFF  }
0xbf: {  	[dreg:$0x0] =	wrdreg $0xFFFFFFFF;
	(pc) =	sbr.abs _section_cstart, $3  }
0xc0: {  	[dreg:$0x1] =	wrdreg $0xFFFFFFFF  }
0xc1: {  	_ =	task.clear_ibuf [dreg:s6], $0x2FFFF;
	_ =	strace $0x9FFFFFFF  }
0xc2: {  	(tm) =	ssettm $0x7FFFFFFF  }
0xc3: {  	_ =	shalt  }
tec
execute0_lowered:
.L_overlay_start_1:
0x0: {  	(tag) =	ssettag $0x1  }
0x1: {  	s1 =	srdreg.scid  }
0x2: {  	s0 =	stileid.u32;
	s5 =	rddreg [dreg:$0x0]  }
0x3: {  	s2 =	rddreg [dreg:$0x1];
	s3 =	simm.s32 $0x0;
	s13 =	simm.s32 $0x1400  }
0x4: {  	s14 =	simm.s32 $0x1;
	s15 =	simm.s32 $0x80;
	s17 =	simm.s32 $0x0  }
0x5: {  	s4 =	sand.u32 $0x1, s1;
	s26 =	sshll.u32 s0, $0x1;
	s8 =	smul.u32 $0x14000, s0  }
0x6: {  	[smem:$0x7FF] =	sst s3;
	s9 =	smul.u32 $0x50000, s0;
	s16 =	sshll.u32 s0, $0x6  }
0x7: {  	s1 =	sor.u32 s4, s26;
	s7 =	smul.u32 $0x140000, s4;
	s29 =	ssub.s32 $0x2, s4  }
0x8: {  	s16 =	sor.u32 $0x1C01, s16;
	s6 =	smul.u32 $0x2800, s1;
	s1 =	rddreg [dreg:$0x2]  }
0x9: {  	_ =	strace $0x80000047;
	s30 =	sshrl.u32 s9, $0x2;
	s31 =	sshrl.u32 s29, $0x1  }
0xa: {  	s28 =	sadd.s32 s8, s7;
	s4 =	sadd.s32 s30, s2;
	s12 =	ssub.s32 s29, s31  }
0xb: {  	s6 =	sshrl.u32 s6, $0x3;
	s7 =	sadd.s32 $0xC000, s4;
	s8 =	sadd.s32 $0x10000, s4  }
0xc: {  	s12 =	smax.u32 s12, $0x1;
	s10 =	sadd.s32 s6, s5;
	s6 =	sshrl.u32 s28, $0x3  }
0xd: {  	s11 =	sadd.s32 s6, s5;
	s5 =	sadd.s32 $0x4000, s4;
	s6 =	sadd.s32 $0x8000, s4  }
0xe: {  	v0 =	vimm.f32 $0.0e+00;
	v1 =	vimm.f32 $1.000000000e+00;
	s9 =	sadd.s32 $0xDC00, s10;
	s10 =	sadd.s32 $0xDE80, s10;
	s11 =	sadd.s32 $0x17C00, s11  }
.LBB2_1:
0xf: {  	s18 =	sand.u32 $0xFE00, s3  }
0x10: {  	s19 =	sand.u32 $0x70, s3;
	s20 =	sshrl.u32 s18, $0x2  }
0x11: {  	s18 =	simm.s32 $0x40;
	s20 =	sor.u32 s19, s20;
	s19 =	simm.s32 $0x0  }
.LBB2_2:
0x12: {  	p0 =	sne.s32 s18, $0xFFC0  }
0x13: {  	[tilespmem:s20+$0x1400] =	vst v0;
	s19 =	sadd.s32 $0x10, s19;
	s20 =	smov.u32 s18;
	s18 =	sadd.s32 $0x40, s18  }
.Ltmp0:
0x14: {  	(pc) =	sbr.rel @p0 .LBB2_2-.Ltmp0, $4  }
0x15: {  	_ = 	snop  }
0x16: {  	s20 =	sand.u32 $0xFE00, s20  }
0x17: {  	s21 =	sand.u32 $0x70, s19;
	s20 =	sshrl.u32 s20, $0x2  }
0x18: {  	s20 =	sor.u32 s21, s20  }
0x19: {  	[tilespmem:s20+$0x1400] =	vst v0  }
0x1a: {  	[spmem:s4] =	stream.linear.scatter [tilespmem:s13], [sflag:$0x1], $0x4000, $0x38;
	[tilespmem:$0x19400] =	vst v63  }
0x1b: {  	_ =	swait.ge [sflag:s14], $0x4000  }
0x1c: {  	[sflag:s14] =	ssyncset.done $0x0  }
0x1d: {  	[sflag:s14] =	ssyncadd.s32 $0xFFFFC000  }
0x1e: {  	[spmem:s5] =	stream.linear.scatter [tilespmem:s13], [sflag:$0x1], $0x4000, $0x38;
	[tilespmem:$0x19400] =	vst v63  }
0x1f: {  	_ =	swait.ge [sflag:s14], $0x4000  }
0x20: {  	[sflag:s14] =	ssyncset.done $0x0  }
0x21: {  	[sflag:s14] =	ssyncadd.s32 $0xFFFFC000  }
0x22: {  	[spmem:s6] =	stream.linear.scatter [tilespmem:s13], [sflag:$0x1], $0x4000, $0x38;
	[tilespmem:$0x19400] =	vst v63  }
0x23: {  	_ =	swait.ge [sflag:s14], $0x4000  }
0x24: {  	[sflag:s14] =	ssyncset.done $0x0  }
0x25: {  	[sflag:s14] =	ssyncadd.s32 $0xFFFFC000  }
0x26: {  	[spmem:s7] =	stream.linear.scatter [tilespmem:s13], [sflag:$0x1], $0x4000, $0x38;
	[tilespmem:$0x19400] =	vst v63  }
0x27: {  	_ =	swait.ge [sflag:s14], $0x4000  }
0x28: {  	[sflag:s14] =	ssyncset.done $0x0  }
0x29: {  	s18 =	simm.s32 $0x0;
	[sflag:s14] =	ssyncadd.s32 $0xFFFFC000  }
0x2a: {  	[spmem:s8] =	stream.linear.scatter [tilespmem:s13], [sflag:$0x1], $0x4000, $0x38;
	[tilespmem:$0x19400] =	vst v63  }
0x2b: {  	s19 =	sand.u32 $0xFE00, s18;
	_ =	swait.ge [sflag:s14], $0x4000  }
0x2c: {  	s31 =	sand.u32 $0x70, s18;
	s21 =	sshrl.u32 s19, $0x2;
	[sflag:s14] =	ssyncset.done $0x0  }
0x2d: {  	s19 =	simm.s32 $0x40;
	s20 =	sor.u32 s31, s21;
	[sflag:s14] =	ssyncadd.s32 $0xFFFFC000  }
.LBB2_4:
0x2e: {  	p0 =	sne.s32 s19, $0xFFC0  }
0x2f: {  	[tilespmem:s20+$0x1400] =	vst v1;
	s18 =	sadd.s32 $0x10, s18;
	s20 =	smov.u32 s19;
	s19 =	sadd.s32 $0x40, s19  }
.Ltmp1:
0x30: {  	(pc) =	sbr.rel @p0 .LBB2_4-.Ltmp1, $4  }
0x31: {  	_ = 	snop  }
0x32: {  	s20 =	sand.u32 $0xFE00, s20  }
0x33: {  	s21 =	sand.u32 $0x70, s18;
	s20 =	sshrl.u32 s20, $0x2  }
0x34: {  	s20 =	sor.u32 s21, s20  }
0x35: {  	[tilespmem:s20+$0x1400] =	vst v1  }
0x36: {  	s18 =	simm.s32 $0x0;
	[bflag:$0x0] =	sbarrier.arrive $0xFFFF  }
0x37: {  	[tilespmem:s18], [sflag:$0x1] =	stream.linear.gather [hbm4b:s9+s18], $0x1400, $0x38;
	[tilespmem:$0x19400] =	vst v63  }
0x38: {  	_ =	swait.ge [sflag:s14], $0x1400  }
0x39: {  	[sflag:s14] =	ssyncset.done $0x0  }
0x3a: {  	s31 =	simm.s32 $0x0;
	[sflag:s14] =	ssyncadd.s32 $0xFFFFEC00  }
0x3b: {  	[spmem:s2] =	stream.indirect.scatter.add.f32 [tilespmem:s13], [sflag:$0x1], $0x80, s31, s15, $0xb8;
	[tilespmem:$0x19400] =	vst v63  }
0x3c: {  	_ =	swait.ge [sflag:s14], $0x4000  }
0x3d: {  	s18 =	simm.s32 $0x200;
	[sflag:s14] =	ssyncset.done $0x0  }
.LBB2_6:
0x3e: {  	s19 =	sshra.s32 s18, $0x2;
	[sflag:s14] =	ssyncadd.s32 $0xFFFFC000;
	p0 =	sne.s32 s18, $0x4E00  }
0x3f: {  	[spmem:s2] =	stream.indirect.scatter.add.f32 [tilespmem:s13], [sflag:$0x1], $0x80, s19, s15, $0xb8;
	[tilespmem:$0x19400] =	vst v63  }
.Ltmp2:
0x40: {  	_ = 	snop;
	(pc) =	sbr.rel @p0 .LBB2_6-.Ltmp2, $4  }
0x41: {  	_ = 	snop  }
0x42: {  	s18 =	sadd.s32 $0x200, s18  }
0x43: {  	_ =	swait.ge [sflag:s14], $0x4000  }
0x44: {  	[sflag:s14] =	ssyncset.done $0x0  }
0x45: {  	[sflag:s14] =	ssyncadd.s32 $0xFFFFC000;
	s18 =	simm.s32 $0x0  }
0x46: {  	[tilespmem:s18], [sflag:$0x1] =	stream.linear.gather [hbm4b:s10+s18], $0x1400, $0x38;
	[tilespmem:$0x19400] =	vst v63  }
0x47: {  	_ =	swait.ge [sflag:s14], $0x1400  }
0x48: {  	[sflag:s14] =	ssyncset.done $0x0  }
0x49: {  	s31 =	simm.s32 $0x0;
	[sflag:s14] =	ssyncadd.s32 $0xFFFFEC00  }
0x4a: {  	[spmem:s2] =	stream.indirect.scatter.add.f32 [tilespmem:s13], [sflag:$0x1], $0x80, s31, s15, $0xb8;
	[tilespmem:$0x19400] =	vst v63  }
0x4b: {  	_ =	swait.ge [sflag:s14], $0x4000  }
0x4c: {  	s18 =	simm.s32 $0x200;
	[sflag:s14] =	ssyncset.done $0x0  }
.LBB2_8:
0x4d: {  	s19 =	sshra.s32 s18, $0x2;
	[sflag:s14] =	ssyncadd.s32 $0xFFFFC000;
	p0 =	sne.s32 s18, $0x4E00  }
0x4e: {  	[spmem:s2] =	stream.indirect.scatter.add.f32 [tilespmem:s13], [sflag:$0x1], $0x80, s19, s15, $0xb8;
	[tilespmem:$0x19400] =	vst v63  }
.Ltmp3:
0x4f: {  	_ = 	snop;
	(pc) =	sbr.rel @p0 .LBB2_8-.Ltmp3, $4  }
0x50: {  	_ = 	snop  }
0x51: {  	s18 =	sadd.s32 $0x200, s18  }
0x52: {  	_ =	swait.ge [sflag:s14], $0x4000  }
0x53: {  	[sflag:s14] =	ssyncset.done $0x0  }
0x54: {  	s17 =	sadd.s32 $0x1, s17  }
0x55: {  	[sflag:s14] =	ssyncadd.s32 $0xFFFFC000;
	p0 =	sne.s32 s17, s12  }
.Ltmp4:
0x56: {  	s18 =	sshrl.u32 s4, $0x3;
	[bflag:$0x0] =	sbarrier.arrive $0xFFFF;
	(pc) =	sbr.rel @p0 .LBB2_1-.Ltmp4, $4  }
0x57: {  	[hbm:s11], [sflag:s16] =	dma.local [spmem:s18], $0x2800  }
0x58: {  	_ =	swait.ge [sflag:s14], $0x2800  }
0x59: {  	[sflag:s14] =	ssyncset.done $0x0  }
0x5a: {  	[sflag:s14] =	ssyncadd.s32 $0xFFFFD800  }
0x5b: {  	_ =	sfence.sel $0x180000  }
0x5c: {  	[bflag:$0x0] =	sbarrier.arrive $0xFFFF  }
0x5d: {  	p0 =	sne.s32 s0, $0x0;
	_ =	strace $0x90000047  }
0x5e: {  	s0 =	sadd.s32 @!p0 $0x100000, s1;
	[bflag:$0x2] =	sbarrier.arrive $0xFFFF  }
0x5f: {  	[sflag:s0] =	ssyncadd.tile.s32 @!p0 $0x1;
	_ =	shalt  }
.Lfunc_end2:
_tile_overlayer_lowered:
.L_overlay_start_2:
0x60: {  	(tag) =	ssettag $0x2  }
0x61: {  	s0 =	rddreg [dreg:$0x0];
	s2 =	stileid.u32  }
0x62: {  	s1 =	rddreg [dreg:$0x1];
	p0 =	sne.s32 s2, $0x0  }
0x63: {  	s3 =	rddreg [dreg:$0x2];
	[bflag:$0x3] =	sbarrier.arrive $0xFFFF;
	s2 =	simm.s32 @!p0 $0x1C01  }
0x64: {  	[timem:s3], [sflag:s2] =	dma.local @!p0 [hbm:s0], s1  }
0x65: {  	s0 =	simm.s32 @!p0 $0x1  }
0x66: {  	_ =	swait.ge @!p0 [sflag:s0], s1  }
0x67: {  	s1 =	ssub.s32 @!p0 $0x0, s1;
	[sflag:s0] =	ssyncset.done @!p0 $0x0  }
0x68: {  	[sflag:s0] =	ssyncadd.s32 @!p0 s1  }
0x69: {  	[bflag:$0x3] =	sbarrier.arrive $0xFFFF  }
0x6a: {  	_ =	shalt  }

// kernel: kernel.15.cloned.1.call-start
scs
__scs_entry_jumppad:
0x0: {  	(pc) =	sbr.rel $0x88, $3  }
0x1: {  	(tag) =	ssettag $0x0;
	lr =	simm.s32 $0x1  }
0x2: {  	[smem:$0x3F99] =	sst lr;
	_ =	strace $0xD0000000  }
0x3: {  	_ = 	snop  }
0x4: {  	_ = 	snop  }
0x5: {  	_ = 	snop  }
0x6: {  	_ = 	snop  }
0x7: {  	_ = 	snop  }
__scs_overlays_trampoline_lowered:
0x8: {  	[smem:$0x3FA8] =	sst s0  }
0x9: {  	[smem:$0x3FA9] =	sst s1  }
0xa: {  	[smem:$0x3FAA] =	sst s2  }
0xb: {  	[smem:$0x3FAB] =	sst s3  }
0xc: {  	[smem:$0x3FAC] =	sst s4  }
0xd: {  	[smem:$0x3FAD] =	sst s5  }
0xe: {  	[smem:$0x3FAE] =	sst s6  }
0xf: {  	[smem:$0x3FAF] =	sst s7  }
0x10: {  	[smem:$0x3FB0] =	sst s8  }
0x11: {  	[smem:$0x3FB1] =	sst s9;
	s0 =	simm.s32 @!p0 $0x0  }
0x12: {  	s1 =	sld [smem:$0x3F97];
	s0 =	simm.s32 @p0 $0x1  }
0x13: {  	[smem:$0x3FB2] =	sst s0;
	s0 =	simm.s32 @!p1 $0x0  }
0x14: {  	s2 =	sld [smem:$0x3F96];
	s0 =	simm.s32 @p1 $0x1  }
0x15: {  	[smem:$0x3FB3] =	sst s0;
	s0 =	simm.s32 @!p2 $0x0  }
0x16: {  	s3 =	sld [smem:$0x3FDB];
	s0 =	simm.s32 @p2 $0x1  }
0x17: {  	s4 =	simm.s32 $0x1BF5;
	[smem:$0x3FB5] =	sst s0  }
0x18: {  	s0 =	sld [smem:$0x3F98];
	_ =	swait.ge [sflag:s4], $0x0  }
0x19: {  	s7 =	sld [smem:$0x3F99]  }
0x1a: {  	s8 =	sadd.s32 $0xFFFFE003, lr  }
0x1b: {  	s9 =	sadd.s32 $0xFFFFFEF7, lr;
	s5 =	simm.s32 $0xFFFFFFFF;
	p2 =	slt.u32 s8, $0xFFFFF086  }
0x1c: {  	p1 =	slt.u32 s9, $0xF7A;
	s5 =	simm.s32 @!p2 $0x0  }
0x1d: {  	s5 =	simm.s32 @p1 $0x1;
	p0 =	seq.s32 s7, s2  }
0x1e: {  	s7 =	smul.u32 @!p0 $0xF7A, s2;
	p2 =	seq.s32 @!p0 s5, $0x0  }
0x1f: {  	s9 =	smul.u32 $0xF7A, s1;
	s8 =	simm.s32 @!p0 $0x1BF5;
	p2 =	por !p2, p0  }
0x20: {  	[sflag:s8] =	ssyncset.s32 @!p0 $0xFFFFF086;
	s6 =	sadd.s32 @!p0 s3, s7;
	s7 =	simm.s32 @!p0 $0x108  }
0x21: {  	s3 =	sadd.s32 s3, s9;
	s6 =	sadd.s32 @!p0 $0x88, s6;
	s7 =	simm.s32 @p2 $0x1082  }
0x22: {  	[simem:s7], [sflag:s8] =	dma.local @!p0 [hbm:s6], $0xF7A  }
0x23: {  	s9 =	sor.u32 $0xD0000000, s2;
	s6 =	simm.s32 $0x108;
	_ =	swait.ge @!p0 [sflag:s8], $0x0  }
0x24: {  	s3 =	sadd.s32 $0x88, s3;
	s6 =	simm.s32 @!p1 $0x1082;
	[sflag:s4] =	ssyncset.s32 $0xFFFFF086  }
0x25: {  	[simem:s6], [sflag:s4] =	dma.local [hbm:s3], $0xF7A  }
0x26: {  	[smem:$0x3F99] =	sst s1;
	(tag) =	ssettag s2;
	_ =	strace s9  }
0x27: {  	s1 =	sld [smem:$0x3FA9]  }
0x28: {  	s2 =	sld [smem:$0x3FAA]  }
0x29: {  	s4 =	sld [smem:$0x3FAC]  }
0x2a: {  	p0 =	seq.s32 s5, $0x0;
	s5 =	sld [smem:$0x3FAD]  }
0x2b: {  	s6 =	sld [smem:$0x3FAE]  }
0x2c: {  	s7 =	sld [smem:$0x3FAF]  }
0x2d: {  	s3 =	simm.s32 $0x108;
	s8 =	sld [smem:$0x3FB0]  }
0x2e: {  	s3 =	simm.s32 @!p0 $0x1082;
	s9 =	sld [smem:$0x3FB1]  }
0x2f: {  	lr =	sadd.s32 s0, s3;
	s0 =	sld [smem:$0x3FA8]  }
0x30: {  	s3 =	sld [smem:$0x3FAB]  }
0x31: {  	[smem:$0x3FB4] =	sst s10  }
0x32: {  	s10 =	sld [smem:$0x3FB2];
	_ =	sdelay $0x3  }
0x33: {  	p0 =	seq.s32 s10, $0x1;
	s10 =	sld [smem:$0x3FB4];
	_ =	sdelay $0x3  }
0x34: {  	[smem:$0x3FB4] =	sst s10  }
0x35: {  	s10 =	sld [smem:$0x3FB3];
	_ =	sdelay $0x3  }
0x36: {  	p1 =	seq.s32 s10, $0x1;
	s10 =	sld [smem:$0x3FB4];
	_ =	sdelay $0x3  }
0x37: {  	[smem:$0x3FB4] =	sst s10  }
0x38: {  	s10 =	sld [smem:$0x3FB5]  }
0x39: {  	_ = 	snop;
	(pc) =	sbr.ind lr, $3  }
0x3a: {  	_ = 	snop  }
0x3b: {  	_ = 	snop  }
0x3c: {  	p2 =	seq.s32 s10, $0x1;
	s10 =	sld [smem:$0x3FB4]  }
0x3d: {  	_ =	shalt  }
0x3e: {  	_ =	shalt  }
0x3f: {  	_ =	shalt  }
0x40: {  	_ =	shalt  }
0x41: {  	_ =	shalt  }
0x42: {  	_ =	shalt  }
0x43: {  	_ =	shalt  }
0x44: {  	_ =	shalt  }
0x45: {  	_ =	shalt  }
0x46: {  	_ =	shalt  }
0x47: {  	_ =	shalt  }
0x48: {  	_ =	shalt  }
0x49: {  	_ =	shalt  }
0x4a: {  	_ =	shalt  }
0x4b: {  	_ =	shalt  }
0x4c: {  	_ =	shalt  }
0x4d: {  	_ =	shalt  }
0x4e: {  	_ =	shalt  }
0x4f: {  	_ =	shalt  }
0x50: {  	_ =	shalt  }
0x51: {  	_ =	shalt  }
0x52: {  	_ =	shalt  }
0x53: {  	_ =	shalt  }
0x54: {  	_ =	shalt  }
0x55: {  	_ =	shalt  }
0x56: {  	_ =	shalt  }
0x57: {  	_ =	shalt  }
0x58: {  	_ =	shalt  }
0x59: {  	_ =	shalt  }
0x5a: {  	_ =	shalt  }
0x5b: {  	_ =	shalt  }
0x5c: {  	_ =	shalt  }
0x5d: {  	_ =	shalt  }
0x5e: {  	_ =	shalt  }
0x5f: {  	_ =	shalt  }
0x60: {  	_ =	shalt  }
0x61: {  	_ =	shalt  }
0x62: {  	_ =	shalt  }
0x63: {  	_ =	shalt  }
0x64: {  	_ =	shalt  }
0x65: {  	_ =	shalt  }
0x66: {  	_ =	shalt  }
0x67: {  	_ =	shalt  }
0x68: {  	_ =	shalt  }
0x69: {  	_ =	shalt  }
0x6a: {  	_ =	shalt  }
0x6b: {  	_ =	shalt  }
0x6c: {  	_ =	shalt  }
0x6d: {  	_ =	shalt  }
0x6e: {  	_ =	shalt  }
0x6f: {  	_ =	shalt  }
0x70: {  	_ =	shalt  }
0x71: {  	_ =	shalt  }
0x72: {  	_ =	shalt  }
0x73: {  	_ =	shalt  }
0x74: {  	_ =	shalt  }
0x75: {  	_ =	shalt  }
0x76: {  	_ =	shalt  }
0x77: {  	_ =	shalt  }
0x78: {  	_ =	shalt  }
0x79: {  	_ =	shalt  }
0x7a: {  	_ =	shalt  }
0x7b: {  	_ =	shalt  }
0x7c: {  	_ =	shalt  }
0x7d: {  	_ =	shalt  }
0x7e: {  	_ =	shalt  }
0x7f: {  	_ =	shalt  }
0x80: {  	_ =	shalt  }
0x81: {  	_ =	shalt  }
0x82: {  	_ =	shalt  }
0x83: {  	_ =	shalt  }
0x84: {  	_ =	shalt  }
0x85: {  	_ =	shalt  }
0x86: {  	_ =	shalt  }
0x87: {  	_ =	shalt  }
.Lfunc_end0:
.L_simem_size_0:
called_computation.1_lowered:
.L_overlay_start_0:
0x88: {  	s2 =	sld [smem:$0x3FD9]  }
0x89: {  	s3 =	sld [smem:$0x3FFE];
	_ =	sdelay $0x1  }
0x8a: {  	s1 =	srdreg.scid  }
0x8b: {  	s0 =	sand.u32 $0x1, s1  }
0x8c: {  	s16 =	sshll.u32 s0, $0xA;
	s2 =	sadd.s32 s3, s2  }
0x8d: {  	s2 =	sadd.s32 s2, s16  }
0x8e: {  	[smem:$0x3FC0] =	sst s2  }
0x8f: {  	_ = 	snop  }
0x90: {  	(tm) =	ssettm $0x1  }
0x91: {  	s17 =	sld [smem:$0x3FFB];
	_ =	sdelay $0x3  }
0x92: {  	_ =	strace s17  }
0x93: {  	s2 =	sld [smem:$0x3FFC];
	_ =	sdelay $0x3  }
0x94: {  	_ =	strace s2  }
0x95: {  	s2 =	sld [smem:$0x3FFD];
	_ =	sdelay $0x3  }
0x96: {  	_ =	strace s2  }
0x97: {  	_ =	strace $0x8FFFFFFF  }
0x98: {  	s18 =	sld [smem:$0x3FDB];
	_ =	sdelay $0x1  }
0x99: {  	s19 =	simm.s32 $_scs_section_size  }
0x9a: {  	s4 =	simm.s32 $_size__tile_overlayer_lowered;
	s5 =	simm.s32 $_tile_overlayer_lowered  }
0x9b: {  	s22 =	simm.s32 $0x1BFF;
	s21 =	sshll.u32 s5, $0x1;
	s2 =	sadd.s32 s19, s18  }
0x9c: {  	s6 =	simm.s32 $0x0;
	s20 =	sshll.u32 s4, $0x1;
	s4 =	sadd.s32 s21, s2  }
0x9d: {  	[timem:s6], [sflag:s22] =	dma.local [hbm:s4], s20  }
0x9e: {  	_ =	swait.ge [sflag:s22], s20  }
0x9f: {  	s3 =	ssub.s32 $0x0, s20;
	[sflag:s22] =	ssyncset.done $0x0  }
0xa0: {  	[sflag:s22] =	ssyncadd.s32 s3;
	_ =	sdelay $0x1  }
0xa1: {  	s23 =	simm.s32 $0x1B8B  }
0xa2: {  	_ =	swait.ge [sflag:s23], $0x1  }
0xa3: {  	[sflag:s23] =	ssyncset.done $0x0  }
0xa4: {  	s25 =	simm.s32 $0x1B8E;
	s24 =	sld [smem:$0x3FFE];
	[sflag:s23] =	ssyncadd.s32 $0xFFFFFFFF  }
0xa5: {  	s26 =	simm.s32 $execute0_lowered;
	[smem:$0x3FD2] =	sst s25  }
0xa6: {  	s4 =	sshll.u32 s26, $0x1;
	_ =	strace $0x80000049;
	[dreg:$0x1] =	wrdreg $0xFFFFFFFF  }
0xa7: {  	s28 =	simm.s32 $_size_execute0_lowered;
	s2 =	sadd.s32 s2, s4;
	[dreg:$0x0] =	wrdreg $0x0  }
0xa8: {  	s4 =	sshll.u32 s28, $0x1;
	[dreg:$0x2] =	wrdreg s2  }
0xa9: {  	[dreg:$0x3] =	wrdreg s4  }
0xaa: {  	[dreg:$0x4] =	wrdreg $0xC0  }
0xab: {  	_ =	task [dreg:s6], $0x5FFFF  }
0xac: {  	[dreg:$0x1] =	wrdreg $0xFFFFFFFF  }
0xad: {  	[dreg:$0x0] =	wrdreg $0x60  }
0xae: {  	[dreg:$0x2] =	wrdreg s24  }
0xaf: {  	[dreg:$0x3] =	wrdreg $0xA8000  }
0xb0: {  	[dreg:$0x4] =	wrdreg $0x9  }
0xb1: {  	_ =	task.clear_ibuf [dreg:s6], $0x5FFFF;
	_ =	strace $0x90000049  }
0xb2: {  	s29 =	simm.s32 $0x9;
	_ =	strace $0x8000004B  }
0xb3: {  	_ =	swait.ge [sflag:s29], $0x1  }
0xb4: {  	[sflag:s29] =	ssyncadd.s32 $0xFFFFFFFF  }
0xb5: {  	_ =	strace $0x9000004B  }
0xb6: {  	_ =	sfence  }
0xb7: {  	s30 =	sld [smem:$0x0];
	_ =	sdelay $0x2  }
0xb8: {  	s31 =	sshll.u32 s1, $0xD;
	s1 =	sshrl.u32 s1, $0x2  }
0xb9: {  	s3 =	sand.u32 $0x4000, s31;
	s1 =	sadd.s32 s1, s30  }
0xba: {  	s0 =	sor.u32 s3, s0;
	s1 =	sshll.u32 s1, $0x11  }
0xbb: {  	s0 =	sor.u32 s1, s0  }
0xbc: {  	s0 =	sadd.s32 $0x8F2B, s0  }
0xbd: {  	[sflag:s0] =	ssyncadd.remote.s32 $0x1  }
0xbe: {  	_ =	sfence.sel $0xFFFF  }
0xbf: {  	[dreg:$0x0] =	wrdreg $0xFFFFFFFF;
	(pc) =	sbr.abs _section_cstart, $3  }
0xc0: {  	[dreg:$0x1] =	wrdreg $0xFFFFFFFF  }
0xc1: {  	_ =	task.clear_ibuf [dreg:s6], $0x2FFFF;
	_ =	strace $0x9FFFFFFF  }
0xc2: {  	(tm) =	ssettm $0x7FFFFFFF  }
0xc3: {  	_ =	shalt  }
tec
execute0_lowered:
.L_overlay_start_1:
0x0: {  	(tag) =	ssettag $0x1  }
0x1: {  	s5 =	rddreg [dreg:$0x0]  }
0x2: {  	s0 =	srdreg.scid;
	s2 =	rddreg [dreg:$0x1]  }
0x3: {  	s1 =	stileid.u32;
	s3 =	simm.s32 $0x0;
	s17 =	simm.s32 $0x3  }
0x4: {  	s18 =	simm.s32 $0x1400;
	s19 =	simm.s32 $0x80;
	s20 =	simm.s32 $0x6800  }
0x5: {  	s21 =	simm.s32 $0x1;
	s22 =	simm.s32 $0x2;
	s23 =	simm.s32 $0x1380  }
0x6: {  	s24 =	simm.s32 $0x2700;
	s25 =	simm.s32 $0x2780;
	s6 =	sand.u32 $0x1, s0  }
0x7: {  	s8 =	smul.u32 $0x14000, s1;
	[smem:$0x7FF] =	sst s3;
	s4 =	sadd.s32 $0x17C00, s5  }
0x8: {  	s12 =	sadd.s32 $0x3C00, s5;
	s26 =	smul.u32 $0x50000, s1;
	s13 =	sadd.s32 $0xDC00, s5  }
0x9: {  	s28 =	sshll.u32 s1, $0x1;
	s7 =	smul.u32 $0x140000, s6;
	_ =	strace $0x8000004A  }
0xa: {  	s29 =	ssub.s32 $0x2, s6;
	s6 =	sor.u32 s6, s28;
	s30 =	sshrl.u32 s26, $0x2  }
0xb: {  	s31 =	sshrl.u32 s29, $0x1;
	s10 =	smul.u32 $0x2800, s6;
	s7 =	sadd.s32 s8, s7  }
0xc: {  	s26 =	simm.s32 $0x0;
	s15 =	ssub.s32 s29, s31;
	s7 =	sshrl.u32 s7, $0x3  }
0xd: {  	s16 =	sshrl.u32 s10, $0x3;
	s15 =	smax.u32 s15, $0x1;
	s14 =	sadd.s32 s7, s5  }
0xe: {  	s5 =	sadd.s32 s30, s2;
	s10 =	sadd.s32 s12, s16;
	s11 =	sadd.s32 s13, s16  }
0xf: {  	s16 =	sadd.s32 $0x280, s16;
	s6 =	sadd.s32 $0x4000, s5;
	s7 =	sadd.s32 $0x8000, s5  }
0x10: {  	s8 =	sadd.s32 $0xC000, s5;
	s9 =	sadd.s32 $0x10000, s5;
	s12 =	sadd.s32 s12, s16  }
0x11: {  	v0 =	vimm.f32 $0.0e+00;
	s13 =	sadd.s32 s13, s16;
	s14 =	sadd.s32 $0x3FC00, s14;
	s16 =	simm.s32 $0x2800  }
.LBB2_1:
0x12: {  	s28 =	sand.u32 $0xFE00, s3  }
0x13: {  	s29 =	sand.u32 $0x70, s3;
	s30 =	sshrl.u32 s28, $0x2  }
0x14: {  	s28 =	simm.s32 $0x40;
	s30 =	sor.u32 s29, s30;
	s29 =	simm.s32 $0x0  }
.LBB2_2:
0x15: {  	p0 =	sne.s32 s28, $0xFFC0  }
0x16: {  	[tilespmem:s30+$0x2800] =	vst v0;
	s29 =	sadd.s32 $0x10, s29;
	s30 =	smov.u32 s28;
	s28 =	sadd.s32 $0x40, s28  }
.Ltmp0:
0x17: {  	(pc) =	sbr.rel @p0 .LBB2_2-.Ltmp0, $4  }
0x18: {  	_ = 	snop  }
0x19: {  	s30 =	sand.u32 $0xFE00, s30  }
0x1a: {  	s31 =	sand.u32 $0x70, s29;
	s30 =	sshrl.u32 s30, $0x2  }
0x1b: {  	s30 =	sor.u32 s31, s30  }
0x1c: {  	[tilespmem:s30+$0x2800] =	vst v0  }
0x1d: {  	[spmem:s5] =	stream.linear.scatter [tilespmem:s16], [sflag:$0x3], $0x4000, $0x38;
	[tilespmem:$0x1E800] =	vst v63  }
0x1e: {  	_ =	swait.ge [sflag:s17], $0x4000  }
0x1f: {  	[sflag:s17] =	ssyncset.done $0x0  }
0x20: {  	[sflag:s17] =	ssyncadd.s32 $0xFFFFC000  }
0x21: {  	[spmem:s6] =	stream.linear.scatter [tilespmem:s16], [sflag:$0x3], $0x4000, $0x38;
	[tilespmem:$0x1E800] =	vst v63  }
0x22: {  	_ =	swait.ge [sflag:s17], $0x4000  }
0x23: {  	[sflag:s17] =	ssyncset.done $0x0  }
0x24: {  	[sflag:s17] =	ssyncadd.s32 $0xFFFFC000  }
0x25: {  	[spmem:s7] =	stream.linear.scatter [tilespmem:s16], [sflag:$0x3], $0x4000, $0x38;
	[tilespmem:$0x1E800] =	vst v63  }
0x26: {  	_ =	swait.ge [sflag:s17], $0x4000  }
0x27: {  	[sflag:s17] =	ssyncset.done $0x0  }
0x28: {  	[sflag:s17] =	ssyncadd.s32 $0xFFFFC000  }
0x29: {  	[spmem:s8] =	stream.linear.scatter [tilespmem:s16], [sflag:$0x3], $0x4000, $0x38;
	[tilespmem:$0x1E800] =	vst v63  }
0x2a: {  	_ =	swait.ge [sflag:s17], $0x4000  }
0x2b: {  	[sflag:s17] =	ssyncset.done $0x0  }
0x2c: {  	[sflag:s17] =	ssyncadd.s32 $0xFFFFC000  }
0x2d: {  	[spmem:s9] =	stream.linear.scatter [tilespmem:s16], [sflag:$0x3], $0x4000, $0x38;
	[tilespmem:$0x1E800] =	vst v63  }
0x2e: {  	_ =	swait.ge [sflag:s17], $0x4000  }
0x2f: {  	[sflag:s17] =	ssyncset.done $0x0  }
0x30: {  	[sflag:s17] =	ssyncadd.s32 $0xFFFFC000  }
0x31: {  	s28 =	simm.s32 $0x0;
	[bflag:$0x0] =	sbarrier.arrive $0xFFFF  }
0x32: {  	[tilespmem:s28], [sflag:$0x3] =	stream.linear.gather [hbm4b:s10+s28], $0x1400, $0x38;
	[tilespmem:$0x1E800] =	vst v63  }
0x33: {  	_ =	swait.ge [sflag:s17], $0x1400  }
0x34: {  	[sflag:s17] =	ssyncset.done $0x0  }
0x35: {  	[sflag:s17] =	ssyncadd.s32 $0xFFFFEC00  }
0x36: {  	[tilespmem:s18], [sflag:$0x3] =	stream.linear.gather [hbm4b:s11+s28], $0x1400, $0x38;
	[tilespmem:$0x1E800] =	vst v63  }
0x37: {  	_ =	swait.ge [sflag:s17], $0x1400  }
0x38: {  	[sflag:s17] =	ssyncset.done $0x0  }
0x39: {  	[sflag:s17] =	ssyncadd.s32 $0xFFFFEC00  }
0x3a: {  	[tilespmem:s16], [sflag:$0x1] =	stream.indirect.gather [hbm4b:s4+s19], $0x80, s28, s19, $0xb8;
	[tilespmem:$0x1E800] =	vst v63  }
0x3b: {  	s28 =	simm.s32 $0x80  }
0x3c: {  	[tilespmem:s20], [sflag:$0x2] =	stream.indirect.gather [hbm4b:s4+s19], $0x80, s28, s19, $0xb8;
	[tilespmem:$0x1E800] =	vst v63  }
0x3d: {  	_ =	swait.ge [sflag:s21], $0x4000  }
0x3e: {  	[sflag:s21] =	ssyncset.done $0x0  }
0x3f: {  	s28 =	simm.s32 $0x1400;
	[sflag:s21] =	ssyncadd.s32 $0xFFFFC000  }
0x40: {  	[spmem:s2] =	stream.indirect.scatter.add.f32 [tilespmem:s16], [sflag:$0x3], $0x80, s28, s19, $0xb8;
	[tilespmem:$0x1E800] =	vst v63  }
0x41: {  	_ =	swait.ge [sflag:s17], $0x4000  }
0x42: {  	[sflag:s17] =	ssyncset.done $0x0  }
0x43: {  	s28 =	simm.s32 $0x100;
	[sflag:s17] =	ssyncadd.s32 $0xFFFFC000  }
0x44: {  	[tilespmem:s16], [sflag:$0x1] =	stream.indirect.gather [hbm4b:s4+s19], $0x80, s28, s19, $0xb8;
	[tilespmem:$0x1E800] =	vst v63  }
0x45: {  	_ =	swait.ge [sflag:s22], $0x4000  }
0x46: {  	[sflag:s22] =	ssyncset.done $0x0  }
0x47: {  	s28 =	simm.s32 $0x1480;
	[sflag:s22] =	ssyncadd.s32 $0xFFFFC000  }
0x48: {  	[spmem:s2] =	stream.indirect.scatter.add.f32 [tilespmem:s20], [sflag:$0x3], $0x80, s28, s19, $0xb8;
	[tilespmem:$0x1E800] =	vst v63  }
0x49: {  	_ =	swait.ge [sflag:s17], $0x4000  }
0x4a: {  	s29 =	simm.s32 $0x800;
	s28 =	simm.s32 $0x100;
	[sflag:s17] =	ssyncset.done $0x0  }
.LBB2_4:
0x4b: {  	s30 =	sadd.s32 $0x80, s28  }
0x4c: {  	[sflag:s17] =	ssyncadd.s32 $0xFFFFC000;
	s31 =	smov.u32 s29;
	s0 =	sadd.s32 $0x400, s29  }
0x4d: {  	[tilespmem:s20], [sflag:$0x2] =	stream.indirect.gather [hbm4b:s4+s19], $0x80, s30, s19, $0xb8;
	[tilespmem:$0x1E800] =	vst v63  }
0x4e: {  	p0 =	sne.s32 s29, $0x4800;
	_ =	swait.ge [sflag:s21], $0x4000  }
0x4f: {  	[sflag:s21] =	ssyncset.done $0x0  }
0x50: {  	s29 =	sadd.s32 $0x1400, s28;
	[sflag:s21] =	ssyncadd.s32 $0xFFFFC000  }
0x51: {  	[spmem:s2] =	stream.indirect.scatter.add.f32 [tilespmem:s16], [sflag:$0x3], $0x80, s29, s19, $0xb8;
	[tilespmem:$0x1E800] =	vst v63  }
0x52: {  	_ =	swait.ge [sflag:s17], $0x4000  }
0x53: {  	[sflag:s17] =	ssyncset.done $0x0  }
0x54: {  	s29 =	sadd.s32 $0x100, s28;
	[sflag:s17] =	ssyncadd.s32 $0xFFFFC000  }
0x55: {  	[tilespmem:s16], [sflag:$0x1] =	stream.indirect.gather [hbm4b:s4+s19], $0x80, s29, s19, $0xb8;
	[tilespmem:$0x1E800] =	vst v63  }
0x56: {  	_ =	swait.ge [sflag:s22], $0x4000  }
.Ltmp1:
0x57: {  	[sflag:s22] =	ssyncset.done $0x0;
	(pc) =	sbr.rel @p0 .LBB2_4-.Ltmp1, $4  }
0x58: {  	s28 =	sadd.s32 $0x1480, s28;
	[sflag:s22] =	ssyncadd.s32 $0xFFFFC000  }
0x59: {  	[spmem:s2] =	stream.indirect.scatter.add.f32 [tilespmem:s20], [sflag:$0x3], $0x80, s28, s19, $0xb8;
	[tilespmem:$0x1E800] =	vst v63  }
0x5a: {  	_ =	swait.ge [sflag:s17], $0x4000  }
0x5b: {  	s29 =	smov.u32 s0;
	s28 =	sshra.s32 s31, $0x2;
	[sflag:s17] =	ssyncset.done $0x0  }
0x5c: {  	s0 =	sadd.s32 $0x80, s28;
	[sflag:s17] =	ssyncadd.s32 $0xFFFFC000  }
0x5d: {  	[tilespmem:s20], [sflag:$0x2] =	stream.indirect.gather [hbm4b:s4+s19], $0x80, s0, s19, $0xb8;
	[tilespmem:$0x1E800] =	vst v63  }
0x5e: {  	_ =	swait.ge [sflag:s21], $0x4000  }
0x5f: {  	[sflag:s21] =	ssyncset.done $0x0  }
0x60: {  	s30 =	sadd.s32 $0x1400, s28;
	[sflag:s21] =	ssyncadd.s32 $0xFFFFC000  }
0x61: {  	[spmem:s2] =	stream.indirect.scatter.add.f32 [tilespmem:s16], [sflag:$0x3], $0x80, s30, s19, $0xb8;
	[tilespmem:$0x1E800] =	vst v63  }
0x62: {  	_ =	swait.ge [sflag:s17], $0x4000  }
0x63: {  	[sflag:s17] =	ssyncset.done $0x0  }
0x64: {  	s31 =	sadd.s32 $0x100, s28;
	[sflag:s17] =	ssyncadd.s32 $0xFFFFC000  }
0x65: {  	[tilespmem:s16], [sflag:$0x1] =	stream.indirect.gather [hbm4b:s4+s19], $0x80, s31, s19, $0xb8;
	[tilespmem:$0x1E800] =	vst v63  }
0x66: {  	_ =	swait.ge [sflag:s22], $0x4000  }
0x67: {  	[sflag:s22] =	ssyncset.done $0x0  }
0x68: {  	s30 =	sadd.s32 $0x1480, s28;
	[sflag:s22] =	ssyncadd.s32 $0xFFFFC000  }
0x69: {  	[spmem:s2] =	stream.indirect.scatter.add.f32 [tilespmem:s20], [sflag:$0x3], $0x80, s30, s19, $0xb8;
	[tilespmem:$0x1E800] =	vst v63  }
0x6a: {  	_ =	swait.ge [sflag:s17], $0x4000  }
0x6b: {  	[sflag:s17] =	ssyncset.done $0x0  }
0x6c: {  	[sflag:s17] =	ssyncadd.s32 $0xFFFFC000  }
0x6d: {  	[tilespmem:s20], [sflag:$0x2] =	stream.indirect.gather [hbm4b:s4+s19], $0x80, s23, s19, $0xb8;
	[tilespmem:$0x1E800] =	vst v63  }
0x6e: {  	_ =	swait.ge [sflag:s21], $0x4000  }
0x6f: {  	[sflag:s21] =	ssyncset.done $0x0  }
0x70: {  	[sflag:s21] =	ssyncadd.s32 $0xFFFFC000  }
0x71: {  	[spmem:s2] =	stream.indirect.scatter.add.f32 [tilespmem:s16], [sflag:$0x3], $0x80, s24, s19, $0xb8;
	[tilespmem:$0x1E800] =	vst v63  }
0x72: {  	_ =	swait.ge [sflag:s17], $0x4000  }
0x73: {  	[sflag:s17] =	ssyncset.done $0x0  }
0x74: {  	[sflag:s17] =	ssyncadd.s32 $0xFFFFC000  }
0x75: {  	[tilespmem:s16], [sflag:$0x1] =	stream.indirect.gather [hbm4b:s4+s19], $0x80, s23, s19, $0xb8;
	[tilespmem:$0x1E800] =	vst v63  }
0x76: {  	_ =	swait.ge [sflag:s22], $0x4000  }
0x77: {  	[sflag:s22] =	ssyncset.done $0x0  }
0x78: {  	[sflag:s22] =	ssyncadd.s32 $0xFFFFC000  }
0x79: {  	[spmem:s2] =	stream.indirect.scatter.add.f32 [tilespmem:s20], [sflag:$0x3], $0x80, s25, s19, $0xb8;
	[tilespmem:$0x1E800] =	vst v63  }
0x7a: {  	_ =	swait.ge [sflag:s17], $0x4000  }
0x7b: {  	[sflag:s17] =	ssyncset.done $0x0  }
0x7c: {  	[sflag:s17] =	ssyncadd.s32 $0xFFFFC000  }
0x7d: {  	_ =	swait.ge [sflag:s21], $0x4000  }
0x7e: {  	[sflag:s21] =	ssyncset.done $0x0  }
0x7f: {  	s31 =	simm.s32 $0x0;
	[sflag:s21] =	ssyncadd.s32 $0xFFFFC000  }
0x80: {  	[tilespmem:s31], [sflag:$0x3] =	stream.linear.gather [hbm4b:s12+s31], $0x1400, $0x38;
	[tilespmem:$0x1E800] =	vst v63  }
0x81: {  	_ =	swait.ge [sflag:s17], $0x1400  }
0x82: {  	[sflag:s17] =	ssyncset.done $0x0  }
0x83: {  	[sflag:s17] =	ssyncadd.s32 $0xFFFFEC00  }
0x84: {  	[tilespmem:s18], [sflag:$0x3] =	stream.linear.gather [hbm4b:s13+s31], $0x1400, $0x38;
	[tilespmem:$0x1E800] =	vst v63  }
0x85: {  	_ =	swait.ge [sflag:s17], $0x1400  }
0x86: {  	[sflag:s17] =	ssyncset.done $0x0  }
0x87: {  	[sflag:s17] =	ssyncadd.s32 $0xFFFFEC00  }
0x88: {  	[tilespmem:s16], [sflag:$0x1] =	stream.indirect.gather [hbm4b:s4+s19], $0x80, s31, s19, $0xb8;
	[tilespmem:$0x1E800] =	vst v63  }
0x89: {  	s30 =	simm.s32 $0x80  }
0x8a: {  	[tilespmem:s20], [sflag:$0x2] =	stream.indirect.gather [hbm4b:s4+s19], $0x80, s30, s19, $0xb8;
	[tilespmem:$0x1E800] =	vst v63  }
0x8b: {  	_ =	swait.ge [sflag:s21], $0x4000  }
0x8c: {  	[sflag:s21] =	ssyncset.done $0x0  }
0x8d: {  	s31 =	simm.s32 $0x1400;
	[sflag:s21] =	ssyncadd.s32 $0xFFFFC000  }
0x8e: {  	[spmem:s2] =	stream.indirect.scatter.add.f32 [tilespmem:s16], [sflag:$0x3], $0x80, s31, s19, $0xb8;
	[tilespmem:$0x1E800] =	vst v63  }
0x8f: {  	_ =	swait.ge [sflag:s17], $0x4000  }
0x90: {  	[sflag:s17] =	ssyncset.done $0x0  }
0x91: {  	s30 =	simm.s32 $0x100;
	[sflag:s17] =	ssyncadd.s32 $0xFFFFC000  }
0x92: {  	[tilespmem:s16], [sflag:$0x1] =	stream.indirect.gather [hbm4b:s4+s19], $0x80, s30, s19, $0xb8;
	[tilespmem:$0x1E800] =	vst v63  }
0x93: {  	_ =	swait.ge [sflag:s22], $0x4000  }
0x94: {  	[sflag:s22] =	ssyncset.done $0x0  }
0x95: {  	s31 =	simm.s32 $0x1480;
	[sflag:s22] =	ssyncadd.s32 $0xFFFFC000  }
0x96: {  	[spmem:s2] =	stream.indirect.scatter.add.f32 [tilespmem:s20], [sflag:$0x3], $0x80, s31, s19, $0xb8;
	[tilespmem:$0x1E800] =	vst v63  }
0x97: {  	_ =	swait.ge [sflag:s17], $0x4000  }
0x98: {  	s29 =	simm.s32 $0x800;
	s28 =	simm.s32 $0x100;
	[sflag:s17] =	ssyncset.done $0x0  }
.LBB2_6:
0x99: {  	s0 =	sadd.s32 $0x80, s28  }
0x9a: {  	[sflag:s17] =	ssyncadd.s32 $0xFFFFC000;
	s30 =	smov.u32 s29;
	s31 =	sadd.s32 $0x400, s29  }
0x9b: {  	[tilespmem:s20], [sflag:$0x2] =	stream.indirect.gather [hbm4b:s4+s19], $0x80, s0, s19, $0xb8;
	[tilespmem:$0x1E800] =	vst v63  }
0x9c: {  	p0 =	sne.s32 s29, $0x4800;
	_ =	swait.ge [sflag:s21], $0x4000  }
0x9d: {  	[sflag:s21] =	ssyncset.done $0x0  }
0x9e: {  	s0 =	sadd.s32 $0x1400, s28;
	[sflag:s21] =	ssyncadd.s32 $0xFFFFC000  }
0x9f: {  	[spmem:s2] =	stream.indirect.scatter.add.f32 [tilespmem:s16], [sflag:$0x3], $0x80, s0, s19, $0xb8;
	[tilespmem:$0x1E800] =	vst v63  }
0xa0: {  	_ =	swait.ge [sflag:s17], $0x4000  }
0xa1: {  	[sflag:s17] =	ssyncset.done $0x0  }
0xa2: {  	s0 =	sadd.s32 $0x100, s28;
	[sflag:s17] =	ssyncadd.s32 $0xFFFFC000  }
0xa3: {  	[tilespmem:s16], [sflag:$0x1] =	stream.indirect.gather [hbm4b:s4+s19], $0x80, s0, s19, $0xb8;
	[tilespmem:$0x1E800] =	vst v63  }
0xa4: {  	_ =	swait.ge [sflag:s22], $0x4000  }
.Ltmp2:
0xa5: {  	[sflag:s22] =	ssyncset.done $0x0;
	(pc) =	sbr.rel @p0 .LBB2_6-.Ltmp2, $4  }
0xa6: {  	s0 =	sadd.s32 $0x1480, s28;
	[sflag:s22] =	ssyncadd.s32 $0xFFFFC000  }
0xa7: {  	[spmem:s2] =	stream.indirect.scatter.add.f32 [tilespmem:s20], [sflag:$0x3], $0x80, s0, s19, $0xb8;
	[tilespmem:$0x1E800] =	vst v63  }
0xa8: {  	_ =	swait.ge [sflag:s17], $0x4000  }
0xa9: {  	s29 =	smov.u32 s31;
	s28 =	sshra.s32 s30, $0x2;
	[sflag:s17] =	ssyncset.done $0x0  }
0xaa: {  	s0 =	sadd.s32 $0x80, s28;
	[sflag:s17] =	ssyncadd.s32 $0xFFFFC000  }
0xab: {  	[tilespmem:s20], [sflag:$0x2] =	stream.indirect.gather [hbm4b:s4+s19], $0x80, s0, s19, $0xb8;
	[tilespmem:$0x1E800] =	vst v63  }
0xac: {  	_ =	swait.ge [sflag:s21], $0x4000  }
0xad: {  	[sflag:s21] =	ssyncset.done $0x0  }
0xae: {  	s30 =	sadd.s32 $0x1400, s28;
	[sflag:s21] =	ssyncadd.s32 $0xFFFFC000  }
0xaf: {  	[spmem:s2] =	stream.indirect.scatter.add.f32 [tilespmem:s16], [sflag:$0x3], $0x80, s30, s19, $0xb8;
	[tilespmem:$0x1E800] =	vst v63  }
0xb0: {  	_ =	swait.ge [sflag:s17], $0x4000  }
0xb1: {  	[sflag:s17] =	ssyncset.done $0x0  }
0xb2: {  	s31 =	sadd.s32 $0x100, s28;
	[sflag:s17] =	ssyncadd.s32 $0xFFFFC000  }
0xb3: {  	[tilespmem:s16], [sflag:$0x1] =	stream.indirect.gather [hbm4b:s4+s19], $0x80, s31, s19, $0xb8;
	[tilespmem:$0x1E800] =	vst v63  }
0xb4: {  	_ =	swait.ge [sflag:s22], $0x4000  }
0xb5: {  	[sflag:s22] =	ssyncset.done $0x0  }
0xb6: {  	s29 =	sadd.s32 $0x1480, s28;
	[sflag:s22] =	ssyncadd.s32 $0xFFFFC000  }
0xb7: {  	[spmem:s2] =	stream.indirect.scatter.add.f32 [tilespmem:s20], [sflag:$0x3], $0x80, s29, s19, $0xb8;
	[tilespmem:$0x1E800] =	vst v63  }
0xb8: {  	_ =	swait.ge [sflag:s17], $0x4000  }
0xb9: {  	[sflag:s17] =	ssyncset.done $0x0  }
0xba: {  	[sflag:s17] =	ssyncadd.s32 $0xFFFFC000  }
0xbb: {  	[tilespmem:s20], [sflag:$0x2] =	stream.indirect.gather [hbm4b:s4+s19], $0x80, s23, s19, $0xb8;
	[tilespmem:$0x1E800] =	vst v63  }
0xbc: {  	_ =	swait.ge [sflag:s21], $0x4000  }
0xbd: {  	[sflag:s21] =	ssyncset.done $0x0  }
0xbe: {  	[sflag:s21] =	ssyncadd.s32 $0xFFFFC000  }
0xbf: {  	[spmem:s2] =	stream.indirect.scatter.add.f32 [tilespmem:s16], [sflag:$0x3], $0x80, s24, s19, $0xb8;
	[tilespmem:$0x1E800] =	vst v63  }
0xc0: {  	_ =	swait.ge [sflag:s17], $0x4000  }
0xc1: {  	[sflag:s17] =	ssyncset.done $0x0  }
0xc2: {  	[sflag:s17] =	ssyncadd.s32 $0xFFFFC000  }
0xc3: {  	[tilespmem:s16], [sflag:$0x1] =	stream.indirect.gather [hbm4b:s4+s19], $0x80, s23, s19, $0xb8;
	[tilespmem:$0x1E800] =	vst v63  }
0xc4: {  	_ =	swait.ge [sflag:s22], $0x4000  }
0xc5: {  	[sflag:s22] =	ssyncset.done $0x0  }
0xc6: {  	[sflag:s22] =	ssyncadd.s32 $0xFFFFC000  }
0xc7: {  	[spmem:s2] =	stream.indirect.scatter.add.f32 [tilespmem:s20], [sflag:$0x3], $0x80, s25, s19, $0xb8;
	[tilespmem:$0x1E800] =	vst v63  }
0xc8: {  	_ =	swait.ge [sflag:s17], $0x4000  }
0xc9: {  	[sflag:s17] =	ssyncset.done $0x0  }
0xca: {  	[sflag:s17] =	ssyncadd.s32 $0xFFFFC000  }
0xcb: {  	_ =	swait.ge [sflag:s21], $0x4000  }
0xcc: {  	s26 =	sadd.s32 $0x1, s26;
	s30 =	sshll.u32 s1, $0x6;
	[sflag:s21] =	ssyncset.done $0x0  }
0xcd: {  	p0 =	sne.s32 s26, s15;
	s0 =	sor.u32 $0x1C03, s30;
	[sflag:s21] =	ssyncadd.s32 $0xFFFFC000  }
.Ltmp3:
0xce: {  	s31 =	sshrl.u32 s5, $0x3;
	[bflag:$0x0] =	sbarrier.arrive $0xFFFF;
	(pc) =	sbr.rel @p0 .LBB2_1-.Ltmp3, $4  }
0xcf: {  	[hbm:s14], [sflag:s0] =	dma.local [spmem:s31], $0x2800  }
0xd0: {  	_ =	swait.ge [sflag:s17], $0x2800  }
0xd1: {  	[sflag:s17] =	ssyncset.done $0x0  }
0xd2: {  	[sflag:s17] =	ssyncadd.s32 $0xFFFFD800  }
0xd3: {  	_ =	sfence.sel $0x180000  }
0xd4: {  	[bflag:$0x0] =	sbarrier.arrive $0xFFFF  }
0xd5: {  	_ =	strace $0x9000004A  }
0xd6: {  	[bflag:$0x2] =	sbarrier.arrive $0xFFFF  }
0xd7: {  	p0 =	sne.s32 s1, $0x0;
	s0 =	rddreg [dreg:$0x2]  }
0xd8: {  	s0 =	sadd.s32 @!p0 $0x100000, s0  }
0xd9: {  	[sflag:s0] =	ssyncadd.tile.s32 @!p0 $0x1;
	_ =	shalt  }
.Lfunc_end2:
_tile_overlayer_lowered:
.L_overlay_start_2:
0xda: {  	(tag) =	ssettag $0x2  }
0xdb: {  	s0 =	rddreg [dreg:$0x0];
	s2 =	stileid.u32  }
0xdc: {  	s1 =	rddreg [dreg:$0x1];
	p0 =	sne.s32 s2, $0x0  }
0xdd: {  	s3 =	rddreg [dreg:$0x2];
	[bflag:$0x3] =	sbarrier.arrive $0xFFFF;
	s2 =	simm.s32 @!p0 $0x1C03  }
0xde: {  	[timem:s3], [sflag:s2] =	dma.local @!p0 [hbm:s0], s1  }
0xdf: {  	s0 =	simm.s32 @!p0 $0x3  }
0xe0: {  	_ =	swait.ge @!p0 [sflag:s0], s1  }
0xe1: {  	s1 =	ssub.s32 @!p0 $0x0, s1;
	[sflag:s0] =	ssyncset.done @!p0 $0x0  }
0xe2: {  	[sflag:s0] =	ssyncadd.s32 @!p0 s1  }
0xe3: {  	[bflag:$0x3] =	sbarrier.arrive $0xFFFF  }
0xe4: {  	_ =	shalt  }

// kernel: kernel.18.cloned.1.call-start
scs
__scs_entry_jumppad:
0x0: {  	(pc) =	sbr.rel $0x88, $3  }
0x1: {  	(tag) =	ssettag $0x0;
	lr =	simm.s32 $0x1  }
0x2: {  	[smem:$0x3F99] =	sst lr;
	_ =	strace $0xD0000000  }
0x3: {  	_ = 	snop  }
0x4: {  	_ = 	snop  }
0x5: {  	_ = 	snop  }
0x6: {  	_ = 	snop  }
0x7: {  	_ = 	snop  }
__scs_overlays_trampoline_lowered:
0x8: {  	[smem:$0x3FA8] =	sst s0  }
0x9: {  	[smem:$0x3FA9] =	sst s1  }
0xa: {  	[smem:$0x3FAA] =	sst s2  }
0xb: {  	[smem:$0x3FAB] =	sst s3  }
0xc: {  	[smem:$0x3FAC] =	sst s4  }
0xd: {  	[smem:$0x3FAD] =	sst s5  }
0xe: {  	[smem:$0x3FAE] =	sst s6  }
0xf: {  	[smem:$0x3FAF] =	sst s7  }
0x10: {  	[smem:$0x3FB0] =	sst s8  }
0x11: {  	[smem:$0x3FB1] =	sst s9;
	s0 =	simm.s32 @!p0 $0x0  }
0x12: {  	s1 =	sld [smem:$0x3F97];
	s0 =	simm.s32 @p0 $0x1  }
0x13: {  	[smem:$0x3FB2] =	sst s0;
	s0 =	simm.s32 @!p1 $0x0  }
0x14: {  	s2 =	sld [smem:$0x3F96];
	s0 =	simm.s32 @p1 $0x1  }
0x15: {  	[smem:$0x3FB3] =	sst s0;
	s0 =	simm.s32 @!p2 $0x0  }
0x16: {  	s3 =	sld [smem:$0x3FDB];
	s0 =	simm.s32 @p2 $0x1  }
0x17: {  	s4 =	simm.s32 $0x1BF5;
	[smem:$0x3FB5] =	sst s0  }
0x18: {  	s0 =	sld [smem:$0x3F98];
	_ =	swait.ge [sflag:s4], $0x0  }
0x19: {  	s7 =	sld [smem:$0x3F99]  }
0x1a: {  	s8 =	sadd.s32 $0xFFFFE003, lr  }
0x1b: {  	s9 =	sadd.s32 $0xFFFFFEF7, lr;
	s5 =	simm.s32 $0xFFFFFFFF;
	p2 =	slt.u32 s8, $0xFFFFF086  }
0x1c: {  	p1 =	slt.u32 s9, $0xF7A;
	s5 =	simm.s32 @!p2 $0x0  }
0x1d: {  	s5 =	simm.s32 @p1 $0x1;
	p0 =	seq.s32 s7, s2  }
0x1e: {  	s7 =	smul.u32 @!p0 $0xF7A, s2;
	p2 =	seq.s32 @!p0 s5, $0x0  }
0x1f: {  	s9 =	smul.u32 $0xF7A, s1;
	s8 =	simm.s32 @!p0 $0x1BF5;
	p2 =	por !p2, p0  }
0x20: {  	[sflag:s8] =	ssyncset.s32 @!p0 $0xFFFFF086;
	s6 =	sadd.s32 @!p0 s3, s7;
	s7 =	simm.s32 @!p0 $0x108  }
0x21: {  	s3 =	sadd.s32 s3, s9;
	s6 =	sadd.s32 @!p0 $0x88, s6;
	s7 =	simm.s32 @p2 $0x1082  }
0x22: {  	[simem:s7], [sflag:s8] =	dma.local @!p0 [hbm:s6], $0xF7A  }
0x23: {  	s9 =	sor.u32 $0xD0000000, s2;
	s6 =	simm.s32 $0x108;
	_ =	swait.ge @!p0 [sflag:s8], $0x0  }
0x24: {  	s3 =	sadd.s32 $0x88, s3;
	s6 =	simm.s32 @!p1 $0x1082;
	[sflag:s4] =	ssyncset.s32 $0xFFFFF086  }
0x25: {  	[simem:s6], [sflag:s4] =	dma.local [hbm:s3], $0xF7A  }
0x26: {  	[smem:$0x3F99] =	sst s1;
	(tag) =	ssettag s2;
	_ =	strace s9  }
0x27: {  	s1 =	sld [smem:$0x3FA9]  }
0x28: {  	s2 =	sld [smem:$0x3FAA]  }
0x29: {  	s4 =	sld [smem:$0x3FAC]  }
0x2a: {  	p0 =	seq.s32 s5, $0x0;
	s5 =	sld [smem:$0x3FAD]  }
0x2b: {  	s6 =	sld [smem:$0x3FAE]  }
0x2c: {  	s7 =	sld [smem:$0x3FAF]  }
0x2d: {  	s3 =	simm.s32 $0x108;
	s8 =	sld [smem:$0x3FB0]  }
0x2e: {  	s3 =	simm.s32 @!p0 $0x1082;
	s9 =	sld [smem:$0x3FB1]  }
0x2f: {  	lr =	sadd.s32 s0, s3;
	s0 =	sld [smem:$0x3FA8]  }
0x30: {  	s3 =	sld [smem:$0x3FAB]  }
0x31: {  	[smem:$0x3FB4] =	sst s10  }
0x32: {  	s10 =	sld [smem:$0x3FB2];
	_ =	sdelay $0x3  }
0x33: {  	p0 =	seq.s32 s10, $0x1;
	s10 =	sld [smem:$0x3FB4];
	_ =	sdelay $0x3  }
0x34: {  	[smem:$0x3FB4] =	sst s10  }
0x35: {  	s10 =	sld [smem:$0x3FB3];
	_ =	sdelay $0x3  }
0x36: {  	p1 =	seq.s32 s10, $0x1;
	s10 =	sld [smem:$0x3FB4];
	_ =	sdelay $0x3  }
0x37: {  	[smem:$0x3FB4] =	sst s10  }
0x38: {  	s10 =	sld [smem:$0x3FB5]  }
0x39: {  	_ = 	snop;
	(pc) =	sbr.ind lr, $3  }
0x3a: {  	_ = 	snop  }
0x3b: {  	_ = 	snop  }
0x3c: {  	p2 =	seq.s32 s10, $0x1;
	s10 =	sld [smem:$0x3FB4]  }
0x3d: {  	_ =	shalt  }
0x3e: {  	_ =	shalt  }
0x3f: {  	_ =	shalt  }
0x40: {  	_ =	shalt  }
0x41: {  	_ =	shalt  }
0x42: {  	_ =	shalt  }
0x43: {  	_ =	shalt  }
0x44: {  	_ =	shalt  }
0x45: {  	_ =	shalt  }
0x46: {  	_ =	shalt  }
0x47: {  	_ =	shalt  }
0x48: {  	_ =	shalt  }
0x49: {  	_ =	shalt  }
0x4a: {  	_ =	shalt  }
0x4b: {  	_ =	shalt  }
0x4c: {  	_ =	shalt  }
0x4d: {  	_ =	shalt  }
0x4e: {  	_ =	shalt  }
0x4f: {  	_ =	shalt  }
0x50: {  	_ =	shalt  }
0x51: {  	_ =	shalt  }
0x52: {  	_ =	shalt  }
0x53: {  	_ =	shalt  }
0x54: {  	_ =	shalt  }
0x55: {  	_ =	shalt  }
0x56: {  	_ =	shalt  }
0x57: {  	_ =	shalt  }
0x58: {  	_ =	shalt  }
0x59: {  	_ =	shalt  }
0x5a: {  	_ =	shalt  }
0x5b: {  	_ =	shalt  }
0x5c: {  	_ =	shalt  }
0x5d: {  	_ =	shalt  }
0x5e: {  	_ =	shalt  }
0x5f: {  	_ =	shalt  }
0x60: {  	_ =	shalt  }
0x61: {  	_ =	shalt  }
0x62: {  	_ =	shalt  }
0x63: {  	_ =	shalt  }
0x64: {  	_ =	shalt  }
0x65: {  	_ =	shalt  }
0x66: {  	_ =	shalt  }
0x67: {  	_ =	shalt  }
0x68: {  	_ =	shalt  }
0x69: {  	_ =	shalt  }
0x6a: {  	_ =	shalt  }
0x6b: {  	_ =	shalt  }
0x6c: {  	_ =	shalt  }
0x6d: {  	_ =	shalt  }
0x6e: {  	_ =	shalt  }
0x6f: {  	_ =	shalt  }
0x70: {  	_ =	shalt  }
0x71: {  	_ =	shalt  }
0x72: {  	_ =	shalt  }
0x73: {  	_ =	shalt  }
0x74: {  	_ =	shalt  }
0x75: {  	_ =	shalt  }
0x76: {  	_ =	shalt  }
0x77: {  	_ =	shalt  }
0x78: {  	_ =	shalt  }
0x79: {  	_ =	shalt  }
0x7a: {  	_ =	shalt  }
0x7b: {  	_ =	shalt  }
0x7c: {  	_ =	shalt  }
0x7d: {  	_ =	shalt  }
0x7e: {  	_ =	shalt  }
0x7f: {  	_ =	shalt  }
0x80: {  	_ =	shalt  }
0x81: {  	_ =	shalt  }
0x82: {  	_ =	shalt  }
0x83: {  	_ =	shalt  }
0x84: {  	_ =	shalt  }
0x85: {  	_ =	shalt  }
0x86: {  	_ =	shalt  }
0x87: {  	_ =	shalt  }
.Lfunc_end0:
.L_simem_size_0:
called_computation.2_lowered:
.L_overlay_start_0:
0x88: {  	s2 =	sld [smem:$0x3FD9]  }
0x89: {  	s3 =	sld [smem:$0x3FFE];
	_ =	sdelay $0x1  }
0x8a: {  	s1 =	srdreg.scid  }
0x8b: {  	s0 =	sand.u32 $0x1, s1  }
0x8c: {  	s16 =	sshll.u32 s0, $0xA;
	s2 =	sadd.s32 s3, s2  }
0x8d: {  	s2 =	sadd.s32 s2, s16  }
0x8e: {  	[smem:$0x3FC0] =	sst s2  }
0x8f: {  	_ = 	snop  }
0x90: {  	(tm) =	ssettm $0x1  }
0x91: {  	s17 =	sld [smem:$0x3FFB];
	_ =	sdelay $0x3  }
0x92: {  	_ =	strace s17  }
0x93: {  	s2 =	sld [smem:$0x3FFC];
	_ =	sdelay $0x3  }
0x94: {  	_ =	strace s2  }
0x95: {  	s2 =	sld [smem:$0x3FFD];
	_ =	sdelay $0x3  }
0x96: {  	_ =	strace s2  }
0x97: {  	_ =	strace $0x8FFFFFFF  }
0x98: {  	s18 =	sld [smem:$0x3FDB];
	_ =	sdelay $0x1  }
0x99: {  	s19 =	simm.s32 $_scs_section_size  }
0x9a: {  	s4 =	simm.s32 $_size__tile_overlayer_lowered;
	s5 =	simm.s32 $_tile_overlayer_lowered  }
0x9b: {  	s22 =	simm.s32 $0x1BFF;
	s21 =	sshll.u32 s5, $0x1;
	s2 =	sadd.s32 s19, s18  }
0x9c: {  	s6 =	simm.s32 $0x0;
	s20 =	sshll.u32 s4, $0x1;
	s4 =	sadd.s32 s21, s2  }
0x9d: {  	[timem:s6], [sflag:s22] =	dma.local [hbm:s4], s20  }
0x9e: {  	_ =	swait.ge [sflag:s22], s20  }
0x9f: {  	s3 =	ssub.s32 $0x0, s20;
	[sflag:s22] =	ssyncset.done $0x0  }
0xa0: {  	[sflag:s22] =	ssyncadd.s32 s3;
	_ =	sdelay $0x1  }
0xa1: {  	s23 =	simm.s32 $0x1B8B  }
0xa2: {  	_ =	swait.ge [sflag:s23], $0x1  }
0xa3: {  	[sflag:s23] =	ssyncset.done $0x0  }
0xa4: {  	s25 =	simm.s32 $0x1B8E;
	s24 =	sld [smem:$0x3FFE];
	[sflag:s23] =	ssyncadd.s32 $0xFFFFFFFF  }
0xa5: {  	s26 =	simm.s32 $execute0_lowered;
	[smem:$0x3FD2] =	sst s25  }
0xa6: {  	s4 =	sshll.u32 s26, $0x1;
	_ =	strace $0x8000004C;
	[dreg:$0x1] =	wrdreg $0xFFFFFFFF  }
0xa7: {  	s28 =	simm.s32 $_size_execute0_lowered;
	s2 =	sadd.s32 s2, s4;
	[dreg:$0x0] =	wrdreg $0x0  }
0xa8: {  	s4 =	sshll.u32 s28, $0x1;
	[dreg:$0x2] =	wrdreg s2  }
0xa9: {  	[dreg:$0x3] =	wrdreg s4  }
0xaa: {  	[dreg:$0x4] =	wrdreg $0xC0  }
0xab: {  	_ =	task [dreg:s6], $0x5FFFF  }
0xac: {  	[dreg:$0x1] =	wrdreg $0xFFFFFFFF  }
0xad: {  	[dreg:$0x0] =	wrdreg $0x60  }
0xae: {  	[dreg:$0x2] =	wrdreg s24  }
0xaf: {  	[dreg:$0x3] =	wrdreg $0xA8000  }
0xb0: {  	[dreg:$0x4] =	wrdreg $0x9  }
0xb1: {  	_ =	task.clear_ibuf [dreg:s6], $0x5FFFF;
	_ =	strace $0x9000004C  }
0xb2: {  	s29 =	simm.s32 $0x9;
	_ =	strace $0x8000004E  }
0xb3: {  	_ =	swait.ge [sflag:s29], $0x1  }
0xb4: {  	[sflag:s29] =	ssyncadd.s32 $0xFFFFFFFF  }
0xb5: {  	_ =	strace $0x9000004E  }
0xb6: {  	_ =	sfence  }
0xb7: {  	s30 =	sld [smem:$0x0];
	_ =	sdelay $0x2  }
0xb8: {  	s31 =	sshll.u32 s1, $0xD;
	s1 =	sshrl.u32 s1, $0x2  }
0xb9: {  	s3 =	sand.u32 $0x4000, s31;
	s1 =	sadd.s32 s1, s30  }
0xba: {  	s0 =	sor.u32 s3, s0;
	s1 =	sshll.u32 s1, $0x11  }
0xbb: {  	s0 =	sor.u32 s1, s0  }
0xbc: {  	s0 =	sadd.s32 $0x8F2B, s0  }
0xbd: {  	[sflag:s0] =	ssyncadd.remote.s32 $0x1  }
0xbe: {  	_ =	sfence.sel $0xFFFF  }
0xbf: {  	[dreg:$0x0] =	wrdreg $0xFFFFFFFF;
	(pc) =	sbr.abs _section_cstart, $3  }
0xc0: {  	[dreg:$0x1] =	wrdreg $0xFFFFFFFF  }
0xc1: {  	_ =	task.clear_ibuf [dreg:s6], $0x2FFFF;
	_ =	strace $0x9FFFFFFF  }
0xc2: {  	(tm) =	ssettm $0x7FFFFFFF  }
0xc3: {  	_ =	shalt  }
tec
execute0_lowered:
.L_overlay_start_1:
0x0: {  	(tag) =	ssettag $0x1  }
0x1: {  	s5 =	rddreg [dreg:$0x0]  }
0x2: {  	s0 =	srdreg.scid;
	s2 =	rddreg [dreg:$0x1]  }
0x3: {  	s1 =	stileid.u32;
	s3 =	simm.s32 $0x0;
	s17 =	simm.s32 $0x3  }
0x4: {  	s18 =	simm.s32 $0x1400;
	s19 =	simm.s32 $0x80;
	s20 =	simm.s32 $0x6800  }
0x5: {  	s21 =	simm.s32 $0x1;
	s22 =	simm.s32 $0x2;
	s23 =	simm.s32 $0x1380  }
0x6: {  	s24 =	simm.s32 $0x2700;
	s25 =	simm.s32 $0x2780;
	s6 =	sand.u32 $0x1, s0  }
0x7: {  	s8 =	smul.u32 $0x14000, s1;
	[smem:$0x7FF] =	sst s3;
	s4 =	sadd.s32 $0x17C00, s5  }
0x8: {  	s12 =	sadd.s32 $0x3C00, s5;
	s26 =	smul.u32 $0x50000, s1;
	s13 =	sadd.s32 $0xDC00, s5  }
0x9: {  	s28 =	sshll.u32 s1, $0x1;
	s7 =	smul.u32 $0x140000, s6;
	_ =	strace $0x8000004D  }
0xa: {  	s29 =	ssub.s32 $0x2, s6;
	s6 =	sor.u32 s6, s28;
	s30 =	sshrl.u32 s26, $0x2  }
0xb: {  	s31 =	sshrl.u32 s29, $0x1;
	s10 =	smul.u32 $0x2800, s6;
	s7 =	sadd.s32 s8, s7  }
0xc: {  	s26 =	simm.s32 $0x0;
	s15 =	ssub.s32 s29, s31;
	s7 =	sshrl.u32 s7, $0x3  }
0xd: {  	s16 =	sshrl.u32 s10, $0x3;
	s15 =	smax.u32 s15, $0x1;
	s14 =	sadd.s32 s7, s5  }
0xe: {  	s5 =	sadd.s32 s30, s2;
	s10 =	sadd.s32 s12, s16;
	s11 =	sadd.s32 s13, s16  }
0xf: {  	s16 =	sadd.s32 $0x280, s16;
	s6 =	sadd.s32 $0x4000, s5;
	s7 =	sadd.s32 $0x8000, s5  }
0x10: {  	s8 =	sadd.s32 $0xC000, s5;
	s9 =	sadd.s32 $0x10000, s5;
	s12 =	sadd.s32 s12, s16  }
0x11: {  	v0 =	vimm.f32 $0.0e+00;
	s13 =	sadd.s32 s13, s16;
	s14 =	sadd.s32 $0x3FC00, s14;
	s16 =	simm.s32 $0x2800  }
.LBB2_1:
0x12: {  	s28 =	sand.u32 $0xFE00, s3  }
0x13: {  	s29 =	sand.u32 $0x70, s3;
	s30 =	sshrl.u32 s28, $0x2  }
0x14: {  	s28 =	simm.s32 $0x40;
	s30 =	sor.u32 s29, s30;
	s29 =	simm.s32 $0x0  }
.LBB2_2:
0x15: {  	p0 =	sne.s32 s28, $0xFFC0  }
0x16: {  	[tilespmem:s30+$0x2800] =	vst v0;
	s29 =	sadd.s32 $0x10, s29;
	s30 =	smov.u32 s28;
	s28 =	sadd.s32 $0x40, s28  }
.Ltmp0:
0x17: {  	(pc) =	sbr.rel @p0 .LBB2_2-.Ltmp0, $4  }
0x18: {  	_ = 	snop  }
0x19: {  	s30 =	sand.u32 $0xFE00, s30  }
0x1a: {  	s31 =	sand.u32 $0x70, s29;
	s30 =	sshrl.u32 s30, $0x2  }
0x1b: {  	s30 =	sor.u32 s31, s30  }
0x1c: {  	[tilespmem:s30+$0x2800] =	vst v0  }
0x1d: {  	[spmem:s5] =	stream.linear.scatter [tilespmem:s16], [sflag:$0x3], $0x4000, $0x38;
	[tilespmem:$0x1E800] =	vst v63  }
0x1e: {  	_ =	swait.ge [sflag:s17], $0x4000  }
0x1f: {  	[sflag:s17] =	ssyncset.done $0x0  }
0x20: {  	[sflag:s17] =	ssyncadd.s32 $0xFFFFC000  }
0x21: {  	[spmem:s6] =	stream.linear.scatter [tilespmem:s16], [sflag:$0x3], $0x4000, $0x38;
	[tilespmem:$0x1E800] =	vst v63  }
0x22: {  	_ =	swait.ge [sflag:s17], $0x4000  }
0x23: {  	[sflag:s17] =	ssyncset.done $0x0  }
0x24: {  	[sflag:s17] =	ssyncadd.s32 $0xFFFFC000  }
0x25: {  	[spmem:s7] =	stream.linear.scatter [tilespmem:s16], [sflag:$0x3], $0x4000, $0x38;
	[tilespmem:$0x1E800] =	vst v63  }
0x26: {  	_ =	swait.ge [sflag:s17], $0x4000  }
0x27: {  	[sflag:s17] =	ssyncset.done $0x0  }
0x28: {  	[sflag:s17] =	ssyncadd.s32 $0xFFFFC000  }
0x29: {  	[spmem:s8] =	stream.linear.scatter [tilespmem:s16], [sflag:$0x3], $0x4000, $0x38;
	[tilespmem:$0x1E800] =	vst v63  }
0x2a: {  	_ =	swait.ge [sflag:s17], $0x4000  }
0x2b: {  	[sflag:s17] =	ssyncset.done $0x0  }
0x2c: {  	[sflag:s17] =	ssyncadd.s32 $0xFFFFC000  }
0x2d: {  	[spmem:s9] =	stream.linear.scatter [tilespmem:s16], [sflag:$0x3], $0x4000, $0x38;
	[tilespmem:$0x1E800] =	vst v63  }
0x2e: {  	_ =	swait.ge [sflag:s17], $0x4000  }
0x2f: {  	[sflag:s17] =	ssyncset.done $0x0  }
0x30: {  	[sflag:s17] =	ssyncadd.s32 $0xFFFFC000  }
0x31: {  	s28 =	simm.s32 $0x0;
	[bflag:$0x0] =	sbarrier.arrive $0xFFFF  }
0x32: {  	[tilespmem:s28], [sflag:$0x3] =	stream.linear.gather [hbm4b:s10+s28], $0x1400, $0x38;
	[tilespmem:$0x1E800] =	vst v63  }
0x33: {  	_ =	swait.ge [sflag:s17], $0x1400  }
0x34: {  	[sflag:s17] =	ssyncset.done $0x0  }
0x35: {  	[sflag:s17] =	ssyncadd.s32 $0xFFFFEC00  }
0x36: {  	[tilespmem:s18], [sflag:$0x3] =	stream.linear.gather [hbm4b:s11+s28], $0x1400, $0x38;
	[tilespmem:$0x1E800] =	vst v63  }
0x37: {  	_ =	swait.ge [sflag:s17], $0x1400  }
0x38: {  	[sflag:s17] =	ssyncset.done $0x0  }
0x39: {  	[sflag:s17] =	ssyncadd.s32 $0xFFFFEC00  }
0x3a: {  	[tilespmem:s16], [sflag:$0x1] =	stream.indirect.gather [hbm4b:s4+s19], $0x80, s28, s19, $0xb8;
	[tilespmem:$0x1E800] =	vst v63  }
0x3b: {  	s28 =	simm.s32 $0x80  }
0x3c: {  	[tilespmem:s20], [sflag:$0x2] =	stream.indirect.gather [hbm4b:s4+s19], $0x80, s28, s19, $0xb8;
	[tilespmem:$0x1E800] =	vst v63  }
0x3d: {  	_ =	swait.ge [sflag:s21], $0x4000  }
0x3e: {  	[sflag:s21] =	ssyncset.done $0x0  }
0x3f: {  	s28 =	simm.s32 $0x1400;
	[sflag:s21] =	ssyncadd.s32 $0xFFFFC000  }
0x40: {  	[spmem:s2] =	stream.indirect.scatter.add.f32 [tilespmem:s16], [sflag:$0x3], $0x80, s28, s19, $0xb8;
	[tilespmem:$0x1E800] =	vst v63  }
0x41: {  	_ =	swait.ge [sflag:s17], $0x4000  }
0x42: {  	[sflag:s17] =	ssyncset.done $0x0  }
0x43: {  	s28 =	simm.s32 $0x100;
	[sflag:s17] =	ssyncadd.s32 $0xFFFFC000  }
0x44: {  	[tilespmem:s16], [sflag:$0x1] =	stream.indirect.gather [hbm4b:s4+s19], $0x80, s28, s19, $0xb8;
	[tilespmem:$0x1E800] =	vst v63  }
0x45: {  	_ =	swait.ge [sflag:s22], $0x4000  }
0x46: {  	[sflag:s22] =	ssyncset.done $0x0  }
0x47: {  	s28 =	simm.s32 $0x1480;
	[sflag:s22] =	ssyncadd.s32 $0xFFFFC000  }
0x48: {  	[spmem:s2] =	stream.indirect.scatter.add.f32 [tilespmem:s20], [sflag:$0x3], $0x80, s28, s19, $0xb8;
	[tilespmem:$0x1E800] =	vst v63  }
0x49: {  	_ =	swait.ge [sflag:s17], $0x4000  }
0x4a: {  	s29 =	simm.s32 $0x800;
	s28 =	simm.s32 $0x100;
	[sflag:s17] =	ssyncset.done $0x0  }
.LBB2_4:
0x4b: {  	s30 =	sadd.s32 $0x80, s28  }
0x4c: {  	[sflag:s17] =	ssyncadd.s32 $0xFFFFC000;
	s31 =	smov.u32 s29;
	s0 =	sadd.s32 $0x400, s29  }
0x4d: {  	[tilespmem:s20], [sflag:$0x2] =	stream.indirect.gather [hbm4b:s4+s19], $0x80, s30, s19, $0xb8;
	[tilespmem:$0x1E800] =	vst v63  }
0x4e: {  	p0 =	sne.s32 s29, $0x4800;
	_ =	swait.ge [sflag:s21], $0x4000  }
0x4f: {  	[sflag:s21] =	ssyncset.done $0x0  }
0x50: {  	s29 =	sadd.s32 $0x1400, s28;
	[sflag:s21] =	ssyncadd.s32 $0xFFFFC000  }
0x51: {  	[spmem:s2] =	stream.indirect.scatter.add.f32 [tilespmem:s16], [sflag:$0x3], $0x80, s29, s19, $0xb8;
	[tilespmem:$0x1E800] =	vst v63  }
0x52: {  	_ =	swait.ge [sflag:s17], $0x4000  }
0x53: {  	[sflag:s17] =	ssyncset.done $0x0  }
0x54: {  	s29 =	sadd.s32 $0x100, s28;
	[sflag:s17] =	ssyncadd.s32 $0xFFFFC000  }
0x55: {  	[tilespmem:s16], [sflag:$0x1] =	stream.indirect.gather [hbm4b:s4+s19], $0x80, s29, s19, $0xb8;
	[tilespmem:$0x1E800] =	vst v63  }
0x56: {  	_ =	swait.ge [sflag:s22], $0x4000  }
.Ltmp1:
0x57: {  	[sflag:s22] =	ssyncset.done $0x0;
	(pc) =	sbr.rel @p0 .LBB2_4-.Ltmp1, $4  }
0x58: {  	s28 =	sadd.s32 $0x1480, s28;
	[sflag:s22] =	ssyncadd.s32 $0xFFFFC000  }
0x59: {  	[spmem:s2] =	stream.indirect.scatter.add.f32 [tilespmem:s20], [sflag:$0x3], $0x80, s28, s19, $0xb8;
	[tilespmem:$0x1E800] =	vst v63  }
0x5a: {  	_ =	swait.ge [sflag:s17], $0x4000  }
0x5b: {  	s29 =	smov.u32 s0;
	s28 =	sshra.s32 s31, $0x2;
	[sflag:s17] =	ssyncset.done $0x0  }
0x5c: {  	s0 =	sadd.s32 $0x80, s28;
	[sflag:s17] =	ssyncadd.s32 $0xFFFFC000  }
0x5d: {  	[tilespmem:s20], [sflag:$0x2] =	stream.indirect.gather [hbm4b:s4+s19], $0x80, s0, s19, $0xb8;
	[tilespmem:$0x1E800] =	vst v63  }
0x5e: {  	_ =	swait.ge [sflag:s21], $0x4000  }
0x5f: {  	[sflag:s21] =	ssyncset.done $0x0  }
0x60: {  	s30 =	sadd.s32 $0x1400, s28;
	[sflag:s21] =	ssyncadd.s32 $0xFFFFC000  }
0x61: {  	[spmem:s2] =	stream.indirect.scatter.add.f32 [tilespmem:s16], [sflag:$0x3], $0x80, s30, s19, $0xb8;
	[tilespmem:$0x1E800] =	vst v63  }
0x62: {  	_ =	swait.ge [sflag:s17], $0x4000  }
0x63: {  	[sflag:s17] =	ssyncset.done $0x0  }
0x64: {  	s31 =	sadd.s32 $0x100, s28;
	[sflag:s17] =	ssyncadd.s32 $0xFFFFC000  }
0x65: {  	[tilespmem:s16], [sflag:$0x1] =	stream.indirect.gather [hbm4b:s4+s19], $0x80, s31, s19, $0xb8;
	[tilespmem:$0x1E800] =	vst v63  }
0x66: {  	_ =	swait.ge [sflag:s22], $0x4000  }
0x67: {  	[sflag:s22] =	ssyncset.done $0x0  }
0x68: {  	s30 =	sadd.s32 $0x1480, s28;
	[sflag:s22] =	ssyncadd.s32 $0xFFFFC000  }
0x69: {  	[spmem:s2] =	stream.indirect.scatter.add.f32 [tilespmem:s20], [sflag:$0x3], $0x80, s30, s19, $0xb8;
	[tilespmem:$0x1E800] =	vst v63  }
0x6a: {  	_ =	swait.ge [sflag:s17], $0x4000  }
0x6b: {  	[sflag:s17] =	ssyncset.done $0x0  }
0x6c: {  	[sflag:s17] =	ssyncadd.s32 $0xFFFFC000  }
0x6d: {  	[tilespmem:s20], [sflag:$0x2] =	stream.indirect.gather [hbm4b:s4+s19], $0x80, s23, s19, $0xb8;
	[tilespmem:$0x1E800] =	vst v63  }
0x6e: {  	_ =	swait.ge [sflag:s21], $0x4000  }
0x6f: {  	[sflag:s21] =	ssyncset.done $0x0  }
0x70: {  	[sflag:s21] =	ssyncadd.s32 $0xFFFFC000  }
0x71: {  	[spmem:s2] =	stream.indirect.scatter.add.f32 [tilespmem:s16], [sflag:$0x3], $0x80, s24, s19, $0xb8;
	[tilespmem:$0x1E800] =	vst v63  }
0x72: {  	_ =	swait.ge [sflag:s17], $0x4000  }
0x73: {  	[sflag:s17] =	ssyncset.done $0x0  }
0x74: {  	[sflag:s17] =	ssyncadd.s32 $0xFFFFC000  }
0x75: {  	[tilespmem:s16], [sflag:$0x1] =	stream.indirect.gather [hbm4b:s4+s19], $0x80, s23, s19, $0xb8;
	[tilespmem:$0x1E800] =	vst v63  }
0x76: {  	_ =	swait.ge [sflag:s22], $0x4000  }
0x77: {  	[sflag:s22] =	ssyncset.done $0x0  }
0x78: {  	[sflag:s22] =	ssyncadd.s32 $0xFFFFC000  }
0x79: {  	[spmem:s2] =	stream.indirect.scatter.add.f32 [tilespmem:s20], [sflag:$0x3], $0x80, s25, s19, $0xb8;
	[tilespmem:$0x1E800] =	vst v63  }
0x7a: {  	_ =	swait.ge [sflag:s17], $0x4000  }
0x7b: {  	[sflag:s17] =	ssyncset.done $0x0  }
0x7c: {  	[sflag:s17] =	ssyncadd.s32 $0xFFFFC000  }
0x7d: {  	_ =	swait.ge [sflag:s21], $0x4000  }
0x7e: {  	[sflag:s21] =	ssyncset.done $0x0  }
0x7f: {  	s31 =	simm.s32 $0x0;
	[sflag:s21] =	ssyncadd.s32 $0xFFFFC000  }
0x80: {  	[tilespmem:s31], [sflag:$0x3] =	stream.linear.gather [hbm4b:s12+s31], $0x1400, $0x38;
	[tilespmem:$0x1E800] =	vst v63  }
0x81: {  	_ =	swait.ge [sflag:s17], $0x1400  }
0x82: {  	[sflag:s17] =	ssyncset.done $0x0  }
0x83: {  	[sflag:s17] =	ssyncadd.s32 $0xFFFFEC00  }
0x84: {  	[tilespmem:s18], [sflag:$0x3] =	stream.linear.gather [hbm4b:s13+s31], $0x1400, $0x38;
	[tilespmem:$0x1E800] =	vst v63  }
0x85: {  	_ =	swait.ge [sflag:s17], $0x1400  }
0x86: {  	[sflag:s17] =	ssyncset.done $0x0  }
0x87: {  	[sflag:s17] =	ssyncadd.s32 $0xFFFFEC00  }
0x88: {  	[tilespmem:s16], [sflag:$0x1] =	stream.indirect.gather [hbm4b:s4+s19], $0x80, s31, s19, $0xb8;
	[tilespmem:$0x1E800] =	vst v63  }
0x89: {  	s30 =	simm.s32 $0x80  }
0x8a: {  	[tilespmem:s20], [sflag:$0x2] =	stream.indirect.gather [hbm4b:s4+s19], $0x80, s30, s19, $0xb8;
	[tilespmem:$0x1E800] =	vst v63  }
0x8b: {  	_ =	swait.ge [sflag:s21], $0x4000  }
0x8c: {  	[sflag:s21] =	ssyncset.done $0x0  }
0x8d: {  	s31 =	simm.s32 $0x1400;
	[sflag:s21] =	ssyncadd.s32 $0xFFFFC000  }
0x8e: {  	[spmem:s2] =	stream.indirect.scatter.add.f32 [tilespmem:s16], [sflag:$0x3], $0x80, s31, s19, $0xb8;
	[tilespmem:$0x1E800] =	vst v63  }
0x8f: {  	_ =	swait.ge [sflag:s17], $0x4000  }
0x90: {  	[sflag:s17] =	ssyncset.done $0x0  }
0x91: {  	s30 =	simm.s32 $0x100;
	[sflag:s17] =	ssyncadd.s32 $0xFFFFC000  }
0x92: {  	[tilespmem:s16], [sflag:$0x1] =	stream.indirect.gather [hbm4b:s4+s19], $0x80, s30, s19, $0xb8;
	[tilespmem:$0x1E800] =	vst v63  }
0x93: {  	_ =	swait.ge [sflag:s22], $0x4000  }
0x94: {  	[sflag:s22] =	ssyncset.done $0x0  }
0x95: {  	s31 =	simm.s32 $0x1480;
	[sflag:s22] =	ssyncadd.s32 $0xFFFFC000  }
0x96: {  	[spmem:s2] =	stream.indirect.scatter.add.f32 [tilespmem:s20], [sflag:$0x3], $0x80, s31, s19, $0xb8;
	[tilespmem:$0x1E800] =	vst v63  }
0x97: {  	_ =	swait.ge [sflag:s17], $0x4000  }
0x98: {  	s29 =	simm.s32 $0x800;
	s28 =	simm.s32 $0x100;
	[sflag:s17] =	ssyncset.done $0x0  }
.LBB2_6:
0x99: {  	s0 =	sadd.s32 $0x80, s28  }
0x9a: {  	[sflag:s17] =	ssyncadd.s32 $0xFFFFC000;
	s30 =	smov.u32 s29;
	s31 =	sadd.s32 $0x400, s29  }
0x9b: {  	[tilespmem:s20], [sflag:$0x2] =	stream.indirect.gather [hbm4b:s4+s19], $0x80, s0, s19, $0xb8;
	[tilespmem:$0x1E800] =	vst v63  }
0x9c: {  	p0 =	sne.s32 s29, $0x4800;
	_ =	swait.ge [sflag:s21], $0x4000  }
0x9d: {  	[sflag:s21] =	ssyncset.done $0x0  }
0x9e: {  	s0 =	sadd.s32 $0x1400, s28;
	[sflag:s21] =	ssyncadd.s32 $0xFFFFC000  }
0x9f: {  	[spmem:s2] =	stream.indirect.scatter.add.f32 [tilespmem:s16], [sflag:$0x3], $0x80, s0, s19, $0xb8;
	[tilespmem:$0x1E800] =	vst v63  }
0xa0: {  	_ =	swait.ge [sflag:s17], $0x4000  }
0xa1: {  	[sflag:s17] =	ssyncset.done $0x0  }
0xa2: {  	s0 =	sadd.s32 $0x100, s28;
	[sflag:s17] =	ssyncadd.s32 $0xFFFFC000  }
0xa3: {  	[tilespmem:s16], [sflag:$0x1] =	stream.indirect.gather [hbm4b:s4+s19], $0x80, s0, s19, $0xb8;
	[tilespmem:$0x1E800] =	vst v63  }
0xa4: {  	_ =	swait.ge [sflag:s22], $0x4000  }
.Ltmp2:
0xa5: {  	[sflag:s22] =	ssyncset.done $0x0;
	(pc) =	sbr.rel @p0 .LBB2_6-.Ltmp2, $4  }
0xa6: {  	s0 =	sadd.s32 $0x1480, s28;
	[sflag:s22] =	ssyncadd.s32 $0xFFFFC000  }
0xa7: {  	[spmem:s2] =	stream.indirect.scatter.add.f32 [tilespmem:s20], [sflag:$0x3], $0x80, s0, s19, $0xb8;
	[tilespmem:$0x1E800] =	vst v63  }
0xa8: {  	_ =	swait.ge [sflag:s17], $0x4000  }
0xa9: {  	s29 =	smov.u32 s31;
	s28 =	sshra.s32 s30, $0x2;
	[sflag:s17] =	ssyncset.done $0x0  }
0xaa: {  	s0 =	sadd.s32 $0x80, s28;
	[sflag:s17] =	ssyncadd.s32 $0xFFFFC000  }
0xab: {  	[tilespmem:s20], [sflag:$0x2] =	stream.indirect.gather [hbm4b:s4+s19], $0x80, s0, s19, $0xb8;
	[tilespmem:$0x1E800] =	vst v63  }
0xac: {  	_ =	swait.ge [sflag:s21], $0x4000  }
0xad: {  	[sflag:s21] =	ssyncset.done $0x0  }
0xae: {  	s30 =	sadd.s32 $0x1400, s28;
	[sflag:s21] =	ssyncadd.s32 $0xFFFFC000  }
0xaf: {  	[spmem:s2] =	stream.indirect.scatter.add.f32 [tilespmem:s16], [sflag:$0x3], $0x80, s30, s19, $0xb8;
	[tilespmem:$0x1E800] =	vst v63  }
0xb0: {  	_ =	swait.ge [sflag:s17], $0x4000  }
0xb1: {  	[sflag:s17] =	ssyncset.done $0x0  }
0xb2: {  	s31 =	sadd.s32 $0x100, s28;
	[sflag:s17] =	ssyncadd.s32 $0xFFFFC000  }
0xb3: {  	[tilespmem:s16], [sflag:$0x1] =	stream.indirect.gather [hbm4b:s4+s19], $0x80, s31, s19, $0xb8;
	[tilespmem:$0x1E800] =	vst v63  }
0xb4: {  	_ =	swait.ge [sflag:s22], $0x4000  }
0xb5: {  	[sflag:s22] =	ssyncset.done $0x0  }
0xb6: {  	s29 =	sadd.s32 $0x1480, s28;
	[sflag:s22] =	ssyncadd.s32 $0xFFFFC000  }
0xb7: {  	[spmem:s2] =	stream.indirect.scatter.add.f32 [tilespmem:s20], [sflag:$0x3], $0x80, s29, s19, $0xb8;
	[tilespmem:$0x1E800] =	vst v63  }
0xb8: {  	_ =	swait.ge [sflag:s17], $0x4000  }
0xb9: {  	[sflag:s17] =	ssyncset.done $0x0  }
0xba: {  	[sflag:s17] =	ssyncadd.s32 $0xFFFFC000  }
0xbb: {  	[tilespmem:s20], [sflag:$0x2] =	stream.indirect.gather [hbm4b:s4+s19], $0x80, s23, s19, $0xb8;
	[tilespmem:$0x1E800] =	vst v63  }
0xbc: {  	_ =	swait.ge [sflag:s21], $0x4000  }
0xbd: {  	[sflag:s21] =	ssyncset.done $0x0  }
0xbe: {  	[sflag:s21] =	ssyncadd.s32 $0xFFFFC000  }
0xbf: {  	[spmem:s2] =	stream.indirect.scatter.add.f32 [tilespmem:s16], [sflag:$0x3], $0x80, s24, s19, $0xb8;
	[tilespmem:$0x1E800] =	vst v63  }
0xc0: {  	_ =	swait.ge [sflag:s17], $0x4000  }
0xc1: {  	[sflag:s17] =	ssyncset.done $0x0  }
0xc2: {  	[sflag:s17] =	ssyncadd.s32 $0xFFFFC000  }
0xc3: {  	[tilespmem:s16], [sflag:$0x1] =	stream.indirect.gather [hbm4b:s4+s19], $0x80, s23, s19, $0xb8;
	[tilespmem:$0x1E800] =	vst v63  }
0xc4: {  	_ =	swait.ge [sflag:s22], $0x4000  }
0xc5: {  	[sflag:s22] =	ssyncset.done $0x0  }
0xc6: {  	[sflag:s22] =	ssyncadd.s32 $0xFFFFC000  }
0xc7: {  	[spmem:s2] =	stream.indirect.scatter.add.f32 [tilespmem:s20], [sflag:$0x3], $0x80, s25, s19, $0xb8;
	[tilespmem:$0x1E800] =	vst v63  }
0xc8: {  	_ =	swait.ge [sflag:s17], $0x4000  }
0xc9: {  	[sflag:s17] =	ssyncset.done $0x0  }
0xca: {  	[sflag:s17] =	ssyncadd.s32 $0xFFFFC000  }
0xcb: {  	_ =	swait.ge [sflag:s21], $0x4000  }
0xcc: {  	s26 =	sadd.s32 $0x1, s26;
	s30 =	sshll.u32 s1, $0x6;
	[sflag:s21] =	ssyncset.done $0x0  }
0xcd: {  	p0 =	sne.s32 s26, s15;
	s0 =	sor.u32 $0x1C03, s30;
	[sflag:s21] =	ssyncadd.s32 $0xFFFFC000  }
.Ltmp3:
0xce: {  	s31 =	sshrl.u32 s5, $0x3;
	[bflag:$0x0] =	sbarrier.arrive $0xFFFF;
	(pc) =	sbr.rel @p0 .LBB2_1-.Ltmp3, $4  }
0xcf: {  	[hbm:s14], [sflag:s0] =	dma.local [spmem:s31], $0x2800  }
0xd0: {  	_ =	swait.ge [sflag:s17], $0x2800  }
0xd1: {  	[sflag:s17] =	ssyncset.done $0x0  }
0xd2: {  	[sflag:s17] =	ssyncadd.s32 $0xFFFFD800  }
0xd3: {  	_ =	sfence.sel $0x180000  }
0xd4: {  	[bflag:$0x0] =	sbarrier.arrive $0xFFFF  }
0xd5: {  	_ =	strace $0x9000004D  }
0xd6: {  	[bflag:$0x2] =	sbarrier.arrive $0xFFFF  }
0xd7: {  	p0 =	sne.s32 s1, $0x0;
	s0 =	rddreg [dreg:$0x2]  }
0xd8: {  	s0 =	sadd.s32 @!p0 $0x100000, s0  }
0xd9: {  	[sflag:s0] =	ssyncadd.tile.s32 @!p0 $0x1;
	_ =	shalt  }
.Lfunc_end2:
_tile_overlayer_lowered:
.L_overlay_start_2:
0xda: {  	(tag) =	ssettag $0x2  }
0xdb: {  	s0 =	rddreg [dreg:$0x0];
	s2 =	stileid.u32  }
0xdc: {  	s1 =	rddreg [dreg:$0x1];
	p0 =	sne.s32 s2, $0x0  }
0xdd: {  	s3 =	rddreg [dreg:$0x2];
	[bflag:$0x3] =	sbarrier.arrive $0xFFFF;
	s2 =	simm.s32 @!p0 $0x1C03  }
0xde: {  	[timem:s3], [sflag:s2] =	dma.local @!p0 [hbm:s0], s1  }
0xdf: {  	s0 =	simm.s32 @!p0 $0x3  }
0xe0: {  	_ =	swait.ge @!p0 [sflag:s0], s1  }
0xe1: {  	s1 =	ssub.s32 @!p0 $0x0, s1;
	[sflag:s0] =	ssyncset.done @!p0 $0x0  }
0xe2: {  	[sflag:s0] =	ssyncadd.s32 @!p0 s1  }
0xe3: {  	[bflag:$0x3] =	sbarrier.arrive $0xFFFF  }
0xe4: {  	_ =	shalt  }

// kernel: kernel.21.cloned.1.call-start
scs
__scs_entry_jumppad:
0x0: {  	(pc) =	sbr.rel $0x88, $3  }
0x1: {  	(tag) =	ssettag $0x0;
	lr =	simm.s32 $0x1  }
0x2: {  	[smem:$0x3F99] =	sst lr;
	_ =	strace $0xD0000000  }
0x3: {  	_ = 	snop  }
0x4: {  	_ = 	snop  }
0x5: {  	_ = 	snop  }
0x6: {  	_ = 	snop  }
0x7: {  	_ = 	snop  }
__scs_overlays_trampoline_lowered:
0x8: {  	[smem:$0x3FA8] =	sst s0  }
0x9: {  	[smem:$0x3FA9] =	sst s1  }
0xa: {  	[smem:$0x3FAA] =	sst s2  }
0xb: {  	[smem:$0x3FAB] =	sst s3  }
0xc: {  	[smem:$0x3FAC] =	sst s4  }
0xd: {  	[smem:$0x3FAD] =	sst s5  }
0xe: {  	[smem:$0x3FAE] =	sst s6  }
0xf: {  	[smem:$0x3FAF] =	sst s7  }
0x10: {  	[smem:$0x3FB0] =	sst s8  }
0x11: {  	[smem:$0x3FB1] =	sst s9;
	s0 =	simm.s32 @!p0 $0x0  }
0x12: {  	s1 =	sld [smem:$0x3F97];
	s0 =	simm.s32 @p0 $0x1  }
0x13: {  	[smem:$0x3FB2] =	sst s0;
	s0 =	simm.s32 @!p1 $0x0  }
0x14: {  	s2 =	sld [smem:$0x3F96];
	s0 =	simm.s32 @p1 $0x1  }
0x15: {  	[smem:$0x3FB3] =	sst s0;
	s0 =	simm.s32 @!p2 $0x0  }
0x16: {  	s3 =	sld [smem:$0x3FDB];
	s0 =	simm.s32 @p2 $0x1  }
0x17: {  	s4 =	simm.s32 $0x1BF5;
	[smem:$0x3FB5] =	sst s0  }
0x18: {  	s0 =	sld [smem:$0x3F98];
	_ =	swait.ge [sflag:s4], $0x0  }
0x19: {  	s7 =	sld [smem:$0x3F99]  }
0x1a: {  	s8 =	sadd.s32 $0xFFFFE003, lr  }
0x1b: {  	s9 =	sadd.s32 $0xFFFFFEF7, lr;
	s5 =	simm.s32 $0xFFFFFFFF;
	p2 =	slt.u32 s8, $0xFFFFF086  }
0x1c: {  	p1 =	slt.u32 s9, $0xF7A;
	s5 =	simm.s32 @!p2 $0x0  }
0x1d: {  	s5 =	simm.s32 @p1 $0x1;
	p0 =	seq.s32 s7, s2  }
0x1e: {  	s7 =	smul.u32 @!p0 $0xF7A, s2;
	p2 =	seq.s32 @!p0 s5, $0x0  }
0x1f: {  	s9 =	smul.u32 $0xF7A, s1;
	s8 =	simm.s32 @!p0 $0x1BF5;
	p2 =	por !p2, p0  }
0x20: {  	[sflag:s8] =	ssyncset.s32 @!p0 $0xFFFFF086;
	s6 =	sadd.s32 @!p0 s3, s7;
	s7 =	simm.s32 @!p0 $0x108  }
0x21: {  	s3 =	sadd.s32 s3, s9;
	s6 =	sadd.s32 @!p0 $0x88, s6;
	s7 =	simm.s32 @p2 $0x1082  }
0x22: {  	[simem:s7], [sflag:s8] =	dma.local @!p0 [hbm:s6], $0xF7A  }
0x23: {  	s9 =	sor.u32 $0xD0000000, s2;
	s6 =	simm.s32 $0x108;
	_ =	swait.ge @!p0 [sflag:s8], $0x0  }
0x24: {  	s3 =	sadd.s32 $0x88, s3;
	s6 =	simm.s32 @!p1 $0x1082;
	[sflag:s4] =	ssyncset.s32 $0xFFFFF086  }
0x25: {  	[simem:s6], [sflag:s4] =	dma.local [hbm:s3], $0xF7A  }
0x26: {  	[smem:$0x3F99] =	sst s1;
	(tag) =	ssettag s2;
	_ =	strace s9  }
0x27: {  	s1 =	sld [smem:$0x3FA9]  }
0x28: {  	s2 =	sld [smem:$0x3FAA]  }
0x29: {  	s4 =	sld [smem:$0x3FAC]  }
0x2a: {  	p0 =	seq.s32 s5, $0x0;
	s5 =	sld [smem:$0x3FAD]  }
0x2b: {  	s6 =	sld [smem:$0x3FAE]  }
0x2c: {  	s7 =	sld [smem:$0x3FAF]  }
0x2d: {  	s3 =	simm.s32 $0x108;
	s8 =	sld [smem:$0x3FB0]  }
0x2e: {  	s3 =	simm.s32 @!p0 $0x1082;
	s9 =	sld [smem:$0x3FB1]  }
0x2f: {  	lr =	sadd.s32 s0, s3;
	s0 =	sld [smem:$0x3FA8]  }
0x30: {  	s3 =	sld [smem:$0x3FAB]  }
0x31: {  	[smem:$0x3FB4] =	sst s10  }
0x32: {  	s10 =	sld [smem:$0x3FB2];
	_ =	sdelay $0x3  }
0x33: {  	p0 =	seq.s32 s10, $0x1;
	s10 =	sld [smem:$0x3FB4];
	_ =	sdelay $0x3  }
0x34: {  	[smem:$0x3FB4] =	sst s10  }
0x35: {  	s10 =	sld [smem:$0x3FB3];
	_ =	sdelay $0x3  }
0x36: {  	p1 =	seq.s32 s10, $0x1;
	s10 =	sld [smem:$0x3FB4];
	_ =	sdelay $0x3  }
0x37: {  	[smem:$0x3FB4] =	sst s10  }
0x38: {  	s10 =	sld [smem:$0x3FB5]  }
0x39: {  	_ = 	snop;
	(pc) =	sbr.ind lr, $3  }
0x3a: {  	_ = 	snop  }
0x3b: {  	_ = 	snop  }
0x3c: {  	p2 =	seq.s32 s10, $0x1;
	s10 =	sld [smem:$0x3FB4]  }
0x3d: {  	_ =	shalt  }
0x3e: {  	_ =	shalt  }
0x3f: {  	_ =	shalt  }
0x40: {  	_ =	shalt  }
0x41: {  	_ =	shalt  }
0x42: {  	_ =	shalt  }
0x43: {  	_ =	shalt  }
0x44: {  	_ =	shalt  }
0x45: {  	_ =	shalt  }
0x46: {  	_ =	shalt  }
0x47: {  	_ =	shalt  }
0x48: {  	_ =	shalt  }
0x49: {  	_ =	shalt  }
0x4a: {  	_ =	shalt  }
0x4b: {  	_ =	shalt  }
0x4c: {  	_ =	shalt  }
0x4d: {  	_ =	shalt  }
0x4e: {  	_ =	shalt  }
0x4f: {  	_ =	shalt  }
0x50: {  	_ =	shalt  }
0x51: {  	_ =	shalt  }
0x52: {  	_ =	shalt  }
0x53: {  	_ =	shalt  }
0x54: {  	_ =	shalt  }
0x55: {  	_ =	shalt  }
0x56: {  	_ =	shalt  }
0x57: {  	_ =	shalt  }
0x58: {  	_ =	shalt  }
0x59: {  	_ =	shalt  }
0x5a: {  	_ =	shalt  }
0x5b: {  	_ =	shalt  }
0x5c: {  	_ =	shalt  }
0x5d: {  	_ =	shalt  }
0x5e: {  	_ =	shalt  }
0x5f: {  	_ =	shalt  }
0x60: {  	_ =	shalt  }
0x61: {  	_ =	shalt  }
0x62: {  	_ =	shalt  }
0x63: {  	_ =	shalt  }
0x64: {  	_ =	shalt  }
0x65: {  	_ =	shalt  }
0x66: {  	_ =	shalt  }
0x67: {  	_ =	shalt  }
0x68: {  	_ =	shalt  }
0x69: {  	_ =	shalt  }
0x6a: {  	_ =	shalt  }
0x6b: {  	_ =	shalt  }
0x6c: {  	_ =	shalt  }
0x6d: {  	_ =	shalt  }
0x6e: {  	_ =	shalt  }
0x6f: {  	_ =	shalt  }
0x70: {  	_ =	shalt  }
0x71: {  	_ =	shalt  }
0x72: {  	_ =	shalt  }
0x73: {  	_ =	shalt  }
0x74: {  	_ =	shalt  }
0x75: {  	_ =	shalt  }
0x76: {  	_ =	shalt  }
0x77: {  	_ =	shalt  }
0x78: {  	_ =	shalt  }
0x79: {  	_ =	shalt  }
0x7a: {  	_ =	shalt  }
0x7b: {  	_ =	shalt  }
0x7c: {  	_ =	shalt  }
0x7d: {  	_ =	shalt  }
0x7e: {  	_ =	shalt  }
0x7f: {  	_ =	shalt  }
0x80: {  	_ =	shalt  }
0x81: {  	_ =	shalt  }
0x82: {  	_ =	shalt  }
0x83: {  	_ =	shalt  }
0x84: {  	_ =	shalt  }
0x85: {  	_ =	shalt  }
0x86: {  	_ =	shalt  }
0x87: {  	_ =	shalt  }
.Lfunc_end0:
.L_simem_size_0:
called_computation.3_lowered:
.L_overlay_start_0:
0x88: {  	s2 =	sld [smem:$0x3FD9]  }
0x89: {  	s3 =	sld [smem:$0x3FFE];
	_ =	sdelay $0x1  }
0x8a: {  	s1 =	srdreg.scid  }
0x8b: {  	s0 =	sand.u32 $0x1, s1  }
0x8c: {  	s16 =	sshll.u32 s0, $0xA;
	s2 =	sadd.s32 s3, s2  }
0x8d: {  	s2 =	sadd.s32 s2, s16  }
0x8e: {  	[smem:$0x3FC0] =	sst s2  }
0x8f: {  	_ = 	snop  }
0x90: {  	(tm) =	ssettm $0x1  }
0x91: {  	s17 =	sld [smem:$0x3FFB];
	_ =	sdelay $0x3  }
0x92: {  	_ =	strace s17  }
0x93: {  	s2 =	sld [smem:$0x3FFC];
	_ =	sdelay $0x3  }
0x94: {  	_ =	strace s2  }
0x95: {  	s2 =	sld [smem:$0x3FFD];
	_ =	sdelay $0x3  }
0x96: {  	_ =	strace s2  }
0x97: {  	_ =	strace $0x8FFFFFFF  }
0x98: {  	s18 =	sld [smem:$0x3FDB];
	_ =	sdelay $0x1  }
0x99: {  	s19 =	simm.s32 $_scs_section_size  }
0x9a: {  	s4 =	simm.s32 $_size__tile_overlayer_lowered;
	s5 =	simm.s32 $_tile_overlayer_lowered  }
0x9b: {  	s22 =	simm.s32 $0x1BFF;
	s21 =	sshll.u32 s5, $0x1;
	s2 =	sadd.s32 s19, s18  }
0x9c: {  	s6 =	simm.s32 $0x0;
	s20 =	sshll.u32 s4, $0x1;
	s4 =	sadd.s32 s21, s2  }
0x9d: {  	[timem:s6], [sflag:s22] =	dma.local [hbm:s4], s20  }
0x9e: {  	_ =	swait.ge [sflag:s22], s20  }
0x9f: {  	s3 =	ssub.s32 $0x0, s20;
	[sflag:s22] =	ssyncset.done $0x0  }
0xa0: {  	[sflag:s22] =	ssyncadd.s32 s3;
	_ =	sdelay $0x1  }
0xa1: {  	s23 =	simm.s32 $0x1B8B  }
0xa2: {  	_ =	swait.ge [sflag:s23], $0x1  }
0xa3: {  	[sflag:s23] =	ssyncset.done $0x0  }
0xa4: {  	s25 =	simm.s32 $0x1B8E;
	s24 =	sld [smem:$0x3FFE];
	[sflag:s23] =	ssyncadd.s32 $0xFFFFFFFF  }
0xa5: {  	s26 =	simm.s32 $execute0_lowered;
	[smem:$0x3FD2] =	sst s25  }
0xa6: {  	s4 =	sshll.u32 s26, $0x1;
	_ =	strace $0x8000004F;
	[dreg:$0x1] =	wrdreg $0xFFFFFFFF  }
0xa7: {  	s28 =	simm.s32 $_size_execute0_lowered;
	s2 =	sadd.s32 s2, s4;
	[dreg:$0x0] =	wrdreg $0x0  }
0xa8: {  	s4 =	sshll.u32 s28, $0x1;
	[dreg:$0x2] =	wrdreg s2  }
0xa9: {  	[dreg:$0x3] =	wrdreg s4  }
0xaa: {  	[dreg:$0x4] =	wrdreg $0xC0  }
0xab: {  	_ =	task [dreg:s6], $0x5FFFF  }
0xac: {  	[dreg:$0x1] =	wrdreg $0xFFFFFFFF  }
0xad: {  	[dreg:$0x0] =	wrdreg $0x60  }
0xae: {  	[dreg:$0x2] =	wrdreg s24  }
0xaf: {  	[dreg:$0x3] =	wrdreg $0xA8000  }
0xb0: {  	[dreg:$0x4] =	wrdreg $0x9  }
0xb1: {  	_ =	task.clear_ibuf [dreg:s6], $0x5FFFF;
	_ =	strace $0x9000004F  }
0xb2: {  	s29 =	simm.s32 $0x9;
	_ =	strace $0x80000051  }
0xb3: {  	_ =	swait.ge [sflag:s29], $0x1  }
0xb4: {  	[sflag:s29] =	ssyncadd.s32 $0xFFFFFFFF  }
0xb5: {  	_ =	strace $0x90000051  }
0xb6: {  	_ =	sfence  }
0xb7: {  	s30 =	sld [smem:$0x0];
	_ =	sdelay $0x2  }
0xb8: {  	s31 =	sshll.u32 s1, $0xD;
	s1 =	sshrl.u32 s1, $0x2  }
0xb9: {  	s3 =	sand.u32 $0x4000, s31;
	s1 =	sadd.s32 s1, s30  }
0xba: {  	s0 =	sor.u32 s3, s0;
	s1 =	sshll.u32 s1, $0x11  }
0xbb: {  	s0 =	sor.u32 s1, s0  }
0xbc: {  	s0 =	sadd.s32 $0x8F2B, s0  }
0xbd: {  	[sflag:s0] =	ssyncadd.remote.s32 $0x1  }
0xbe: {  	_ =	sfence.sel $0xFFFF  }
0xbf: {  	[dreg:$0x0] =	wrdreg $0xFFFFFFFF;
	(pc) =	sbr.abs _section_cstart, $3  }
0xc0: {  	[dreg:$0x1] =	wrdreg $0xFFFFFFFF  }
0xc1: {  	_ =	task.clear_ibuf [dreg:s6], $0x2FFFF;
	_ =	strace $0x9FFFFFFF  }
0xc2: {  	(tm) =	ssettm $0x7FFFFFFF  }
0xc3: {  	_ =	shalt  }
tec
execute0_lowered:
.L_overlay_start_1:
0x0: {  	(tag) =	ssettag $0x1  }
0x1: {  	s5 =	rddreg [dreg:$0x0]  }
0x2: {  	s0 =	srdreg.scid;
	s2 =	rddreg [dreg:$0x1]  }
0x3: {  	s1 =	stileid.u32;
	s3 =	simm.s32 $0x0;
	s17 =	simm.s32 $0x3  }
0x4: {  	s18 =	simm.s32 $0x1400;
	s19 =	simm.s32 $0x80;
	s20 =	simm.s32 $0x6800  }
0x5: {  	s21 =	simm.s32 $0x1;
	s22 =	simm.s32 $0x2;
	s23 =	simm.s32 $0x1380  }
0x6: {  	s24 =	simm.s32 $0x2700;
	s25 =	simm.s32 $0x2780;
	s6 =	sand.u32 $0x1, s0  }
0x7: {  	s8 =	smul.u32 $0x14000, s1;
	[smem:$0x7FF] =	sst s3;
	s4 =	sadd.s32 $0x17C00, s5  }
0x8: {  	s12 =	sadd.s32 $0x3C00, s5;
	s26 =	smul.u32 $0x50000, s1;
	s13 =	sadd.s32 $0xDC00, s5  }
0x9: {  	s28 =	sshll.u32 s1, $0x1;
	s7 =	smul.u32 $0x140000, s6;
	_ =	strace $0x80000050  }
0xa: {  	s29 =	ssub.s32 $0x2, s6;
	s6 =	sor.u32 s6, s28;
	s30 =	sshrl.u32 s26, $0x2  }
0xb: {  	s31 =	sshrl.u32 s29, $0x1;
	s10 =	smul.u32 $0x2800, s6;
	s7 =	sadd.s32 s8, s7  }
0xc: {  	s26 =	simm.s32 $0x0;
	s15 =	ssub.s32 s29, s31;
	s7 =	sshrl.u32 s7, $0x3  }
0xd: {  	s16 =	sshrl.u32 s10, $0x3;
	s15 =	smax.u32 s15, $0x1;
	s14 =	sadd.s32 s7, s5  }
0xe: {  	s5 =	sadd.s32 s30, s2;
	s10 =	sadd.s32 s12, s16;
	s11 =	sadd.s32 s13, s16  }
0xf: {  	s16 =	sadd.s32 $0x280, s16;
	s6 =	sadd.s32 $0x4000, s5;
	s7 =	sadd.s32 $0x8000, s5  }
0x10: {  	s8 =	sadd.s32 $0xC000, s5;
	s9 =	sadd.s32 $0x10000, s5;
	s12 =	sadd.s32 s12, s16  }
0x11: {  	v0 =	vimm.f32 $0.0e+00;
	s13 =	sadd.s32 s13, s16;
	s14 =	sadd.s32 $0x3FC00, s14;
	s16 =	simm.s32 $0x2800  }
.LBB2_1:
0x12: {  	s28 =	sand.u32 $0xFE00, s3  }
0x13: {  	s29 =	sand.u32 $0x70, s3;
	s30 =	sshrl.u32 s28, $0x2  }
0x14: {  	s28 =	simm.s32 $0x40;
	s30 =	sor.u32 s29, s30;
	s29 =	simm.s32 $0x0  }
.LBB2_2:
0x15: {  	p0 =	sne.s32 s28, $0xFFC0  }
0x16: {  	[tilespmem:s30+$0x2800] =	vst v0;
	s29 =	sadd.s32 $0x10, s29;
	s30 =	smov.u32 s28;
	s28 =	sadd.s32 $0x40, s28  }
.Ltmp0:
0x17: {  	(pc) =	sbr.rel @p0 .LBB2_2-.Ltmp0, $4  }
0x18: {  	_ = 	snop  }
0x19: {  	s30 =	sand.u32 $0xFE00, s30  }
0x1a: {  	s31 =	sand.u32 $0x70, s29;
	s30 =	sshrl.u32 s30, $0x2  }
0x1b: {  	s30 =	sor.u32 s31, s30  }
0x1c: {  	[tilespmem:s30+$0x2800] =	vst v0  }
0x1d: {  	[spmem:s5] =	stream.linear.scatter [tilespmem:s16], [sflag:$0x3], $0x4000, $0x38;
	[tilespmem:$0x1E800] =	vst v63  }
0x1e: {  	_ =	swait.ge [sflag:s17], $0x4000  }
0x1f: {  	[sflag:s17] =	ssyncset.done $0x0  }
0x20: {  	[sflag:s17] =	ssyncadd.s32 $0xFFFFC000  }
0x21: {  	[spmem:s6] =	stream.linear.scatter [tilespmem:s16], [sflag:$0x3], $0x4000, $0x38;
	[tilespmem:$0x1E800] =	vst v63  }
0x22: {  	_ =	swait.ge [sflag:s17], $0x4000  }
0x23: {  	[sflag:s17] =	ssyncset.done $0x0  }
0x24: {  	[sflag:s17] =	ssyncadd.s32 $0xFFFFC000  }
0x25: {  	[spmem:s7] =	stream.linear.scatter [tilespmem:s16], [sflag:$0x3], $0x4000, $0x38;
	[tilespmem:$0x1E800] =	vst v63  }
0x26: {  	_ =	swait.ge [sflag:s17], $0x4000  }
0x27: {  	[sflag:s17] =	ssyncset.done $0x0  }
0x28: {  	[sflag:s17] =	ssyncadd.s32 $0xFFFFC000  }
0x29: {  	[spmem:s8] =	stream.linear.scatter [tilespmem:s16], [sflag:$0x3], $0x4000, $0x38;
	[tilespmem:$0x1E800] =	vst v63  }
0x2a: {  	_ =	swait.ge [sflag:s17], $0x4000  }
0x2b: {  	[sflag:s17] =	ssyncset.done $0x0  }
0x2c: {  	[sflag:s17] =	ssyncadd.s32 $0xFFFFC000  }
0x2d: {  	[spmem:s9] =	stream.linear.scatter [tilespmem:s16], [sflag:$0x3], $0x4000, $0x38;
	[tilespmem:$0x1E800] =	vst v63  }
0x2e: {  	_ =	swait.ge [sflag:s17], $0x4000  }
0x2f: {  	[sflag:s17] =	ssyncset.done $0x0  }
0x30: {  	[sflag:s17] =	ssyncadd.s32 $0xFFFFC000  }
0x31: {  	s28 =	simm.s32 $0x0;
	[bflag:$0x0] =	sbarrier.arrive $0xFFFF  }
0x32: {  	[tilespmem:s28], [sflag:$0x3] =	stream.linear.gather [hbm4b:s10+s28], $0x1400, $0x38;
	[tilespmem:$0x1E800] =	vst v63  }
0x33: {  	_ =	swait.ge [sflag:s17], $0x1400  }
0x34: {  	[sflag:s17] =	ssyncset.done $0x0  }
0x35: {  	[sflag:s17] =	ssyncadd.s32 $0xFFFFEC00  }
0x36: {  	[tilespmem:s18], [sflag:$0x3] =	stream.linear.gather [hbm4b:s11+s28], $0x1400, $0x38;
	[tilespmem:$0x1E800] =	vst v63  }
0x37: {  	_ =	swait.ge [sflag:s17], $0x1400  }
0x38: {  	[sflag:s17] =	ssyncset.done $0x0  }
0x39: {  	[sflag:s17] =	ssyncadd.s32 $0xFFFFEC00  }
0x3a: {  	[tilespmem:s16], [sflag:$0x1] =	stream.indirect.gather [hbm4b:s4+s19], $0x80, s28, s19, $0xb8;
	[tilespmem:$0x1E800] =	vst v63  }
0x3b: {  	s28 =	simm.s32 $0x80  }
0x3c: {  	[tilespmem:s20], [sflag:$0x2] =	stream.indirect.gather [hbm4b:s4+s19], $0x80, s28, s19, $0xb8;
	[tilespmem:$0x1E800] =	vst v63  }
0x3d: {  	_ =	swait.ge [sflag:s21], $0x4000  }
0x3e: {  	[sflag:s21] =	ssyncset.done $0x0  }
0x3f: {  	s28 =	simm.s32 $0x1400;
	[sflag:s21] =	ssyncadd.s32 $0xFFFFC000  }
0x40: {  	[spmem:s2] =	stream.indirect.scatter.add.f32 [tilespmem:s16], [sflag:$0x3], $0x80, s28, s19, $0xb8;
	[tilespmem:$0x1E800] =	vst v63  }
0x41: {  	_ =	swait.ge [sflag:s17], $0x4000  }
0x42: {  	[sflag:s17] =	ssyncset.done $0x0  }
0x43: {  	s28 =	simm.s32 $0x100;
	[sflag:s17] =	ssyncadd.s32 $0xFFFFC000  }
0x44: {  	[tilespmem:s16], [sflag:$0x1] =	stream.indirect.gather [hbm4b:s4+s19], $0x80, s28, s19, $0xb8;
	[tilespmem:$0x1E800] =	vst v63  }
0x45: {  	_ =	swait.ge [sflag:s22], $0x4000  }
0x46: {  	[sflag:s22] =	ssyncset.done $0x0  }
0x47: {  	s28 =	simm.s32 $0x1480;
	[sflag:s22] =	ssyncadd.s32 $0xFFFFC000  }
0x48: {  	[spmem:s2] =	stream.indirect.scatter.add.f32 [tilespmem:s20], [sflag:$0x3], $0x80, s28, s19, $0xb8;
	[tilespmem:$0x1E800] =	vst v63  }
0x49: {  	_ =	swait.ge [sflag:s17], $0x4000  }
0x4a: {  	s29 =	simm.s32 $0x800;
	s28 =	simm.s32 $0x100;
	[sflag:s17] =	ssyncset.done $0x0  }
.LBB2_4:
0x4b: {  	s30 =	sadd.s32 $0x80, s28  }
0x4c: {  	[sflag:s17] =	ssyncadd.s32 $0xFFFFC000;
	s31 =	smov.u32 s29;
	s0 =	sadd.s32 $0x400, s29  }
0x4d: {  	[tilespmem:s20], [sflag:$0x2] =	stream.indirect.gather [hbm4b:s4+s19], $0x80, s30, s19, $0xb8;
	[tilespmem:$0x1E800] =	vst v63  }
0x4e: {  	p0 =	sne.s32 s29, $0x4800;
	_ =	swait.ge [sflag:s21], $0x4000  }
0x4f: {  	[sflag:s21] =	ssyncset.done $0x0  }
0x50: {  	s29 =	sadd.s32 $0x1400, s28;
	[sflag:s21] =	ssyncadd.s32 $0xFFFFC000  }
0x51: {  	[spmem:s2] =	stream.indirect.scatter.add.f32 [tilespmem:s16], [sflag:$0x3], $0x80, s29, s19, $0xb8;
	[tilespmem:$0x1E800] =	vst v63  }
0x52: {  	_ =	swait.ge [sflag:s17], $0x4000  }
0x53: {  	[sflag:s17] =	ssyncset.done $0x0  }
0x54: {  	s29 =	sadd.s32 $0x100, s28;
	[sflag:s17] =	ssyncadd.s32 $0xFFFFC000  }
0x55: {  	[tilespmem:s16], [sflag:$0x1] =	stream.indirect.gather [hbm4b:s4+s19], $0x80, s29, s19, $0xb8;
	[tilespmem:$0x1E800] =	vst v63  }
0x56: {  	_ =	swait.ge [sflag:s22], $0x4000  }
.Ltmp1:
0x57: {  	[sflag:s22] =	ssyncset.done $0x0;
	(pc) =	sbr.rel @p0 .LBB2_4-.Ltmp1, $4  }
0x58: {  	s28 =	sadd.s32 $0x1480, s28;
	[sflag:s22] =	ssyncadd.s32 $0xFFFFC000  }
0x59: {  	[spmem:s2] =	stream.indirect.scatter.add.f32 [tilespmem:s20], [sflag:$0x3], $0x80, s28, s19, $0xb8;
	[tilespmem:$0x1E800] =	vst v63  }
0x5a: {  	_ =	swait.ge [sflag:s17], $0x4000  }
0x5b: {  	s29 =	smov.u32 s0;
	s28 =	sshra.s32 s31, $0x2;
	[sflag:s17] =	ssyncset.done $0x0  }
0x5c: {  	s0 =	sadd.s32 $0x80, s28;
	[sflag:s17] =	ssyncadd.s32 $0xFFFFC000  }
0x5d: {  	[tilespmem:s20], [sflag:$0x2] =	stream.indirect.gather [hbm4b:s4+s19], $0x80, s0, s19, $0xb8;
	[tilespmem:$0x1E800] =	vst v63  }
0x5e: {  	_ =	swait.ge [sflag:s21], $0x4000  }
0x5f: {  	[sflag:s21] =	ssyncset.done $0x0  }
0x60: {  	s30 =	sadd.s32 $0x1400, s28;
	[sflag:s21] =	ssyncadd.s32 $0xFFFFC000  }
0x61: {  	[spmem:s2] =	stream.indirect.scatter.add.f32 [tilespmem:s16], [sflag:$0x3], $0x80, s30, s19, $0xb8;
	[tilespmem:$0x1E800] =	vst v63  }
0x62: {  	_ =	swait.ge [sflag:s17], $0x4000  }
0x63: {  	[sflag:s17] =	ssyncset.done $0x0  }
0x64: {  	s31 =	sadd.s32 $0x100, s28;
	[sflag:s17] =	ssyncadd.s32 $0xFFFFC000  }
0x65: {  	[tilespmem:s16], [sflag:$0x1] =	stream.indirect.gather [hbm4b:s4+s19], $0x80, s31, s19, $0xb8;
	[tilespmem:$0x1E800] =	vst v63  }
0x66: {  	_ =	swait.ge [sflag:s22], $0x4000  }
0x67: {  	[sflag:s22] =	ssyncset.done $0x0  }
0x68: {  	s30 =	sadd.s32 $0x1480, s28;
	[sflag:s22] =	ssyncadd.s32 $0xFFFFC000  }
0x69: {  	[spmem:s2] =	stream.indirect.scatter.add.f32 [tilespmem:s20], [sflag:$0x3], $0x80, s30, s19, $0xb8;
	[tilespmem:$0x1E800] =	vst v63  }
0x6a: {  	_ =	swait.ge [sflag:s17], $0x4000  }
0x6b: {  	[sflag:s17] =	ssyncset.done $0x0  }
0x6c: {  	[sflag:s17] =	ssyncadd.s32 $0xFFFFC000  }
0x6d: {  	[tilespmem:s20], [sflag:$0x2] =	stream.indirect.gather [hbm4b:s4+s19], $0x80, s23, s19, $0xb8;
	[tilespmem:$0x1E800] =	vst v63  }
0x6e: {  	_ =	swait.ge [sflag:s21], $0x4000  }
0x6f: {  	[sflag:s21] =	ssyncset.done $0x0  }
0x70: {  	[sflag:s21] =	ssyncadd.s32 $0xFFFFC000  }
0x71: {  	[spmem:s2] =	stream.indirect.scatter.add.f32 [tilespmem:s16], [sflag:$0x3], $0x80, s24, s19, $0xb8;
	[tilespmem:$0x1E800] =	vst v63  }
0x72: {  	_ =	swait.ge [sflag:s17], $0x4000  }
0x73: {  	[sflag:s17] =	ssyncset.done $0x0  }
0x74: {  	[sflag:s17] =	ssyncadd.s32 $0xFFFFC000  }
0x75: {  	[tilespmem:s16], [sflag:$0x1] =	stream.indirect.gather [hbm4b:s4+s19], $0x80, s23, s19, $0xb8;
	[tilespmem:$0x1E800] =	vst v63  }
0x76: {  	_ =	swait.ge [sflag:s22], $0x4000  }
0x77: {  	[sflag:s22] =	ssyncset.done $0x0  }
0x78: {  	[sflag:s22] =	ssyncadd.s32 $0xFFFFC000  }
0x79: {  	[spmem:s2] =	stream.indirect.scatter.add.f32 [tilespmem:s20], [sflag:$0x3], $0x80, s25, s19, $0xb8;
	[tilespmem:$0x1E800] =	vst v63  }
0x7a: {  	_ =	swait.ge [sflag:s17], $0x4000  }
0x7b: {  	[sflag:s17] =	ssyncset.done $0x0  }
0x7c: {  	[sflag:s17] =	ssyncadd.s32 $0xFFFFC000  }
0x7d: {  	_ =	swait.ge [sflag:s21], $0x4000  }
0x7e: {  	[sflag:s21] =	ssyncset.done $0x0  }
0x7f: {  	s31 =	simm.s32 $0x0;
	[sflag:s21] =	ssyncadd.s32 $0xFFFFC000  }
0x80: {  	[tilespmem:s31], [sflag:$0x3] =	stream.linear.gather [hbm4b:s12+s31], $0x1400, $0x38;
	[tilespmem:$0x1E800] =	vst v63  }
0x81: {  	_ =	swait.ge [sflag:s17], $0x1400  }
0x82: {  	[sflag:s17] =	ssyncset.done $0x0  }
0x83: {  	[sflag:s17] =	ssyncadd.s32 $0xFFFFEC00  }
0x84: {  	[tilespmem:s18], [sflag:$0x3] =	stream.linear.gather [hbm4b:s13+s31], $0x1400, $0x38;
	[tilespmem:$0x1E800] =	vst v63  }
0x85: {  	_ =	swait.ge [sflag:s17], $0x1400  }
0x86: {  	[sflag:s17] =	ssyncset.done $0x0  }
0x87: {  	[sflag:s17] =	ssyncadd.s32 $0xFFFFEC00  }
0x88: {  	[tilespmem:s16], [sflag:$0x1] =	stream.indirect.gather [hbm4b:s4+s19], $0x80, s31, s19, $0xb8;
	[tilespmem:$0x1E800] =	vst v63  }
0x89: {  	s30 =	simm.s32 $0x80  }
0x8a: {  	[tilespmem:s20], [sflag:$0x2] =	stream.indirect.gather [hbm4b:s4+s19], $0x80, s30, s19, $0xb8;
	[tilespmem:$0x1E800] =	vst v63  }
0x8b: {  	_ =	swait.ge [sflag:s21], $0x4000  }
0x8c: {  	[sflag:s21] =	ssyncset.done $0x0  }
0x8d: {  	s31 =	simm.s32 $0x1400;
	[sflag:s21] =	ssyncadd.s32 $0xFFFFC000  }
0x8e: {  	[spmem:s2] =	stream.indirect.scatter.add.f32 [tilespmem:s16], [sflag:$0x3], $0x80, s31, s19, $0xb8;
	[tilespmem:$0x1E800] =	vst v63  }
0x8f: {  	_ =	swait.ge [sflag:s17], $0x4000  }
0x90: {  	[sflag:s17] =	ssyncset.done $0x0  }
0x91: {  	s30 =	simm.s32 $0x100;
	[sflag:s17] =	ssyncadd.s32 $0xFFFFC000  }
0x92: {  	[tilespmem:s16], [sflag:$0x1] =	stream.indirect.gather [hbm4b:s4+s19], $0x80, s30, s19, $0xb8;
	[tilespmem:$0x1E800] =	vst v63  }
0x93: {  	_ =	swait.ge [sflag:s22], $0x4000  }
0x94: {  	[sflag:s22] =	ssyncset.done $0x0  }
0x95: {  	s31 =	simm.s32 $0x1480;
	[sflag:s22] =	ssyncadd.s32 $0xFFFFC000  }
0x96: {  	[spmem:s2] =	stream.indirect.scatter.add.f32 [tilespmem:s20], [sflag:$0x3], $0x80, s31, s19, $0xb8;
	[tilespmem:$0x1E800] =	vst v63  }
0x97: {  	_ =	swait.ge [sflag:s17], $0x4000  }
0x98: {  	s29 =	simm.s32 $0x800;
	s28 =	simm.s32 $0x100;
	[sflag:s17] =	ssyncset.done $0x0  }
.LBB2_6:
0x99: {  	s0 =	sadd.s32 $0x80, s28  }
0x9a: {  	[sflag:s17] =	ssyncadd.s32 $0xFFFFC000;
	s30 =	smov.u32 s29;
	s31 =	sadd.s32 $0x400, s29  }
0x9b: {  	[tilespmem:s20], [sflag:$0x2] =	stream.indirect.gather [hbm4b:s4+s19], $0x80, s0, s19, $0xb8;
	[tilespmem:$0x1E800] =	vst v63  }
0x9c: {  	p0 =	sne.s32 s29, $0x4800;
	_ =	swait.ge [sflag:s21], $0x4000  }
0x9d: {  	[sflag:s21] =	ssyncset.done $0x0  }
0x9e: {  	s0 =	sadd.s32 $0x1400, s28;
	[sflag:s21] =	ssyncadd.s32 $0xFFFFC000  }
0x9f: {  	[spmem:s2] =	stream.indirect.scatter.add.f32 [tilespmem:s16], [sflag:$0x3], $0x80, s0, s19, $0xb8;
	[tilespmem:$0x1E800] =	vst v63  }
0xa0: {  	_ =	swait.ge [sflag:s17], $0x4000  }
0xa1: {  	[sflag:s17] =	ssyncset.done $0x0  }
0xa2: {  	s0 =	sadd.s32 $0x100, s28;
	[sflag:s17] =	ssyncadd.s32 $0xFFFFC000  }
0xa3: {  	[tilespmem:s16], [sflag:$0x1] =	stream.indirect.gather [hbm4b:s4+s19], $0x80, s0, s19, $0xb8;
	[tilespmem:$0x1E800] =	vst v63  }
0xa4: {  	_ =	swait.ge [sflag:s22], $0x4000  }
.Ltmp2:
0xa5: {  	[sflag:s22] =	ssyncset.done $0x0;
	(pc) =	sbr.rel @p0 .LBB2_6-.Ltmp2, $4  }
0xa6: {  	s0 =	sadd.s32 $0x1480, s28;
	[sflag:s22] =	ssyncadd.s32 $0xFFFFC000  }
0xa7: {  	[spmem:s2] =	stream.indirect.scatter.add.f32 [tilespmem:s20], [sflag:$0x3], $0x80, s0, s19, $0xb8;
	[tilespmem:$0x1E800] =	vst v63  }
0xa8: {  	_ =	swait.ge [sflag:s17], $0x4000  }
0xa9: {  	s29 =	smov.u32 s31;
	s28 =	sshra.s32 s30, $0x2;
	[sflag:s17] =	ssyncset.done $0x0  }
0xaa: {  	s0 =	sadd.s32 $0x80, s28;
	[sflag:s17] =	ssyncadd.s32 $0xFFFFC000  }
0xab: {  	[tilespmem:s20], [sflag:$0x2] =	stream.indirect.gather [hbm4b:s4+s19], $0x80, s0, s19, $0xb8;
	[tilespmem:$0x1E800] =	vst v63  }
0xac: {  	_ =	swait.ge [sflag:s21], $0x4000  }
0xad: {  	[sflag:s21] =	ssyncset.done $0x0  }
0xae: {  	s30 =	sadd.s32 $0x1400, s28;
	[sflag:s21] =	ssyncadd.s32 $0xFFFFC000  }
0xaf: {  	[spmem:s2] =	stream.indirect.scatter.add.f32 [tilespmem:s16], [sflag:$0x3], $0x80, s30, s19, $0xb8;
	[tilespmem:$0x1E800] =	vst v63  }
0xb0: {  	_ =	swait.ge [sflag:s17], $0x4000  }
0xb1: {  	[sflag:s17] =	ssyncset.done $0x0  }
0xb2: {  	s31 =	sadd.s32 $0x100, s28;
	[sflag:s17] =	ssyncadd.s32 $0xFFFFC000  }
0xb3: {  	[tilespmem:s16], [sflag:$0x1] =	stream.indirect.gather [hbm4b:s4+s19], $0x80, s31, s19, $0xb8;
	[tilespmem:$0x1E800] =	vst v63  }
0xb4: {  	_ =	swait.ge [sflag:s22], $0x4000  }
0xb5: {  	[sflag:s22] =	ssyncset.done $0x0  }
0xb6: {  	s29 =	sadd.s32 $0x1480, s28;
	[sflag:s22] =	ssyncadd.s32 $0xFFFFC000  }
0xb7: {  	[spmem:s2] =	stream.indirect.scatter.add.f32 [tilespmem:s20], [sflag:$0x3], $0x80, s29, s19, $0xb8;
	[tilespmem:$0x1E800] =	vst v63  }
0xb8: {  	_ =	swait.ge [sflag:s17], $0x4000  }
0xb9: {  	[sflag:s17] =	ssyncset.done $0x0  }
0xba: {  	[sflag:s17] =	ssyncadd.s32 $0xFFFFC000  }
0xbb: {  	[tilespmem:s20], [sflag:$0x2] =	stream.indirect.gather [hbm4b:s4+s19], $0x80, s23, s19, $0xb8;
	[tilespmem:$0x1E800] =	vst v63  }
0xbc: {  	_ =	swait.ge [sflag:s21], $0x4000  }
0xbd: {  	[sflag:s21] =	ssyncset.done $0x0  }
0xbe: {  	[sflag:s21] =	ssyncadd.s32 $0xFFFFC000  }
0xbf: {  	[spmem:s2] =	stream.indirect.scatter.add.f32 [tilespmem:s16], [sflag:$0x3], $0x80, s24, s19, $0xb8;
	[tilespmem:$0x1E800] =	vst v63  }
0xc0: {  	_ =	swait.ge [sflag:s17], $0x4000  }
0xc1: {  	[sflag:s17] =	ssyncset.done $0x0  }
0xc2: {  	[sflag:s17] =	ssyncadd.s32 $0xFFFFC000  }
0xc3: {  	[tilespmem:s16], [sflag:$0x1] =	stream.indirect.gather [hbm4b:s4+s19], $0x80, s23, s19, $0xb8;
	[tilespmem:$0x1E800] =	vst v63  }
0xc4: {  	_ =	swait.ge [sflag:s22], $0x4000  }
0xc5: {  	[sflag:s22] =	ssyncset.done $0x0  }
0xc6: {  	[sflag:s22] =	ssyncadd.s32 $0xFFFFC000  }
0xc7: {  	[spmem:s2] =	stream.indirect.scatter.add.f32 [tilespmem:s20], [sflag:$0x3], $0x80, s25, s19, $0xb8;
	[tilespmem:$0x1E800] =	vst v63  }
0xc8: {  	_ =	swait.ge [sflag:s17], $0x4000  }
0xc9: {  	[sflag:s17] =	ssyncset.done $0x0  }
0xca: {  	[sflag:s17] =	ssyncadd.s32 $0xFFFFC000  }
0xcb: {  	_ =	swait.ge [sflag:s21], $0x4000  }
0xcc: {  	s26 =	sadd.s32 $0x1, s26;
	s30 =	sshll.u32 s1, $0x6;
	[sflag:s21] =	ssyncset.done $0x0  }
0xcd: {  	p0 =	sne.s32 s26, s15;
	s0 =	sor.u32 $0x1C03, s30;
	[sflag:s21] =	ssyncadd.s32 $0xFFFFC000  }
.Ltmp3:
0xce: {  	s31 =	sshrl.u32 s5, $0x3;
	[bflag:$0x0] =	sbarrier.arrive $0xFFFF;
	(pc) =	sbr.rel @p0 .LBB2_1-.Ltmp3, $4  }
0xcf: {  	[hbm:s14], [sflag:s0] =	dma.local [spmem:s31], $0x2800  }
0xd0: {  	_ =	swait.ge [sflag:s17], $0x2800  }
0xd1: {  	[sflag:s17] =	ssyncset.done $0x0  }
0xd2: {  	[sflag:s17] =	ssyncadd.s32 $0xFFFFD800  }
0xd3: {  	_ =	sfence.sel $0x180000  }
0xd4: {  	[bflag:$0x0] =	sbarrier.arrive $0xFFFF  }
0xd5: {  	_ =	strace $0x90000050  }
0xd6: {  	[bflag:$0x2] =	sbarrier.arrive $0xFFFF  }
0xd7: {  	p0 =	sne.s32 s1, $0x0;
	s0 =	rddreg [dreg:$0x2]  }
0xd8: {  	s0 =	sadd.s32 @!p0 $0x100000, s0  }
0xd9: {  	[sflag:s0] =	ssyncadd.tile.s32 @!p0 $0x1;
	_ =	shalt  }
.Lfunc_end2:
_tile_overlayer_lowered:
.L_overlay_start_2:
0xda: {  	(tag) =	ssettag $0x2  }
0xdb: {  	s0 =	rddreg [dreg:$0x0];
	s2 =	stileid.u32  }
0xdc: {  	s1 =	rddreg [dreg:$0x1];
	p0 =	sne.s32 s2, $0x0  }
0xdd: {  	s3 =	rddreg [dreg:$0x2];
	[bflag:$0x3] =	sbarrier.arrive $0xFFFF;
	s2 =	simm.s32 @!p0 $0x1C03  }
0xde: {  	[timem:s3], [sflag:s2] =	dma.local @!p0 [hbm:s0], s1  }
0xdf: {  	s0 =	simm.s32 @!p0 $0x3  }
0xe0: {  	_ =	swait.ge @!p0 [sflag:s0], s1  }
0xe1: {  	s1 =	ssub.s32 @!p0 $0x0, s1;
	[sflag:s0] =	ssyncset.done @!p0 $0x0  }
0xe2: {  	[sflag:s0] =	ssyncadd.s32 @!p0 s1  }
0xe3: {  	[bflag:$0x3] =	sbarrier.arrive $0xFFFF  }
0xe4: {  	_ =	shalt  }

// kernel: kernel.24.cloned.1.call-start
scs
__scs_entry_jumppad:
0x0: {  	(pc) =	sbr.rel $0x88, $3  }
0x1: {  	(tag) =	ssettag $0x0;
	lr =	simm.s32 $0x1  }
0x2: {  	[smem:$0x3F99] =	sst lr;
	_ =	strace $0xD0000000  }
0x3: {  	_ = 	snop  }
0x4: {  	_ = 	snop  }
0x5: {  	_ = 	snop  }
0x6: {  	_ = 	snop  }
0x7: {  	_ = 	snop  }
__scs_overlays_trampoline_lowered:
0x8: {  	[smem:$0x3FA8] =	sst s0  }
0x9: {  	[smem:$0x3FA9] =	sst s1  }
0xa: {  	[smem:$0x3FAA] =	sst s2  }
0xb: {  	[smem:$0x3FAB] =	sst s3  }
0xc: {  	[smem:$0x3FAC] =	sst s4  }
0xd: {  	[smem:$0x3FAD] =	sst s5  }
0xe: {  	[smem:$0x3FAE] =	sst s6  }
0xf: {  	[smem:$0x3FAF] =	sst s7  }
0x10: {  	[smem:$0x3FB0] =	sst s8  }
0x11: {  	[smem:$0x3FB1] =	sst s9;
	s0 =	simm.s32 @!p0 $0x0  }
0x12: {  	s1 =	sld [smem:$0x3F97];
	s0 =	simm.s32 @p0 $0x1  }
0x13: {  	[smem:$0x3FB2] =	sst s0;
	s0 =	simm.s32 @!p1 $0x0  }
0x14: {  	s2 =	sld [smem:$0x3F96];
	s0 =	simm.s32 @p1 $0x1  }
0x15: {  	[smem:$0x3FB3] =	sst s0;
	s0 =	simm.s32 @!p2 $0x0  }
0x16: {  	s3 =	sld [smem:$0x3FDB];
	s0 =	simm.s32 @p2 $0x1  }
0x17: {  	s4 =	simm.s32 $0x1BF5;
	[smem:$0x3FB5] =	sst s0  }
0x18: {  	s0 =	sld [smem:$0x3F98];
	_ =	swait.ge [sflag:s4], $0x0  }
0x19: {  	s7 =	sld [smem:$0x3F99]  }
0x1a: {  	s8 =	sadd.s32 $0xFFFFE003, lr  }
0x1b: {  	s9 =	sadd.s32 $0xFFFFFEF7, lr;
	s5 =	simm.s32 $0xFFFFFFFF;
	p2 =	slt.u32 s8, $0xFFFFF086  }
0x1c: {  	p1 =	slt.u32 s9, $0xF7A;
	s5 =	simm.s32 @!p2 $0x0  }
0x1d: {  	s5 =	simm.s32 @p1 $0x1;
	p0 =	seq.s32 s7, s2  }
0x1e: {  	s7 =	smul.u32 @!p0 $0xF7A, s2;
	p2 =	seq.s32 @!p0 s5, $0x0  }
0x1f: {  	s9 =	smul.u32 $0xF7A, s1;
	s8 =	simm.s32 @!p0 $0x1BF5;
	p2 =	por !p2, p0  }
0x20: {  	[sflag:s8] =	ssyncset.s32 @!p0 $0xFFFFF086;
	s6 =	sadd.s32 @!p0 s3, s7;
	s7 =	simm.s32 @!p0 $0x108  }
0x21: {  	s3 =	sadd.s32 s3, s9;
	s6 =	sadd.s32 @!p0 $0x88, s6;
	s7 =	simm.s32 @p2 $0x1082  }
0x22: {  	[simem:s7], [sflag:s8] =	dma.local @!p0 [hbm:s6], $0xF7A  }
0x23: {  	s9 =	sor.u32 $0xD0000000, s2;
	s6 =	simm.s32 $0x108;
	_ =	swait.ge @!p0 [sflag:s8], $0x0  }
0x24: {  	s3 =	sadd.s32 $0x88, s3;
	s6 =	simm.s32 @!p1 $0x1082;
	[sflag:s4] =	ssyncset.s32 $0xFFFFF086  }
0x25: {  	[simem:s6], [sflag:s4] =	dma.local [hbm:s3], $0xF7A  }
0x26: {  	[smem:$0x3F99] =	sst s1;
	(tag) =	ssettag s2;
	_ =	strace s9  }
0x27: {  	s1 =	sld [smem:$0x3FA9]  }
0x28: {  	s2 =	sld [smem:$0x3FAA]  }
0x29: {  	s4 =	sld [smem:$0x3FAC]  }
0x2a: {  	p0 =	seq.s32 s5, $0x0;
	s5 =	sld [smem:$0x3FAD]  }
0x2b: {  	s6 =	sld [smem:$0x3FAE]  }
0x2c: {  	s7 =	sld [smem:$0x3FAF]  }
0x2d: {  	s3 =	simm.s32 $0x108;
	s8 =	sld [smem:$0x3FB0]  }
0x2e: {  	s3 =	simm.s32 @!p0 $0x1082;
	s9 =	sld [smem:$0x3FB1]  }
0x2f: {  	lr =	sadd.s32 s0, s3;
	s0 =	sld [smem:$0x3FA8]  }
0x30: {  	s3 =	sld [smem:$0x3FAB]  }
0x31: {  	[smem:$0x3FB4] =	sst s10  }
0x32: {  	s10 =	sld [smem:$0x3FB2];
	_ =	sdelay $0x3  }
0x33: {  	p0 =	seq.s32 s10, $0x1;
	s10 =	sld [smem:$0x3FB4];
	_ =	sdelay $0x3  }
0x34: {  	[smem:$0x3FB4] =	sst s10  }
0x35: {  	s10 =	sld [smem:$0x3FB3];
	_ =	sdelay $0x3  }
0x36: {  	p1 =	seq.s32 s10, $0x1;
	s10 =	sld [smem:$0x3FB4];
	_ =	sdelay $0x3  }
0x37: {  	[smem:$0x3FB4] =	sst s10  }
0x38: {  	s10 =	sld [smem:$0x3FB5]  }
0x39: {  	_ = 	snop;
	(pc) =	sbr.ind lr, $3  }
0x3a: {  	_ = 	snop  }
0x3b: {  	_ = 	snop  }
0x3c: {  	p2 =	seq.s32 s10, $0x1;
	s10 =	sld [smem:$0x3FB4]  }
0x3d: {  	_ =	shalt  }
0x3e: {  	_ =	shalt  }
0x3f: {  	_ =	shalt  }
0x40: {  	_ =	shalt  }
0x41: {  	_ =	shalt  }
0x42: {  	_ =	shalt  }
0x43: {  	_ =	shalt  }
0x44: {  	_ =	shalt  }
0x45: {  	_ =	shalt  }
0x46: {  	_ =	shalt  }
0x47: {  	_ =	shalt  }
0x48: {  	_ =	shalt  }
0x49: {  	_ =	shalt  }
0x4a: {  	_ =	shalt  }
0x4b: {  	_ =	shalt  }
0x4c: {  	_ =	shalt  }
0x4d: {  	_ =	shalt  }
0x4e: {  	_ =	shalt  }
0x4f: {  	_ =	shalt  }
0x50: {  	_ =	shalt  }
0x51: {  	_ =	shalt  }
0x52: {  	_ =	shalt  }
0x53: {  	_ =	shalt  }
0x54: {  	_ =	shalt  }
0x55: {  	_ =	shalt  }
0x56: {  	_ =	shalt  }
0x57: {  	_ =	shalt  }
0x58: {  	_ =	shalt  }
0x59: {  	_ =	shalt  }
0x5a: {  	_ =	shalt  }
0x5b: {  	_ =	shalt  }
0x5c: {  	_ =	shalt  }
0x5d: {  	_ =	shalt  }
0x5e: {  	_ =	shalt  }
0x5f: {  	_ =	shalt  }
0x60: {  	_ =	shalt  }
0x61: {  	_ =	shalt  }
0x62: {  	_ =	shalt  }
0x63: {  	_ =	shalt  }
0x64: {  	_ =	shalt  }
0x65: {  	_ =	shalt  }
0x66: {  	_ =	shalt  }
0x67: {  	_ =	shalt  }
0x68: {  	_ =	shalt  }
0x69: {  	_ =	shalt  }
0x6a: {  	_ =	shalt  }
0x6b: {  	_ =	shalt  }
0x6c: {  	_ =	shalt  }
0x6d: {  	_ =	shalt  }
0x6e: {  	_ =	shalt  }
0x6f: {  	_ =	shalt  }
0x70: {  	_ =	shalt  }
0x71: {  	_ =	shalt  }
0x72: {  	_ =	shalt  }
0x73: {  	_ =	shalt  }
0x74: {  	_ =	shalt  }
0x75: {  	_ =	shalt  }
0x76: {  	_ =	shalt  }
0x77: {  	_ =	shalt  }
0x78: {  	_ =	shalt  }
0x79: {  	_ =	shalt  }
0x7a: {  	_ =	shalt  }
0x7b: {  	_ =	shalt  }
0x7c: {  	_ =	shalt  }
0x7d: {  	_ =	shalt  }
0x7e: {  	_ =	shalt  }
0x7f: {  	_ =	shalt  }
0x80: {  	_ =	shalt  }
0x81: {  	_ =	shalt  }
0x82: {  	_ =	shalt  }
0x83: {  	_ =	shalt  }
0x84: {  	_ =	shalt  }
0x85: {  	_ =	shalt  }
0x86: {  	_ =	shalt  }
0x87: {  	_ =	shalt  }
.Lfunc_end0:
.L_simem_size_0:
called_computation.4_lowered:
.L_overlay_start_0:
0x88: {  	s2 =	sld [smem:$0x3FD9]  }
0x89: {  	s3 =	sld [smem:$0x3FFE];
	_ =	sdelay $0x1  }
0x8a: {  	s1 =	srdreg.scid  }
0x8b: {  	s0 =	sand.u32 $0x1, s1  }
0x8c: {  	s16 =	sshll.u32 s0, $0xA;
	s2 =	sadd.s32 s3, s2  }
0x8d: {  	s2 =	sadd.s32 s2, s16  }
0x8e: {  	[smem:$0x3FC0] =	sst s2  }
0x8f: {  	_ = 	snop  }
0x90: {  	(tm) =	ssettm $0x1  }
0x91: {  	s17 =	sld [smem:$0x3FFB];
	_ =	sdelay $0x3  }
0x92: {  	_ =	strace s17  }
0x93: {  	s2 =	sld [smem:$0x3FFC];
	_ =	sdelay $0x3  }
0x94: {  	_ =	strace s2  }
0x95: {  	s2 =	sld [smem:$0x3FFD];
	_ =	sdelay $0x3  }
0x96: {  	_ =	strace s2  }
0x97: {  	_ =	strace $0x8FFFFFFF  }
0x98: {  	s18 =	sld [smem:$0x3FDB];
	_ =	sdelay $0x1  }
0x99: {  	s19 =	simm.s32 $_scs_section_size  }
0x9a: {  	s4 =	simm.s32 $_size__tile_overlayer_lowered;
	s5 =	simm.s32 $_tile_overlayer_lowered  }
0x9b: {  	s22 =	simm.s32 $0x1BFF;
	s21 =	sshll.u32 s5, $0x1;
	s2 =	sadd.s32 s19, s18  }
0x9c: {  	s6 =	simm.s32 $0x0;
	s20 =	sshll.u32 s4, $0x1;
	s4 =	sadd.s32 s21, s2  }
0x9d: {  	[timem:s6], [sflag:s22] =	dma.local [hbm:s4], s20  }
0x9e: {  	_ =	swait.ge [sflag:s22], s20  }
0x9f: {  	s3 =	ssub.s32 $0x0, s20;
	[sflag:s22] =	ssyncset.done $0x0  }
0xa0: {  	[sflag:s22] =	ssyncadd.s32 s3;
	_ =	sdelay $0x1  }
0xa1: {  	s23 =	simm.s32 $0x1B8B  }
0xa2: {  	_ =	swait.ge [sflag:s23], $0x1  }
0xa3: {  	[sflag:s23] =	ssyncset.done $0x0  }
0xa4: {  	s25 =	simm.s32 $0x1B8E;
	s24 =	sld [smem:$0x3FFE];
	[sflag:s23] =	ssyncadd.s32 $0xFFFFFFFF  }
0xa5: {  	s26 =	simm.s32 $execute0_lowered;
	[smem:$0x3FD2] =	sst s25  }
0xa6: {  	s4 =	sshll.u32 s26, $0x1;
	_ =	strace $0x80000052;
	[dreg:$0x1] =	wrdreg $0xFFFFFFFF  }
0xa7: {  	s28 =	simm.s32 $_size_execute0_lowered;
	s2 =	sadd.s32 s2, s4;
	[dreg:$0x0] =	wrdreg $0x0  }
0xa8: {  	s4 =	sshll.u32 s28, $0x1;
	[dreg:$0x2] =	wrdreg s2  }
0xa9: {  	[dreg:$0x3] =	wrdreg s4  }
0xaa: {  	[dreg:$0x4] =	wrdreg $0xC0  }
0xab: {  	_ =	task [dreg:s6], $0x5FFFF  }
0xac: {  	[dreg:$0x1] =	wrdreg $0xFFFFFFFF  }
0xad: {  	[dreg:$0x0] =	wrdreg $0x60  }
0xae: {  	[dreg:$0x2] =	wrdreg s24  }
0xaf: {  	[dreg:$0x3] =	wrdreg $0xA8000  }
0xb0: {  	[dreg:$0x4] =	wrdreg $0x9  }
0xb1: {  	_ =	task.clear_ibuf [dreg:s6], $0x5FFFF;
	_ =	strace $0x90000052  }
0xb2: {  	s29 =	simm.s32 $0x9;
	_ =	strace $0x80000054  }
0xb3: {  	_ =	swait.ge [sflag:s29], $0x1  }
0xb4: {  	[sflag:s29] =	ssyncadd.s32 $0xFFFFFFFF  }
0xb5: {  	_ =	strace $0x90000054  }
0xb6: {  	_ =	sfence  }
0xb7: {  	s30 =	sld [smem:$0x0];
	_ =	sdelay $0x2  }
0xb8: {  	s31 =	sshll.u32 s1, $0xD;
	s1 =	sshrl.u32 s1, $0x2  }
0xb9: {  	s3 =	sand.u32 $0x4000, s31;
	s1 =	sadd.s32 s1, s30  }
0xba: {  	s0 =	sor.u32 s3, s0;
	s1 =	sshll.u32 s1, $0x11  }
0xbb: {  	s0 =	sor.u32 s1, s0  }
0xbc: {  	s0 =	sadd.s32 $0x8F2B, s0  }
0xbd: {  	[sflag:s0] =	ssyncadd.remote.s32 $0x1  }
0xbe: {  	_ =	sfence.sel $0xFFFF  }
0xbf: {  	[dreg:$0x0] =	wrdreg $0xFFFFFFFF;
	(pc) =	sbr.abs _section_cstart, $3  }
0xc0: {  	[dreg:$0x1] =	wrdreg $0xFFFFFFFF  }
0xc1: {  	_ =	task.clear_ibuf [dreg:s6], $0x2FFFF;
	_ =	strace $0x9FFFFFFF  }
0xc2: {  	(tm) =	ssettm $0x7FFFFFFF  }
0xc3: {  	_ =	shalt  }
tec
execute0_lowered:
.L_overlay_start_1:
0x0: {  	(tag) =	ssettag $0x1  }
0x1: {  	s5 =	rddreg [dreg:$0x0]  }
0x2: {  	s0 =	srdreg.scid;
	s2 =	rddreg [dreg:$0x1]  }
0x3: {  	s1 =	stileid.u32;
	s3 =	simm.s32 $0x0;
	s17 =	simm.s32 $0x3  }
0x4: {  	s18 =	simm.s32 $0x1400;
	s19 =	simm.s32 $0x80;
	s20 =	simm.s32 $0x6800  }
0x5: {  	s21 =	simm.s32 $0x1;
	s22 =	simm.s32 $0x2;
	s23 =	simm.s32 $0x1380  }
0x6: {  	s24 =	simm.s32 $0x2700;
	s25 =	simm.s32 $0x2780;
	s6 =	sand.u32 $0x1, s0  }
0x7: {  	s8 =	smul.u32 $0x14000, s1;
	[smem:$0x7FF] =	sst s3;
	s4 =	sadd.s32 $0x17C00, s5  }
0x8: {  	s12 =	sadd.s32 $0x3C00, s5;
	s26 =	smul.u32 $0x50000, s1;
	s13 =	sadd.s32 $0xDC00, s5  }
0x9: {  	s28 =	sshll.u32 s1, $0x1;
	s7 =	smul.u32 $0x140000, s6;
	_ =	strace $0x80000053  }
0xa: {  	s29 =	ssub.s32 $0x2, s6;
	s6 =	sor.u32 s6, s28;
	s30 =	sshrl.u32 s26, $0x2  }
0xb: {  	s31 =	sshrl.u32 s29, $0x1;
	s10 =	smul.u32 $0x2800, s6;
	s7 =	sadd.s32 s8, s7  }
0xc: {  	s26 =	simm.s32 $0x0;
	s15 =	ssub.s32 s29, s31;
	s7 =	sshrl.u32 s7, $0x3  }
0xd: {  	s16 =	sshrl.u32 s10, $0x3;
	s15 =	smax.u32 s15, $0x1;
	s14 =	sadd.s32 s7, s5  }
0xe: {  	s5 =	sadd.s32 s30, s2;
	s10 =	sadd.s32 s12, s16;
	s11 =	sadd.s32 s13, s16  }
0xf: {  	s16 =	sadd.s32 $0x280, s16;
	s6 =	sadd.s32 $0x4000, s5;
	s7 =	sadd.s32 $0x8000, s5  }
0x10: {  	s8 =	sadd.s32 $0xC000, s5;
	s9 =	sadd.s32 $0x10000, s5;
	s12 =	sadd.s32 s12, s16  }
0x11: {  	v0 =	vimm.f32 $0.0e+00;
	s13 =	sadd.s32 s13, s16;
	s14 =	sadd.s32 $0x3FC00, s14;
	s16 =	simm.s32 $0x2800  }
.LBB2_1:
0x12: {  	s28 =	sand.u32 $0xFE00, s3  }
0x13: {  	s29 =	sand.u32 $0x70, s3;
	s30 =	sshrl.u32 s28, $0x2  }
0x14: {  	s28 =	simm.s32 $0x40;
	s30 =	sor.u32 s29, s30;
	s29 =	simm.s32 $0x0  }
.LBB2_2:
0x15: {  	p0 =	sne.s32 s28, $0xFFC0  }
0x16: {  	[tilespmem:s30+$0x2800] =	vst v0;
	s29 =	sadd.s32 $0x10, s29;
	s30 =	smov.u32 s28;
	s28 =	sadd.s32 $0x40, s28  }
.Ltmp0:
0x17: {  	(pc) =	sbr.rel @p0 .LBB2_2-.Ltmp0, $4  }
0x18: {  	_ = 	snop  }
0x19: {  	s30 =	sand.u32 $0xFE00, s30  }
0x1a: {  	s31 =	sand.u32 $0x70, s29;
	s30 =	sshrl.u32 s30, $0x2  }
0x1b: {  	s30 =	sor.u32 s31, s30  }
0x1c: {  	[tilespmem:s30+$0x2800] =	vst v0  }
0x1d: {  	[spmem:s5] =	stream.linear.scatter [tilespmem:s16], [sflag:$0x3], $0x4000, $0x38;
	[tilespmem:$0x1E800] =	vst v63  }
0x1e: {  	_ =	swait.ge [sflag:s17], $0x4000  }
0x1f: {  	[sflag:s17] =	ssyncset.done $0x0  }
0x20: {  	[sflag:s17] =	ssyncadd.s32 $0xFFFFC000  }
0x21: {  	[spmem:s6] =	stream.linear.scatter [tilespmem:s16], [sflag:$0x3], $0x4000, $0x38;
	[tilespmem:$0x1E800] =	vst v63  }
0x22: {  	_ =	swait.ge [sflag:s17], $0x4000  }
0x23: {  	[sflag:s17] =	ssyncset.done $0x0  }
0x24: {  	[sflag:s17] =	ssyncadd.s32 $0xFFFFC000  }
0x25: {  	[spmem:s7] =	stream.linear.scatter [tilespmem:s16], [sflag:$0x3], $0x4000, $0x38;
	[tilespmem:$0x1E800] =	vst v63  }
0x26: {  	_ =	swait.ge [sflag:s17], $0x4000  }
0x27: {  	[sflag:s17] =	ssyncset.done $0x0  }
0x28: {  	[sflag:s17] =	ssyncadd.s32 $0xFFFFC000  }
0x29: {  	[spmem:s8] =	stream.linear.scatter [tilespmem:s16], [sflag:$0x3], $0x4000, $0x38;
	[tilespmem:$0x1E800] =	vst v63  }
0x2a: {  	_ =	swait.ge [sflag:s17], $0x4000  }
0x2b: {  	[sflag:s17] =	ssyncset.done $0x0  }
0x2c: {  	[sflag:s17] =	ssyncadd.s32 $0xFFFFC000  }
0x2d: {  	[spmem:s9] =	stream.linear.scatter [tilespmem:s16], [sflag:$0x3], $0x4000, $0x38;
	[tilespmem:$0x1E800] =	vst v63  }
0x2e: {  	_ =	swait.ge [sflag:s17], $0x4000  }
0x2f: {  	[sflag:s17] =	ssyncset.done $0x0  }
0x30: {  	[sflag:s17] =	ssyncadd.s32 $0xFFFFC000  }
0x31: {  	s28 =	simm.s32 $0x0;
	[bflag:$0x0] =	sbarrier.arrive $0xFFFF  }
0x32: {  	[tilespmem:s28], [sflag:$0x3] =	stream.linear.gather [hbm4b:s10+s28], $0x1400, $0x38;
	[tilespmem:$0x1E800] =	vst v63  }
0x33: {  	_ =	swait.ge [sflag:s17], $0x1400  }
0x34: {  	[sflag:s17] =	ssyncset.done $0x0  }
0x35: {  	[sflag:s17] =	ssyncadd.s32 $0xFFFFEC00  }
0x36: {  	[tilespmem:s18], [sflag:$0x3] =	stream.linear.gather [hbm4b:s11+s28], $0x1400, $0x38;
	[tilespmem:$0x1E800] =	vst v63  }
0x37: {  	_ =	swait.ge [sflag:s17], $0x1400  }
0x38: {  	[sflag:s17] =	ssyncset.done $0x0  }
0x39: {  	[sflag:s17] =	ssyncadd.s32 $0xFFFFEC00  }
0x3a: {  	[tilespmem:s16], [sflag:$0x1] =	stream.indirect.gather [hbm4b:s4+s19], $0x80, s28, s19, $0xb8;
	[tilespmem:$0x1E800] =	vst v63  }
0x3b: {  	s28 =	simm.s32 $0x80  }
0x3c: {  	[tilespmem:s20], [sflag:$0x2] =	stream.indirect.gather [hbm4b:s4+s19], $0x80, s28, s19, $0xb8;
	[tilespmem:$0x1E800] =	vst v63  }
0x3d: {  	_ =	swait.ge [sflag:s21], $0x4000  }
0x3e: {  	[sflag:s21] =	ssyncset.done $0x0  }
0x3f: {  	s28 =	simm.s32 $0x1400;
	[sflag:s21] =	ssyncadd.s32 $0xFFFFC000  }
0x40: {  	[spmem:s2] =	stream.indirect.scatter.add.f32 [tilespmem:s16], [sflag:$0x3], $0x80, s28, s19, $0xb8;
	[tilespmem:$0x1E800] =	vst v63  }
0x41: {  	_ =	swait.ge [sflag:s17], $0x4000  }
0x42: {  	[sflag:s17] =	ssyncset.done $0x0  }
0x43: {  	s28 =	simm.s32 $0x100;
	[sflag:s17] =	ssyncadd.s32 $0xFFFFC000  }
0x44: {  	[tilespmem:s16], [sflag:$0x1] =	stream.indirect.gather [hbm4b:s4+s19], $0x80, s28, s19, $0xb8;
	[tilespmem:$0x1E800] =	vst v63  }
0x45: {  	_ =	swait.ge [sflag:s22], $0x4000  }
0x46: {  	[sflag:s22] =	ssyncset.done $0x0  }
0x47: {  	s28 =	simm.s32 $0x1480;
	[sflag:s22] =	ssyncadd.s32 $0xFFFFC000  }
0x48: {  	[spmem:s2] =	stream.indirect.scatter.add.f32 [tilespmem:s20], [sflag:$0x3], $0x80, s28, s19, $0xb8;
	[tilespmem:$0x1E800] =	vst v63  }
0x49: {  	_ =	swait.ge [sflag:s17], $0x4000  }
0x4a: {  	s29 =	simm.s32 $0x800;
	s28 =	simm.s32 $0x100;
	[sflag:s17] =	ssyncset.done $0x0  }
.LBB2_4:
0x4b: {  	s30 =	sadd.s32 $0x80, s28  }
0x4c: {  	[sflag:s17] =	ssyncadd.s32 $0xFFFFC000;
	s31 =	smov.u32 s29;
	s0 =	sadd.s32 $0x400, s29  }
0x4d: {  	[tilespmem:s20], [sflag:$0x2] =	stream.indirect.gather [hbm4b:s4+s19], $0x80, s30, s19, $0xb8;
	[tilespmem:$0x1E800] =	vst v63  }
0x4e: {  	p0 =	sne.s32 s29, $0x4800;
	_ =	swait.ge [sflag:s21], $0x4000  }
0x4f: {  	[sflag:s21] =	ssyncset.done $0x0  }
0x50: {  	s29 =	sadd.s32 $0x1400, s28;
	[sflag:s21] =	ssyncadd.s32 $0xFFFFC000  }
0x51: {  	[spmem:s2] =	stream.indirect.scatter.add.f32 [tilespmem:s16], [sflag:$0x3], $0x80, s29, s19, $0xb8;
	[tilespmem:$0x1E800] =	vst v63  }
0x52: {  	_ =	swait.ge [sflag:s17], $0x4000  }
0x53: {  	[sflag:s17] =	ssyncset.done $0x0  }
0x54: {  	s29 =	sadd.s32 $0x100, s28;
	[sflag:s17] =	ssyncadd.s32 $0xFFFFC000  }
0x55: {  	[tilespmem:s16], [sflag:$0x1] =	stream.indirect.gather [hbm4b:s4+s19], $0x80, s29, s19, $0xb8;
	[tilespmem:$0x1E800] =	vst v63  }
0x56: {  	_ =	swait.ge [sflag:s22], $0x4000  }
.Ltmp1:
0x57: {  	[sflag:s22] =	ssyncset.done $0x0;
	(pc) =	sbr.rel @p0 .LBB2_4-.Ltmp1, $4  }
0x58: {  	s28 =	sadd.s32 $0x1480, s28;
	[sflag:s22] =	ssyncadd.s32 $0xFFFFC000  }
0x59: {  	[spmem:s2] =	stream.indirect.scatter.add.f32 [tilespmem:s20], [sflag:$0x3], $0x80, s28, s19, $0xb8;
	[tilespmem:$0x1E800] =	vst v63  }
0x5a: {  	_ =	swait.ge [sflag:s17], $0x4000  }
0x5b: {  	s29 =	smov.u32 s0;
	s28 =	sshra.s32 s31, $0x2;
	[sflag:s17] =	ssyncset.done $0x0  }
0x5c: {  	s0 =	sadd.s32 $0x80, s28;
	[sflag:s17] =	ssyncadd.s32 $0xFFFFC000  }
0x5d: {  	[tilespmem:s20], [sflag:$0x2] =	stream.indirect.gather [hbm4b:s4+s19], $0x80, s0, s19, $0xb8;
	[tilespmem:$0x1E800] =	vst v63  }
0x5e: {  	_ =	swait.ge [sflag:s21], $0x4000  }
0x5f: {  	[sflag:s21] =	ssyncset.done $0x0  }
0x60: {  	s30 =	sadd.s32 $0x1400, s28;
	[sflag:s21] =	ssyncadd.s32 $0xFFFFC000  }
0x61: {  	[spmem:s2] =	stream.indirect.scatter.add.f32 [tilespmem:s16], [sflag:$0x3], $0x80, s30, s19, $0xb8;
	[tilespmem:$0x1E800] =	vst v63  }
0x62: {  	_ =	swait.ge [sflag:s17], $0x4000  }
0x63: {  	[sflag:s17] =	ssyncset.done $0x0  }
0x64: {  	s31 =	sadd.s32 $0x100, s28;
	[sflag:s17] =	ssyncadd.s32 $0xFFFFC000  }
0x65: {  	[tilespmem:s16], [sflag:$0x1] =	stream.indirect.gather [hbm4b:s4+s19], $0x80, s31, s19, $0xb8;
	[tilespmem:$0x1E800] =	vst v63  }
0x66: {  	_ =	swait.ge [sflag:s22], $0x4000  }
0x67: {  	[sflag:s22] =	ssyncset.done $0x0  }
0x68: {  	s30 =	sadd.s32 $0x1480, s28;
	[sflag:s22] =	ssyncadd.s32 $0xFFFFC000  }
0x69: {  	[spmem:s2] =	stream.indirect.scatter.add.f32 [tilespmem:s20], [sflag:$0x3], $0x80, s30, s19, $0xb8;
	[tilespmem:$0x1E800] =	vst v63  }
0x6a: {  	_ =	swait.ge [sflag:s17], $0x4000  }
0x6b: {  	[sflag:s17] =	ssyncset.done $0x0  }
0x6c: {  	[sflag:s17] =	ssyncadd.s32 $0xFFFFC000  }
0x6d: {  	[tilespmem:s20], [sflag:$0x2] =	stream.indirect.gather [hbm4b:s4+s19], $0x80, s23, s19, $0xb8;
	[tilespmem:$0x1E800] =	vst v63  }
0x6e: {  	_ =	swait.ge [sflag:s21], $0x4000  }
0x6f: {  	[sflag:s21] =	ssyncset.done $0x0  }
0x70: {  	[sflag:s21] =	ssyncadd.s32 $0xFFFFC000  }
0x71: {  	[spmem:s2] =	stream.indirect.scatter.add.f32 [tilespmem:s16], [sflag:$0x3], $0x80, s24, s19, $0xb8;
	[tilespmem:$0x1E800] =	vst v63  }
0x72: {  	_ =	swait.ge [sflag:s17], $0x4000  }
0x73: {  	[sflag:s17] =	ssyncset.done $0x0  }
0x74: {  	[sflag:s17] =	ssyncadd.s32 $0xFFFFC000  }
0x75: {  	[tilespmem:s16], [sflag:$0x1] =	stream.indirect.gather [hbm4b:s4+s19], $0x80, s23, s19, $0xb8;
	[tilespmem:$0x1E800] =	vst v63  }
0x76: {  	_ =	swait.ge [sflag:s22], $0x4000  }
0x77: {  	[sflag:s22] =	ssyncset.done $0x0  }
0x78: {  	[sflag:s22] =	ssyncadd.s32 $0xFFFFC000  }
0x79: {  	[spmem:s2] =	stream.indirect.scatter.add.f32 [tilespmem:s20], [sflag:$0x3], $0x80, s25, s19, $0xb8;
	[tilespmem:$0x1E800] =	vst v63  }
0x7a: {  	_ =	swait.ge [sflag:s17], $0x4000  }
0x7b: {  	[sflag:s17] =	ssyncset.done $0x0  }
0x7c: {  	[sflag:s17] =	ssyncadd.s32 $0xFFFFC000  }
0x7d: {  	_ =	swait.ge [sflag:s21], $0x4000  }
0x7e: {  	[sflag:s21] =	ssyncset.done $0x0  }
0x7f: {  	s31 =	simm.s32 $0x0;
	[sflag:s21] =	ssyncadd.s32 $0xFFFFC000  }
0x80: {  	[tilespmem:s31], [sflag:$0x3] =	stream.linear.gather [hbm4b:s12+s31], $0x1400, $0x38;
	[tilespmem:$0x1E800] =	vst v63  }
0x81: {  	_ =	swait.ge [sflag:s17], $0x1400  }
0x82: {  	[sflag:s17] =	ssyncset.done $0x0  }
0x83: {  	[sflag:s17] =	ssyncadd.s32 $0xFFFFEC00  }
0x84: {  	[tilespmem:s18], [sflag:$0x3] =	stream.linear.gather [hbm4b:s13+s31], $0x1400, $0x38;
	[tilespmem:$0x1E800] =	vst v63  }
0x85: {  	_ =	swait.ge [sflag:s17], $0x1400  }
0x86: {  	[sflag:s17] =	ssyncset.done $0x0  }
0x87: {  	[sflag:s17] =	ssyncadd.s32 $0xFFFFEC00  }
0x88: {  	[tilespmem:s16], [sflag:$0x1] =	stream.indirect.gather [hbm4b:s4+s19], $0x80, s31, s19, $0xb8;
	[tilespmem:$0x1E800] =	vst v63  }
0x89: {  	s30 =	simm.s32 $0x80  }
0x8a: {  	[tilespmem:s20], [sflag:$0x2] =	stream.indirect.gather [hbm4b:s4+s19], $0x80, s30, s19, $0xb8;
	[tilespmem:$0x1E800] =	vst v63  }
0x8b: {  	_ =	swait.ge [sflag:s21], $0x4000  }
0x8c: {  	[sflag:s21] =	ssyncset.done $0x0  }
0x8d: {  	s31 =	simm.s32 $0x1400;
	[sflag:s21] =	ssyncadd.s32 $0xFFFFC000  }
0x8e: {  	[spmem:s2] =	stream.indirect.scatter.add.f32 [tilespmem:s16], [sflag:$0x3], $0x80, s31, s19, $0xb8;
	[tilespmem:$0x1E800] =	vst v63  }
0x8f: {  	_ =	swait.ge [sflag:s17], $0x4000  }
0x90: {  	[sflag:s17] =	ssyncset.done $0x0  }
0x91: {  	s30 =	simm.s32 $0x100;
	[sflag:s17] =	ssyncadd.s32 $0xFFFFC000  }
0x92: {  	[tilespmem:s16], [sflag:$0x1] =	stream.indirect.gather [hbm4b:s4+s19], $0x80, s30, s19, $0xb8;
	[tilespmem:$0x1E800] =	vst v63  }
0x93: {  	_ =	swait.ge [sflag:s22], $0x4000  }
0x94: {  	[sflag:s22] =	ssyncset.done $0x0  }
0x95: {  	s31 =	simm.s32 $0x1480;
	[sflag:s22] =	ssyncadd.s32 $0xFFFFC000  }
0x96: {  	[spmem:s2] =	stream.indirect.scatter.add.f32 [tilespmem:s20], [sflag:$0x3], $0x80, s31, s19, $0xb8;
	[tilespmem:$0x1E800] =	vst v63  }
0x97: {  	_ =	swait.ge [sflag:s17], $0x4000  }
0x98: {  	s29 =	simm.s32 $0x800;
	s28 =	simm.s32 $0x100;
	[sflag:s17] =	ssyncset.done $0x0  }
.LBB2_6:
0x99: {  	s0 =	sadd.s32 $0x80, s28  }
0x9a: {  	[sflag:s17] =	ssyncadd.s32 $0xFFFFC000;
	s30 =	smov.u32 s29;
	s31 =	sadd.s32 $0x400, s29  }
0x9b: {  	[tilespmem:s20], [sflag:$0x2] =	stream.indirect.gather [hbm4b:s4+s19], $0x80, s0, s19, $0xb8;
	[tilespmem:$0x1E800] =	vst v63  }
0x9c: {  	p0 =	sne.s32 s29, $0x4800;
	_ =	swait.ge [sflag:s21], $0x4000  }
0x9d: {  	[sflag:s21] =	ssyncset.done $0x0  }
0x9e: {  	s0 =	sadd.s32 $0x1400, s28;
	[sflag:s21] =	ssyncadd.s32 $0xFFFFC000  }
0x9f: {  	[spmem:s2] =	stream.indirect.scatter.add.f32 [tilespmem:s16], [sflag:$0x3], $0x80, s0, s19, $0xb8;
	[tilespmem:$0x1E800] =	vst v63  }
0xa0: {  	_ =	swait.ge [sflag:s17], $0x4000  }
0xa1: {  	[sflag:s17] =	ssyncset.done $0x0  }
0xa2: {  	s0 =	sadd.s32 $0x100, s28;
	[sflag:s17] =	ssyncadd.s32 $0xFFFFC000  }
0xa3: {  	[tilespmem:s16], [sflag:$0x1] =	stream.indirect.gather [hbm4b:s4+s19], $0x80, s0, s19, $0xb8;
	[tilespmem:$0x1E800] =	vst v63  }
0xa4: {  	_ =	swait.ge [sflag:s22], $0x4000  }
.Ltmp2:
0xa5: {  	[sflag:s22] =	ssyncset.done $0x0;
	(pc) =	sbr.rel @p0 .LBB2_6-.Ltmp2, $4  }
0xa6: {  	s0 =	sadd.s32 $0x1480, s28;
	[sflag:s22] =	ssyncadd.s32 $0xFFFFC000  }
0xa7: {  	[spmem:s2] =	stream.indirect.scatter.add.f32 [tilespmem:s20], [sflag:$0x3], $0x80, s0, s19, $0xb8;
	[tilespmem:$0x1E800] =	vst v63  }
0xa8: {  	_ =	swait.ge [sflag:s17], $0x4000  }
0xa9: {  	s29 =	smov.u32 s31;
	s28 =	sshra.s32 s30, $0x2;
	[sflag:s17] =	ssyncset.done $0x0  }
0xaa: {  	s0 =	sadd.s32 $0x80, s28;
	[sflag:s17] =	ssyncadd.s32 $0xFFFFC000  }
0xab: {  	[tilespmem:s20], [sflag:$0x2] =	stream.indirect.gather [hbm4b:s4+s19], $0x80, s0, s19, $0xb8;
	[tilespmem:$0x1E800] =	vst v63  }
0xac: {  	_ =	swait.ge [sflag:s21], $0x4000  }
0xad: {  	[sflag:s21] =	ssyncset.done $0x0  }
0xae: {  	s30 =	sadd.s32 $0x1400, s28;
	[sflag:s21] =	ssyncadd.s32 $0xFFFFC000  }
0xaf: {  	[spmem:s2] =	stream.indirect.scatter.add.f32 [tilespmem:s16], [sflag:$0x3], $0x80, s30, s19, $0xb8;
	[tilespmem:$0x1E800] =	vst v63  }
0xb0: {  	_ =	swait.ge [sflag:s17], $0x4000  }
0xb1: {  	[sflag:s17] =	ssyncset.done $0x0  }
0xb2: {  	s31 =	sadd.s32 $0x100, s28;
	[sflag:s17] =	ssyncadd.s32 $0xFFFFC000  }
0xb3: {  	[tilespmem:s16], [sflag:$0x1] =	stream.indirect.gather [hbm4b:s4+s19], $0x80, s31, s19, $0xb8;
	[tilespmem:$0x1E800] =	vst v63  }
0xb4: {  	_ =	swait.ge [sflag:s22], $0x4000  }
0xb5: {  	[sflag:s22] =	ssyncset.done $0x0  }
0xb6: {  	s29 =	sadd.s32 $0x1480, s28;
	[sflag:s22] =	ssyncadd.s32 $0xFFFFC000  }
0xb7: {  	[spmem:s2] =	stream.indirect.scatter.add.f32 [tilespmem:s20], [sflag:$0x3], $0x80, s29, s19, $0xb8;
	[tilespmem:$0x1E800] =	vst v63  }
0xb8: {  	_ =	swait.ge [sflag:s17], $0x4000  }
0xb9: {  	[sflag:s17] =	ssyncset.done $0x0  }
0xba: {  	[sflag:s17] =	ssyncadd.s32 $0xFFFFC000  }
0xbb: {  	[tilespmem:s20], [sflag:$0x2] =	stream.indirect.gather [hbm4b:s4+s19], $0x80, s23, s19, $0xb8;
	[tilespmem:$0x1E800] =	vst v63  }
0xbc: {  	_ =	swait.ge [sflag:s21], $0x4000  }
0xbd: {  	[sflag:s21] =	ssyncset.done $0x0  }
0xbe: {  	[sflag:s21] =	ssyncadd.s32 $0xFFFFC000  }
0xbf: {  	[spmem:s2] =	stream.indirect.scatter.add.f32 [tilespmem:s16], [sflag:$0x3], $0x80, s24, s19, $0xb8;
	[tilespmem:$0x1E800] =	vst v63  }
0xc0: {  	_ =	swait.ge [sflag:s17], $0x4000  }
0xc1: {  	[sflag:s17] =	ssyncset.done $0x0  }
0xc2: {  	[sflag:s17] =	ssyncadd.s32 $0xFFFFC000  }
0xc3: {  	[tilespmem:s16], [sflag:$0x1] =	stream.indirect.gather [hbm4b:s4+s19], $0x80, s23, s19, $0xb8;
	[tilespmem:$0x1E800] =	vst v63  }
0xc4: {  	_ =	swait.ge [sflag:s22], $0x4000  }
0xc5: {  	[sflag:s22] =	ssyncset.done $0x0  }
0xc6: {  	[sflag:s22] =	ssyncadd.s32 $0xFFFFC000  }
0xc7: {  	[spmem:s2] =	stream.indirect.scatter.add.f32 [tilespmem:s20], [sflag:$0x3], $0x80, s25, s19, $0xb8;
	[tilespmem:$0x1E800] =	vst v63  }
0xc8: {  	_ =	swait.ge [sflag:s17], $0x4000  }
0xc9: {  	[sflag:s17] =	ssyncset.done $0x0  }
0xca: {  	[sflag:s17] =	ssyncadd.s32 $0xFFFFC000  }
0xcb: {  	_ =	swait.ge [sflag:s21], $0x4000  }
0xcc: {  	s26 =	sadd.s32 $0x1, s26;
	s30 =	sshll.u32 s1, $0x6;
	[sflag:s21] =	ssyncset.done $0x0  }
0xcd: {  	p0 =	sne.s32 s26, s15;
	s0 =	sor.u32 $0x1C03, s30;
	[sflag:s21] =	ssyncadd.s32 $0xFFFFC000  }
.Ltmp3:
0xce: {  	s31 =	sshrl.u32 s5, $0x3;
	[bflag:$0x0] =	sbarrier.arrive $0xFFFF;
	(pc) =	sbr.rel @p0 .LBB2_1-.Ltmp3, $4  }
0xcf: {  	[hbm:s14], [sflag:s0] =	dma.local [spmem:s31], $0x2800  }
0xd0: {  	_ =	swait.ge [sflag:s17], $0x2800  }
0xd1: {  	[sflag:s17] =	ssyncset.done $0x0  }
0xd2: {  	[sflag:s17] =	ssyncadd.s32 $0xFFFFD800  }
0xd3: {  	_ =	sfence.sel $0x180000  }
0xd4: {  	[bflag:$0x0] =	sbarrier.arrive $0xFFFF  }
0xd5: {  	_ =	strace $0x90000053  }
0xd6: {  	[bflag:$0x2] =	sbarrier.arrive $0xFFFF  }
0xd7: {  	p0 =	sne.s32 s1, $0x0;
	s0 =	rddreg [dreg:$0x2]  }
0xd8: {  	s0 =	sadd.s32 @!p0 $0x100000, s0  }
0xd9: {  	[sflag:s0] =	ssyncadd.tile.s32 @!p0 $0x1;
	_ =	shalt  }
.Lfunc_end2:
_tile_overlayer_lowered:
.L_overlay_start_2:
0xda: {  	(tag) =	ssettag $0x2  }
0xdb: {  	s0 =	rddreg [dreg:$0x0];
	s2 =	stileid.u32  }
0xdc: {  	s1 =	rddreg [dreg:$0x1];
	p0 =	sne.s32 s2, $0x0  }
0xdd: {  	s3 =	rddreg [dreg:$0x2];
	[bflag:$0x3] =	sbarrier.arrive $0xFFFF;
	s2 =	simm.s32 @!p0 $0x1C03  }
0xde: {  	[timem:s3], [sflag:s2] =	dma.local @!p0 [hbm:s0], s1  }
0xdf: {  	s0 =	simm.s32 @!p0 $0x3  }
0xe0: {  	_ =	swait.ge @!p0 [sflag:s0], s1  }
0xe1: {  	s1 =	ssub.s32 @!p0 $0x0, s1;
	[sflag:s0] =	ssyncset.done @!p0 $0x0  }
0xe2: {  	[sflag:s0] =	ssyncadd.s32 @!p0 s1  }
0xe3: {  	[bflag:$0x3] =	sbarrier.arrive $0xFFFF  }
0xe4: {  	_ =	shalt  }

</sc_bundles>
